<compile_context>
chip_gen: v7x
topology: tpu7x:2x2x1
jax: 0.10.2.dev20260603
libtpu: 0.0.44.dev20260713+nightly
codegen_flags: <defaults>
</compile_context>

<pallas_src>
import jax
import jax.numpy as jnp
from jax import lax
from jax.experimental import pallas as pl
from jax.experimental.pallas import tpu as pltpu
from jax.experimental.pallas import tpu_sc as plsc

_ROWS = 128
_COLS = 32768
_L = 16
_NW = 32
_RPW = _ROWS // _NW
_CH = 8192
_NC = _COLS // _CH


def _sc_body(x_hbm, o_hbm, buf0, buf1, sem_in, sem_out):
    wid = lax.axis_index("s") * 2 + lax.axis_index("c")
    r0 = wid * _RPW
    last = jnp.full((_L,), _L - 1, jnp.int32)
    bufs = (buf0, buf1)

    def load_chunk(c, buf):
        return [
            pltpu.async_copy(
                x_hbm.at[r0 + r, pl.ds(c * _CH, _CH)], buf.at[r], sem_in
            )
            for r in range(_RPW)
        ]

    def store_chunk(c, buf):
        return [
            pltpu.async_copy(
                buf.at[r], o_hbm.at[r0 + r, pl.ds(c * _CH, _CH)], sem_out
            )
            for r in range(_RPW)
        ]

    in_desc = {0: load_chunk(0, bufs[0])}
    out_desc = {}
    carries = (jnp.zeros((_L,), jnp.float32),) * _RPW

    for c in range(_NC):
        cur = bufs[c % 2]
        for d in in_desc.pop(c):
            d.wait()
        if c + 1 < _NC:
            nxt = bufs[(c + 1) % 2]
            if c - 1 in out_desc:
                for d in out_desc.pop(c - 1):
                    d.wait()
            in_desc[c + 1] = load_chunk(c + 1, nxt)

        def vreg_step(i, cs):
            out = []
            for r in range(_RPW):
                v = cur[r, pl.ds(i * _L, _L)]
                y = plsc.cumsum(v) + cs[r]
                cur[r, pl.ds(i * _L, _L)] = y
                out.append(jnp.take_along_axis(y, last, axis=0))
            return tuple(out)

        carries = lax.fori_loop(0, _CH // _L, vreg_step, carries, unroll=8)
        out_desc[c] = store_chunk(c, cur)

    for c, ds_ in out_desc.items():
        for d in ds_:
            d.wait()


def kernel(x):
    mesh = plsc.VectorSubcoreMesh(core_axis_name="c", subcore_axis_name="s")
    f = pl.kernel(
        _sc_body,
        out_type=jax.ShapeDtypeStruct((_ROWS, _COLS), jnp.float32),
        mesh=mesh,
        scratch_types=[
            pltpu.VMEM((_RPW, _CH), jnp.float32),
            pltpu.VMEM((_RPW, _CH), jnp.float32),
            pltpu.SemaphoreType.DMA,
            pltpu.SemaphoreType.DMA,
        ],
        compiler_params=pltpu.CompilerParams(needs_layout_passes=False),
    )
    return f(x)

# --- scband reference (transcript-rebuilt; emitter-appended) ---
"""Pipeline reference for scband-model-new-23656679867113 (READ-ONLY COPY).

The authoritative reference and input builder live on the scoring server;
editing this copy changes nothing except your own understanding.
"""

import jax, jax.numpy as jnp
import numpy as np

def setup_inputs(seed: int = 0) -> dict:
    key = jax.random.key(seed)
    x = jax.random.normal(key, (128, 32768), dtype=jnp.float32)
    return {"x": x}

def reference(x):
    # Cumulative sum along dim=1, matching the CUDA kernel's serial per-row prefix sum.
    return jnp.cumsum(x, axis=1)

if __name__ == "__main__":
    import jax
    _d = setup_inputs()
    print(jax.jit(kernel)(*tuple(_d.values())))

</pallas_src>

<mosaic_0001>
#map = affine_map<(d0, d1) -> (0, 0)>
module attributes {stable_mosaic.version = 14 : i64} {
  func.func @_sc_body(%arg0: i32, %arg1: i32, %arg2: memref<128x32768xf32, #tpu.memory_space<hbm>>, %arg3: memref<128x32768xf32, #tpu.memory_space<hbm>>, %arg4: memref<4x8192xf32, #tpu.memory_space<vmem>>, %arg5: memref<4x8192xf32, #tpu.memory_space<vmem>>, %arg6: memref<!tpu.dma_semaphore, #tpu.memory_space<semaphore_mem>>, %arg7: memref<!tpu.dma_semaphore, #tpu.memory_space<semaphore_mem>>) attributes {dimension_semantics = [#tpu.dimension_semantics<core_parallel>, #tpu.dimension_semantics<subcore_parallel>], iteration_bounds = array<i64: 2, 16>, scalar_prefetch = 0 : i64, scratch_operands = 4 : i64, tpu.core_type = #tpu.core_type<sc_vector_subcore>, window_params = [{transform_indices = #map}, {transform_indices = #map}]} {
    %mul3A = arith.constant 2 : i32
    %mul3A_0 = arith.muli %arg1, %mul3A : i32
    %add3A = arith.addi %mul3A_0, %arg0 : i32
    %mul3A_1 = arith.constant 4 : i32
    %mul3A_2 = arith.muli %add3A, %mul3A_1 : i32
    %broadcast_in_dim3A = arith.constant 15 : i32
    %broadcast_in_dim3A_3 = vector.broadcast %broadcast_in_dim3A : i32 to vector<16xi32>
    %add3A_4 = arith.constant 0 : i32
    %add3A_5 = arith.addi %mul3A_2, %add3A_4 : i32
    %dma_start3A = arith.constant 0 : i32
    %dma_start3A_6 = arith.constant 0 : i32
    %dma_start3A_7 = tpu.memref_slice %arg4[%dma_start3A, %dma_start3A_6] : memref<4x8192xf32, #tpu.memory_space<vmem>> -> memref<1x8192xf32, #tpu.memory_space<vmem>>
    %dma_start3A_8 = tpu.memref_squeeze %dma_start3A_7 : memref<1x8192xf32, #tpu.memory_space<vmem>> -> memref<8192xf32, #tpu.memory_space<vmem>>
    %dma_start3A_9 = arith.constant 0 : i32
    %dma_start3A_10 = tpu.memref_slice %arg2[%add3A_5, %dma_start3A_9] : memref<128x32768xf32, #tpu.memory_space<hbm>> -> memref<1x8192xf32, #tpu.memory_space<hbm>>
    %dma_start3A_11 = tpu.memref_squeeze %dma_start3A_10 : memref<1x8192xf32, #tpu.memory_space<hbm>> -> memref<8192xf32, #tpu.memory_space<hbm>>
    %dma_start3A_12 = arith.constant 0 : i32
    %dma_start3A_13 = tpu.memref_slice %arg4[%dma_start3A, %dma_start3A_12] : memref<4x8192xf32, #tpu.memory_space<vmem>> -> memref<1x8192xf32, #tpu.memory_space<vmem>>
    %dma_start3A_14 = tpu.memref_squeeze %dma_start3A_13 : memref<1x8192xf32, #tpu.memory_space<vmem>> -> memref<8192xf32, #tpu.memory_space<vmem>>
    %dma_start3A_15 = arith.constant 0 : i32
    %dma_start3A_16 = tpu.memref_slice %arg2[%add3A_5, %dma_start3A_15] : memref<128x32768xf32, #tpu.memory_space<hbm>> -> memref<1x8192xf32, #tpu.memory_space<hbm>>
    %dma_start3A_17 = tpu.memref_squeeze %dma_start3A_16 : memref<1x8192xf32, #tpu.memory_space<hbm>> -> memref<8192xf32, #tpu.memory_space<hbm>>
    tpu.enqueue_dma source(%dma_start3A_17 : memref<8192xf32, #tpu.memory_space<hbm>>) target(%dma_start3A_14 : memref<8192xf32, #tpu.memory_space<vmem>>) target_semaphore(%arg6 : memref<!tpu.dma_semaphore, #tpu.memory_space<semaphore_mem>>)
    %add3A_18 = arith.constant 1 : i32
    %add3A_19 = arith.addi %mul3A_2, %add3A_18 : i32
    %dma_start3A_20 = arith.constant 1 : i32
    %dma_start3A_21 = arith.constant 0 : i32
    %dma_start3A_22 = tpu.memref_slice %arg4[%dma_start3A_20, %dma_start3A_21] : memref<4x8192xf32, #tpu.memory_space<vmem>> -> memref<1x8192xf32, #tpu.memory_space<vmem>>
    %dma_start3A_23 = tpu.memref_squeeze %dma_start3A_22 : memref<1x8192xf32, #tpu.memory_space<vmem>> -> memref<8192xf32, #tpu.memory_space<vmem>>
    %dma_start3A_24 = arith.constant 0 : i32
    %dma_start3A_25 = tpu.memref_slice %arg2[%add3A_19, %dma_start3A_24] : memref<128x32768xf32, #tpu.memory_space<hbm>> -> memref<1x8192xf32, #tpu.memory_space<hbm>>
    %dma_start3A_26 = tpu.memref_squeeze %dma_start3A_25 : memref<1x8192xf32, #tpu.memory_space<hbm>> -> memref<8192xf32, #tpu.memory_space<hbm>>
    %dma_start3A_27 = arith.constant 0 : i32
    %dma_start3A_28 = tpu.memref_slice %arg4[%dma_start3A_20, %dma_start3A_27] : memref<4x8192xf32, #tpu.memory_space<vmem>> -> memref<1x8192xf32, #tpu.memory_space<vmem>>
    %dma_start3A_29 = tpu.memref_squeeze %dma_start3A_28 : memref<1x8192xf32, #tpu.memory_space<vmem>> -> memref<8192xf32, #tpu.memory_space<vmem>>
    %dma_start3A_30 = arith.constant 0 : i32
    %dma_start3A_31 = tpu.memref_slice %arg2[%add3A_19, %dma_start3A_30] : memref<128x32768xf32, #tpu.memory_space<hbm>> -> memref<1x8192xf32, #tpu.memory_space<hbm>>
    %dma_start3A_32 = tpu.memref_squeeze %dma_start3A_31 : memref<1x8192xf32, #tpu.memory_space<hbm>> -> memref<8192xf32, #tpu.memory_space<hbm>>
    tpu.enqueue_dma source(%dma_start3A_32 : memref<8192xf32, #tpu.memory_space<hbm>>) target(%dma_start3A_29 : memref<8192xf32, #tpu.memory_space<vmem>>) target_semaphore(%arg6 : memref<!tpu.dma_semaphore, #tpu.memory_space<semaphore_mem>>)
    %add3A_33 = arith.constant 2 : i32
    %add3A_34 = arith.addi %mul3A_2, %add3A_33 : i32
    %dma_start3A_35 = arith.constant 2 : i32
    %dma_start3A_36 = arith.constant 0 : i32
    %dma_start3A_37 = tpu.memref_slice %arg4[%dma_start3A_35, %dma_start3A_36] : memref<4x8192xf32, #tpu.memory_space<vmem>> -> memref<1x8192xf32, #tpu.memory_space<vmem>>
    %dma_start3A_38 = tpu.memref_squeeze %dma_start3A_37 : memref<1x8192xf32, #tpu.memory_space<vmem>> -> memref<8192xf32, #tpu.memory_space<vmem>>
    %dma_start3A_39 = arith.constant 0 : i32
    %dma_start3A_40 = tpu.memref_slice %arg2[%add3A_34, %dma_start3A_39] : memref<128x32768xf32, #tpu.memory_space<hbm>> -> memref<1x8192xf32, #tpu.memory_space<hbm>>
    %dma_start3A_41 = tpu.memref_squeeze %dma_start3A_40 : memref<1x8192xf32, #tpu.memory_space<hbm>> -> memref<8192xf32, #tpu.memory_space<hbm>>
    %dma_start3A_42 = arith.constant 0 : i32
    %dma_start3A_43 = tpu.memref_slice %arg4[%dma_start3A_35, %dma_start3A_42] : memref<4x8192xf32, #tpu.memory_space<vmem>> -> memref<1x8192xf32, #tpu.memory_space<vmem>>
    %dma_start3A_44 = tpu.memref_squeeze %dma_start3A_43 : memref<1x8192xf32, #tpu.memory_space<vmem>> -> memref<8192xf32, #tpu.memory_space<vmem>>
    %dma_start3A_45 = arith.constant 0 : i32
    %dma_start3A_46 = tpu.memref_slice %arg2[%add3A_34, %dma_start3A_45] : memref<128x32768xf32, #tpu.memory_space<hbm>> -> memref<1x8192xf32, #tpu.memory_space<hbm>>
    %dma_start3A_47 = tpu.memref_squeeze %dma_start3A_46 : memref<1x8192xf32, #tpu.memory_space<hbm>> -> memref<8192xf32, #tpu.memory_space<hbm>>
    tpu.enqueue_dma source(%dma_start3A_47 : memref<8192xf32, #tpu.memory_space<hbm>>) target(%dma_start3A_44 : memref<8192xf32, #tpu.memory_space<vmem>>) target_semaphore(%arg6 : memref<!tpu.dma_semaphore, #tpu.memory_space<semaphore_mem>>)
    %add3A_48 = arith.constant 3 : i32
    %add3A_49 = arith.addi %mul3A_2, %add3A_48 : i32
    %dma_start3A_50 = arith.constant 3 : i32
    %dma_start3A_51 = arith.constant 0 : i32
    %dma_start3A_52 = tpu.memref_slice %arg4[%dma_start3A_50, %dma_start3A_51] : memref<4x8192xf32, #tpu.memory_space<vmem>> -> memref<1x8192xf32, #tpu.memory_space<vmem>>
    %dma_start3A_53 = tpu.memref_squeeze %dma_start3A_52 : memref<1x8192xf32, #tpu.memory_space<vmem>> -> memref<8192xf32, #tpu.memory_space<vmem>>
    %dma_start3A_54 = arith.constant 0 : i32
    %dma_start3A_55 = tpu.memref_slice %arg2[%add3A_49, %dma_start3A_54] : memref<128x32768xf32, #tpu.memory_space<hbm>> -> memref<1x8192xf32, #tpu.memory_space<hbm>>
    %dma_start3A_56 = tpu.memref_squeeze %dma_start3A_55 : memref<1x8192xf32, #tpu.memory_space<hbm>> -> memref<8192xf32, #tpu.memory_space<hbm>>
    %dma_start3A_57 = arith.constant 0 : i32
    %dma_start3A_58 = tpu.memref_slice %arg4[%dma_start3A_50, %dma_start3A_57] : memref<4x8192xf32, #tpu.memory_space<vmem>> -> memref<1x8192xf32, #tpu.memory_space<vmem>>
    %dma_start3A_59 = tpu.memref_squeeze %dma_start3A_58 : memref<1x8192xf32, #tpu.memory_space<vmem>> -> memref<8192xf32, #tpu.memory_space<vmem>>
    %dma_start3A_60 = arith.constant 0 : i32
    %dma_start3A_61 = tpu.memref_slice %arg2[%add3A_49, %dma_start3A_60] : memref<128x32768xf32, #tpu.memory_space<hbm>> -> memref<1x8192xf32, #tpu.memory_space<hbm>>
    %dma_start3A_62 = tpu.memref_squeeze %dma_start3A_61 : memref<1x8192xf32, #tpu.memory_space<hbm>> -> memref<8192xf32, #tpu.memory_space<hbm>>
    tpu.enqueue_dma source(%dma_start3A_62 : memref<8192xf32, #tpu.memory_space<hbm>>) target(%dma_start3A_59 : memref<8192xf32, #tpu.memory_space<vmem>>) target_semaphore(%arg6 : memref<!tpu.dma_semaphore, #tpu.memory_space<semaphore_mem>>)
    %broadcast_in_dim3A_63 = arith.constant 0.000000e+00 : f32
    %broadcast_in_dim3A_64 = vector.broadcast %broadcast_in_dim3A_63 : f32 to vector<16xf32>
    %dma_wait3A = arith.constant 0 : i32
    %dma_wait3A_65 = arith.constant 0 : i32
    %dma_wait3A_66 = tpu.memref_slice %arg4[%dma_wait3A, %dma_wait3A_65] : memref<4x8192xf32, #tpu.memory_space<vmem>> -> memref<1x8192xf32, #tpu.memory_space<vmem>>
    %dma_wait3A_67 = tpu.memref_squeeze %dma_wait3A_66 : memref<1x8192xf32, #tpu.memory_space<vmem>> -> memref<8192xf32, #tpu.memory_space<vmem>>
    %dma_wait3A_68 = arith.constant 0 : i32
    %dma_wait3A_69 = tpu.memref_slice %arg2[%add3A_5, %dma_wait3A_68] : memref<128x32768xf32, #tpu.memory_space<hbm>> -> memref<1x8192xf32, #tpu.memory_space<hbm>>
    %dma_wait3A_70 = tpu.memref_squeeze %dma_wait3A_69 : memref<1x8192xf32, #tpu.memory_space<hbm>> -> memref<8192xf32, #tpu.memory_space<hbm>>
    %dma_wait3A_71 = arith.constant 0 : i32
    %dma_wait3A_72 = tpu.memref_slice %arg4[%dma_wait3A, %dma_wait3A_71] : memref<4x8192xf32, #tpu.memory_space<vmem>> -> memref<1x8192xf32, #tpu.memory_space<vmem>>
    %dma_wait3A_73 = tpu.memref_squeeze %dma_wait3A_72 : memref<1x8192xf32, #tpu.memory_space<vmem>> -> memref<8192xf32, #tpu.memory_space<vmem>>
    %dma_wait3A_74 = arith.constant 0 : i32
    %dma_wait3A_75 = tpu.memref_slice %arg2[%add3A_5, %dma_wait3A_74] : memref<128x32768xf32, #tpu.memory_space<hbm>> -> memref<1x8192xf32, #tpu.memory_space<hbm>>
    %dma_wait3A_76 = tpu.memref_squeeze %dma_wait3A_75 : memref<1x8192xf32, #tpu.memory_space<hbm>> -> memref<8192xf32, #tpu.memory_space<hbm>>
    tpu.wait_dma2 semaphore(%arg6 : memref<!tpu.dma_semaphore, #tpu.memory_space<semaphore_mem>>) src(%dma_wait3A_76 : memref<8192xf32, #tpu.memory_space<hbm>>) dst(%dma_wait3A_73 : memref<8192xf32, #tpu.memory_space<vmem>>)
    %dma_wait3A_77 = arith.constant 1 : i32
    %dma_wait3A_78 = arith.constant 0 : i32
    %dma_wait3A_79 = tpu.memref_slice %arg4[%dma_wait3A_77, %dma_wait3A_78] : memref<4x8192xf32, #tpu.memory_space<vmem>> -> memref<1x8192xf32, #tpu.memory_space<vmem>>
    %dma_wait3A_80 = tpu.memref_squeeze %dma_wait3A_79 : memref<1x8192xf32, #tpu.memory_space<vmem>> -> memref<8192xf32, #tpu.memory_space<vmem>>
    %dma_wait3A_81 = arith.constant 0 : i32
    %dma_wait3A_82 = tpu.memref_slice %arg2[%add3A_19, %dma_wait3A_81] : memref<128x32768xf32, #tpu.memory_space<hbm>> -> memref<1x8192xf32, #tpu.memory_space<hbm>>
    %dma_wait3A_83 = tpu.memref_squeeze %dma_wait3A_82 : memref<1x8192xf32, #tpu.memory_space<hbm>> -> memref<8192xf32, #tpu.memory_space<hbm>>
    %dma_wait3A_84 = arith.constant 0 : i32
    %dma_wait3A_85 = tpu.memref_slice %arg4[%dma_wait3A_77, %dma_wait3A_84] : memref<4x8192xf32, #tpu.memory_space<vmem>> -> memref<1x8192xf32, #tpu.memory_space<vmem>>
    %dma_wait3A_86 = tpu.memref_squeeze %dma_wait3A_85 : memref<1x8192xf32, #tpu.memory_space<vmem>> -> memref<8192xf32, #tpu.memory_space<vmem>>
    %dma_wait3A_87 = arith.constant 0 : i32
    %dma_wait3A_88 = tpu.memref_slice %arg2[%add3A_19, %dma_wait3A_87] : memref<128x32768xf32, #tpu.memory_space<hbm>> -> memref<1x8192xf32, #tpu.memory_space<hbm>>
    %dma_wait3A_89 = tpu.memref_squeeze %dma_wait3A_88 : memref<1x8192xf32, #tpu.memory_space<hbm>> -> memref<8192xf32, #tpu.memory_space<hbm>>
    tpu.wait_dma2 semaphore(%arg6 : memref<!tpu.dma_semaphore, #tpu.memory_space<semaphore_mem>>) src(%dma_wait3A_89 : memref<8192xf32, #tpu.memory_space<hbm>>) dst(%dma_wait3A_86 : memref<8192xf32, #tpu.memory_space<vmem>>)
    %dma_wait3A_90 = arith.constant 2 : i32
    %dma_wait3A_91 = arith.constant 0 : i32
    %dma_wait3A_92 = tpu.memref_slice %arg4[%dma_wait3A_90, %dma_wait3A_91] : memref<4x8192xf32, #tpu.memory_space<vmem>> -> memref<1x8192xf32, #tpu.memory_space<vmem>>
    %dma_wait3A_93 = tpu.memref_squeeze %dma_wait3A_92 : memref<1x8192xf32, #tpu.memory_space<vmem>> -> memref<8192xf32, #tpu.memory_space<vmem>>
    %dma_wait3A_94 = arith.constant 0 : i32
    %dma_wait3A_95 = tpu.memref_slice %arg2[%add3A_34, %dma_wait3A_94] : memref<128x32768xf32, #tpu.memory_space<hbm>> -> memref<1x8192xf32, #tpu.memory_space<hbm>>
    %dma_wait3A_96 = tpu.memref_squeeze %dma_wait3A_95 : memref<1x8192xf32, #tpu.memory_space<hbm>> -> memref<8192xf32, #tpu.memory_space<hbm>>
    %dma_wait3A_97 = arith.constant 0 : i32
    %dma_wait3A_98 = tpu.memref_slice %arg4[%dma_wait3A_90, %dma_wait3A_97] : memref<4x8192xf32, #tpu.memory_space<vmem>> -> memref<1x8192xf32, #tpu.memory_space<vmem>>
    %dma_wait3A_99 = tpu.memref_squeeze %dma_wait3A_98 : memref<1x8192xf32, #tpu.memory_space<vmem>> -> memref<8192xf32, #tpu.memory_space<vmem>>
    %dma_wait3A_100 = arith.constant 0 : i32
    %dma_wait3A_101 = tpu.memref_slice %arg2[%add3A_34, %dma_wait3A_100] : memref<128x32768xf32, #tpu.memory_space<hbm>> -> memref<1x8192xf32, #tpu.memory_space<hbm>>
    %dma_wait3A_102 = tpu.memref_squeeze %dma_wait3A_101 : memref<1x8192xf32, #tpu.memory_space<hbm>> -> memref<8192xf32, #tpu.memory_space<hbm>>
    tpu.wait_dma2 semaphore(%arg6 : memref<!tpu.dma_semaphore, #tpu.memory_space<semaphore_mem>>) src(%dma_wait3A_102 : memref<8192xf32, #tpu.memory_space<hbm>>) dst(%dma_wait3A_99 : memref<8192xf32, #tpu.memory_space<vmem>>)
    %dma_wait3A_103 = arith.constant 3 : i32
    %dma_wait3A_104 = arith.constant 0 : i32
    %dma_wait3A_105 = tpu.memref_slice %arg4[%dma_wait3A_103, %dma_wait3A_104] : memref<4x8192xf32, #tpu.memory_space<vmem>> -> memref<1x8192xf32, #tpu.memory_space<vmem>>
    %dma_wait3A_106 = tpu.memref_squeeze %dma_wait3A_105 : memref<1x8192xf32, #tpu.memory_space<vmem>> -> memref<8192xf32, #tpu.memory_space<vmem>>
    %dma_wait3A_107 = arith.constant 0 : i32
    %dma_wait3A_108 = tpu.memref_slice %arg2[%add3A_49, %dma_wait3A_107] : memref<128x32768xf32, #tpu.memory_space<hbm>> -> memref<1x8192xf32, #tpu.memory_space<hbm>>
    %dma_wait3A_109 = tpu.memref_squeeze %dma_wait3A_108 : memref<1x8192xf32, #tpu.memory_space<hbm>> -> memref<8192xf32, #tpu.memory_space<hbm>>
    %dma_wait3A_110 = arith.constant 0 : i32
    %dma_wait3A_111 = tpu.memref_slice %arg4[%dma_wait3A_103, %dma_wait3A_110] : memref<4x8192xf32, #tpu.memory_space<vmem>> -> memref<1x8192xf32, #tpu.memory_space<vmem>>
    %dma_wait3A_112 = tpu.memref_squeeze %dma_wait3A_111 : memref<1x8192xf32, #tpu.memory_space<vmem>> -> memref<8192xf32, #tpu.memory_space<vmem>>
    %dma_wait3A_113 = arith.constant 0 : i32
    %dma_wait3A_114 = tpu.memref_slice %arg2[%add3A_49, %dma_wait3A_113] : memref<128x32768xf32, #tpu.memory_space<hbm>> -> memref<1x8192xf32, #tpu.memory_space<hbm>>
    %dma_wait3A_115 = tpu.memref_squeeze %dma_wait3A_114 : memref<1x8192xf32, #tpu.memory_space<hbm>> -> memref<8192xf32, #tpu.memory_space<hbm>>
    tpu.wait_dma2 semaphore(%arg6 : memref<!tpu.dma_semaphore, #tpu.memory_space<semaphore_mem>>) src(%dma_wait3A_115 : memref<8192xf32, #tpu.memory_space<hbm>>) dst(%dma_wait3A_112 : memref<8192xf32, #tpu.memory_space<vmem>>)
    %add3A_116 = arith.constant 0 : i32
    %add3A_117 = arith.addi %mul3A_2, %add3A_116 : i32
    %dma_start3A_118 = arith.constant 0 : i32
    %dma_start3A_119 = arith.constant 0 : i32
    %dma_start3A_120 = tpu.memref_slice %arg5[%dma_start3A_118, %dma_start3A_119] : memref<4x8192xf32, #tpu.memory_space<vmem>> -> memref<1x8192xf32, #tpu.memory_space<vmem>>
    %dma_start3A_121 = tpu.memref_squeeze %dma_start3A_120 : memref<1x8192xf32, #tpu.memory_space<vmem>> -> memref<8192xf32, #tpu.memory_space<vmem>>
    %dma_start3A_122 = arith.constant 8192 : i32
    %dma_start3A_123 = tpu.memref_slice %arg2[%add3A_117, %dma_start3A_122] : memref<128x32768xf32, #tpu.memory_space<hbm>> -> memref<1x8192xf32, #tpu.memory_space<hbm>>
    %dma_start3A_124 = tpu.memref_squeeze %dma_start3A_123 : memref<1x8192xf32, #tpu.memory_space<hbm>> -> memref<8192xf32, #tpu.memory_space<hbm>>
    %dma_start3A_125 = arith.constant 0 : i32
    %dma_start3A_126 = tpu.memref_slice %arg5[%dma_start3A_118, %dma_start3A_125] : memref<4x8192xf32, #tpu.memory_space<vmem>> -> memref<1x8192xf32, #tpu.memory_space<vmem>>
    %dma_start3A_127 = tpu.memref_squeeze %dma_start3A_126 : memref<1x8192xf32, #tpu.memory_space<vmem>> -> memref<8192xf32, #tpu.memory_space<vmem>>
    %dma_start3A_128 = arith.constant 8192 : i32
    %dma_start3A_129 = tpu.memref_slice %arg2[%add3A_117, %dma_start3A_128] : memref<128x32768xf32, #tpu.memory_space<hbm>> -> memref<1x8192xf32, #tpu.memory_space<hbm>>
    %dma_start3A_130 = tpu.memref_squeeze %dma_start3A_129 : memref<1x8192xf32, #tpu.memory_space<hbm>> -> memref<8192xf32, #tpu.memory_space<hbm>>
    tpu.enqueue_dma source(%dma_start3A_130 : memref<8192xf32, #tpu.memory_space<hbm>>) target(%dma_start3A_127 : memref<8192xf32, #tpu.memory_space<vmem>>) target_semaphore(%arg6 : memref<!tpu.dma_semaphore, #tpu.memory_space<semaphore_mem>>)
    %add3A_131 = arith.constant 1 : i32
    %add3A_132 = arith.addi %mul3A_2, %add3A_131 : i32
    %dma_start3A_133 = arith.constant 1 : i32
    %dma_start3A_134 = arith.constant 0 : i32
    %dma_start3A_135 = tpu.memref_slice %arg5[%dma_start3A_133, %dma_start3A_134] : memref<4x8192xf32, #tpu.memory_space<vmem>> -> memref<1x8192xf32, #tpu.memory_space<vmem>>
    %dma_start3A_136 = tpu.memref_squeeze %dma_start3A_135 : memref<1x8192xf32, #tpu.memory_space<vmem>> -> memref<8192xf32, #tpu.memory_space<vmem>>
    %dma_start3A_137 = arith.constant 8192 : i32
    %dma_start3A_138 = tpu.memref_slice %arg2[%add3A_132, %dma_start3A_137] : memref<128x32768xf32, #tpu.memory_space<hbm>> -> memref<1x8192xf32, #tpu.memory_space<hbm>>
    %dma_start3A_139 = tpu.memref_squeeze %dma_start3A_138 : memref<1x8192xf32, #tpu.memory_space<hbm>> -> memref<8192xf32, #tpu.memory_space<hbm>>
    %dma_start3A_140 = arith.constant 0 : i32
    %dma_start3A_141 = tpu.memref_slice %arg5[%dma_start3A_133, %dma_start3A_140] : memref<4x8192xf32, #tpu.memory_space<vmem>> -> memref<1x8192xf32, #tpu.memory_space<vmem>>
    %dma_start3A_142 = tpu.memref_squeeze %dma_start3A_141 : memref<1x8192xf32, #tpu.memory_space<vmem>> -> memref<8192xf32, #tpu.memory_space<vmem>>
    %dma_start3A_143 = arith.constant 8192 : i32
    %dma_start3A_144 = tpu.memref_slice %arg2[%add3A_132, %dma_start3A_143] : memref<128x32768xf32, #tpu.memory_space<hbm>> -> memref<1x8192xf32, #tpu.memory_space<hbm>>
    %dma_start3A_145 = tpu.memref_squeeze %dma_start3A_144 : memref<1x8192xf32, #tpu.memory_space<hbm>> -> memref<8192xf32, #tpu.memory_space<hbm>>
    tpu.enqueue_dma source(%dma_start3A_145 : memref<8192xf32, #tpu.memory_space<hbm>>) target(%dma_start3A_142 : memref<8192xf32, #tpu.memory_space<vmem>>) target_semaphore(%arg6 : memref<!tpu.dma_semaphore, #tpu.memory_space<semaphore_mem>>)
    %add3A_146 = arith.constant 2 : i32
    %add3A_147 = arith.addi %mul3A_2, %add3A_146 : i32
    %dma_start3A_148 = arith.constant 2 : i32
    %dma_start3A_149 = arith.constant 0 : i32
    %dma_start3A_150 = tpu.memref_slice %arg5[%dma_start3A_148, %dma_start3A_149] : memref<4x8192xf32, #tpu.memory_space<vmem>> -> memref<1x8192xf32, #tpu.memory_space<vmem>>
    %dma_start3A_151 = tpu.memref_squeeze %dma_start3A_150 : memref<1x8192xf32, #tpu.memory_space<vmem>> -> memref<8192xf32, #tpu.memory_space<vmem>>
    %dma_start3A_152 = arith.constant 8192 : i32
    %dma_start3A_153 = tpu.memref_slice %arg2[%add3A_147, %dma_start3A_152] : memref<128x32768xf32, #tpu.memory_space<hbm>> -> memref<1x8192xf32, #tpu.memory_space<hbm>>
    %dma_start3A_154 = tpu.memref_squeeze %dma_start3A_153 : memref<1x8192xf32, #tpu.memory_space<hbm>> -> memref<8192xf32, #tpu.memory_space<hbm>>
    %dma_start3A_155 = arith.constant 0 : i32
    %dma_start3A_156 = tpu.memref_slice %arg5[%dma_start3A_148, %dma_start3A_155] : memref<4x8192xf32, #tpu.memory_space<vmem>> -> memref<1x8192xf32, #tpu.memory_space<vmem>>
    %dma_start3A_157 = tpu.memref_squeeze %dma_start3A_156 : memref<1x8192xf32, #tpu.memory_space<vmem>> -> memref<8192xf32, #tpu.memory_space<vmem>>
    %dma_start3A_158 = arith.constant 8192 : i32
    %dma_start3A_159 = tpu.memref_slice %arg2[%add3A_147, %dma_start3A_158] : memref<128x32768xf32, #tpu.memory_space<hbm>> -> memref<1x8192xf32, #tpu.memory_space<hbm>>
    %dma_start3A_160 = tpu.memref_squeeze %dma_start3A_159 : memref<1x8192xf32, #tpu.memory_space<hbm>> -> memref<8192xf32, #tpu.memory_space<hbm>>
    tpu.enqueue_dma source(%dma_start3A_160 : memref<8192xf32, #tpu.memory_space<hbm>>) target(%dma_start3A_157 : memref<8192xf32, #tpu.memory_space<vmem>>) target_semaphore(%arg6 : memref<!tpu.dma_semaphore, #tpu.memory_space<semaphore_mem>>)
    %add3A_161 = arith.constant 3 : i32
    %add3A_162 = arith.addi %mul3A_2, %add3A_161 : i32
    %dma_start3A_163 = arith.constant 3 : i32
    %dma_start3A_164 = arith.constant 0 : i32
    %dma_start3A_165 = tpu.memref_slice %arg5[%dma_start3A_163, %dma_start3A_164] : memref<4x8192xf32, #tpu.memory_space<vmem>> -> memref<1x8192xf32, #tpu.memory_space<vmem>>
    %dma_start3A_166 = tpu.memref_squeeze %dma_start3A_165 : memref<1x8192xf32, #tpu.memory_space<vmem>> -> memref<8192xf32, #tpu.memory_space<vmem>>
    %dma_start3A_167 = arith.constant 8192 : i32
    %dma_start3A_168 = tpu.memref_slice %arg2[%add3A_162, %dma_start3A_167] : memref<128x32768xf32, #tpu.memory_space<hbm>> -> memref<1x8192xf32, #tpu.memory_space<hbm>>
    %dma_start3A_169 = tpu.memref_squeeze %dma_start3A_168 : memref<1x8192xf32, #tpu.memory_space<hbm>> -> memref<8192xf32, #tpu.memory_space<hbm>>
    %dma_start3A_170 = arith.constant 0 : i32
    %dma_start3A_171 = tpu.memref_slice %arg5[%dma_start3A_163, %dma_start3A_170] : memref<4x8192xf32, #tpu.memory_space<vmem>> -> memref<1x8192xf32, #tpu.memory_space<vmem>>
    %dma_start3A_172 = tpu.memref_squeeze %dma_start3A_171 : memref<1x8192xf32, #tpu.memory_space<vmem>> -> memref<8192xf32, #tpu.memory_space<vmem>>
    %dma_start3A_173 = arith.constant 8192 : i32
    %dma_start3A_174 = tpu.memref_slice %arg2[%add3A_162, %dma_start3A_173] : memref<128x32768xf32, #tpu.memory_space<hbm>> -> memref<1x8192xf32, #tpu.memory_space<hbm>>
    %dma_start3A_175 = tpu.memref_squeeze %dma_start3A_174 : memref<1x8192xf32, #tpu.memory_space<hbm>> -> memref<8192xf32, #tpu.memory_space<hbm>>
    tpu.enqueue_dma source(%dma_start3A_175 : memref<8192xf32, #tpu.memory_space<hbm>>) target(%dma_start3A_172 : memref<8192xf32, #tpu.memory_space<vmem>>) target_semaphore(%arg6 : memref<!tpu.dma_semaphore, #tpu.memory_space<semaphore_mem>>)
    %scan3A = arith.constant 0 : i32
    %scan3A_176 = arith.constant 512 : i32
    %scan3A_177 = arith.addi %scan3A, %scan3A_176 : i32
    %scan3A_178 = arith.constant 8 : i32
    %scan3A_179:4 = scf.for %scan3A_923 = %scan3A to %scan3A_177 step %scan3A_178 iter_args(%scan3A_924 = %broadcast_in_dim3A_64, %scan3A_925 = %broadcast_in_dim3A_64, %scan3A_926 = %broadcast_in_dim3A_64, %scan3A_927 = %broadcast_in_dim3A_64) -> (vector<16xf32>, vector<16xf32>, vector<16xf32>, vector<16xf32>)  : i32 {
      %mul3A_928 = arith.constant 16 : i32
      %mul3A_929 = arith.muli %scan3A_923, %mul3A_928 : i32
      %get3A = arith.constant 0 : i32
      %get3A_930 = arith.index_cast %get3A : i32 to index
      %get3A_931 = arith.index_cast %mul3A_929 : i32 to index
      %get3A_932 = tpu.vector_load %arg4[%get3A_930, %get3A_931] {strides = array<i32>} : memref<4x8192xf32, #tpu.memory_space<vmem>>, vector<16xf32>,
      %broadcast_in_dim3A_933 = arith.constant true
      %broadcast_in_dim3A_934 = vector.broadcast %broadcast_in_dim3A_933 : i1 to vector<16xi1>
      %masked_cumsum3A = tpu.scan <sum>, %get3A_932 masked %broadcast_in_dim3A_934 : vector<16xf32>, vector<16xi1> -> vector<16xf32>
      %add3A_935 = arith.addf %masked_cumsum3A, %scan3A_924 : vector<16xf32>
      %mul3A_936 = arith.constant 16 : i32
      %mul3A_937 = arith.muli %scan3A_923, %mul3A_936 : i32
      %swap3A = arith.constant 0 : i32
      %swap3A_938 = arith.index_cast %swap3A : i32 to index
      %swap3A_939 = arith.index_cast %mul3A_937 : i32 to index
      %swap3A_940 = tpu.vector_load %arg4[%swap3A_938, %swap3A_939] {strides = array<i32>} : memref<4x8192xf32, #tpu.memory_space<vmem>>, vector<16xf32>,
      tpu.vector_store %arg4[%swap3A_938, %swap3A_939], %add3A_935 {strides = array<i32>} : memref<4x8192xf32, #tpu.memory_space<vmem>>, vector<16xf32>,
      %lt3A = arith.constant 0 : i32
      %lt3A_941 = vector.broadcast %lt3A : i32 to vector<16xi32>
      %lt3A_942 = arith.cmpi slt, %broadcast_in_dim3A_3, %lt3A_941 : vector<16xi32>
      %add3A_943 = arith.constant 16 : i32
      %add3A_944 = vector.broadcast %add3A_943 : i32 to vector<16xi32>
      %add3A_945 = arith.addi %broadcast_in_dim3A_3, %add3A_944 : vector<16xi32>
      %select_n3A = arith.select %lt3A_942, %add3A_945, %broadcast_in_dim3A_3 : vector<16xi1>, vector<16xi32>
      %reshape3A = vector.shape_cast %select_n3A : vector<16xi32> to vector<16x1xi32>
      %gather3A = vector.shape_cast %reshape3A : vector<16x1xi32> to vector<16xi32>
      %gather3A_946 = tpu.dynamic_gather %add3A_935[%gather3A] in [0] : vector<16xf32>, vector<16xi32> -> vector<16xf32>
      %mul3A_947 = arith.constant 16 : i32
      %mul3A_948 = arith.muli %scan3A_923, %mul3A_947 : i32
      %get3A_949 = arith.constant 1 : i32
      %get3A_950 = arith.index_cast %get3A_949 : i32 to index
      %get3A_951 = arith.index_cast %mul3A_948 : i32 to index
      %get3A_952 = tpu.vector_load %arg4[%get3A_950, %get3A_951] {strides = array<i32>} : memref<4x8192xf32, #tpu.memory_space<vmem>>, vector<16xf32>,
      %broadcast_in_dim3A_953 = arith.constant true
      %broadcast_in_dim3A_954 = vector.broadcast %broadcast_in_dim3A_953 : i1 to vector<16xi1>
      %masked_cumsum3A_955 = tpu.scan <sum>, %get3A_952 masked %broadcast_in_dim3A_954 : vector<16xf32>, vector<16xi1> -> vector<16xf32>
      %add3A_956 = arith.addf %masked_cumsum3A_955, %scan3A_925 : vector<16xf32>
      %mul3A_957 = arith.constant 16 : i32
      %mul3A_958 = arith.muli %scan3A_923, %mul3A_957 : i32
      %swap3A_959 = arith.constant 1 : i32
      %swap3A_960 = arith.index_cast %swap3A_959 : i32 to index
      %swap3A_961 = arith.index_cast %mul3A_958 : i32 to index
      %swap3A_962 = tpu.vector_load %arg4[%swap3A_960, %swap3A_961] {strides = array<i32>} : memref<4x8192xf32, #tpu.memory_space<vmem>>, vector<16xf32>,
      tpu.vector_store %arg4[%swap3A_960, %swap3A_961], %add3A_956 {strides = array<i32>} : memref<4x8192xf32, #tpu.memory_space<vmem>>, vector<16xf32>,
      %lt3A_963 = arith.constant 0 : i32
      %lt3A_964 = vector.broadcast %lt3A_963 : i32 to vector<16xi32>
      %lt3A_965 = arith.cmpi slt, %broadcast_in_dim3A_3, %lt3A_964 : vector<16xi32>
      %add3A_966 = arith.constant 16 : i32
      %add3A_967 = vector.broadcast %add3A_966 : i32 to vector<16xi32>
      %add3A_968 = arith.addi %broadcast_in_dim3A_3, %add3A_967 : vector<16xi32>
      %select_n3A_969 = arith.select %lt3A_965, %add3A_968, %broadcast_in_dim3A_3 : vector<16xi1>, vector<16xi32>
      %reshape3A_970 = vector.shape_cast %select_n3A_969 : vector<16xi32> to vector<16x1xi32>
      %gather3A_971 = vector.shape_cast %reshape3A_970 : vector<16x1xi32> to vector<16xi32>
      %gather3A_972 = tpu.dynamic_gather %add3A_956[%gather3A_971] in [0] : vector<16xf32>, vector<16xi32> -> vector<16xf32>
      %mul3A_973 = arith.constant 16 : i32
      %mul3A_974 = arith.muli %scan3A_923, %mul3A_973 : i32
      %get3A_975 = arith.constant 2 : i32
      %get3A_976 = arith.index_cast %get3A_975 : i32 to index
      %get3A_977 = arith.index_cast %mul3A_974 : i32 to index
      %get3A_978 = tpu.vector_load %arg4[%get3A_976, %get3A_977] {strides = array<i32>} : memref<4x8192xf32, #tpu.memory_space<vmem>>, vector<16xf32>,
      %broadcast_in_dim3A_979 = arith.constant true
      %broadcast_in_dim3A_980 = vector.broadcast %broadcast_in_dim3A_979 : i1 to vector<16xi1>
      %masked_cumsum3A_981 = tpu.scan <sum>, %get3A_978 masked %broadcast_in_dim3A_980 : vector<16xf32>, vector<16xi1> -> vector<16xf32>
      %add3A_982 = arith.addf %masked_cumsum3A_981, %scan3A_926 : vector<16xf32>
      %mul3A_983 = arith.constant 16 : i32
      %mul3A_984 = arith.muli %scan3A_923, %mul3A_983 : i32
      %swap3A_985 = arith.constant 2 : i32
      %swap3A_986 = arith.index_cast %swap3A_985 : i32 to index
      %swap3A_987 = arith.index_cast %mul3A_984 : i32 to index
      %swap3A_988 = tpu.vector_load %arg4[%swap3A_986, %swap3A_987] {strides = array<i32>} : memref<4x8192xf32, #tpu.memory_space<vmem>>, vector<16xf32>,
      tpu.vector_store %arg4[%swap3A_986, %swap3A_987], %add3A_982 {strides = array<i32>} : memref<4x8192xf32, #tpu.memory_space<vmem>>, vector<16xf32>,
      %lt3A_989 = arith.constant 0 : i32
      %lt3A_990 = vector.broadcast %lt3A_989 : i32 to vector<16xi32>
      %lt3A_991 = arith.cmpi slt, %broadcast_in_dim3A_3, %lt3A_990 : vector<16xi32>
      %add3A_992 = arith.constant 16 : i32
      %add3A_993 = vector.broadcast %add3A_992 : i32 to vector<16xi32>
      %add3A_994 = arith.addi %broadcast_in_dim3A_3, %add3A_993 : vector<16xi32>
      %select_n3A_995 = arith.select %lt3A_991, %add3A_994, %broadcast_in_dim3A_3 : vector<16xi1>, vector<16xi32>
      %reshape3A_996 = vector.shape_cast %select_n3A_995 : vector<16xi32> to vector<16x1xi32>
      %gather3A_997 = vector.shape_cast %reshape3A_996 : vector<16x1xi32> to vector<16xi32>
      %gather3A_998 = tpu.dynamic_gather %add3A_982[%gather3A_997] in [0] : vector<16xf32>, vector<16xi32> -> vector<16xf32>
      %mul3A_999 = arith.constant 16 : i32
      %mul3A_1000 = arith.muli %scan3A_923, %mul3A_999 : i32
      %get3A_1001 = arith.constant 3 : i32
      %get3A_1002 = arith.index_cast %get3A_1001 : i32 to index
      %get3A_1003 = arith.index_cast %mul3A_1000 : i32 to index
      %get3A_1004 = tpu.vector_load %arg4[%get3A_1002, %get3A_1003] {strides = array<i32>} : memref<4x8192xf32, #tpu.memory_space<vmem>>, vector<16xf32>,
      %broadcast_in_dim3A_1005 = arith.constant true
      %broadcast_in_dim3A_1006 = vector.broadcast %broadcast_in_dim3A_1005 : i1 to vector<16xi1>
      %masked_cumsum3A_1007 = tpu.scan <sum>, %get3A_1004 masked %broadcast_in_dim3A_1006 : vector<16xf32>, vector<16xi1> -> vector<16xf32>
      %add3A_1008 = arith.addf %masked_cumsum3A_1007, %scan3A_927 : vector<16xf32>
      %mul3A_1009 = arith.constant 16 : i32
      %mul3A_1010 = arith.muli %scan3A_923, %mul3A_1009 : i32
      %swap3A_1011 = arith.constant 3 : i32
      %swap3A_1012 = arith.index_cast %swap3A_1011 : i32 to index
      %swap3A_1013 = arith.index_cast %mul3A_1010 : i32 to index
      %swap3A_1014 = tpu.vector_load %arg4[%swap3A_1012, %swap3A_1013] {strides = array<i32>} : memref<4x8192xf32, #tpu.memory_space<vmem>>, vector<16xf32>,
      tpu.vector_store %arg4[%swap3A_1012, %swap3A_1013], %add3A_1008 {strides = array<i32>} : memref<4x8192xf32, #tpu.memory_space<vmem>>, vector<16xf32>,
      %lt3A_1015 = arith.constant 0 : i32
      %lt3A_1016 = vector.broadcast %lt3A_1015 : i32 to vector<16xi32>
      %lt3A_1017 = arith.cmpi slt, %broadcast_in_dim3A_3, %lt3A_1016 : vector<16xi32>
      %add3A_1018 = arith.constant 16 : i32
      %add3A_1019 = vector.broadcast %add3A_1018 : i32 to vector<16xi32>
      %add3A_1020 = arith.addi %broadcast_in_dim3A_3, %add3A_1019 : vector<16xi32>
      %select_n3A_1021 = arith.select %lt3A_1017, %add3A_1020, %broadcast_in_dim3A_3 : vector<16xi1>, vector<16xi32>
      %reshape3A_1022 = vector.shape_cast %select_n3A_1021 : vector<16xi32> to vector<16x1xi32>
      %gather3A_1023 = vector.shape_cast %reshape3A_1022 : vector<16x1xi32> to vector<16xi32>
      %gather3A_1024 = tpu.dynamic_gather %add3A_1008[%gather3A_1023] in [0] : vector<16xf32>, vector<16xi32> -> vector<16xf32>
      %scan3A_1025 = arith.constant 1 : i32
      %scan3A_1026 = arith.addi %scan3A_923, %scan3A_1025 : i32
      %mul3A_1027 = arith.constant 16 : i32
      %mul3A_1028 = arith.muli %scan3A_1026, %mul3A_1027 : i32
      %get3A_1029 = arith.constant 0 : i32
      %get3A_1030 = arith.index_cast %get3A_1029 : i32 to index
      %get3A_1031 = arith.index_cast %mul3A_1028 : i32 to index
      %get3A_1032 = tpu.vector_load %arg4[%get3A_1030, %get3A_1031] {strides = array<i32>} : memref<4x8192xf32, #tpu.memory_space<vmem>>, vector<16xf32>,
      %broadcast_in_dim3A_1033 = arith.constant true
      %broadcast_in_dim3A_1034 = vector.broadcast %broadcast_in_dim3A_1033 : i1 to vector<16xi1>
      %masked_cumsum3A_1035 = tpu.scan <sum>, %get3A_1032 masked %broadcast_in_dim3A_1034 : vector<16xf32>, vector<16xi1> -> vector<16xf32>
      %add3A_1036 = arith.addf %masked_cumsum3A_1035, %gather3A_946 : vector<16xf32>
      %mul3A_1037 = arith.constant 16 : i32
      %mul3A_1038 = arith.muli %scan3A_1026, %mul3A_1037 : i32
      %swap3A_1039 = arith.constant 0 : i32
      %swap3A_1040 = arith.index_cast %swap3A_1039 : i32 to index
      %swap3A_1041 = arith.index_cast %mul3A_1038 : i32 to index
      %swap3A_1042 = tpu.vector_load %arg4[%swap3A_1040, %swap3A_1041] {strides = array<i32>} : memref<4x8192xf32, #tpu.memory_space<vmem>>, vector<16xf32>,
      tpu.vector_store %arg4[%swap3A_1040, %swap3A_1041], %add3A_1036 {strides = array<i32>} : memref<4x8192xf32, #tpu.memory_space<vmem>>, vector<16xf32>,
      %lt3A_1043 = arith.constant 0 : i32
      %lt3A_1044 = vector.broadcast %lt3A_1043 : i32 to vector<16xi32>
      %lt3A_1045 = arith.cmpi slt, %broadcast_in_dim3A_3, %lt3A_1044 : vector<16xi32>
      %add3A_1046 = arith.constant 16 : i32
      %add3A_1047 = vector.broadcast %add3A_1046 : i32 to vector<16xi32>
      %add3A_1048 = arith.addi %broadcast_in_dim3A_3, %add3A_1047 : vector<16xi32>
      %select_n3A_1049 = arith.select %lt3A_1045, %add3A_1048, %broadcast_in_dim3A_3 : vector<16xi1>, vector<16xi32>
      %reshape3A_1050 = vector.shape_cast %select_n3A_1049 : vector<16xi32> to vector<16x1xi32>
      %gather3A_1051 = vector.shape_cast %reshape3A_1050 : vector<16x1xi32> to vector<16xi32>
      %gather3A_1052 = tpu.dynamic_gather %add3A_1036[%gather3A_1051] in [0] : vector<16xf32>, vector<16xi32> -> vector<16xf32>
      %mul3A_1053 = arith.constant 16 : i32
      %mul3A_1054 = arith.muli %scan3A_1026, %mul3A_1053 : i32
      %get3A_1055 = arith.constant 1 : i32
      %get3A_1056 = arith.index_cast %get3A_1055 : i32 to index
      %get3A_1057 = arith.index_cast %mul3A_1054 : i32 to index
      %get3A_1058 = tpu.vector_load %arg4[%get3A_1056, %get3A_1057] {strides = array<i32>} : memref<4x8192xf32, #tpu.memory_space<vmem>>, vector<16xf32>,
      %broadcast_in_dim3A_1059 = arith.constant true
      %broadcast_in_dim3A_1060 = vector.broadcast %broadcast_in_dim3A_1059 : i1 to vector<16xi1>
      %masked_cumsum3A_1061 = tpu.scan <sum>, %get3A_1058 masked %broadcast_in_dim3A_1060 : vector<16xf32>, vector<16xi1> -> vector<16xf32>
      %add3A_1062 = arith.addf %masked_cumsum3A_1061, %gather3A_972 : vector<16xf32>
      %mul3A_1063 = arith.constant 16 : i32
      %mul3A_1064 = arith.muli %scan3A_1026, %mul3A_1063 : i32
      %swap3A_1065 = arith.constant 1 : i32
      %swap3A_1066 = arith.index_cast %swap3A_1065 : i32 to index
      %swap3A_1067 = arith.index_cast %mul3A_1064 : i32 to index
      %swap3A_1068 = tpu.vector_load %arg4[%swap3A_1066, %swap3A_1067] {strides = array<i32>} : memref<4x8192xf32, #tpu.memory_space<vmem>>, vector<16xf32>,
      tpu.vector_store %arg4[%swap3A_1066, %swap3A_1067], %add3A_1062 {strides = array<i32>} : memref<4x8192xf32, #tpu.memory_space<vmem>>, vector<16xf32>,
      %lt3A_1069 = arith.constant 0 : i32
      %lt3A_1070 = vector.broadcast %lt3A_1069 : i32 to vector<16xi32>
      %lt3A_1071 = arith.cmpi slt, %broadcast_in_dim3A_3, %lt3A_1070 : vector<16xi32>
      %add3A_1072 = arith.constant 16 : i32
      %add3A_1073 = vector.broadcast %add3A_1072 : i32 to vector<16xi32>
      %add3A_1074 = arith.addi %broadcast_in_dim3A_3, %add3A_1073 : vector<16xi32>
      %select_n3A_1075 = arith.select %lt3A_1071, %add3A_1074, %broadcast_in_dim3A_3 : vector<16xi1>, vector<16xi32>
      %reshape3A_1076 = vector.shape_cast %select_n3A_1075 : vector<16xi32> to vector<16x1xi32>
      %gather3A_1077 = vector.shape_cast %reshape3A_1076 : vector<16x1xi32> to vector<16xi32>
      %gather3A_1078 = tpu.dynamic_gather %add3A_1062[%gather3A_1077] in [0] : vector<16xf32>, vector<16xi32> -> vector<16xf32>
      %mul3A_1079 = arith.constant 16 : i32
      %mul3A_1080 = arith.muli %scan3A_1026, %mul3A_1079 : i32
      %get3A_1081 = arith.constant 2 : i32
      %get3A_1082 = arith.index_cast %get3A_1081 : i32 to index
      %get3A_1083 = arith.index_cast %mul3A_1080 : i32 to index
      %get3A_1084 = tpu.vector_load %arg4[%get3A_1082, %get3A_1083] {strides = array<i32>} : memref<4x8192xf32, #tpu.memory_space<vmem>>, vector<16xf32>,
      %broadcast_in_dim3A_1085 = arith.constant true
      %broadcast_in_dim3A_1086 = vector.broadcast %broadcast_in_dim3A_1085 : i1 to vector<16xi1>
      %masked_cumsum3A_1087 = tpu.scan <sum>, %get3A_1084 masked %broadcast_in_dim3A_1086 : vector<16xf32>, vector<16xi1> -> vector<16xf32>
      %add3A_1088 = arith.addf %masked_cumsum3A_1087, %gather3A_998 : vector<16xf32>
      %mul3A_1089 = arith.constant 16 : i32
      %mul3A_1090 = arith.muli %scan3A_1026, %mul3A_1089 : i32
      %swap3A_1091 = arith.constant 2 : i32
      %swap3A_1092 = arith.index_cast %swap3A_1091 : i32 to index
      %swap3A_1093 = arith.index_cast %mul3A_1090 : i32 to index
      %swap3A_1094 = tpu.vector_load %arg4[%swap3A_1092, %swap3A_1093] {strides = array<i32>} : memref<4x8192xf32, #tpu.memory_space<vmem>>, vector<16xf32>,
      tpu.vector_store %arg4[%swap3A_1092, %swap3A_1093], %add3A_1088 {strides = array<i32>} : memref<4x8192xf32, #tpu.memory_space<vmem>>, vector<16xf32>,
      %lt3A_1095 = arith.constant 0 : i32
      %lt3A_1096 = vector.broadcast %lt3A_1095 : i32 to vector<16xi32>
      %lt3A_1097 = arith.cmpi slt, %broadcast_in_dim3A_3, %lt3A_1096 : vector<16xi32>
      %add3A_1098 = arith.constant 16 : i32
      %add3A_1099 = vector.broadcast %add3A_1098 : i32 to vector<16xi32>
      %add3A_1100 = arith.addi %broadcast_in_dim3A_3, %add3A_1099 : vector<16xi32>
      %select_n3A_1101 = arith.select %lt3A_1097, %add3A_1100, %broadcast_in_dim3A_3 : vector<16xi1>, vector<16xi32>
      %reshape3A_1102 = vector.shape_cast %select_n3A_1101 : vector<16xi32> to vector<16x1xi32>
      %gather3A_1103 = vector.shape_cast %reshape3A_1102 : vector<16x1xi32> to vector<16xi32>
      %gather3A_1104 = tpu.dynamic_gather %add3A_1088[%gather3A_1103] in [0] : vector<16xf32>, vector<16xi32> -> vector<16xf32>
      %mul3A_1105 = arith.constant 16 : i32
      %mul3A_1106 = arith.muli %scan3A_1026, %mul3A_1105 : i32
      %get3A_1107 = arith.constant 3 : i32
      %get3A_1108 = arith.index_cast %get3A_1107 : i32 to index
      %get3A_1109 = arith.index_cast %mul3A_1106 : i32 to index
      %get3A_1110 = tpu.vector_load %arg4[%get3A_1108, %get3A_1109] {strides = array<i32>} : memref<4x8192xf32, #tpu.memory_space<vmem>>, vector<16xf32>,
      %broadcast_in_dim3A_1111 = arith.constant true
      %broadcast_in_dim3A_1112 = vector.broadcast %broadcast_in_dim3A_1111 : i1 to vector<16xi1>
      %masked_cumsum3A_1113 = tpu.scan <sum>, %get3A_1110 masked %broadcast_in_dim3A_1112 : vector<16xf32>, vector<16xi1> -> vector<16xf32>
      %add3A_1114 = arith.addf %masked_cumsum3A_1113, %gather3A_1024 : vector<16xf32>
      %mul3A_1115 = arith.constant 16 : i32
      %mul3A_1116 = arith.muli %scan3A_1026, %mul3A_1115 : i32
      %swap3A_1117 = arith.constant 3 : i32
      %swap3A_1118 = arith.index_cast %swap3A_1117 : i32 to index
      %swap3A_1119 = arith.index_cast %mul3A_1116 : i32 to index
      %swap3A_1120 = tpu.vector_load %arg4[%swap3A_1118, %swap3A_1119] {strides = array<i32>} : memref<4x8192xf32, #tpu.memory_space<vmem>>, vector<16xf32>,
      tpu.vector_store %arg4[%swap3A_1118, %swap3A_1119], %add3A_1114 {strides = array<i32>} : memref<4x8192xf32, #tpu.memory_space<vmem>>, vector<16xf32>,
      %lt3A_1121 = arith.constant 0 : i32
      %lt3A_1122 = vector.broadcast %lt3A_1121 : i32 to vector<16xi32>
      %lt3A_1123 = arith.cmpi slt, %broadcast_in_dim3A_3, %lt3A_1122 : vector<16xi32>
      %add3A_1124 = arith.constant 16 : i32
      %add3A_1125 = vector.broadcast %add3A_1124 : i32 to vector<16xi32>
      %add3A_1126 = arith.addi %broadcast_in_dim3A_3, %add3A_1125 : vector<16xi32>
      %select_n3A_1127 = arith.select %lt3A_1123, %add3A_1126, %broadcast_in_dim3A_3 : vector<16xi1>, vector<16xi32>
      %reshape3A_1128 = vector.shape_cast %select_n3A_1127 : vector<16xi32> to vector<16x1xi32>
      %gather3A_1129 = vector.shape_cast %reshape3A_1128 : vector<16x1xi32> to vector<16xi32>
      %gather3A_1130 = tpu.dynamic_gather %add3A_1114[%gather3A_1129] in [0] : vector<16xf32>, vector<16xi32> -> vector<16xf32>
      %scan3A_1131 = arith.constant 2 : i32
      %scan3A_1132 = arith.addi %scan3A_923, %scan3A_1131 : i32
      %mul3A_1133 = arith.constant 16 : i32
      %mul3A_1134 = arith.muli %scan3A_1132, %mul3A_1133 : i32
      %get3A_1135 = arith.constant 0 : i32
      %get3A_1136 = arith.index_cast %get3A_1135 : i32 to index
      %get3A_1137 = arith.index_cast %mul3A_1134 : i32 to index
      %get3A_1138 = tpu.vector_load %arg4[%get3A_1136, %get3A_1137] {strides = array<i32>} : memref<4x8192xf32, #tpu.memory_space<vmem>>, vector<16xf32>,
      %broadcast_in_dim3A_1139 = arith.constant true
      %broadcast_in_dim3A_1140 = vector.broadcast %broadcast_in_dim3A_1139 : i1 to vector<16xi1>
      %masked_cumsum3A_1141 = tpu.scan <sum>, %get3A_1138 masked %broadcast_in_dim3A_1140 : vector<16xf32>, vector<16xi1> -> vector<16xf32>
      %add3A_1142 = arith.addf %masked_cumsum3A_1141, %gather3A_1052 : vector<16xf32>
      %mul3A_1143 = arith.constant 16 : i32
      %mul3A_1144 = arith.muli %scan3A_1132, %mul3A_1143 : i32
      %swap3A_1145 = arith.constant 0 : i32
      %swap3A_1146 = arith.index_cast %swap3A_1145 : i32 to index
      %swap3A_1147 = arith.index_cast %mul3A_1144 : i32 to index
      %swap3A_1148 = tpu.vector_load %arg4[%swap3A_1146, %swap3A_1147] {strides = array<i32>} : memref<4x8192xf32, #tpu.memory_space<vmem>>, vector<16xf32>,
      tpu.vector_store %arg4[%swap3A_1146, %swap3A_1147], %add3A_1142 {strides = array<i32>} : memref<4x8192xf32, #tpu.memory_space<vmem>>, vector<16xf32>,
      %lt3A_1149 = arith.constant 0 : i32
      %lt3A_1150 = vector.broadcast %lt3A_1149 : i32 to vector<16xi32>
      %lt3A_1151 = arith.cmpi slt, %broadcast_in_dim3A_3, %lt3A_1150 : vector<16xi32>
      %add3A_1152 = arith.constant 16 : i32
      %add3A_1153 = vector.broadcast %add3A_1152 : i32 to vector<16xi32>
      %add3A_1154 = arith.addi %broadcast_in_dim3A_3, %add3A_1153 : vector<16xi32>
      %select_n3A_1155 = arith.select %lt3A_1151, %add3A_1154, %broadcast_in_dim3A_3 : vector<16xi1>, vector<16xi32>
      %reshape3A_1156 = vector.shape_cast %select_n3A_1155 : vector<16xi32> to vector<16x1xi32>
      %gather3A_1157 = vector.shape_cast %reshape3A_1156 : vector<16x1xi32> to vector<16xi32>
      %gather3A_1158 = tpu.dynamic_gather %add3A_1142[%gather3A_1157] in [0] : vector<16xf32>, vector<16xi32> -> vector<16xf32>
      %mul3A_1159 = arith.constant 16 : i32
      %mul3A_1160 = arith.muli %scan3A_1132, %mul3A_1159 : i32
      %get3A_1161 = arith.constant 1 : i32
      %get3A_1162 = arith.index_cast %get3A_1161 : i32 to index
      %get3A_1163 = arith.index_cast %mul3A_1160 : i32 to index
      %get3A_1164 = tpu.vector_load %arg4[%get3A_1162, %get3A_1163] {strides = array<i32>} : memref<4x8192xf32, #tpu.memory_space<vmem>>, vector<16xf32>,
      %broadcast_in_dim3A_1165 = arith.constant true
      %broadcast_in_dim3A_1166 = vector.broadcast %broadcast_in_dim3A_1165 : i1 to vector<16xi1>
      %masked_cumsum3A_1167 = tpu.scan <sum>, %get3A_1164 masked %broadcast_in_dim3A_1166 : vector<16xf32>, vector<16xi1> -> vector<16xf32>
      %add3A_1168 = arith.addf %masked_cumsum3A_1167, %gather3A_1078 : vector<16xf32>
      %mul3A_1169 = arith.constant 16 : i32
      %mul3A_1170 = arith.muli %scan3A_1132, %mul3A_1169 : i32
      %swap3A_1171 = arith.constant 1 : i32
      %swap3A_1172 = arith.index_cast %swap3A_1171 : i32 to index
      %swap3A_1173 = arith.index_cast %mul3A_1170 : i32 to index
      %swap3A_1174 = tpu.vector_load %arg4[%swap3A_1172, %swap3A_1173] {strides = array<i32>} : memref<4x8192xf32, #tpu.memory_space<vmem>>, vector<16xf32>,
      tpu.vector_store %arg4[%swap3A_1172, %swap3A_1173], %add3A_1168 {strides = array<i32>} : memref<4x8192xf32, #tpu.memory_space<vmem>>, vector<16xf32>,
      %lt3A_1175 = arith.constant 0 : i32
      %lt3A_1176 = vector.broadcast %lt3A_1175 : i32 to vector<16xi32>
      %lt3A_1177 = arith.cmpi slt, %broadcast_in_dim3A_3, %lt3A_1176 : vector<16xi32>
      %add3A_1178 = arith.constant 16 : i32
      %add3A_1179 = vector.broadcast %add3A_1178 : i32 to vector<16xi32>
      %add3A_1180 = arith.addi %broadcast_in_dim3A_3, %add3A_1179 : vector<16xi32>
      %select_n3A_1181 = arith.select %lt3A_1177, %add3A_1180, %broadcast_in_dim3A_3 : vector<16xi1>, vector<16xi32>
      %reshape3A_1182 = vector.shape_cast %select_n3A_1181 : vector<16xi32> to vector<16x1xi32>
      %gather3A_1183 = vector.shape_cast %reshape3A_1182 : vector<16x1xi32> to vector<16xi32>
      %gather3A_1184 = tpu.dynamic_gather %add3A_1168[%gather3A_1183] in [0] : vector<16xf32>, vector<16xi32> -> vector<16xf32>
      %mul3A_1185 = arith.constant 16 : i32
      %mul3A_1186 = arith.muli %scan3A_1132, %mul3A_1185 : i32
      %get3A_1187 = arith.constant 2 : i32
      %get3A_1188 = arith.index_cast %get3A_1187 : i32 to index
      %get3A_1189 = arith.index_cast %mul3A_1186 : i32 to index
      %get3A_1190 = tpu.vector_load %arg4[%get3A_1188, %get3A_1189] {strides = array<i32>} : memref<4x8192xf32, #tpu.memory_space<vmem>>, vector<16xf32>,
      %broadcast_in_dim3A_1191 = arith.constant true
      %broadcast_in_dim3A_1192 = vector.broadcast %broadcast_in_dim3A_1191 : i1 to vector<16xi1>
      %masked_cumsum3A_1193 = tpu.scan <sum>, %get3A_1190 masked %broadcast_in_dim3A_1192 : vector<16xf32>, vector<16xi1> -> vector<16xf32>
      %add3A_1194 = arith.addf %masked_cumsum3A_1193, %gather3A_1104 : vector<16xf32>
      %mul3A_1195 = arith.constant 16 : i32
      %mul3A_1196 = arith.muli %scan3A_1132, %mul3A_1195 : i32
      %swap3A_1197 = arith.constant 2 : i32
      %swap3A_1198 = arith.index_cast %swap3A_1197 : i32 to index
      %swap3A_1199 = arith.index_cast %mul3A_1196 : i32 to index
      %swap3A_1200 = tpu.vector_load %arg4[%swap3A_1198, %swap3A_1199] {strides = array<i32>} : memref<4x8192xf32, #tpu.memory_space<vmem>>, vector<16xf32>,
      tpu.vector_store %arg4[%swap3A_1198, %swap3A_1199], %add3A_1194 {strides = array<i32>} : memref<4x8192xf32, #tpu.memory_space<vmem>>, vector<16xf32>,
      %lt3A_1201 = arith.constant 0 : i32
      %lt3A_1202 = vector.broadcast %lt3A_1201 : i32 to vector<16xi32>
      %lt3A_1203 = arith.cmpi slt, %broadcast_in_dim3A_3, %lt3A_1202 : vector<16xi32>
      %add3A_1204 = arith.constant 16 : i32
      %add3A_1205 = vector.broadcast %add3A_1204 : i32 to vector<16xi32>
      %add3A_1206 = arith.addi %broadcast_in_dim3A_3, %add3A_1205 : vector<16xi32>
      %select_n3A_1207 = arith.select %lt3A_1203, %add3A_1206, %broadcast_in_dim3A_3 : vector<16xi1>, vector<16xi32>
      %reshape3A_1208 = vector.shape_cast %select_n3A_1207 : vector<16xi32> to vector<16x1xi32>
      %gather3A_1209 = vector.shape_cast %reshape3A_1208 : vector<16x1xi32> to vector<16xi32>
      %gather3A_1210 = tpu.dynamic_gather %add3A_1194[%gather3A_1209] in [0] : vector<16xf32>, vector<16xi32> -> vector<16xf32>
      %mul3A_1211 = arith.constant 16 : i32
      %mul3A_1212 = arith.muli %scan3A_1132, %mul3A_1211 : i32
      %get3A_1213 = arith.constant 3 : i32
      %get3A_1214 = arith.index_cast %get3A_1213 : i32 to index
      %get3A_1215 = arith.index_cast %mul3A_1212 : i32 to index
      %get3A_1216 = tpu.vector_load %arg4[%get3A_1214, %get3A_1215] {strides = array<i32>} : memref<4x8192xf32, #tpu.memory_space<vmem>>, vector<16xf32>,
      %broadcast_in_dim3A_1217 = arith.constant true
      %broadcast_in_dim3A_1218 = vector.broadcast %broadcast_in_dim3A_1217 : i1 to vector<16xi1>
      %masked_cumsum3A_1219 = tpu.scan <sum>, %get3A_1216 masked %broadcast_in_dim3A_1218 : vector<16xf32>, vector<16xi1> -> vector<16xf32>
      %add3A_1220 = arith.addf %masked_cumsum3A_1219, %gather3A_1130 : vector<16xf32>
      %mul3A_1221 = arith.constant 16 : i32
      %mul3A_1222 = arith.muli %scan3A_1132, %mul3A_1221 : i32
      %swap3A_1223 = arith.constant 3 : i32
      %swap3A_1224 = arith.index_cast %swap3A_1223 : i32 to index
      %swap3A_1225 = arith.index_cast %mul3A_1222 : i32 to index
      %swap3A_1226 = tpu.vector_load %arg4[%swap3A_1224, %swap3A_1225] {strides = array<i32>} : memref<4x8192xf32, #tpu.memory_space<vmem>>, vector<16xf32>,
      tpu.vector_store %arg4[%swap3A_1224, %swap3A_1225], %add3A_1220 {strides = array<i32>} : memref<4x8192xf32, #tpu.memory_space<vmem>>, vector<16xf32>,
      %lt3A_1227 = arith.constant 0 : i32
      %lt3A_1228 = vector.broadcast %lt3A_1227 : i32 to vector<16xi32>
      %lt3A_1229 = arith.cmpi slt, %broadcast_in_dim3A_3, %lt3A_1228 : vector<16xi32>
      %add3A_1230 = arith.constant 16 : i32
      %add3A_1231 = vector.broadcast %add3A_1230 : i32 to vector<16xi32>
      %add3A_1232 = arith.addi %broadcast_in_dim3A_3, %add3A_1231 : vector<16xi32>
      %select_n3A_1233 = arith.select %lt3A_1229, %add3A_1232, %broadcast_in_dim3A_3 : vector<16xi1>, vector<16xi32>
      %reshape3A_1234 = vector.shape_cast %select_n3A_1233 : vector<16xi32> to vector<16x1xi32>
      %gather3A_1235 = vector.shape_cast %reshape3A_1234 : vector<16x1xi32> to vector<16xi32>
      %gather3A_1236 = tpu.dynamic_gather %add3A_1220[%gather3A_1235] in [0] : vector<16xf32>, vector<16xi32> -> vector<16xf32>
      %scan3A_1237 = arith.constant 3 : i32
      %scan3A_1238 = arith.addi %scan3A_923, %scan3A_1237 : i32
      %mul3A_1239 = arith.constant 16 : i32
      %mul3A_1240 = arith.muli %scan3A_1238, %mul3A_1239 : i32
      %get3A_1241 = arith.constant 0 : i32
      %get3A_1242 = arith.index_cast %get3A_1241 : i32 to index
      %get3A_1243 = arith.index_cast %mul3A_1240 : i32 to index
      %get3A_1244 = tpu.vector_load %arg4[%get3A_1242, %get3A_1243] {strides = array<i32>} : memref<4x8192xf32, #tpu.memory_space<vmem>>, vector<16xf32>,
      %broadcast_in_dim3A_1245 = arith.constant true
      %broadcast_in_dim3A_1246 = vector.broadcast %broadcast_in_dim3A_1245 : i1 to vector<16xi1>
      %masked_cumsum3A_1247 = tpu.scan <sum>, %get3A_1244 masked %broadcast_in_dim3A_1246 : vector<16xf32>, vector<16xi1> -> vector<16xf32>
      %add3A_1248 = arith.addf %masked_cumsum3A_1247, %gather3A_1158 : vector<16xf32>
      %mul3A_1249 = arith.constant 16 : i32
      %mul3A_1250 = arith.muli %scan3A_1238, %mul3A_1249 : i32
      %swap3A_1251 = arith.constant 0 : i32
      %swap3A_1252 = arith.index_cast %swap3A_1251 : i32 to index
      %swap3A_1253 = arith.index_cast %mul3A_1250 : i32 to index
      %swap3A_1254 = tpu.vector_load %arg4[%swap3A_1252, %swap3A_1253] {strides = array<i32>} : memref<4x8192xf32, #tpu.memory_space<vmem>>, vector<16xf32>,
      tpu.vector_store %arg4[%swap3A_1252, %swap3A_1253], %add3A_1248 {strides = array<i32>} : memref<4x8192xf32, #tpu.memory_space<vmem>>, vector<16xf32>,
      %lt3A_1255 = arith.constant 0 : i32
      %lt3A_1256 = vector.broadcast %lt3A_1255 : i32 to vector<16xi32>
      %lt3A_1257 = arith.cmpi slt, %broadcast_in_dim3A_3, %lt3A_1256 : vector<16xi32>
      %add3A_1258 = arith.constant 16 : i32
      %add3A_1259 = vector.broadcast %add3A_1258 : i32 to vector<16xi32>
      %add3A_1260 = arith.addi %broadcast_in_dim3A_3, %add3A_1259 : vector<16xi32>
      %select_n3A_1261 = arith.select %lt3A_1257, %add3A_1260, %broadcast_in_dim3A_3 : vector<16xi1>, vector<16xi32>
      %reshape3A_1262 = vector.shape_cast %select_n3A_1261 : vector<16xi32> to vector<16x1xi32>
      %gather3A_1263 = vector.shape_cast %reshape3A_1262 : vector<16x1xi32> to vector<16xi32>
      %gather3A_1264 = tpu.dynamic_gather %add3A_1248[%gather3A_1263] in [0] : vector<16xf32>, vector<16xi32> -> vector<16xf32>
      %mul3A_1265 = arith.constant 16 : i32
      %mul3A_1266 = arith.muli %scan3A_1238, %mul3A_1265 : i32
      %get3A_1267 = arith.constant 1 : i32
      %get3A_1268 = arith.index_cast %get3A_1267 : i32 to index
      %get3A_1269 = arith.index_cast %mul3A_1266 : i32 to index
      %get3A_1270 = tpu.vector_load %arg4[%get3A_1268, %get3A_1269] {strides = array<i32>} : memref<4x8192xf32, #tpu.memory_space<vmem>>, vector<16xf32>,
      %broadcast_in_dim3A_1271 = arith.constant true
      %broadcast_in_dim3A_1272 = vector.broadcast %broadcast_in_dim3A_1271 : i1 to vector<16xi1>
      %masked_cumsum3A_1273 = tpu.scan <sum>, %get3A_1270 masked %broadcast_in_dim3A_1272 : vector<16xf32>, vector<16xi1> -> vector<16xf32>
      %add3A_1274 = arith.addf %masked_cumsum3A_1273, %gather3A_1184 : vector<16xf32>
      %mul3A_1275 = arith.constant 16 : i32
      %mul3A_1276 = arith.muli %scan3A_1238, %mul3A_1275 : i32
      %swap3A_1277 = arith.constant 1 : i32
      %swap3A_1278 = arith.index_cast %swap3A_1277 : i32 to index
      %swap3A_1279 = arith.index_cast %mul3A_1276 : i32 to index
      %swap3A_1280 = tpu.vector_load %arg4[%swap3A_1278, %swap3A_1279] {strides = array<i32>} : memref<4x8192xf32, #tpu.memory_space<vmem>>, vector<16xf32>,
      tpu.vector_store %arg4[%swap3A_1278, %swap3A_1279], %add3A_1274 {strides = array<i32>} : memref<4x8192xf32, #tpu.memory_space<vmem>>, vector<16xf32>,
      %lt3A_1281 = arith.constant 0 : i32
      %lt3A_1282 = vector.broadcast %lt3A_1281 : i32 to vector<16xi32>
      %lt3A_1283 = arith.cmpi slt, %broadcast_in_dim3A_3, %lt3A_1282 : vector<16xi32>
      %add3A_1284 = arith.constant 16 : i32
      %add3A_1285 = vector.broadcast %add3A_1284 : i32 to vector<16xi32>
      %add3A_1286 = arith.addi %broadcast_in_dim3A_3, %add3A_1285 : vector<16xi32>
      %select_n3A_1287 = arith.select %lt3A_1283, %add3A_1286, %broadcast_in_dim3A_3 : vector<16xi1>, vector<16xi32>
      %reshape3A_1288 = vector.shape_cast %select_n3A_1287 : vector<16xi32> to vector<16x1xi32>
      %gather3A_1289 = vector.shape_cast %reshape3A_1288 : vector<16x1xi32> to vector<16xi32>
      %gather3A_1290 = tpu.dynamic_gather %add3A_1274[%gather3A_1289] in [0] : vector<16xf32>, vector<16xi32> -> vector<16xf32>
      %mul3A_1291 = arith.constant 16 : i32
      %mul3A_1292 = arith.muli %scan3A_1238, %mul3A_1291 : i32
      %get3A_1293 = arith.constant 2 : i32
      %get3A_1294 = arith.index_cast %get3A_1293 : i32 to index
      %get3A_1295 = arith.index_cast %mul3A_1292 : i32 to index
      %get3A_1296 = tpu.vector_load %arg4[%get3A_1294, %get3A_1295] {strides = array<i32>} : memref<4x8192xf32, #tpu.memory_space<vmem>>, vector<16xf32>,
      %broadcast_in_dim3A_1297 = arith.constant true
      %broadcast_in_dim3A_1298 = vector.broadcast %broadcast_in_dim3A_1297 : i1 to vector<16xi1>
      %masked_cumsum3A_1299 = tpu.scan <sum>, %get3A_1296 masked %broadcast_in_dim3A_1298 : vector<16xf32>, vector<16xi1> -> vector<16xf32>
      %add3A_1300 = arith.addf %masked_cumsum3A_1299, %gather3A_1210 : vector<16xf32>
      %mul3A_1301 = arith.constant 16 : i32
      %mul3A_1302 = arith.muli %scan3A_1238, %mul3A_1301 : i32
      %swap3A_1303 = arith.constant 2 : i32
      %swap3A_1304 = arith.index_cast %swap3A_1303 : i32 to index
      %swap3A_1305 = arith.index_cast %mul3A_1302 : i32 to index
      %swap3A_1306 = tpu.vector_load %arg4[%swap3A_1304, %swap3A_1305] {strides = array<i32>} : memref<4x8192xf32, #tpu.memory_space<vmem>>, vector<16xf32>,
      tpu.vector_store %arg4[%swap3A_1304, %swap3A_1305], %add3A_1300 {strides = array<i32>} : memref<4x8192xf32, #tpu.memory_space<vmem>>, vector<16xf32>,
      %lt3A_1307 = arith.constant 0 : i32
      %lt3A_1308 = vector.broadcast %lt3A_1307 : i32 to vector<16xi32>
      %lt3A_1309 = arith.cmpi slt, %broadcast_in_dim3A_3, %lt3A_1308 : vector<16xi32>
      %add3A_1310 = arith.constant 16 : i32
      %add3A_1311 = vector.broadcast %add3A_1310 : i32 to vector<16xi32>
      %add3A_1312 = arith.addi %broadcast_in_dim3A_3, %add3A_1311 : vector<16xi32>
      %select_n3A_1313 = arith.select %lt3A_1309, %add3A_1312, %broadcast_in_dim3A_3 : vector<16xi1>, vector<16xi32>
      %reshape3A_1314 = vector.shape_cast %select_n3A_1313 : vector<16xi32> to vector<16x1xi32>
      %gather3A_1315 = vector.shape_cast %reshape3A_1314 : vector<16x1xi32> to vector<16xi32>
      %gather3A_1316 = tpu.dynamic_gather %add3A_1300[%gather3A_1315] in [0] : vector<16xf32>, vector<16xi32> -> vector<16xf32>
      %mul3A_1317 = arith.constant 16 : i32
      %mul3A_1318 = arith.muli %scan3A_1238, %mul3A_1317 : i32
      %get3A_1319 = arith.constant 3 : i32
      %get3A_1320 = arith.index_cast %get3A_1319 : i32 to index
      %get3A_1321 = arith.index_cast %mul3A_1318 : i32 to index
      %get3A_1322 = tpu.vector_load %arg4[%get3A_1320, %get3A_1321] {strides = array<i32>} : memref<4x8192xf32, #tpu.memory_space<vmem>>, vector<16xf32>,
      %broadcast_in_dim3A_1323 = arith.constant true
      %broadcast_in_dim3A_1324 = vector.broadcast %broadcast_in_dim3A_1323 : i1 to vector<16xi1>
      %masked_cumsum3A_1325 = tpu.scan <sum>, %get3A_1322 masked %broadcast_in_dim3A_1324 : vector<16xf32>, vector<16xi1> -> vector<16xf32>
      %add3A_1326 = arith.addf %masked_cumsum3A_1325, %gather3A_1236 : vector<16xf32>
      %mul3A_1327 = arith.constant 16 : i32
      %mul3A_1328 = arith.muli %scan3A_1238, %mul3A_1327 : i32
      %swap3A_1329 = arith.constant 3 : i32
      %swap3A_1330 = arith.index_cast %swap3A_1329 : i32 to index
      %swap3A_1331 = arith.index_cast %mul3A_1328 : i32 to index
      %swap3A_1332 = tpu.vector_load %arg4[%swap3A_1330, %swap3A_1331] {strides = array<i32>} : memref<4x8192xf32, #tpu.memory_space<vmem>>, vector<16xf32>,
      tpu.vector_store %arg4[%swap3A_1330, %swap3A_1331], %add3A_1326 {strides = array<i32>} : memref<4x8192xf32, #tpu.memory_space<vmem>>, vector<16xf32>,
      %lt3A_1333 = arith.constant 0 : i32
      %lt3A_1334 = vector.broadcast %lt3A_1333 : i32 to vector<16xi32>
      %lt3A_1335 = arith.cmpi slt, %broadcast_in_dim3A_3, %lt3A_1334 : vector<16xi32>
      %add3A_1336 = arith.constant 16 : i32
      %add3A_1337 = vector.broadcast %add3A_1336 : i32 to vector<16xi32>
      %add3A_1338 = arith.addi %broadcast_in_dim3A_3, %add3A_1337 : vector<16xi32>
      %select_n3A_1339 = arith.select %lt3A_1335, %add3A_1338, %broadcast_in_dim3A_3 : vector<16xi1>, vector<16xi32>
      %reshape3A_1340 = vector.shape_cast %select_n3A_1339 : vector<16xi32> to vector<16x1xi32>
      %gather3A_1341 = vector.shape_cast %reshape3A_1340 : vector<16x1xi32> to vector<16xi32>
      %gather3A_1342 = tpu.dynamic_gather %add3A_1326[%gather3A_1341] in [0] : vector<16xf32>, vector<16xi32> -> vector<16xf32>
      %scan3A_1343 = arith.constant 4 : i32
      %scan3A_1344 = arith.addi %scan3A_923, %scan3A_1343 : i32
      %mul3A_1345 = arith.constant 16 : i32
      %mul3A_1346 = arith.muli %scan3A_1344, %mul3A_1345 : i32
      %get3A_1347 = arith.constant 0 : i32
      %get3A_1348 = arith.index_cast %get3A_1347 : i32 to index
      %get3A_1349 = arith.index_cast %mul3A_1346 : i32 to index
      %get3A_1350 = tpu.vector_load %arg4[%get3A_1348, %get3A_1349] {strides = array<i32>} : memref<4x8192xf32, #tpu.memory_space<vmem>>, vector<16xf32>,
      %broadcast_in_dim3A_1351 = arith.constant true
      %broadcast_in_dim3A_1352 = vector.broadcast %broadcast_in_dim3A_1351 : i1 to vector<16xi1>
      %masked_cumsum3A_1353 = tpu.scan <sum>, %get3A_1350 masked %broadcast_in_dim3A_1352 : vector<16xf32>, vector<16xi1> -> vector<16xf32>
      %add3A_1354 = arith.addf %masked_cumsum3A_1353, %gather3A_1264 : vector<16xf32>
      %mul3A_1355 = arith.constant 16 : i32
      %mul3A_1356 = arith.muli %scan3A_1344, %mul3A_1355 : i32
      %swap3A_1357 = arith.constant 0 : i32
      %swap3A_1358 = arith.index_cast %swap3A_1357 : i32 to index
      %swap3A_1359 = arith.index_cast %mul3A_1356 : i32 to index
      %swap3A_1360 = tpu.vector_load %arg4[%swap3A_1358, %swap3A_1359] {strides = array<i32>} : memref<4x8192xf32, #tpu.memory_space<vmem>>, vector<16xf32>,
      tpu.vector_store %arg4[%swap3A_1358, %swap3A_1359], %add3A_1354 {strides = array<i32>} : memref<4x8192xf32, #tpu.memory_space<vmem>>, vector<16xf32>,
      %lt3A_1361 = arith.constant 0 : i32
      %lt3A_1362 = vector.broadcast %lt3A_1361 : i32 to vector<16xi32>
      %lt3A_1363 = arith.cmpi slt, %broadcast_in_dim3A_3, %lt3A_1362 : vector<16xi32>
      %add3A_1364 = arith.constant 16 : i32
      %add3A_1365 = vector.broadcast %add3A_1364 : i32 to vector<16xi32>
      %add3A_1366 = arith.addi %broadcast_in_dim3A_3, %add3A_1365 : vector<16xi32>
      %select_n3A_1367 = arith.select %lt3A_1363, %add3A_1366, %broadcast_in_dim3A_3 : vector<16xi1>, vector<16xi32>
      %reshape3A_1368 = vector.shape_cast %select_n3A_1367 : vector<16xi32> to vector<16x1xi32>
      %gather3A_1369 = vector.shape_cast %reshape3A_1368 : vector<16x1xi32> to vector<16xi32>
      %gather3A_1370 = tpu.dynamic_gather %add3A_1354[%gather3A_1369] in [0] : vector<16xf32>, vector<16xi32> -> vector<16xf32>
      %mul3A_1371 = arith.constant 16 : i32
      %mul3A_1372 = arith.muli %scan3A_1344, %mul3A_1371 : i32
      %get3A_1373 = arith.constant 1 : i32
      %get3A_1374 = arith.index_cast %get3A_1373 : i32 to index
      %get3A_1375 = arith.index_cast %mul3A_1372 : i32 to index
      %get3A_1376 = tpu.vector_load %arg4[%get3A_1374, %get3A_1375] {strides = array<i32>} : memref<4x8192xf32, #tpu.memory_space<vmem>>, vector<16xf32>,
      %broadcast_in_dim3A_1377 = arith.constant true
      %broadcast_in_dim3A_1378 = vector.broadcast %broadcast_in_dim3A_1377 : i1 to vector<16xi1>
      %masked_cumsum3A_1379 = tpu.scan <sum>, %get3A_1376 masked %broadcast_in_dim3A_1378 : vector<16xf32>, vector<16xi1> -> vector<16xf32>
      %add3A_1380 = arith.addf %masked_cumsum3A_1379, %gather3A_1290 : vector<16xf32>
      %mul3A_1381 = arith.constant 16 : i32
      %mul3A_1382 = arith.muli %scan3A_1344, %mul3A_1381 : i32
      %swap3A_1383 = arith.constant 1 : i32
      %swap3A_1384 = arith.index_cast %swap3A_1383 : i32 to index
      %swap3A_1385 = arith.index_cast %mul3A_1382 : i32 to index
      %swap3A_1386 = tpu.vector_load %arg4[%swap3A_1384, %swap3A_1385] {strides = array<i32>} : memref<4x8192xf32, #tpu.memory_space<vmem>>, vector<16xf32>,
      tpu.vector_store %arg4[%swap3A_1384, %swap3A_1385], %add3A_1380 {strides = array<i32>} : memref<4x8192xf32, #tpu.memory_space<vmem>>, vector<16xf32>,
      %lt3A_1387 = arith.constant 0 : i32
      %lt3A_1388 = vector.broadcast %lt3A_1387 : i32 to vector<16xi32>
      %lt3A_1389 = arith.cmpi slt, %broadcast_in_dim3A_3, %lt3A_1388 : vector<16xi32>
      %add3A_1390 = arith.constant 16 : i32
      %add3A_1391 = vector.broadcast %add3A_1390 : i32 to vector<16xi32>
      %add3A_1392 = arith.addi %broadcast_in_dim3A_3, %add3A_1391 : vector<16xi32>
      %select_n3A_1393 = arith.select %lt3A_1389, %add3A_1392, %broadcast_in_dim3A_3 : vector<16xi1>, vector<16xi32>
      %reshape3A_1394 = vector.shape_cast %select_n3A_1393 : vector<16xi32> to vector<16x1xi32>
      %gather3A_1395 = vector.shape_cast %reshape3A_1394 : vector<16x1xi32> to vector<16xi32>
      %gather3A_1396 = tpu.dynamic_gather %add3A_1380[%gather3A_1395] in [0] : vector<16xf32>, vector<16xi32> -> vector<16xf32>
      %mul3A_1397 = arith.constant 16 : i32
      %mul3A_1398 = arith.muli %scan3A_1344, %mul3A_1397 : i32
      %get3A_1399 = arith.constant 2 : i32
      %get3A_1400 = arith.index_cast %get3A_1399 : i32 to index
      %get3A_1401 = arith.index_cast %mul3A_1398 : i32 to index
      %get3A_1402 = tpu.vector_load %arg4[%get3A_1400, %get3A_1401] {strides = array<i32>} : memref<4x8192xf32, #tpu.memory_space<vmem>>, vector<16xf32>,
      %broadcast_in_dim3A_1403 = arith.constant true
      %broadcast_in_dim3A_1404 = vector.broadcast %broadcast_in_dim3A_1403 : i1 to vector<16xi1>
      %masked_cumsum3A_1405 = tpu.scan <sum>, %get3A_1402 masked %broadcast_in_dim3A_1404 : vector<16xf32>, vector<16xi1> -> vector<16xf32>
      %add3A_1406 = arith.addf %masked_cumsum3A_1405, %gather3A_1316 : vector<16xf32>
      %mul3A_1407 = arith.constant 16 : i32
      %mul3A_1408 = arith.muli %scan3A_1344, %mul3A_1407 : i32
      %swap3A_1409 = arith.constant 2 : i32
      %swap3A_1410 = arith.index_cast %swap3A_1409 : i32 to index
      %swap3A_1411 = arith.index_cast %mul3A_1408 : i32 to index
      %swap3A_1412 = tpu.vector_load %arg4[%swap3A_1410, %swap3A_1411] {strides = array<i32>} : memref<4x8192xf32, #tpu.memory_space<vmem>>, vector<16xf32>,
      tpu.vector_store %arg4[%swap3A_1410, %swap3A_1411], %add3A_1406 {strides = array<i32>} : memref<4x8192xf32, #tpu.memory_space<vmem>>, vector<16xf32>,
      %lt3A_1413 = arith.constant 0 : i32
      %lt3A_1414 = vector.broadcast %lt3A_1413 : i32 to vector<16xi32>
      %lt3A_1415 = arith.cmpi slt, %broadcast_in_dim3A_3, %lt3A_1414 : vector<16xi32>
      %add3A_1416 = arith.constant 16 : i32
      %add3A_1417 = vector.broadcast %add3A_1416 : i32 to vector<16xi32>
      %add3A_1418 = arith.addi %broadcast_in_dim3A_3, %add3A_1417 : vector<16xi32>
      %select_n3A_1419 = arith.select %lt3A_1415, %add3A_1418, %broadcast_in_dim3A_3 : vector<16xi1>, vector<16xi32>
      %reshape3A_1420 = vector.shape_cast %select_n3A_1419 : vector<16xi32> to vector<16x1xi32>
      %gather3A_1421 = vector.shape_cast %reshape3A_1420 : vector<16x1xi32> to vector<16xi32>
      %gather3A_1422 = tpu.dynamic_gather %add3A_1406[%gather3A_1421] in [0] : vector<16xf32>, vector<16xi32> -> vector<16xf32>
      %mul3A_1423 = arith.constant 16 : i32
      %mul3A_1424 = arith.muli %scan3A_1344, %mul3A_1423 : i32
      %get3A_1425 = arith.constant 3 : i32
      %get3A_1426 = arith.index_cast %get3A_1425 : i32 to index
      %get3A_1427 = arith.index_cast %mul3A_1424 : i32 to index
      %get3A_1428 = tpu.vector_load %arg4[%get3A_1426, %get3A_1427] {strides = array<i32>} : memref<4x8192xf32, #tpu.memory_space<vmem>>, vector<16xf32>,
      %broadcast_in_dim3A_1429 = arith.constant true
      %broadcast_in_dim3A_1430 = vector.broadcast %broadcast_in_dim3A_1429 : i1 to vector<16xi1>
      %masked_cumsum3A_1431 = tpu.scan <sum>, %get3A_1428 masked %broadcast_in_dim3A_1430 : vector<16xf32>, vector<16xi1> -> vector<16xf32>
      %add3A_1432 = arith.addf %masked_cumsum3A_1431, %gather3A_1342 : vector<16xf32>
      %mul3A_1433 = arith.constant 16 : i32
      %mul3A_1434 = arith.muli %scan3A_1344, %mul3A_1433 : i32
      %swap3A_1435 = arith.constant 3 : i32
      %swap3A_1436 = arith.index_cast %swap3A_1435 : i32 to index
      %swap3A_1437 = arith.index_cast %mul3A_1434 : i32 to index
      %swap3A_1438 = tpu.vector_load %arg4[%swap3A_1436, %swap3A_1437] {strides = array<i32>} : memref<4x8192xf32, #tpu.memory_space<vmem>>, vector<16xf32>,
      tpu.vector_store %arg4[%swap3A_1436, %swap3A_1437], %add3A_1432 {strides = array<i32>} : memref<4x8192xf32, #tpu.memory_space<vmem>>, vector<16xf32>,
      %lt3A_1439 = arith.constant 0 : i32
      %lt3A_1440 = vector.broadcast %lt3A_1439 : i32 to vector<16xi32>
      %lt3A_1441 = arith.cmpi slt, %broadcast_in_dim3A_3, %lt3A_1440 : vector<16xi32>
      %add3A_1442 = arith.constant 16 : i32
      %add3A_1443 = vector.broadcast %add3A_1442 : i32 to vector<16xi32>
      %add3A_1444 = arith.addi %broadcast_in_dim3A_3, %add3A_1443 : vector<16xi32>
      %select_n3A_1445 = arith.select %lt3A_1441, %add3A_1444, %broadcast_in_dim3A_3 : vector<16xi1>, vector<16xi32>
      %reshape3A_1446 = vector.shape_cast %select_n3A_1445 : vector<16xi32> to vector<16x1xi32>
      %gather3A_1447 = vector.shape_cast %reshape3A_1446 : vector<16x1xi32> to vector<16xi32>
      %gather3A_1448 = tpu.dynamic_gather %add3A_1432[%gather3A_1447] in [0] : vector<16xf32>, vector<16xi32> -> vector<16xf32>
      %scan3A_1449 = arith.constant 5 : i32
      %scan3A_1450 = arith.addi %scan3A_923, %scan3A_1449 : i32
      %mul3A_1451 = arith.constant 16 : i32
      %mul3A_1452 = arith.muli %scan3A_1450, %mul3A_1451 : i32
      %get3A_1453 = arith.constant 0 : i32
      %get3A_1454 = arith.index_cast %get3A_1453 : i32 to index
      %get3A_1455 = arith.index_cast %mul3A_1452 : i32 to index
      %get3A_1456 = tpu.vector_load %arg4[%get3A_1454, %get3A_1455] {strides = array<i32>} : memref<4x8192xf32, #tpu.memory_space<vmem>>, vector<16xf32>,
      %broadcast_in_dim3A_1457 = arith.constant true
      %broadcast_in_dim3A_1458 = vector.broadcast %broadcast_in_dim3A_1457 : i1 to vector<16xi1>
      %masked_cumsum3A_1459 = tpu.scan <sum>, %get3A_1456 masked %broadcast_in_dim3A_1458 : vector<16xf32>, vector<16xi1> -> vector<16xf32>
      %add3A_1460 = arith.addf %masked_cumsum3A_1459, %gather3A_1370 : vector<16xf32>
      %mul3A_1461 = arith.constant 16 : i32
      %mul3A_1462 = arith.muli %scan3A_1450, %mul3A_1461 : i32
      %swap3A_1463 = arith.constant 0 : i32
      %swap3A_1464 = arith.index_cast %swap3A_1463 : i32 to index
      %swap3A_1465 = arith.index_cast %mul3A_1462 : i32 to index
      %swap3A_1466 = tpu.vector_load %arg4[%swap3A_1464, %swap3A_1465] {strides = array<i32>} : memref<4x8192xf32, #tpu.memory_space<vmem>>, vector<16xf32>,
      tpu.vector_store %arg4[%swap3A_1464, %swap3A_1465], %add3A_1460 {strides = array<i32>} : memref<4x8192xf32, #tpu.memory_space<vmem>>, vector<16xf32>,
      %lt3A_1467 = arith.constant 0 : i32
      %lt3A_1468 = vector.broadcast %lt3A_1467 : i32 to vector<16xi32>
      %lt3A_1469 = arith.cmpi slt, %broadcast_in_dim3A_3, %lt3A_1468 : vector<16xi32>
      %add3A_1470 = arith.constant 16 : i32
      %add3A_1471 = vector.broadcast %add3A_1470 : i32 to vector<16xi32>
      %add3A_1472 = arith.addi %broadcast_in_dim3A_3, %add3A_1471 : vector<16xi32>
      %select_n3A_1473 = arith.select %lt3A_1469, %add3A_1472, %broadcast_in_dim3A_3 : vector<16xi1>, vector<16xi32>
      %reshape3A_1474 = vector.shape_cast %select_n3A_1473 : vector<16xi32> to vector<16x1xi32>
      %gather3A_1475 = vector.shape_cast %reshape3A_1474 : vector<16x1xi32> to vector<16xi32>
      %gather3A_1476 = tpu.dynamic_gather %add3A_1460[%gather3A_1475] in [0] : vector<16xf32>, vector<16xi32> -> vector<16xf32>
      %mul3A_1477 = arith.constant 16 : i32
      %mul3A_1478 = arith.muli %scan3A_1450, %mul3A_1477 : i32
      %get3A_1479 = arith.constant 1 : i32
      %get3A_1480 = arith.index_cast %get3A_1479 : i32 to index
      %get3A_1481 = arith.index_cast %mul3A_1478 : i32 to index
      %get3A_1482 = tpu.vector_load %arg4[%get3A_1480, %get3A_1481] {strides = array<i32>} : memref<4x8192xf32, #tpu.memory_space<vmem>>, vector<16xf32>,
      %broadcast_in_dim3A_1483 = arith.constant true
      %broadcast_in_dim3A_1484 = vector.broadcast %broadcast_in_dim3A_1483 : i1 to vector<16xi1>
      %masked_cumsum3A_1485 = tpu.scan <sum>, %get3A_1482 masked %broadcast_in_dim3A_1484 : vector<16xf32>, vector<16xi1> -> vector<16xf32>
      %add3A_1486 = arith.addf %masked_cumsum3A_1485, %gather3A_1396 : vector<16xf32>
      %mul3A_1487 = arith.constant 16 : i32
      %mul3A_1488 = arith.muli %scan3A_1450, %mul3A_1487 : i32
      %swap3A_1489 = arith.constant 1 : i32
      %swap3A_1490 = arith.index_cast %swap3A_1489 : i32 to index
      %swap3A_1491 = arith.index_cast %mul3A_1488 : i32 to index
      %swap3A_1492 = tpu.vector_load %arg4[%swap3A_1490, %swap3A_1491] {strides = array<i32>} : memref<4x8192xf32, #tpu.memory_space<vmem>>, vector<16xf32>,
      tpu.vector_store %arg4[%swap3A_1490, %swap3A_1491], %add3A_1486 {strides = array<i32>} : memref<4x8192xf32, #tpu.memory_space<vmem>>, vector<16xf32>,
      %lt3A_1493 = arith.constant 0 : i32
      %lt3A_1494 = vector.broadcast %lt3A_1493 : i32 to vector<16xi32>
      %lt3A_1495 = arith.cmpi slt, %broadcast_in_dim3A_3, %lt3A_1494 : vector<16xi32>
      %add3A_1496 = arith.constant 16 : i32
      %add3A_1497 = vector.broadcast %add3A_1496 : i32 to vector<16xi32>
      %add3A_1498 = arith.addi %broadcast_in_dim3A_3, %add3A_1497 : vector<16xi32>
      %select_n3A_1499 = arith.select %lt3A_1495, %add3A_1498, %broadcast_in_dim3A_3 : vector<16xi1>, vector<16xi32>
      %reshape3A_1500 = vector.shape_cast %select_n3A_1499 : vector<16xi32> to vector<16x1xi32>
      %gather3A_1501 = vector.shape_cast %reshape3A_1500 : vector<16x1xi32> to vector<16xi32>
      %gather3A_1502 = tpu.dynamic_gather %add3A_1486[%gather3A_1501] in [0] : vector<16xf32>, vector<16xi32> -> vector<16xf32>
      %mul3A_1503 = arith.constant 16 : i32
      %mul3A_1504 = arith.muli %scan3A_1450, %mul3A_1503 : i32
      %get3A_1505 = arith.constant 2 : i32
      %get3A_1506 = arith.index_cast %get3A_1505 : i32 to index
      %get3A_1507 = arith.index_cast %mul3A_1504 : i32 to index
      %get3A_1508 = tpu.vector_load %arg4[%get3A_1506, %get3A_1507] {strides = array<i32>} : memref<4x8192xf32, #tpu.memory_space<vmem>>, vector<16xf32>,
      %broadcast_in_dim3A_1509 = arith.constant true
      %broadcast_in_dim3A_1510 = vector.broadcast %broadcast_in_dim3A_1509 : i1 to vector<16xi1>
      %masked_cumsum3A_1511 = tpu.scan <sum>, %get3A_1508 masked %broadcast_in_dim3A_1510 : vector<16xf32>, vector<16xi1> -> vector<16xf32>
      %add3A_1512 = arith.addf %masked_cumsum3A_1511, %gather3A_1422 : vector<16xf32>
      %mul3A_1513 = arith.constant 16 : i32
      %mul3A_1514 = arith.muli %scan3A_1450, %mul3A_1513 : i32
      %swap3A_1515 = arith.constant 2 : i32
      %swap3A_1516 = arith.index_cast %swap3A_1515 : i32 to index
      %swap3A_1517 = arith.index_cast %mul3A_1514 : i32 to index
      %swap3A_1518 = tpu.vector_load %arg4[%swap3A_1516, %swap3A_1517] {strides = array<i32>} : memref<4x8192xf32, #tpu.memory_space<vmem>>, vector<16xf32>,
      tpu.vector_store %arg4[%swap3A_1516, %swap3A_1517], %add3A_1512 {strides = array<i32>} : memref<4x8192xf32, #tpu.memory_space<vmem>>, vector<16xf32>,
      %lt3A_1519 = arith.constant 0 : i32
      %lt3A_1520 = vector.broadcast %lt3A_1519 : i32 to vector<16xi32>
      %lt3A_1521 = arith.cmpi slt, %broadcast_in_dim3A_3, %lt3A_1520 : vector<16xi32>
      %add3A_1522 = arith.constant 16 : i32
      %add3A_1523 = vector.broadcast %add3A_1522 : i32 to vector<16xi32>
      %add3A_1524 = arith.addi %broadcast_in_dim3A_3, %add3A_1523 : vector<16xi32>
      %select_n3A_1525 = arith.select %lt3A_1521, %add3A_1524, %broadcast_in_dim3A_3 : vector<16xi1>, vector<16xi32>
      %reshape3A_1526 = vector.shape_cast %select_n3A_1525 : vector<16xi32> to vector<16x1xi32>
      %gather3A_1527 = vector.shape_cast %reshape3A_1526 : vector<16x1xi32> to vector<16xi32>
      %gather3A_1528 = tpu.dynamic_gather %add3A_1512[%gather3A_1527] in [0] : vector<16xf32>, vector<16xi32> -> vector<16xf32>
      %mul3A_1529 = arith.constant 16 : i32
      %mul3A_1530 = arith.muli %scan3A_1450, %mul3A_1529 : i32
      %get3A_1531 = arith.constant 3 : i32
      %get3A_1532 = arith.index_cast %get3A_1531 : i32 to index
      %get3A_1533 = arith.index_cast %mul3A_1530 : i32 to index
      %get3A_1534 = tpu.vector_load %arg4[%get3A_1532, %get3A_1533] {strides = array<i32>} : memref<4x8192xf32, #tpu.memory_space<vmem>>, vector<16xf32>,
      %broadcast_in_dim3A_1535 = arith.constant true
      %broadcast_in_dim3A_1536 = vector.broadcast %broadcast_in_dim3A_1535 : i1 to vector<16xi1>
      %masked_cumsum3A_1537 = tpu.scan <sum>, %get3A_1534 masked %broadcast_in_dim3A_1536 : vector<16xf32>, vector<16xi1> -> vector<16xf32>
      %add3A_1538 = arith.addf %masked_cumsum3A_1537, %gather3A_1448 : vector<16xf32>
      %mul3A_1539 = arith.constant 16 : i32
      %mul3A_1540 = arith.muli %scan3A_1450, %mul3A_1539 : i32
      %swap3A_1541 = arith.constant 3 : i32
      %swap3A_1542 = arith.index_cast %swap3A_1541 : i32 to index
      %swap3A_1543 = arith.index_cast %mul3A_1540 : i32 to index
      %swap3A_1544 = tpu.vector_load %arg4[%swap3A_1542, %swap3A_1543] {strides = array<i32>} : memref<4x8192xf32, #tpu.memory_space<vmem>>, vector<16xf32>,
      tpu.vector_store %arg4[%swap3A_1542, %swap3A_1543], %add3A_1538 {strides = array<i32>} : memref<4x8192xf32, #tpu.memory_space<vmem>>, vector<16xf32>,
      %lt3A_1545 = arith.constant 0 : i32
      %lt3A_1546 = vector.broadcast %lt3A_1545 : i32 to vector<16xi32>
      %lt3A_1547 = arith.cmpi slt, %broadcast_in_dim3A_3, %lt3A_1546 : vector<16xi32>
      %add3A_1548 = arith.constant 16 : i32
      %add3A_1549 = vector.broadcast %add3A_1548 : i32 to vector<16xi32>
      %add3A_1550 = arith.addi %broadcast_in_dim3A_3, %add3A_1549 : vector<16xi32>
      %select_n3A_1551 = arith.select %lt3A_1547, %add3A_1550, %broadcast_in_dim3A_3 : vector<16xi1>, vector<16xi32>
      %reshape3A_1552 = vector.shape_cast %select_n3A_1551 : vector<16xi32> to vector<16x1xi32>
      %gather3A_1553 = vector.shape_cast %reshape3A_1552 : vector<16x1xi32> to vector<16xi32>
      %gather3A_1554 = tpu.dynamic_gather %add3A_1538[%gather3A_1553] in [0] : vector<16xf32>, vector<16xi32> -> vector<16xf32>
      %scan3A_1555 = arith.constant 6 : i32
      %scan3A_1556 = arith.addi %scan3A_923, %scan3A_1555 : i32
      %mul3A_1557 = arith.constant 16 : i32
      %mul3A_1558 = arith.muli %scan3A_1556, %mul3A_1557 : i32
      %get3A_1559 = arith.constant 0 : i32
      %get3A_1560 = arith.index_cast %get3A_1559 : i32 to index
      %get3A_1561 = arith.index_cast %mul3A_1558 : i32 to index
      %get3A_1562 = tpu.vector_load %arg4[%get3A_1560, %get3A_1561] {strides = array<i32>} : memref<4x8192xf32, #tpu.memory_space<vmem>>, vector<16xf32>,
      %broadcast_in_dim3A_1563 = arith.constant true
      %broadcast_in_dim3A_1564 = vector.broadcast %broadcast_in_dim3A_1563 : i1 to vector<16xi1>
      %masked_cumsum3A_1565 = tpu.scan <sum>, %get3A_1562 masked %broadcast_in_dim3A_1564 : vector<16xf32>, vector<16xi1> -> vector<16xf32>
      %add3A_1566 = arith.addf %masked_cumsum3A_1565, %gather3A_1476 : vector<16xf32>
      %mul3A_1567 = arith.constant 16 : i32
      %mul3A_1568 = arith.muli %scan3A_1556, %mul3A_1567 : i32
      %swap3A_1569 = arith.constant 0 : i32
      %swap3A_1570 = arith.index_cast %swap3A_1569 : i32 to index
      %swap3A_1571 = arith.index_cast %mul3A_1568 : i32 to index
      %swap3A_1572 = tpu.vector_load %arg4[%swap3A_1570, %swap3A_1571] {strides = array<i32>} : memref<4x8192xf32, #tpu.memory_space<vmem>>, vector<16xf32>,
      tpu.vector_store %arg4[%swap3A_1570, %swap3A_1571], %add3A_1566 {strides = array<i32>} : memref<4x8192xf32, #tpu.memory_space<vmem>>, vector<16xf32>,
      %lt3A_1573 = arith.constant 0 : i32
      %lt3A_1574 = vector.broadcast %lt3A_1573 : i32 to vector<16xi32>
      %lt3A_1575 = arith.cmpi slt, %broadcast_in_dim3A_3, %lt3A_1574 : vector<16xi32>
      %add3A_1576 = arith.constant 16 : i32
      %add3A_1577 = vector.broadcast %add3A_1576 : i32 to vector<16xi32>
      %add3A_1578 = arith.addi %broadcast_in_dim3A_3, %add3A_1577 : vector<16xi32>
      %select_n3A_1579 = arith.select %lt3A_1575, %add3A_1578, %broadcast_in_dim3A_3 : vector<16xi1>, vector<16xi32>
      %reshape3A_1580 = vector.shape_cast %select_n3A_1579 : vector<16xi32> to vector<16x1xi32>
      %gather3A_1581 = vector.shape_cast %reshape3A_1580 : vector<16x1xi32> to vector<16xi32>
      %gather3A_1582 = tpu.dynamic_gather %add3A_1566[%gather3A_1581] in [0] : vector<16xf32>, vector<16xi32> -> vector<16xf32>
      %mul3A_1583 = arith.constant 16 : i32
      %mul3A_1584 = arith.muli %scan3A_1556, %mul3A_1583 : i32
      %get3A_1585 = arith.constant 1 : i32
      %get3A_1586 = arith.index_cast %get3A_1585 : i32 to index
      %get3A_1587 = arith.index_cast %mul3A_1584 : i32 to index
      %get3A_1588 = tpu.vector_load %arg4[%get3A_1586, %get3A_1587] {strides = array<i32>} : memref<4x8192xf32, #tpu.memory_space<vmem>>, vector<16xf32>,
      %broadcast_in_dim3A_1589 = arith.constant true
      %broadcast_in_dim3A_1590 = vector.broadcast %broadcast_in_dim3A_1589 : i1 to vector<16xi1>
      %masked_cumsum3A_1591 = tpu.scan <sum>, %get3A_1588 masked %broadcast_in_dim3A_1590 : vector<16xf32>, vector<16xi1> -> vector<16xf32>
      %add3A_1592 = arith.addf %masked_cumsum3A_1591, %gather3A_1502 : vector<16xf32>
      %mul3A_1593 = arith.constant 16 : i32
      %mul3A_1594 = arith.muli %scan3A_1556, %mul3A_1593 : i32
      %swap3A_1595 = arith.constant 1 : i32
      %swap3A_1596 = arith.index_cast %swap3A_1595 : i32 to index
      %swap3A_1597 = arith.index_cast %mul3A_1594 : i32 to index
      %swap3A_1598 = tpu.vector_load %arg4[%swap3A_1596, %swap3A_1597] {strides = array<i32>} : memref<4x8192xf32, #tpu.memory_space<vmem>>, vector<16xf32>,
      tpu.vector_store %arg4[%swap3A_1596, %swap3A_1597], %add3A_1592 {strides = array<i32>} : memref<4x8192xf32, #tpu.memory_space<vmem>>, vector<16xf32>,
      %lt3A_1599 = arith.constant 0 : i32
      %lt3A_1600 = vector.broadcast %lt3A_1599 : i32 to vector<16xi32>
      %lt3A_1601 = arith.cmpi slt, %broadcast_in_dim3A_3, %lt3A_1600 : vector<16xi32>
      %add3A_1602 = arith.constant 16 : i32
      %add3A_1603 = vector.broadcast %add3A_1602 : i32 to vector<16xi32>
      %add3A_1604 = arith.addi %broadcast_in_dim3A_3, %add3A_1603 : vector<16xi32>
      %select_n3A_1605 = arith.select %lt3A_1601, %add3A_1604, %broadcast_in_dim3A_3 : vector<16xi1>, vector<16xi32>
      %reshape3A_1606 = vector.shape_cast %select_n3A_1605 : vector<16xi32> to vector<16x1xi32>
      %gather3A_1607 = vector.shape_cast %reshape3A_1606 : vector<16x1xi32> to vector<16xi32>
      %gather3A_1608 = tpu.dynamic_gather %add3A_1592[%gather3A_1607] in [0] : vector<16xf32>, vector<16xi32> -> vector<16xf32>
      %mul3A_1609 = arith.constant 16 : i32
      %mul3A_1610 = arith.muli %scan3A_1556, %mul3A_1609 : i32
      %get3A_1611 = arith.constant 2 : i32
      %get3A_1612 = arith.index_cast %get3A_1611 : i32 to index
      %get3A_1613 = arith.index_cast %mul3A_1610 : i32 to index
      %get3A_1614 = tpu.vector_load %arg4[%get3A_1612, %get3A_1613] {strides = array<i32>} : memref<4x8192xf32, #tpu.memory_space<vmem>>, vector<16xf32>,
      %broadcast_in_dim3A_1615 = arith.constant true
      %broadcast_in_dim3A_1616 = vector.broadcast %broadcast_in_dim3A_1615 : i1 to vector<16xi1>
      %masked_cumsum3A_1617 = tpu.scan <sum>, %get3A_1614 masked %broadcast_in_dim3A_1616 : vector<16xf32>, vector<16xi1> -> vector<16xf32>
      %add3A_1618 = arith.addf %masked_cumsum3A_1617, %gather3A_1528 : vector<16xf32>
      %mul3A_1619 = arith.constant 16 : i32
      %mul3A_1620 = arith.muli %scan3A_1556, %mul3A_1619 : i32
      %swap3A_1621 = arith.constant 2 : i32
      %swap3A_1622 = arith.index_cast %swap3A_1621 : i32 to index
      %swap3A_1623 = arith.index_cast %mul3A_1620 : i32 to index
      %swap3A_1624 = tpu.vector_load %arg4[%swap3A_1622, %swap3A_1623] {strides = array<i32>} : memref<4x8192xf32, #tpu.memory_space<vmem>>, vector<16xf32>,
      tpu.vector_store %arg4[%swap3A_1622, %swap3A_1623], %add3A_1618 {strides = array<i32>} : memref<4x8192xf32, #tpu.memory_space<vmem>>, vector<16xf32>,
      %lt3A_1625 = arith.constant 0 : i32
      %lt3A_1626 = vector.broadcast %lt3A_1625 : i32 to vector<16xi32>
      %lt3A_1627 = arith.cmpi slt, %broadcast_in_dim3A_3, %lt3A_1626 : vector<16xi32>
      %add3A_1628 = arith.constant 16 : i32
      %add3A_1629 = vector.broadcast %add3A_1628 : i32 to vector<16xi32>
      %add3A_1630 = arith.addi %broadcast_in_dim3A_3, %add3A_1629 : vector<16xi32>
      %select_n3A_1631 = arith.select %lt3A_1627, %add3A_1630, %broadcast_in_dim3A_3 : vector<16xi1>, vector<16xi32>
      %reshape3A_1632 = vector.shape_cast %select_n3A_1631 : vector<16xi32> to vector<16x1xi32>
      %gather3A_1633 = vector.shape_cast %reshape3A_1632 : vector<16x1xi32> to vector<16xi32>
      %gather3A_1634 = tpu.dynamic_gather %add3A_1618[%gather3A_1633] in [0] : vector<16xf32>, vector<16xi32> -> vector<16xf32>
      %mul3A_1635 = arith.constant 16 : i32
      %mul3A_1636 = arith.muli %scan3A_1556, %mul3A_1635 : i32
      %get3A_1637 = arith.constant 3 : i32
      %get3A_1638 = arith.index_cast %get3A_1637 : i32 to index
      %get3A_1639 = arith.index_cast %mul3A_1636 : i32 to index
      %get3A_1640 = tpu.vector_load %arg4[%get3A_1638, %get3A_1639] {strides = array<i32>} : memref<4x8192xf32, #tpu.memory_space<vmem>>, vector<16xf32>,
      %broadcast_in_dim3A_1641 = arith.constant true
      %broadcast_in_dim3A_1642 = vector.broadcast %broadcast_in_dim3A_1641 : i1 to vector<16xi1>
      %masked_cumsum3A_1643 = tpu.scan <sum>, %get3A_1640 masked %broadcast_in_dim3A_1642 : vector<16xf32>, vector<16xi1> -> vector<16xf32>
      %add3A_1644 = arith.addf %masked_cumsum3A_1643, %gather3A_1554 : vector<16xf32>
      %mul3A_1645 = arith.constant 16 : i32
      %mul3A_1646 = arith.muli %scan3A_1556, %mul3A_1645 : i32
      %swap3A_1647 = arith.constant 3 : i32
      %swap3A_1648 = arith.index_cast %swap3A_1647 : i32 to index
      %swap3A_1649 = arith.index_cast %mul3A_1646 : i32 to index
      %swap3A_1650 = tpu.vector_load %arg4[%swap3A_1648, %swap3A_1649] {strides = array<i32>} : memref<4x8192xf32, #tpu.memory_space<vmem>>, vector<16xf32>,
      tpu.vector_store %arg4[%swap3A_1648, %swap3A_1649], %add3A_1644 {strides = array<i32>} : memref<4x8192xf32, #tpu.memory_space<vmem>>, vector<16xf32>,
      %lt3A_1651 = arith.constant 0 : i32
      %lt3A_1652 = vector.broadcast %lt3A_1651 : i32 to vector<16xi32>
      %lt3A_1653 = arith.cmpi slt, %broadcast_in_dim3A_3, %lt3A_1652 : vector<16xi32>
      %add3A_1654 = arith.constant 16 : i32
      %add3A_1655 = vector.broadcast %add3A_1654 : i32 to vector<16xi32>
      %add3A_1656 = arith.addi %broadcast_in_dim3A_3, %add3A_1655 : vector<16xi32>
      %select_n3A_1657 = arith.select %lt3A_1653, %add3A_1656, %broadcast_in_dim3A_3 : vector<16xi1>, vector<16xi32>
      %reshape3A_1658 = vector.shape_cast %select_n3A_1657 : vector<16xi32> to vector<16x1xi32>
      %gather3A_1659 = vector.shape_cast %reshape3A_1658 : vector<16x1xi32> to vector<16xi32>
      %gather3A_1660 = tpu.dynamic_gather %add3A_1644[%gather3A_1659] in [0] : vector<16xf32>, vector<16xi32> -> vector<16xf32>
      %scan3A_1661 = arith.constant 7 : i32
      %scan3A_1662 = arith.addi %scan3A_923, %scan3A_1661 : i32
      %mul3A_1663 = arith.constant 16 : i32
      %mul3A_1664 = arith.muli %scan3A_1662, %mul3A_1663 : i32
      %get3A_1665 = arith.constant 0 : i32
      %get3A_1666 = arith.index_cast %get3A_1665 : i32 to index
      %get3A_1667 = arith.index_cast %mul3A_1664 : i32 to index
      %get3A_1668 = tpu.vector_load %arg4[%get3A_1666, %get3A_1667] {strides = array<i32>} : memref<4x8192xf32, #tpu.memory_space<vmem>>, vector<16xf32>,
      %broadcast_in_dim3A_1669 = arith.constant true
      %broadcast_in_dim3A_1670 = vector.broadcast %broadcast_in_dim3A_1669 : i1 to vector<16xi1>
      %masked_cumsum3A_1671 = tpu.scan <sum>, %get3A_1668 masked %broadcast_in_dim3A_1670 : vector<16xf32>, vector<16xi1> -> vector<16xf32>
      %add3A_1672 = arith.addf %masked_cumsum3A_1671, %gather3A_1582 : vector<16xf32>
      %mul3A_1673 = arith.constant 16 : i32
      %mul3A_1674 = arith.muli %scan3A_1662, %mul3A_1673 : i32
      %swap3A_1675 = arith.constant 0 : i32
      %swap3A_1676 = arith.index_cast %swap3A_1675 : i32 to index
      %swap3A_1677 = arith.index_cast %mul3A_1674 : i32 to index
      %swap3A_1678 = tpu.vector_load %arg4[%swap3A_1676, %swap3A_1677] {strides = array<i32>} : memref<4x8192xf32, #tpu.memory_space<vmem>>, vector<16xf32>,
      tpu.vector_store %arg4[%swap3A_1676, %swap3A_1677], %add3A_1672 {strides = array<i32>} : memref<4x8192xf32, #tpu.memory_space<vmem>>, vector<16xf32>,
      %lt3A_1679 = arith.constant 0 : i32
      %lt3A_1680 = vector.broadcast %lt3A_1679 : i32 to vector<16xi32>
      %lt3A_1681 = arith.cmpi slt, %broadcast_in_dim3A_3, %lt3A_1680 : vector<16xi32>
      %add3A_1682 = arith.constant 16 : i32
      %add3A_1683 = vector.broadcast %add3A_1682 : i32 to vector<16xi32>
      %add3A_1684 = arith.addi %broadcast_in_dim3A_3, %add3A_1683 : vector<16xi32>
      %select_n3A_1685 = arith.select %lt3A_1681, %add3A_1684, %broadcast_in_dim3A_3 : vector<16xi1>, vector<16xi32>
      %reshape3A_1686 = vector.shape_cast %select_n3A_1685 : vector<16xi32> to vector<16x1xi32>
      %gather3A_1687 = vector.shape_cast %reshape3A_1686 : vector<16x1xi32> to vector<16xi32>
      %gather3A_1688 = tpu.dynamic_gather %add3A_1672[%gather3A_1687] in [0] : vector<16xf32>, vector<16xi32> -> vector<16xf32>
      %mul3A_1689 = arith.constant 16 : i32
      %mul3A_1690 = arith.muli %scan3A_1662, %mul3A_1689 : i32
      %get3A_1691 = arith.constant 1 : i32
      %get3A_1692 = arith.index_cast %get3A_1691 : i32 to index
      %get3A_1693 = arith.index_cast %mul3A_1690 : i32 to index
      %get3A_1694 = tpu.vector_load %arg4[%get3A_1692, %get3A_1693] {strides = array<i32>} : memref<4x8192xf32, #tpu.memory_space<vmem>>, vector<16xf32>,
      %broadcast_in_dim3A_1695 = arith.constant true
      %broadcast_in_dim3A_1696 = vector.broadcast %broadcast_in_dim3A_1695 : i1 to vector<16xi1>
      %masked_cumsum3A_1697 = tpu.scan <sum>, %get3A_1694 masked %broadcast_in_dim3A_1696 : vector<16xf32>, vector<16xi1> -> vector<16xf32>
      %add3A_1698 = arith.addf %masked_cumsum3A_1697, %gather3A_1608 : vector<16xf32>
      %mul3A_1699 = arith.constant 16 : i32
      %mul3A_1700 = arith.muli %scan3A_1662, %mul3A_1699 : i32
      %swap3A_1701 = arith.constant 1 : i32
      %swap3A_1702 = arith.index_cast %swap3A_1701 : i32 to index
      %swap3A_1703 = arith.index_cast %mul3A_1700 : i32 to index
      %swap3A_1704 = tpu.vector_load %arg4[%swap3A_1702, %swap3A_1703] {strides = array<i32>} : memref<4x8192xf32, #tpu.memory_space<vmem>>, vector<16xf32>,
      tpu.vector_store %arg4[%swap3A_1702, %swap3A_1703], %add3A_1698 {strides = array<i32>} : memref<4x8192xf32, #tpu.memory_space<vmem>>, vector<16xf32>,
      %lt3A_1705 = arith.constant 0 : i32
      %lt3A_1706 = vector.broadcast %lt3A_1705 : i32 to vector<16xi32>
      %lt3A_1707 = arith.cmpi slt, %broadcast_in_dim3A_3, %lt3A_1706 : vector<16xi32>
      %add3A_1708 = arith.constant 16 : i32
      %add3A_1709 = vector.broadcast %add3A_1708 : i32 to vector<16xi32>
      %add3A_1710 = arith.addi %broadcast_in_dim3A_3, %add3A_1709 : vector<16xi32>
      %select_n3A_1711 = arith.select %lt3A_1707, %add3A_1710, %broadcast_in_dim3A_3 : vector<16xi1>, vector<16xi32>
      %reshape3A_1712 = vector.shape_cast %select_n3A_1711 : vector<16xi32> to vector<16x1xi32>
      %gather3A_1713 = vector.shape_cast %reshape3A_1712 : vector<16x1xi32> to vector<16xi32>
      %gather3A_1714 = tpu.dynamic_gather %add3A_1698[%gather3A_1713] in [0] : vector<16xf32>, vector<16xi32> -> vector<16xf32>
      %mul3A_1715 = arith.constant 16 : i32
      %mul3A_1716 = arith.muli %scan3A_1662, %mul3A_1715 : i32
      %get3A_1717 = arith.constant 2 : i32
      %get3A_1718 = arith.index_cast %get3A_1717 : i32 to index
      %get3A_1719 = arith.index_cast %mul3A_1716 : i32 to index
      %get3A_1720 = tpu.vector_load %arg4[%get3A_1718, %get3A_1719] {strides = array<i32>} : memref<4x8192xf32, #tpu.memory_space<vmem>>, vector<16xf32>,
      %broadcast_in_dim3A_1721 = arith.constant true
      %broadcast_in_dim3A_1722 = vector.broadcast %broadcast_in_dim3A_1721 : i1 to vector<16xi1>
      %masked_cumsum3A_1723 = tpu.scan <sum>, %get3A_1720 masked %broadcast_in_dim3A_1722 : vector<16xf32>, vector<16xi1> -> vector<16xf32>
      %add3A_1724 = arith.addf %masked_cumsum3A_1723, %gather3A_1634 : vector<16xf32>
      %mul3A_1725 = arith.constant 16 : i32
      %mul3A_1726 = arith.muli %scan3A_1662, %mul3A_1725 : i32
      %swap3A_1727 = arith.constant 2 : i32
      %swap3A_1728 = arith.index_cast %swap3A_1727 : i32 to index
      %swap3A_1729 = arith.index_cast %mul3A_1726 : i32 to index
      %swap3A_1730 = tpu.vector_load %arg4[%swap3A_1728, %swap3A_1729] {strides = array<i32>} : memref<4x8192xf32, #tpu.memory_space<vmem>>, vector<16xf32>,
      tpu.vector_store %arg4[%swap3A_1728, %swap3A_1729], %add3A_1724 {strides = array<i32>} : memref<4x8192xf32, #tpu.memory_space<vmem>>, vector<16xf32>,
      %lt3A_1731 = arith.constant 0 : i32
      %lt3A_1732 = vector.broadcast %lt3A_1731 : i32 to vector<16xi32>
      %lt3A_1733 = arith.cmpi slt, %broadcast_in_dim3A_3, %lt3A_1732 : vector<16xi32>
      %add3A_1734 = arith.constant 16 : i32
      %add3A_1735 = vector.broadcast %add3A_1734 : i32 to vector<16xi32>
      %add3A_1736 = arith.addi %broadcast_in_dim3A_3, %add3A_1735 : vector<16xi32>
      %select_n3A_1737 = arith.select %lt3A_1733, %add3A_1736, %broadcast_in_dim3A_3 : vector<16xi1>, vector<16xi32>
      %reshape3A_1738 = vector.shape_cast %select_n3A_1737 : vector<16xi32> to vector<16x1xi32>
      %gather3A_1739 = vector.shape_cast %reshape3A_1738 : vector<16x1xi32> to vector<16xi32>
      %gather3A_1740 = tpu.dynamic_gather %add3A_1724[%gather3A_1739] in [0] : vector<16xf32>, vector<16xi32> -> vector<16xf32>
      %mul3A_1741 = arith.constant 16 : i32
      %mul3A_1742 = arith.muli %scan3A_1662, %mul3A_1741 : i32
      %get3A_1743 = arith.constant 3 : i32
      %get3A_1744 = arith.index_cast %get3A_1743 : i32 to index
      %get3A_1745 = arith.index_cast %mul3A_1742 : i32 to index
      %get3A_1746 = tpu.vector_load %arg4[%get3A_1744, %get3A_1745] {strides = array<i32>} : memref<4x8192xf32, #tpu.memory_space<vmem>>, vector<16xf32>,
      %broadcast_in_dim3A_1747 = arith.constant true
      %broadcast_in_dim3A_1748 = vector.broadcast %broadcast_in_dim3A_1747 : i1 to vector<16xi1>
      %masked_cumsum3A_1749 = tpu.scan <sum>, %get3A_1746 masked %broadcast_in_dim3A_1748 : vector<16xf32>, vector<16xi1> -> vector<16xf32>
      %add3A_1750 = arith.addf %masked_cumsum3A_1749, %gather3A_1660 : vector<16xf32>
      %mul3A_1751 = arith.constant 16 : i32
      %mul3A_1752 = arith.muli %scan3A_1662, %mul3A_1751 : i32
      %swap3A_1753 = arith.constant 3 : i32
      %swap3A_1754 = arith.index_cast %swap3A_1753 : i32 to index
      %swap3A_1755 = arith.index_cast %mul3A_1752 : i32 to index
      %swap3A_1756 = tpu.vector_load %arg4[%swap3A_1754, %swap3A_1755] {strides = array<i32>} : memref<4x8192xf32, #tpu.memory_space<vmem>>, vector<16xf32>,
      tpu.vector_store %arg4[%swap3A_1754, %swap3A_1755], %add3A_1750 {strides = array<i32>} : memref<4x8192xf32, #tpu.memory_space<vmem>>, vector<16xf32>,
      %lt3A_1757 = arith.constant 0 : i32
      %lt3A_1758 = vector.broadcast %lt3A_1757 : i32 to vector<16xi32>
      %lt3A_1759 = arith.cmpi slt, %broadcast_in_dim3A_3, %lt3A_1758 : vector<16xi32>
      %add3A_1760 = arith.constant 16 : i32
      %add3A_1761 = vector.broadcast %add3A_1760 : i32 to vector<16xi32>
      %add3A_1762 = arith.addi %broadcast_in_dim3A_3, %add3A_1761 : vector<16xi32>
      %select_n3A_1763 = arith.select %lt3A_1759, %add3A_1762, %broadcast_in_dim3A_3 : vector<16xi1>, vector<16xi32>
      %reshape3A_1764 = vector.shape_cast %select_n3A_1763 : vector<16xi32> to vector<16x1xi32>
      %gather3A_1765 = vector.shape_cast %reshape3A_1764 : vector<16x1xi32> to vector<16xi32>
      %gather3A_1766 = tpu.dynamic_gather %add3A_1750[%gather3A_1765] in [0] : vector<16xf32>, vector<16xi32> -> vector<16xf32>
      scf.yield %gather3A_1688, %gather3A_1714, %gather3A_1740, %gather3A_1766 : vector<16xf32>, vector<16xf32>, vector<16xf32>, vector<16xf32>
    }
    %scan3A_180 = arith.constant 512 : i32
    %add3A_181 = arith.constant 0 : i32
    %add3A_182 = arith.addi %mul3A_2, %add3A_181 : i32
    %dma_start3A_183 = arith.constant 0 : i32
    %dma_start3A_184 = arith.constant 0 : i32
    %dma_start3A_185 = tpu.memref_slice %arg4[%dma_start3A_183, %dma_start3A_184] : memref<4x8192xf32, #tpu.memory_space<vmem>> -> memref<1x8192xf32, #tpu.memory_space<vmem>>
    %dma_start3A_186 = tpu.memref_squeeze %dma_start3A_185 : memref<1x8192xf32, #tpu.memory_space<vmem>> -> memref<8192xf32, #tpu.memory_space<vmem>>
    %dma_start3A_187 = arith.constant 0 : i32
    %dma_start3A_188 = tpu.memref_slice %arg3[%add3A_182, %dma_start3A_187] : memref<128x32768xf32, #tpu.memory_space<hbm>> -> memref<1x8192xf32, #tpu.memory_space<hbm>>
    %dma_start3A_189 = tpu.memref_squeeze %dma_start3A_188 : memref<1x8192xf32, #tpu.memory_space<hbm>> -> memref<8192xf32, #tpu.memory_space<hbm>>
    %dma_start3A_190 = arith.constant 0 : i32
    %dma_start3A_191 = tpu.memref_slice %arg3[%add3A_182, %dma_start3A_190] : memref<128x32768xf32, #tpu.memory_space<hbm>> -> memref<1x8192xf32, #tpu.memory_space<hbm>>
    %dma_start3A_192 = tpu.memref_squeeze %dma_start3A_191 : memref<1x8192xf32, #tpu.memory_space<hbm>> -> memref<8192xf32, #tpu.memory_space<hbm>>
    %dma_start3A_193 = arith.constant 0 : i32
    %dma_start3A_194 = tpu.memref_slice %arg4[%dma_start3A_183, %dma_start3A_193] : memref<4x8192xf32, #tpu.memory_space<vmem>> -> memref<1x8192xf32, #tpu.memory_space<vmem>>
    %dma_start3A_195 = tpu.memref_squeeze %dma_start3A_194 : memref<1x8192xf32, #tpu.memory_space<vmem>> -> memref<8192xf32, #tpu.memory_space<vmem>>
    tpu.enqueue_dma source(%dma_start3A_195 : memref<8192xf32, #tpu.memory_space<vmem>>) target(%dma_start3A_192 : memref<8192xf32, #tpu.memory_space<hbm>>) target_semaphore(%arg7 : memref<!tpu.dma_semaphore, #tpu.memory_space<semaphore_mem>>)
    %add3A_196 = arith.constant 1 : i32
    %add3A_197 = arith.addi %mul3A_2, %add3A_196 : i32
    %dma_start3A_198 = arith.constant 1 : i32
    %dma_start3A_199 = arith.constant 0 : i32
    %dma_start3A_200 = tpu.memref_slice %arg4[%dma_start3A_198, %dma_start3A_199] : memref<4x8192xf32, #tpu.memory_space<vmem>> -> memref<1x8192xf32, #tpu.memory_space<vmem>>
    %dma_start3A_201 = tpu.memref_squeeze %dma_start3A_200 : memref<1x8192xf32, #tpu.memory_space<vmem>> -> memref<8192xf32, #tpu.memory_space<vmem>>
    %dma_start3A_202 = arith.constant 0 : i32
    %dma_start3A_203 = tpu.memref_slice %arg3[%add3A_197, %dma_start3A_202] : memref<128x32768xf32, #tpu.memory_space<hbm>> -> memref<1x8192xf32, #tpu.memory_space<hbm>>
    %dma_start3A_204 = tpu.memref_squeeze %dma_start3A_203 : memref<1x8192xf32, #tpu.memory_space<hbm>> -> memref<8192xf32, #tpu.memory_space<hbm>>
    %dma_start3A_205 = arith.constant 0 : i32
    %dma_start3A_206 = tpu.memref_slice %arg3[%add3A_197, %dma_start3A_205] : memref<128x32768xf32, #tpu.memory_space<hbm>> -> memref<1x8192xf32, #tpu.memory_space<hbm>>
    %dma_start3A_207 = tpu.memref_squeeze %dma_start3A_206 : memref<1x8192xf32, #tpu.memory_space<hbm>> -> memref<8192xf32, #tpu.memory_space<hbm>>
    %dma_start3A_208 = arith.constant 0 : i32
    %dma_start3A_209 = tpu.memref_slice %arg4[%dma_start3A_198, %dma_start3A_208] : memref<4x8192xf32, #tpu.memory_space<vmem>> -> memref<1x8192xf32, #tpu.memory_space<vmem>>
    %dma_start3A_210 = tpu.memref_squeeze %dma_start3A_209 : memref<1x8192xf32, #tpu.memory_space<vmem>> -> memref<8192xf32, #tpu.memory_space<vmem>>
    tpu.enqueue_dma source(%dma_start3A_210 : memref<8192xf32, #tpu.memory_space<vmem>>) target(%dma_start3A_207 : memref<8192xf32, #tpu.memory_space<hbm>>) target_semaphore(%arg7 : memref<!tpu.dma_semaphore, #tpu.memory_space<semaphore_mem>>)
    %add3A_211 = arith.constant 2 : i32
    %add3A_212 = arith.addi %mul3A_2, %add3A_211 : i32
    %dma_start3A_213 = arith.constant 2 : i32
    %dma_start3A_214 = arith.constant 0 : i32
    %dma_start3A_215 = tpu.memref_slice %arg4[%dma_start3A_213, %dma_start3A_214] : memref<4x8192xf32, #tpu.memory_space<vmem>> -> memref<1x8192xf32, #tpu.memory_space<vmem>>
    %dma_start3A_216 = tpu.memref_squeeze %dma_start3A_215 : memref<1x8192xf32, #tpu.memory_space<vmem>> -> memref<8192xf32, #tpu.memory_space<vmem>>
    %dma_start3A_217 = arith.constant 0 : i32
    %dma_start3A_218 = tpu.memref_slice %arg3[%add3A_212, %dma_start3A_217] : memref<128x32768xf32, #tpu.memory_space<hbm>> -> memref<1x8192xf32, #tpu.memory_space<hbm>>
    %dma_start3A_219 = tpu.memref_squeeze %dma_start3A_218 : memref<1x8192xf32, #tpu.memory_space<hbm>> -> memref<8192xf32, #tpu.memory_space<hbm>>
    %dma_start3A_220 = arith.constant 0 : i32
    %dma_start3A_221 = tpu.memref_slice %arg3[%add3A_212, %dma_start3A_220] : memref<128x32768xf32, #tpu.memory_space<hbm>> -> memref<1x8192xf32, #tpu.memory_space<hbm>>
    %dma_start3A_222 = tpu.memref_squeeze %dma_start3A_221 : memref<1x8192xf32, #tpu.memory_space<hbm>> -> memref<8192xf32, #tpu.memory_space<hbm>>
    %dma_start3A_223 = arith.constant 0 : i32
    %dma_start3A_224 = tpu.memref_slice %arg4[%dma_start3A_213, %dma_start3A_223] : memref<4x8192xf32, #tpu.memory_space<vmem>> -> memref<1x8192xf32, #tpu.memory_space<vmem>>
    %dma_start3A_225 = tpu.memref_squeeze %dma_start3A_224 : memref<1x8192xf32, #tpu.memory_space<vmem>> -> memref<8192xf32, #tpu.memory_space<vmem>>
    tpu.enqueue_dma source(%dma_start3A_225 : memref<8192xf32, #tpu.memory_space<vmem>>) target(%dma_start3A_222 : memref<8192xf32, #tpu.memory_space<hbm>>) target_semaphore(%arg7 : memref<!tpu.dma_semaphore, #tpu.memory_space<semaphore_mem>>)
    %add3A_226 = arith.constant 3 : i32
    %add3A_227 = arith.addi %mul3A_2, %add3A_226 : i32
    %dma_start3A_228 = arith.constant 3 : i32
    %dma_start3A_229 = arith.constant 0 : i32
    %dma_start3A_230 = tpu.memref_slice %arg4[%dma_start3A_228, %dma_start3A_229] : memref<4x8192xf32, #tpu.memory_space<vmem>> -> memref<1x8192xf32, #tpu.memory_space<vmem>>
    %dma_start3A_231 = tpu.memref_squeeze %dma_start3A_230 : memref<1x8192xf32, #tpu.memory_space<vmem>> -> memref<8192xf32, #tpu.memory_space<vmem>>
    %dma_start3A_232 = arith.constant 0 : i32
    %dma_start3A_233 = tpu.memref_slice %arg3[%add3A_227, %dma_start3A_232] : memref<128x32768xf32, #tpu.memory_space<hbm>> -> memref<1x8192xf32, #tpu.memory_space<hbm>>
    %dma_start3A_234 = tpu.memref_squeeze %dma_start3A_233 : memref<1x8192xf32, #tpu.memory_space<hbm>> -> memref<8192xf32, #tpu.memory_space<hbm>>
    %dma_start3A_235 = arith.constant 0 : i32
    %dma_start3A_236 = tpu.memref_slice %arg3[%add3A_227, %dma_start3A_235] : memref<128x32768xf32, #tpu.memory_space<hbm>> -> memref<1x8192xf32, #tpu.memory_space<hbm>>
    %dma_start3A_237 = tpu.memref_squeeze %dma_start3A_236 : memref<1x8192xf32, #tpu.memory_space<hbm>> -> memref<8192xf32, #tpu.memory_space<hbm>>
    %dma_start3A_238 = arith.constant 0 : i32
    %dma_start3A_239 = tpu.memref_slice %arg4[%dma_start3A_228, %dma_start3A_238] : memref<4x8192xf32, #tpu.memory_space<vmem>> -> memref<1x8192xf32, #tpu.memory_space<vmem>>
    %dma_start3A_240 = tpu.memref_squeeze %dma_start3A_239 : memref<1x8192xf32, #tpu.memory_space<vmem>> -> memref<8192xf32, #tpu.memory_space<vmem>>
    tpu.enqueue_dma source(%dma_start3A_240 : memref<8192xf32, #tpu.memory_space<vmem>>) target(%dma_start3A_237 : memref<8192xf32, #tpu.memory_space<hbm>>) target_semaphore(%arg7 : memref<!tpu.dma_semaphore, #tpu.memory_space<semaphore_mem>>)
    %dma_wait3A_241 = arith.constant 0 : i32
    %dma_wait3A_242 = arith.constant 0 : i32
    %dma_wait3A_243 = tpu.memref_slice %arg5[%dma_wait3A_241, %dma_wait3A_242] : memref<4x8192xf32, #tpu.memory_space<vmem>> -> memref<1x8192xf32, #tpu.memory_space<vmem>>
    %dma_wait3A_244 = tpu.memref_squeeze %dma_wait3A_243 : memref<1x8192xf32, #tpu.memory_space<vmem>> -> memref<8192xf32, #tpu.memory_space<vmem>>
    %dma_wait3A_245 = arith.constant 8192 : i32
    %dma_wait3A_246 = tpu.memref_slice %arg2[%add3A_117, %dma_wait3A_245] : memref<128x32768xf32, #tpu.memory_space<hbm>> -> memref<1x8192xf32, #tpu.memory_space<hbm>>
    %dma_wait3A_247 = tpu.memref_squeeze %dma_wait3A_246 : memref<1x8192xf32, #tpu.memory_space<hbm>> -> memref<8192xf32, #tpu.memory_space<hbm>>
    %dma_wait3A_248 = arith.constant 0 : i32
    %dma_wait3A_249 = tpu.memref_slice %arg5[%dma_wait3A_241, %dma_wait3A_248] : memref<4x8192xf32, #tpu.memory_space<vmem>> -> memref<1x8192xf32, #tpu.memory_space<vmem>>
    %dma_wait3A_250 = tpu.memref_squeeze %dma_wait3A_249 : memref<1x8192xf32, #tpu.memory_space<vmem>> -> memref<8192xf32, #tpu.memory_space<vmem>>
    %dma_wait3A_251 = arith.constant 8192 : i32
    %dma_wait3A_252 = tpu.memref_slice %arg2[%add3A_117, %dma_wait3A_251] : memref<128x32768xf32, #tpu.memory_space<hbm>> -> memref<1x8192xf32, #tpu.memory_space<hbm>>
    %dma_wait3A_253 = tpu.memref_squeeze %dma_wait3A_252 : memref<1x8192xf32, #tpu.memory_space<hbm>> -> memref<8192xf32, #tpu.memory_space<hbm>>
    tpu.wait_dma2 semaphore(%arg6 : memref<!tpu.dma_semaphore, #tpu.memory_space<semaphore_mem>>) src(%dma_wait3A_253 : memref<8192xf32, #tpu.memory_space<hbm>>) dst(%dma_wait3A_250 : memref<8192xf32, #tpu.memory_space<vmem>>)
    %dma_wait3A_254 = arith.constant 1 : i32
    %dma_wait3A_255 = arith.constant 0 : i32
    %dma_wait3A_256 = tpu.memref_slice %arg5[%dma_wait3A_254, %dma_wait3A_255] : memref<4x8192xf32, #tpu.memory_space<vmem>> -> memref<1x8192xf32, #tpu.memory_space<vmem>>
    %dma_wait3A_257 = tpu.memref_squeeze %dma_wait3A_256 : memref<1x8192xf32, #tpu.memory_space<vmem>> -> memref<8192xf32, #tpu.memory_space<vmem>>
    %dma_wait3A_258 = arith.constant 8192 : i32
    %dma_wait3A_259 = tpu.memref_slice %arg2[%add3A_132, %dma_wait3A_258] : memref<128x32768xf32, #tpu.memory_space<hbm>> -> memref<1x8192xf32, #tpu.memory_space<hbm>>
    %dma_wait3A_260 = tpu.memref_squeeze %dma_wait3A_259 : memref<1x8192xf32, #tpu.memory_space<hbm>> -> memref<8192xf32, #tpu.memory_space<hbm>>
    %dma_wait3A_261 = arith.constant 0 : i32
    %dma_wait3A_262 = tpu.memref_slice %arg5[%dma_wait3A_254, %dma_wait3A_261] : memref<4x8192xf32, #tpu.memory_space<vmem>> -> memref<1x8192xf32, #tpu.memory_space<vmem>>
    %dma_wait3A_263 = tpu.memref_squeeze %dma_wait3A_262 : memref<1x8192xf32, #tpu.memory_space<vmem>> -> memref<8192xf32, #tpu.memory_space<vmem>>
    %dma_wait3A_264 = arith.constant 8192 : i32
    %dma_wait3A_265 = tpu.memref_slice %arg2[%add3A_132, %dma_wait3A_264] : memref<128x32768xf32, #tpu.memory_space<hbm>> -> memref<1x8192xf32, #tpu.memory_space<hbm>>
    %dma_wait3A_266 = tpu.memref_squeeze %dma_wait3A_265 : memref<1x8192xf32, #tpu.memory_space<hbm>> -> memref<8192xf32, #tpu.memory_space<hbm>>
    tpu.wait_dma2 semaphore(%arg6 : memref<!tpu.dma_semaphore, #tpu.memory_space<semaphore_mem>>) src(%dma_wait3A_266 : memref<8192xf32, #tpu.memory_space<hbm>>) dst(%dma_wait3A_263 : memref<8192xf32, #tpu.memory_space<vmem>>)
    %dma_wait3A_267 = arith.constant 2 : i32
    %dma_wait3A_268 = arith.constant 0 : i32
    %dma_wait3A_269 = tpu.memref_slice %arg5[%dma_wait3A_267, %dma_wait3A_268] : memref<4x8192xf32, #tpu.memory_space<vmem>> -> memref<1x8192xf32, #tpu.memory_space<vmem>>
    %dma_wait3A_270 = tpu.memref_squeeze %dma_wait3A_269 : memref<1x8192xf32, #tpu.memory_space<vmem>> -> memref<8192xf32, #tpu.memory_space<vmem>>
    %dma_wait3A_271 = arith.constant 8192 : i32
    %dma_wait3A_272 = tpu.memref_slice %arg2[%add3A_147, %dma_wait3A_271] : memref<128x32768xf32, #tpu.memory_space<hbm>> -> memref<1x8192xf32, #tpu.memory_space<hbm>>
    %dma_wait3A_273 = tpu.memref_squeeze %dma_wait3A_272 : memref<1x8192xf32, #tpu.memory_space<hbm>> -> memref<8192xf32, #tpu.memory_space<hbm>>
    %dma_wait3A_274 = arith.constant 0 : i32
    %dma_wait3A_275 = tpu.memref_slice %arg5[%dma_wait3A_267, %dma_wait3A_274] : memref<4x8192xf32, #tpu.memory_space<vmem>> -> memref<1x8192xf32, #tpu.memory_space<vmem>>
    %dma_wait3A_276 = tpu.memref_squeeze %dma_wait3A_275 : memref<1x8192xf32, #tpu.memory_space<vmem>> -> memref<8192xf32, #tpu.memory_space<vmem>>
    %dma_wait3A_277 = arith.constant 8192 : i32
    %dma_wait3A_278 = tpu.memref_slice %arg2[%add3A_147, %dma_wait3A_277] : memref<128x32768xf32, #tpu.memory_space<hbm>> -> memref<1x8192xf32, #tpu.memory_space<hbm>>
    %dma_wait3A_279 = tpu.memref_squeeze %dma_wait3A_278 : memref<1x8192xf32, #tpu.memory_space<hbm>> -> memref<8192xf32, #tpu.memory_space<hbm>>
    tpu.wait_dma2 semaphore(%arg6 : memref<!tpu.dma_semaphore, #tpu.memory_space<semaphore_mem>>) src(%dma_wait3A_279 : memref<8192xf32, #tpu.memory_space<hbm>>) dst(%dma_wait3A_276 : memref<8192xf32, #tpu.memory_space<vmem>>)
    %dma_wait3A_280 = arith.constant 3 : i32
    %dma_wait3A_281 = arith.constant 0 : i32
    %dma_wait3A_282 = tpu.memref_slice %arg5[%dma_wait3A_280, %dma_wait3A_281] : memref<4x8192xf32, #tpu.memory_space<vmem>> -> memref<1x8192xf32, #tpu.memory_space<vmem>>
    %dma_wait3A_283 = tpu.memref_squeeze %dma_wait3A_282 : memref<1x8192xf32, #tpu.memory_space<vmem>> -> memref<8192xf32, #tpu.memory_space<vmem>>
    %dma_wait3A_284 = arith.constant 8192 : i32
    %dma_wait3A_285 = tpu.memref_slice %arg2[%add3A_162, %dma_wait3A_284] : memref<128x32768xf32, #tpu.memory_space<hbm>> -> memref<1x8192xf32, #tpu.memory_space<hbm>>
    %dma_wait3A_286 = tpu.memref_squeeze %dma_wait3A_285 : memref<1x8192xf32, #tpu.memory_space<hbm>> -> memref<8192xf32, #tpu.memory_space<hbm>>
    %dma_wait3A_287 = arith.constant 0 : i32
    %dma_wait3A_288 = tpu.memref_slice %arg5[%dma_wait3A_280, %dma_wait3A_287] : memref<4x8192xf32, #tpu.memory_space<vmem>> -> memref<1x8192xf32, #tpu.memory_space<vmem>>
    %dma_wait3A_289 = tpu.memref_squeeze %dma_wait3A_288 : memref<1x8192xf32, #tpu.memory_space<vmem>> -> memref<8192xf32, #tpu.memory_space<vmem>>
    %dma_wait3A_290 = arith.constant 8192 : i32
    %dma_wait3A_291 = tpu.memref_slice %arg2[%add3A_162, %dma_wait3A_290] : memref<128x32768xf32, #tpu.memory_space<hbm>> -> memref<1x8192xf32, #tpu.memory_space<hbm>>
    %dma_wait3A_292 = tpu.memref_squeeze %dma_wait3A_291 : memref<1x8192xf32, #tpu.memory_space<hbm>> -> memref<8192xf32, #tpu.memory_space<hbm>>
    tpu.wait_dma2 semaphore(%arg6 : memref<!tpu.dma_semaphore, #tpu.memory_space<semaphore_mem>>) src(%dma_wait3A_292 : memref<8192xf32, #tpu.memory_space<hbm>>) dst(%dma_wait3A_289 : memref<8192xf32, #tpu.memory_space<vmem>>)
    %dma_wait3A_293 = arith.constant 0 : i32
    %dma_wait3A_294 = arith.constant 0 : i32
    %dma_wait3A_295 = tpu.memref_slice %arg4[%dma_wait3A_293, %dma_wait3A_294] : memref<4x8192xf32, #tpu.memory_space<vmem>> -> memref<1x8192xf32, #tpu.memory_space<vmem>>
    %dma_wait3A_296 = tpu.memref_squeeze %dma_wait3A_295 : memref<1x8192xf32, #tpu.memory_space<vmem>> -> memref<8192xf32, #tpu.memory_space<vmem>>
    %dma_wait3A_297 = arith.constant 0 : i32
    %dma_wait3A_298 = tpu.memref_slice %arg3[%add3A_182, %dma_wait3A_297] : memref<128x32768xf32, #tpu.memory_space<hbm>> -> memref<1x8192xf32, #tpu.memory_space<hbm>>
    %dma_wait3A_299 = tpu.memref_squeeze %dma_wait3A_298 : memref<1x8192xf32, #tpu.memory_space<hbm>> -> memref<8192xf32, #tpu.memory_space<hbm>>
    %dma_wait3A_300 = arith.constant 0 : i32
    %dma_wait3A_301 = tpu.memref_slice %arg3[%add3A_182, %dma_wait3A_300] : memref<128x32768xf32, #tpu.memory_space<hbm>> -> memref<1x8192xf32, #tpu.memory_space<hbm>>
    %dma_wait3A_302 = tpu.memref_squeeze %dma_wait3A_301 : memref<1x8192xf32, #tpu.memory_space<hbm>> -> memref<8192xf32, #tpu.memory_space<hbm>>
    %dma_wait3A_303 = arith.constant 0 : i32
    %dma_wait3A_304 = tpu.memref_slice %arg4[%dma_wait3A_293, %dma_wait3A_303] : memref<4x8192xf32, #tpu.memory_space<vmem>> -> memref<1x8192xf32, #tpu.memory_space<vmem>>
    %dma_wait3A_305 = tpu.memref_squeeze %dma_wait3A_304 : memref<1x8192xf32, #tpu.memory_space<vmem>> -> memref<8192xf32, #tpu.memory_space<vmem>>
    tpu.wait_dma2 semaphore(%arg7 : memref<!tpu.dma_semaphore, #tpu.memory_space<semaphore_mem>>) src(%dma_wait3A_305 : memref<8192xf32, #tpu.memory_space<vmem>>) dst(%dma_wait3A_302 : memref<8192xf32, #tpu.memory_space<hbm>>)
    %dma_wait3A_306 = arith.constant 1 : i32
    %dma_wait3A_307 = arith.constant 0 : i32
    %dma_wait3A_308 = tpu.memref_slice %arg4[%dma_wait3A_306, %dma_wait3A_307] : memref<4x8192xf32, #tpu.memory_space<vmem>> -> memref<1x8192xf32, #tpu.memory_space<vmem>>
    %dma_wait3A_309 = tpu.memref_squeeze %dma_wait3A_308 : memref<1x8192xf32, #tpu.memory_space<vmem>> -> memref<8192xf32, #tpu.memory_space<vmem>>
    %dma_wait3A_310 = arith.constant 0 : i32
    %dma_wait3A_311 = tpu.memref_slice %arg3[%add3A_197, %dma_wait3A_310] : memref<128x32768xf32, #tpu.memory_space<hbm>> -> memref<1x8192xf32, #tpu.memory_space<hbm>>
    %dma_wait3A_312 = tpu.memref_squeeze %dma_wait3A_311 : memref<1x8192xf32, #tpu.memory_space<hbm>> -> memref<8192xf32, #tpu.memory_space<hbm>>
    %dma_wait3A_313 = arith.constant 0 : i32
    %dma_wait3A_314 = tpu.memref_slice %arg3[%add3A_197, %dma_wait3A_313] : memref<128x32768xf32, #tpu.memory_space<hbm>> -> memref<1x8192xf32, #tpu.memory_space<hbm>>
    %dma_wait3A_315 = tpu.memref_squeeze %dma_wait3A_314 : memref<1x8192xf32, #tpu.memory_space<hbm>> -> memref<8192xf32, #tpu.memory_space<hbm>>
    %dma_wait3A_316 = arith.constant 0 : i32
    %dma_wait3A_317 = tpu.memref_slice %arg4[%dma_wait3A_306, %dma_wait3A_316] : memref<4x8192xf32, #tpu.memory_space<vmem>> -> memref<1x8192xf32, #tpu.memory_space<vmem>>
    %dma_wait3A_318 = tpu.memref_squeeze %dma_wait3A_317 : memref<1x8192xf32, #tpu.memory_space<vmem>> -> memref<8192xf32, #tpu.memory_space<vmem>>
    tpu.wait_dma2 semaphore(%arg7 : memref<!tpu.dma_semaphore, #tpu.memory_space<semaphore_mem>>) src(%dma_wait3A_318 : memref<8192xf32, #tpu.memory_space<vmem>>) dst(%dma_wait3A_315 : memref<8192xf32, #tpu.memory_space<hbm>>)
    %dma_wait3A_319 = arith.constant 2 : i32
    %dma_wait3A_320 = arith.constant 0 : i32
    %dma_wait3A_321 = tpu.memref_slice %arg4[%dma_wait3A_319, %dma_wait3A_320] : memref<4x8192xf32, #tpu.memory_space<vmem>> -> memref<1x8192xf32, #tpu.memory_space<vmem>>
    %dma_wait3A_322 = tpu.memref_squeeze %dma_wait3A_321 : memref<1x8192xf32, #tpu.memory_space<vmem>> -> memref<8192xf32, #tpu.memory_space<vmem>>
    %dma_wait3A_323 = arith.constant 0 : i32
    %dma_wait3A_324 = tpu.memref_slice %arg3[%add3A_212, %dma_wait3A_323] : memref<128x32768xf32, #tpu.memory_space<hbm>> -> memref<1x8192xf32, #tpu.memory_space<hbm>>
    %dma_wait3A_325 = tpu.memref_squeeze %dma_wait3A_324 : memref<1x8192xf32, #tpu.memory_space<hbm>> -> memref<8192xf32, #tpu.memory_space<hbm>>
    %dma_wait3A_326 = arith.constant 0 : i32
    %dma_wait3A_327 = tpu.memref_slice %arg3[%add3A_212, %dma_wait3A_326] : memref<128x32768xf32, #tpu.memory_space<hbm>> -> memref<1x8192xf32, #tpu.memory_space<hbm>>
    %dma_wait3A_328 = tpu.memref_squeeze %dma_wait3A_327 : memref<1x8192xf32, #tpu.memory_space<hbm>> -> memref<8192xf32, #tpu.memory_space<hbm>>
    %dma_wait3A_329 = arith.constant 0 : i32
    %dma_wait3A_330 = tpu.memref_slice %arg4[%dma_wait3A_319, %dma_wait3A_329] : memref<4x8192xf32, #tpu.memory_space<vmem>> -> memref<1x8192xf32, #tpu.memory_space<vmem>>
    %dma_wait3A_331 = tpu.memref_squeeze %dma_wait3A_330 : memref<1x8192xf32, #tpu.memory_space<vmem>> -> memref<8192xf32, #tpu.memory_space<vmem>>
    tpu.wait_dma2 semaphore(%arg7 : memref<!tpu.dma_semaphore, #tpu.memory_space<semaphore_mem>>) src(%dma_wait3A_331 : memref<8192xf32, #tpu.memory_space<vmem>>) dst(%dma_wait3A_328 : memref<8192xf32, #tpu.memory_space<hbm>>)
    %dma_wait3A_332 = arith.constant 3 : i32
    %dma_wait3A_333 = arith.constant 0 : i32
    %dma_wait3A_334 = tpu.memref_slice %arg4[%dma_wait3A_332, %dma_wait3A_333] : memref<4x8192xf32, #tpu.memory_space<vmem>> -> memref<1x8192xf32, #tpu.memory_space<vmem>>
    %dma_wait3A_335 = tpu.memref_squeeze %dma_wait3A_334 : memref<1x8192xf32, #tpu.memory_space<vmem>> -> memref<8192xf32, #tpu.memory_space<vmem>>
    %dma_wait3A_336 = arith.constant 0 : i32
    %dma_wait3A_337 = tpu.memref_slice %arg3[%add3A_227, %dma_wait3A_336] : memref<128x32768xf32, #tpu.memory_space<hbm>> -> memref<1x8192xf32, #tpu.memory_space<hbm>>
    %dma_wait3A_338 = tpu.memref_squeeze %dma_wait3A_337 : memref<1x8192xf32, #tpu.memory_space<hbm>> -> memref<8192xf32, #tpu.memory_space<hbm>>
    %dma_wait3A_339 = arith.constant 0 : i32
    %dma_wait3A_340 = tpu.memref_slice %arg3[%add3A_227, %dma_wait3A_339] : memref<128x32768xf32, #tpu.memory_space<hbm>> -> memref<1x8192xf32, #tpu.memory_space<hbm>>
    %dma_wait3A_341 = tpu.memref_squeeze %dma_wait3A_340 : memref<1x8192xf32, #tpu.memory_space<hbm>> -> memref<8192xf32, #tpu.memory_space<hbm>>
    %dma_wait3A_342 = arith.constant 0 : i32
    %dma_wait3A_343 = tpu.memref_slice %arg4[%dma_wait3A_332, %dma_wait3A_342] : memref<4x8192xf32, #tpu.memory_space<vmem>> -> memref<1x8192xf32, #tpu.memory_space<vmem>>
    %dma_wait3A_344 = tpu.memref_squeeze %dma_wait3A_343 : memref<1x8192xf32, #tpu.memory_space<vmem>> -> memref<8192xf32, #tpu.memory_space<vmem>>
    tpu.wait_dma2 semaphore(%arg7 : memref<!tpu.dma_semaphore, #tpu.memory_space<semaphore_mem>>) src(%dma_wait3A_344 : memref<8192xf32, #tpu.memory_space<vmem>>) dst(%dma_wait3A_341 : memref<8192xf32, #tpu.memory_space<hbm>>)
    %add3A_345 = arith.constant 0 : i32
    %add3A_346 = arith.addi %mul3A_2, %add3A_345 : i32
    %dma_start3A_347 = arith.constant 0 : i32
    %dma_start3A_348 = arith.constant 0 : i32
    %dma_start3A_349 = tpu.memref_slice %arg4[%dma_start3A_347, %dma_start3A_348] : memref<4x8192xf32, #tpu.memory_space<vmem>> -> memref<1x8192xf32, #tpu.memory_space<vmem>>
    %dma_start3A_350 = tpu.memref_squeeze %dma_start3A_349 : memref<1x8192xf32, #tpu.memory_space<vmem>> -> memref<8192xf32, #tpu.memory_space<vmem>>
    %dma_start3A_351 = arith.constant 16384 : i32
    %dma_start3A_352 = tpu.memref_slice %arg2[%add3A_346, %dma_start3A_351] : memref<128x32768xf32, #tpu.memory_space<hbm>> -> memref<1x8192xf32, #tpu.memory_space<hbm>>
    %dma_start3A_353 = tpu.memref_squeeze %dma_start3A_352 : memref<1x8192xf32, #tpu.memory_space<hbm>> -> memref<8192xf32, #tpu.memory_space<hbm>>
    %dma_start3A_354 = arith.constant 0 : i32
    %dma_start3A_355 = tpu.memref_slice %arg4[%dma_start3A_347, %dma_start3A_354] : memref<4x8192xf32, #tpu.memory_space<vmem>> -> memref<1x8192xf32, #tpu.memory_space<vmem>>
    %dma_start3A_356 = tpu.memref_squeeze %dma_start3A_355 : memref<1x8192xf32, #tpu.memory_space<vmem>> -> memref<8192xf32, #tpu.memory_space<vmem>>
    %dma_start3A_357 = arith.constant 16384 : i32
    %dma_start3A_358 = tpu.memref_slice %arg2[%add3A_346, %dma_start3A_357] : memref<128x32768xf32, #tpu.memory_space<hbm>> -> memref<1x8192xf32, #tpu.memory_space<hbm>>
    %dma_start3A_359 = tpu.memref_squeeze %dma_start3A_358 : memref<1x8192xf32, #tpu.memory_space<hbm>> -> memref<8192xf32, #tpu.memory_space<hbm>>
    tpu.enqueue_dma source(%dma_start3A_359 : memref<8192xf32, #tpu.memory_space<hbm>>) target(%dma_start3A_356 : memref<8192xf32, #tpu.memory_space<vmem>>) target_semaphore(%arg6 : memref<!tpu.dma_semaphore, #tpu.memory_space<semaphore_mem>>)
    %add3A_360 = arith.constant 1 : i32
    %add3A_361 = arith.addi %mul3A_2, %add3A_360 : i32
    %dma_start3A_362 = arith.constant 1 : i32
    %dma_start3A_363 = arith.constant 0 : i32
    %dma_start3A_364 = tpu.memref_slice %arg4[%dma_start3A_362, %dma_start3A_363] : memref<4x8192xf32, #tpu.memory_space<vmem>> -> memref<1x8192xf32, #tpu.memory_space<vmem>>
    %dma_start3A_365 = tpu.memref_squeeze %dma_start3A_364 : memref<1x8192xf32, #tpu.memory_space<vmem>> -> memref<8192xf32, #tpu.memory_space<vmem>>
    %dma_start3A_366 = arith.constant 16384 : i32
    %dma_start3A_367 = tpu.memref_slice %arg2[%add3A_361, %dma_start3A_366] : memref<128x32768xf32, #tpu.memory_space<hbm>> -> memref<1x8192xf32, #tpu.memory_space<hbm>>
    %dma_start3A_368 = tpu.memref_squeeze %dma_start3A_367 : memref<1x8192xf32, #tpu.memory_space<hbm>> -> memref<8192xf32, #tpu.memory_space<hbm>>
    %dma_start3A_369 = arith.constant 0 : i32
    %dma_start3A_370 = tpu.memref_slice %arg4[%dma_start3A_362, %dma_start3A_369] : memref<4x8192xf32, #tpu.memory_space<vmem>> -> memref<1x8192xf32, #tpu.memory_space<vmem>>
    %dma_start3A_371 = tpu.memref_squeeze %dma_start3A_370 : memref<1x8192xf32, #tpu.memory_space<vmem>> -> memref<8192xf32, #tpu.memory_space<vmem>>
    %dma_start3A_372 = arith.constant 16384 : i32
    %dma_start3A_373 = tpu.memref_slice %arg2[%add3A_361, %dma_start3A_372] : memref<128x32768xf32, #tpu.memory_space<hbm>> -> memref<1x8192xf32, #tpu.memory_space<hbm>>
    %dma_start3A_374 = tpu.memref_squeeze %dma_start3A_373 : memref<1x8192xf32, #tpu.memory_space<hbm>> -> memref<8192xf32, #tpu.memory_space<hbm>>
    tpu.enqueue_dma source(%dma_start3A_374 : memref<8192xf32, #tpu.memory_space<hbm>>) target(%dma_start3A_371 : memref<8192xf32, #tpu.memory_space<vmem>>) target_semaphore(%arg6 : memref<!tpu.dma_semaphore, #tpu.memory_space<semaphore_mem>>)
    %add3A_375 = arith.constant 2 : i32
    %add3A_376 = arith.addi %mul3A_2, %add3A_375 : i32
    %dma_start3A_377 = arith.constant 2 : i32
    %dma_start3A_378 = arith.constant 0 : i32
    %dma_start3A_379 = tpu.memref_slice %arg4[%dma_start3A_377, %dma_start3A_378] : memref<4x8192xf32, #tpu.memory_space<vmem>> -> memref<1x8192xf32, #tpu.memory_space<vmem>>
    %dma_start3A_380 = tpu.memref_squeeze %dma_start3A_379 : memref<1x8192xf32, #tpu.memory_space<vmem>> -> memref<8192xf32, #tpu.memory_space<vmem>>
    %dma_start3A_381 = arith.constant 16384 : i32
    %dma_start3A_382 = tpu.memref_slice %arg2[%add3A_376, %dma_start3A_381] : memref<128x32768xf32, #tpu.memory_space<hbm>> -> memref<1x8192xf32, #tpu.memory_space<hbm>>
    %dma_start3A_383 = tpu.memref_squeeze %dma_start3A_382 : memref<1x8192xf32, #tpu.memory_space<hbm>> -> memref<8192xf32, #tpu.memory_space<hbm>>
    %dma_start3A_384 = arith.constant 0 : i32
    %dma_start3A_385 = tpu.memref_slice %arg4[%dma_start3A_377, %dma_start3A_384] : memref<4x8192xf32, #tpu.memory_space<vmem>> -> memref<1x8192xf32, #tpu.memory_space<vmem>>
    %dma_start3A_386 = tpu.memref_squeeze %dma_start3A_385 : memref<1x8192xf32, #tpu.memory_space<vmem>> -> memref<8192xf32, #tpu.memory_space<vmem>>
    %dma_start3A_387 = arith.constant 16384 : i32
    %dma_start3A_388 = tpu.memref_slice %arg2[%add3A_376, %dma_start3A_387] : memref<128x32768xf32, #tpu.memory_space<hbm>> -> memref<1x8192xf32, #tpu.memory_space<hbm>>
    %dma_start3A_389 = tpu.memref_squeeze %dma_start3A_388 : memref<1x8192xf32, #tpu.memory_space<hbm>> -> memref<8192xf32, #tpu.memory_space<hbm>>
    tpu.enqueue_dma source(%dma_start3A_389 : memref<8192xf32, #tpu.memory_space<hbm>>) target(%dma_start3A_386 : memref<8192xf32, #tpu.memory_space<vmem>>) target_semaphore(%arg6 : memref<!tpu.dma_semaphore, #tpu.memory_space<semaphore_mem>>)
    %add3A_390 = arith.constant 3 : i32
    %add3A_391 = arith.addi %mul3A_2, %add3A_390 : i32
    %dma_start3A_392 = arith.constant 3 : i32
    %dma_start3A_393 = arith.constant 0 : i32
    %dma_start3A_394 = tpu.memref_slice %arg4[%dma_start3A_392, %dma_start3A_393] : memref<4x8192xf32, #tpu.memory_space<vmem>> -> memref<1x8192xf32, #tpu.memory_space<vmem>>
    %dma_start3A_395 = tpu.memref_squeeze %dma_start3A_394 : memref<1x8192xf32, #tpu.memory_space<vmem>> -> memref<8192xf32, #tpu.memory_space<vmem>>
    %dma_start3A_396 = arith.constant 16384 : i32
    %dma_start3A_397 = tpu.memref_slice %arg2[%add3A_391, %dma_start3A_396] : memref<128x32768xf32, #tpu.memory_space<hbm>> -> memref<1x8192xf32, #tpu.memory_space<hbm>>
    %dma_start3A_398 = tpu.memref_squeeze %dma_start3A_397 : memref<1x8192xf32, #tpu.memory_space<hbm>> -> memref<8192xf32, #tpu.memory_space<hbm>>
    %dma_start3A_399 = arith.constant 0 : i32
    %dma_start3A_400 = tpu.memref_slice %arg4[%dma_start3A_392, %dma_start3A_399] : memref<4x8192xf32, #tpu.memory_space<vmem>> -> memref<1x8192xf32, #tpu.memory_space<vmem>>
    %dma_start3A_401 = tpu.memref_squeeze %dma_start3A_400 : memref<1x8192xf32, #tpu.memory_space<vmem>> -> memref<8192xf32, #tpu.memory_space<vmem>>
    %dma_start3A_402 = arith.constant 16384 : i32
    %dma_start3A_403 = tpu.memref_slice %arg2[%add3A_391, %dma_start3A_402] : memref<128x32768xf32, #tpu.memory_space<hbm>> -> memref<1x8192xf32, #tpu.memory_space<hbm>>
    %dma_start3A_404 = tpu.memref_squeeze %dma_start3A_403 : memref<1x8192xf32, #tpu.memory_space<hbm>> -> memref<8192xf32, #tpu.memory_space<hbm>>
    tpu.enqueue_dma source(%dma_start3A_404 : memref<8192xf32, #tpu.memory_space<hbm>>) target(%dma_start3A_401 : memref<8192xf32, #tpu.memory_space<vmem>>) target_semaphore(%arg6 : memref<!tpu.dma_semaphore, #tpu.memory_space<semaphore_mem>>)
    %scan3A_405 = arith.constant 0 : i32
    %scan3A_406 = arith.constant 512 : i32
    %scan3A_407 = arith.addi %scan3A_405, %scan3A_406 : i32
    %scan3A_408 = arith.constant 8 : i32
    %scan3A_409:4 = scf.for %scan3A_923 = %scan3A_405 to %scan3A_407 step %scan3A_408 iter_args(%scan3A_924 = %scan3A_179#0, %scan3A_925 = %scan3A_179#1, %scan3A_926 = %scan3A_179#2, %scan3A_927 = %scan3A_179#3) -> (vector<16xf32>, vector<16xf32>, vector<16xf32>, vector<16xf32>)  : i32 {
      %mul3A_928 = arith.constant 16 : i32
      %mul3A_929 = arith.muli %scan3A_923, %mul3A_928 : i32
      %get3A = arith.constant 0 : i32
      %get3A_930 = arith.index_cast %get3A : i32 to index
      %get3A_931 = arith.index_cast %mul3A_929 : i32 to index
      %get3A_932 = tpu.vector_load %arg5[%get3A_930, %get3A_931] {strides = array<i32>} : memref<4x8192xf32, #tpu.memory_space<vmem>>, vector<16xf32>,
      %broadcast_in_dim3A_933 = arith.constant true
      %broadcast_in_dim3A_934 = vector.broadcast %broadcast_in_dim3A_933 : i1 to vector<16xi1>
      %masked_cumsum3A = tpu.scan <sum>, %get3A_932 masked %broadcast_in_dim3A_934 : vector<16xf32>, vector<16xi1> -> vector<16xf32>
      %add3A_935 = arith.addf %masked_cumsum3A, %scan3A_924 : vector<16xf32>
      %mul3A_936 = arith.constant 16 : i32
      %mul3A_937 = arith.muli %scan3A_923, %mul3A_936 : i32
      %swap3A = arith.constant 0 : i32
      %swap3A_938 = arith.index_cast %swap3A : i32 to index
      %swap3A_939 = arith.index_cast %mul3A_937 : i32 to index
      %swap3A_940 = tpu.vector_load %arg5[%swap3A_938, %swap3A_939] {strides = array<i32>} : memref<4x8192xf32, #tpu.memory_space<vmem>>, vector<16xf32>,
      tpu.vector_store %arg5[%swap3A_938, %swap3A_939], %add3A_935 {strides = array<i32>} : memref<4x8192xf32, #tpu.memory_space<vmem>>, vector<16xf32>,
      %lt3A = arith.constant 0 : i32
      %lt3A_941 = vector.broadcast %lt3A : i32 to vector<16xi32>
      %lt3A_942 = arith.cmpi slt, %broadcast_in_dim3A_3, %lt3A_941 : vector<16xi32>
      %add3A_943 = arith.constant 16 : i32
      %add3A_944 = vector.broadcast %add3A_943 : i32 to vector<16xi32>
      %add3A_945 = arith.addi %broadcast_in_dim3A_3, %add3A_944 : vector<16xi32>
      %select_n3A = arith.select %lt3A_942, %add3A_945, %broadcast_in_dim3A_3 : vector<16xi1>, vector<16xi32>
      %reshape3A = vector.shape_cast %select_n3A : vector<16xi32> to vector<16x1xi32>
      %gather3A = vector.shape_cast %reshape3A : vector<16x1xi32> to vector<16xi32>
      %gather3A_946 = tpu.dynamic_gather %add3A_935[%gather3A] in [0] : vector<16xf32>, vector<16xi32> -> vector<16xf32>
      %mul3A_947 = arith.constant 16 : i32
      %mul3A_948 = arith.muli %scan3A_923, %mul3A_947 : i32
      %get3A_949 = arith.constant 1 : i32
      %get3A_950 = arith.index_cast %get3A_949 : i32 to index
      %get3A_951 = arith.index_cast %mul3A_948 : i32 to index
      %get3A_952 = tpu.vector_load %arg5[%get3A_950, %get3A_951] {strides = array<i32>} : memref<4x8192xf32, #tpu.memory_space<vmem>>, vector<16xf32>,
      %broadcast_in_dim3A_953 = arith.constant true
      %broadcast_in_dim3A_954 = vector.broadcast %broadcast_in_dim3A_953 : i1 to vector<16xi1>
      %masked_cumsum3A_955 = tpu.scan <sum>, %get3A_952 masked %broadcast_in_dim3A_954 : vector<16xf32>, vector<16xi1> -> vector<16xf32>
      %add3A_956 = arith.addf %masked_cumsum3A_955, %scan3A_925 : vector<16xf32>
      %mul3A_957 = arith.constant 16 : i32
      %mul3A_958 = arith.muli %scan3A_923, %mul3A_957 : i32
      %swap3A_959 = arith.constant 1 : i32
      %swap3A_960 = arith.index_cast %swap3A_959 : i32 to index
      %swap3A_961 = arith.index_cast %mul3A_958 : i32 to index
      %swap3A_962 = tpu.vector_load %arg5[%swap3A_960, %swap3A_961] {strides = array<i32>} : memref<4x8192xf32, #tpu.memory_space<vmem>>, vector<16xf32>,
      tpu.vector_store %arg5[%swap3A_960, %swap3A_961], %add3A_956 {strides = array<i32>} : memref<4x8192xf32, #tpu.memory_space<vmem>>, vector<16xf32>,
      %lt3A_963 = arith.constant 0 : i32
      %lt3A_964 = vector.broadcast %lt3A_963 : i32 to vector<16xi32>
      %lt3A_965 = arith.cmpi slt, %broadcast_in_dim3A_3, %lt3A_964 : vector<16xi32>
      %add3A_966 = arith.constant 16 : i32
      %add3A_967 = vector.broadcast %add3A_966 : i32 to vector<16xi32>
      %add3A_968 = arith.addi %broadcast_in_dim3A_3, %add3A_967 : vector<16xi32>
      %select_n3A_969 = arith.select %lt3A_965, %add3A_968, %broadcast_in_dim3A_3 : vector<16xi1>, vector<16xi32>
      %reshape3A_970 = vector.shape_cast %select_n3A_969 : vector<16xi32> to vector<16x1xi32>
      %gather3A_971 = vector.shape_cast %reshape3A_970 : vector<16x1xi32> to vector<16xi32>
      %gather3A_972 = tpu.dynamic_gather %add3A_956[%gather3A_971] in [0] : vector<16xf32>, vector<16xi32> -> vector<16xf32>
      %mul3A_973 = arith.constant 16 : i32
      %mul3A_974 = arith.muli %scan3A_923, %mul3A_973 : i32
      %get3A_975 = arith.constant 2 : i32
      %get3A_976 = arith.index_cast %get3A_975 : i32 to index
      %get3A_977 = arith.index_cast %mul3A_974 : i32 to index
      %get3A_978 = tpu.vector_load %arg5[%get3A_976, %get3A_977] {strides = array<i32>} : memref<4x8192xf32, #tpu.memory_space<vmem>>, vector<16xf32>,
      %broadcast_in_dim3A_979 = arith.constant true
      %broadcast_in_dim3A_980 = vector.broadcast %broadcast_in_dim3A_979 : i1 to vector<16xi1>
      %masked_cumsum3A_981 = tpu.scan <sum>, %get3A_978 masked %broadcast_in_dim3A_980 : vector<16xf32>, vector<16xi1> -> vector<16xf32>
      %add3A_982 = arith.addf %masked_cumsum3A_981, %scan3A_926 : vector<16xf32>
      %mul3A_983 = arith.constant 16 : i32
      %mul3A_984 = arith.muli %scan3A_923, %mul3A_983 : i32
      %swap3A_985 = arith.constant 2 : i32
      %swap3A_986 = arith.index_cast %swap3A_985 : i32 to index
      %swap3A_987 = arith.index_cast %mul3A_984 : i32 to index
      %swap3A_988 = tpu.vector_load %arg5[%swap3A_986, %swap3A_987] {strides = array<i32>} : memref<4x8192xf32, #tpu.memory_space<vmem>>, vector<16xf32>,
      tpu.vector_store %arg5[%swap3A_986, %swap3A_987], %add3A_982 {strides = array<i32>} : memref<4x8192xf32, #tpu.memory_space<vmem>>, vector<16xf32>,
      %lt3A_989 = arith.constant 0 : i32
      %lt3A_990 = vector.broadcast %lt3A_989 : i32 to vector<16xi32>
      %lt3A_991 = arith.cmpi slt, %broadcast_in_dim3A_3, %lt3A_990 : vector<16xi32>
      %add3A_992 = arith.constant 16 : i32
      %add3A_993 = vector.broadcast %add3A_992 : i32 to vector<16xi32>
      %add3A_994 = arith.addi %broadcast_in_dim3A_3, %add3A_993 : vector<16xi32>
      %select_n3A_995 = arith.select %lt3A_991, %add3A_994, %broadcast_in_dim3A_3 : vector<16xi1>, vector<16xi32>
      %reshape3A_996 = vector.shape_cast %select_n3A_995 : vector<16xi32> to vector<16x1xi32>
      %gather3A_997 = vector.shape_cast %reshape3A_996 : vector<16x1xi32> to vector<16xi32>
      %gather3A_998 = tpu.dynamic_gather %add3A_982[%gather3A_997] in [0] : vector<16xf32>, vector<16xi32> -> vector<16xf32>
      %mul3A_999 = arith.constant 16 : i32
      %mul3A_1000 = arith.muli %scan3A_923, %mul3A_999 : i32
      %get3A_1001 = arith.constant 3 : i32
      %get3A_1002 = arith.index_cast %get3A_1001 : i32 to index
      %get3A_1003 = arith.index_cast %mul3A_1000 : i32 to index
      %get3A_1004 = tpu.vector_load %arg5[%get3A_1002, %get3A_1003] {strides = array<i32>} : memref<4x8192xf32, #tpu.memory_space<vmem>>, vector<16xf32>,
      %broadcast_in_dim3A_1005 = arith.constant true
      %broadcast_in_dim3A_1006 = vector.broadcast %broadcast_in_dim3A_1005 : i1 to vector<16xi1>
      %masked_cumsum3A_1007 = tpu.scan <sum>, %get3A_1004 masked %broadcast_in_dim3A_1006 : vector<16xf32>, vector<16xi1> -> vector<16xf32>
      %add3A_1008 = arith.addf %masked_cumsum3A_1007, %scan3A_927 : vector<16xf32>
      %mul3A_1009 = arith.constant 16 : i32
      %mul3A_1010 = arith.muli %scan3A_923, %mul3A_1009 : i32
      %swap3A_1011 = arith.constant 3 : i32
      %swap3A_1012 = arith.index_cast %swap3A_1011 : i32 to index
      %swap3A_1013 = arith.index_cast %mul3A_1010 : i32 to index
      %swap3A_1014 = tpu.vector_load %arg5[%swap3A_1012, %swap3A_1013] {strides = array<i32>} : memref<4x8192xf32, #tpu.memory_space<vmem>>, vector<16xf32>,
      tpu.vector_store %arg5[%swap3A_1012, %swap3A_1013], %add3A_1008 {strides = array<i32>} : memref<4x8192xf32, #tpu.memory_space<vmem>>, vector<16xf32>,
      %lt3A_1015 = arith.constant 0 : i32
      %lt3A_1016 = vector.broadcast %lt3A_1015 : i32 to vector<16xi32>
      %lt3A_1017 = arith.cmpi slt, %broadcast_in_dim3A_3, %lt3A_1016 : vector<16xi32>
      %add3A_1018 = arith.constant 16 : i32
      %add3A_1019 = vector.broadcast %add3A_1018 : i32 to vector<16xi32>
      %add3A_1020 = arith.addi %broadcast_in_dim3A_3, %add3A_1019 : vector<16xi32>
      %select_n3A_1021 = arith.select %lt3A_1017, %add3A_1020, %broadcast_in_dim3A_3 : vector<16xi1>, vector<16xi32>
      %reshape3A_1022 = vector.shape_cast %select_n3A_1021 : vector<16xi32> to vector<16x1xi32>
      %gather3A_1023 = vector.shape_cast %reshape3A_1022 : vector<16x1xi32> to vector<16xi32>
      %gather3A_1024 = tpu.dynamic_gather %add3A_1008[%gather3A_1023] in [0] : vector<16xf32>, vector<16xi32> -> vector<16xf32>
      %scan3A_1025 = arith.constant 1 : i32
      %scan3A_1026 = arith.addi %scan3A_923, %scan3A_1025 : i32
      %mul3A_1027 = arith.constant 16 : i32
      %mul3A_1028 = arith.muli %scan3A_1026, %mul3A_1027 : i32
      %get3A_1029 = arith.constant 0 : i32
      %get3A_1030 = arith.index_cast %get3A_1029 : i32 to index
      %get3A_1031 = arith.index_cast %mul3A_1028 : i32 to index
      %get3A_1032 = tpu.vector_load %arg5[%get3A_1030, %get3A_1031] {strides = array<i32>} : memref<4x8192xf32, #tpu.memory_space<vmem>>, vector<16xf32>,
      %broadcast_in_dim3A_1033 = arith.constant true
      %broadcast_in_dim3A_1034 = vector.broadcast %broadcast_in_dim3A_1033 : i1 to vector<16xi1>
      %masked_cumsum3A_1035 = tpu.scan <sum>, %get3A_1032 masked %broadcast_in_dim3A_1034 : vector<16xf32>, vector<16xi1> -> vector<16xf32>
      %add3A_1036 = arith.addf %masked_cumsum3A_1035, %gather3A_946 : vector<16xf32>
      %mul3A_1037 = arith.constant 16 : i32
      %mul3A_1038 = arith.muli %scan3A_1026, %mul3A_1037 : i32
      %swap3A_1039 = arith.constant 0 : i32
      %swap3A_1040 = arith.index_cast %swap3A_1039 : i32 to index
      %swap3A_1041 = arith.index_cast %mul3A_1038 : i32 to index
      %swap3A_1042 = tpu.vector_load %arg5[%swap3A_1040, %swap3A_1041] {strides = array<i32>} : memref<4x8192xf32, #tpu.memory_space<vmem>>, vector<16xf32>,
      tpu.vector_store %arg5[%swap3A_1040, %swap3A_1041], %add3A_1036 {strides = array<i32>} : memref<4x8192xf32, #tpu.memory_space<vmem>>, vector<16xf32>,
      %lt3A_1043 = arith.constant 0 : i32
      %lt3A_1044 = vector.broadcast %lt3A_1043 : i32 to vector<16xi32>
      %lt3A_1045 = arith.cmpi slt, %broadcast_in_dim3A_3, %lt3A_1044 : vector<16xi32>
      %add3A_1046 = arith.constant 16 : i32
      %add3A_1047 = vector.broadcast %add3A_1046 : i32 to vector<16xi32>
      %add3A_1048 = arith.addi %broadcast_in_dim3A_3, %add3A_1047 : vector<16xi32>
      %select_n3A_1049 = arith.select %lt3A_1045, %add3A_1048, %broadcast_in_dim3A_3 : vector<16xi1>, vector<16xi32>
      %reshape3A_1050 = vector.shape_cast %select_n3A_1049 : vector<16xi32> to vector<16x1xi32>
      %gather3A_1051 = vector.shape_cast %reshape3A_1050 : vector<16x1xi32> to vector<16xi32>
      %gather3A_1052 = tpu.dynamic_gather %add3A_1036[%gather3A_1051] in [0] : vector<16xf32>, vector<16xi32> -> vector<16xf32>
      %mul3A_1053 = arith.constant 16 : i32
      %mul3A_1054 = arith.muli %scan3A_1026, %mul3A_1053 : i32
      %get3A_1055 = arith.constant 1 : i32
      %get3A_1056 = arith.index_cast %get3A_1055 : i32 to index
      %get3A_1057 = arith.index_cast %mul3A_1054 : i32 to index
      %get3A_1058 = tpu.vector_load %arg5[%get3A_1056, %get3A_1057] {strides = array<i32>} : memref<4x8192xf32, #tpu.memory_space<vmem>>, vector<16xf32>,
      %broadcast_in_dim3A_1059 = arith.constant true
      %broadcast_in_dim3A_1060 = vector.broadcast %broadcast_in_dim3A_1059 : i1 to vector<16xi1>
      %masked_cumsum3A_1061 = tpu.scan <sum>, %get3A_1058 masked %broadcast_in_dim3A_1060 : vector<16xf32>, vector<16xi1> -> vector<16xf32>
      %add3A_1062 = arith.addf %masked_cumsum3A_1061, %gather3A_972 : vector<16xf32>
      %mul3A_1063 = arith.constant 16 : i32
      %mul3A_1064 = arith.muli %scan3A_1026, %mul3A_1063 : i32
      %swap3A_1065 = arith.constant 1 : i32
      %swap3A_1066 = arith.index_cast %swap3A_1065 : i32 to index
      %swap3A_1067 = arith.index_cast %mul3A_1064 : i32 to index
      %swap3A_1068 = tpu.vector_load %arg5[%swap3A_1066, %swap3A_1067] {strides = array<i32>} : memref<4x8192xf32, #tpu.memory_space<vmem>>, vector<16xf32>,
      tpu.vector_store %arg5[%swap3A_1066, %swap3A_1067], %add3A_1062 {strides = array<i32>} : memref<4x8192xf32, #tpu.memory_space<vmem>>, vector<16xf32>,
      %lt3A_1069 = arith.constant 0 : i32
      %lt3A_1070 = vector.broadcast %lt3A_1069 : i32 to vector<16xi32>
      %lt3A_1071 = arith.cmpi slt, %broadcast_in_dim3A_3, %lt3A_1070 : vector<16xi32>
      %add3A_1072 = arith.constant 16 : i32
      %add3A_1073 = vector.broadcast %add3A_1072 : i32 to vector<16xi32>
      %add3A_1074 = arith.addi %broadcast_in_dim3A_3, %add3A_1073 : vector<16xi32>
      %select_n3A_1075 = arith.select %lt3A_1071, %add3A_1074, %broadcast_in_dim3A_3 : vector<16xi1>, vector<16xi32>
      %reshape3A_1076 = vector.shape_cast %select_n3A_1075 : vector<16xi32> to vector<16x1xi32>
      %gather3A_1077 = vector.shape_cast %reshape3A_1076 : vector<16x1xi32> to vector<16xi32>
      %gather3A_1078 = tpu.dynamic_gather %add3A_1062[%gather3A_1077] in [0] : vector<16xf32>, vector<16xi32> -> vector<16xf32>
      %mul3A_1079 = arith.constant 16 : i32
      %mul3A_1080 = arith.muli %scan3A_1026, %mul3A_1079 : i32
      %get3A_1081 = arith.constant 2 : i32
      %get3A_1082 = arith.index_cast %get3A_1081 : i32 to index
      %get3A_1083 = arith.index_cast %mul3A_1080 : i32 to index
      %get3A_1084 = tpu.vector_load %arg5[%get3A_1082, %get3A_1083] {strides = array<i32>} : memref<4x8192xf32, #tpu.memory_space<vmem>>, vector<16xf32>,
      %broadcast_in_dim3A_1085 = arith.constant true
      %broadcast_in_dim3A_1086 = vector.broadcast %broadcast_in_dim3A_1085 : i1 to vector<16xi1>
      %masked_cumsum3A_1087 = tpu.scan <sum>, %get3A_1084 masked %broadcast_in_dim3A_1086 : vector<16xf32>, vector<16xi1> -> vector<16xf32>
      %add3A_1088 = arith.addf %masked_cumsum3A_1087, %gather3A_998 : vector<16xf32>
      %mul3A_1089 = arith.constant 16 : i32
      %mul3A_1090 = arith.muli %scan3A_1026, %mul3A_1089 : i32
      %swap3A_1091 = arith.constant 2 : i32
      %swap3A_1092 = arith.index_cast %swap3A_1091 : i32 to index
      %swap3A_1093 = arith.index_cast %mul3A_1090 : i32 to index
      %swap3A_1094 = tpu.vector_load %arg5[%swap3A_1092, %swap3A_1093] {strides = array<i32>} : memref<4x8192xf32, #tpu.memory_space<vmem>>, vector<16xf32>,
      tpu.vector_store %arg5[%swap3A_1092, %swap3A_1093], %add3A_1088 {strides = array<i32>} : memref<4x8192xf32, #tpu.memory_space<vmem>>, vector<16xf32>,
      %lt3A_1095 = arith.constant 0 : i32
      %lt3A_1096 = vector.broadcast %lt3A_1095 : i32 to vector<16xi32>
      %lt3A_1097 = arith.cmpi slt, %broadcast_in_dim3A_3, %lt3A_1096 : vector<16xi32>
      %add3A_1098 = arith.constant 16 : i32
      %add3A_1099 = vector.broadcast %add3A_1098 : i32 to vector<16xi32>
      %add3A_1100 = arith.addi %broadcast_in_dim3A_3, %add3A_1099 : vector<16xi32>
      %select_n3A_1101 = arith.select %lt3A_1097, %add3A_1100, %broadcast_in_dim3A_3 : vector<16xi1>, vector<16xi32>
      %reshape3A_1102 = vector.shape_cast %select_n3A_1101 : vector<16xi32> to vector<16x1xi32>
      %gather3A_1103 = vector.shape_cast %reshape3A_1102 : vector<16x1xi32> to vector<16xi32>
      %gather3A_1104 = tpu.dynamic_gather %add3A_1088[%gather3A_1103] in [0] : vector<16xf32>, vector<16xi32> -> vector<16xf32>
      %mul3A_1105 = arith.constant 16 : i32
      %mul3A_1106 = arith.muli %scan3A_1026, %mul3A_1105 : i32
      %get3A_1107 = arith.constant 3 : i32
      %get3A_1108 = arith.index_cast %get3A_1107 : i32 to index
      %get3A_1109 = arith.index_cast %mul3A_1106 : i32 to index
      %get3A_1110 = tpu.vector_load %arg5[%get3A_1108, %get3A_1109] {strides = array<i32>} : memref<4x8192xf32, #tpu.memory_space<vmem>>, vector<16xf32>,
      %broadcast_in_dim3A_1111 = arith.constant true
      %broadcast_in_dim3A_1112 = vector.broadcast %broadcast_in_dim3A_1111 : i1 to vector<16xi1>
      %masked_cumsum3A_1113 = tpu.scan <sum>, %get3A_1110 masked %broadcast_in_dim3A_1112 : vector<16xf32>, vector<16xi1> -> vector<16xf32>
      %add3A_1114 = arith.addf %masked_cumsum3A_1113, %gather3A_1024 : vector<16xf32>
      %mul3A_1115 = arith.constant 16 : i32
      %mul3A_1116 = arith.muli %scan3A_1026, %mul3A_1115 : i32
      %swap3A_1117 = arith.constant 3 : i32
      %swap3A_1118 = arith.index_cast %swap3A_1117 : i32 to index
      %swap3A_1119 = arith.index_cast %mul3A_1116 : i32 to index
      %swap3A_1120 = tpu.vector_load %arg5[%swap3A_1118, %swap3A_1119] {strides = array<i32>} : memref<4x8192xf32, #tpu.memory_space<vmem>>, vector<16xf32>,
      tpu.vector_store %arg5[%swap3A_1118, %swap3A_1119], %add3A_1114 {strides = array<i32>} : memref<4x8192xf32, #tpu.memory_space<vmem>>, vector<16xf32>,
      %lt3A_1121 = arith.constant 0 : i32
      %lt3A_1122 = vector.broadcast %lt3A_1121 : i32 to vector<16xi32>
      %lt3A_1123 = arith.cmpi slt, %broadcast_in_dim3A_3, %lt3A_1122 : vector<16xi32>
      %add3A_1124 = arith.constant 16 : i32
      %add3A_1125 = vector.broadcast %add3A_1124 : i32 to vector<16xi32>
      %add3A_1126 = arith.addi %broadcast_in_dim3A_3, %add3A_1125 : vector<16xi32>
      %select_n3A_1127 = arith.select %lt3A_1123, %add3A_1126, %broadcast_in_dim3A_3 : vector<16xi1>, vector<16xi32>
      %reshape3A_1128 = vector.shape_cast %select_n3A_1127 : vector<16xi32> to vector<16x1xi32>
      %gather3A_1129 = vector.shape_cast %reshape3A_1128 : vector<16x1xi32> to vector<16xi32>
      %gather3A_1130 = tpu.dynamic_gather %add3A_1114[%gather3A_1129] in [0] : vector<16xf32>, vector<16xi32> -> vector<16xf32>
      %scan3A_1131 = arith.constant 2 : i32
      %scan3A_1132 = arith.addi %scan3A_923, %scan3A_1131 : i32
      %mul3A_1133 = arith.constant 16 : i32
      %mul3A_1134 = arith.muli %scan3A_1132, %mul3A_1133 : i32
      %get3A_1135 = arith.constant 0 : i32
      %get3A_1136 = arith.index_cast %get3A_1135 : i32 to index
      %get3A_1137 = arith.index_cast %mul3A_1134 : i32 to index
      %get3A_1138 = tpu.vector_load %arg5[%get3A_1136, %get3A_1137] {strides = array<i32>} : memref<4x8192xf32, #tpu.memory_space<vmem>>, vector<16xf32>,
      %broadcast_in_dim3A_1139 = arith.constant true
      %broadcast_in_dim3A_1140 = vector.broadcast %broadcast_in_dim3A_1139 : i1 to vector<16xi1>
      %masked_cumsum3A_1141 = tpu.scan <sum>, %get3A_1138 masked %broadcast_in_dim3A_1140 : vector<16xf32>, vector<16xi1> -> vector<16xf32>
      %add3A_1142 = arith.addf %masked_cumsum3A_1141, %gather3A_1052 : vector<16xf32>
      %mul3A_1143 = arith.constant 16 : i32
      %mul3A_1144 = arith.muli %scan3A_1132, %mul3A_1143 : i32
      %swap3A_1145 = arith.constant 0 : i32
      %swap3A_1146 = arith.index_cast %swap3A_1145 : i32 to index
      %swap3A_1147 = arith.index_cast %mul3A_1144 : i32 to index
      %swap3A_1148 = tpu.vector_load %arg5[%swap3A_1146, %swap3A_1147] {strides = array<i32>} : memref<4x8192xf32, #tpu.memory_space<vmem>>, vector<16xf32>,
      tpu.vector_store %arg5[%swap3A_1146, %swap3A_1147], %add3A_1142 {strides = array<i32>} : memref<4x8192xf32, #tpu.memory_space<vmem>>, vector<16xf32>,
      %lt3A_1149 = arith.constant 0 : i32
      %lt3A_1150 = vector.broadcast %lt3A_1149 : i32 to vector<16xi32>
      %lt3A_1151 = arith.cmpi slt, %broadcast_in_dim3A_3, %lt3A_1150 : vector<16xi32>
      %add3A_1152 = arith.constant 16 : i32
      %add3A_1153 = vector.broadcast %add3A_1152 : i32 to vector<16xi32>
      %add3A_1154 = arith.addi %broadcast_in_dim3A_3, %add3A_1153 : vector<16xi32>
      %select_n3A_1155 = arith.select %lt3A_1151, %add3A_1154, %broadcast_in_dim3A_3 : vector<16xi1>, vector<16xi32>
      %reshape3A_1156 = vector.shape_cast %select_n3A_1155 : vector<16xi32> to vector<16x1xi32>
      %gather3A_1157 = vector.shape_cast %reshape3A_1156 : vector<16x1xi32> to vector<16xi32>
      %gather3A_1158 = tpu.dynamic_gather %add3A_1142[%gather3A_1157] in [0] : vector<16xf32>, vector<16xi32> -> vector<16xf32>
      %mul3A_1159 = arith.constant 16 : i32
      %mul3A_1160 = arith.muli %scan3A_1132, %mul3A_1159 : i32
      %get3A_1161 = arith.constant 1 : i32
      %get3A_1162 = arith.index_cast %get3A_1161 : i32 to index
      %get3A_1163 = arith.index_cast %mul3A_1160 : i32 to index
      %get3A_1164 = tpu.vector_load %arg5[%get3A_1162, %get3A_1163] {strides = array<i32>} : memref<4x8192xf32, #tpu.memory_space<vmem>>, vector<16xf32>,
      %broadcast_in_dim3A_1165 = arith.constant true
      %broadcast_in_dim3A_1166 = vector.broadcast %broadcast_in_dim3A_1165 : i1 to vector<16xi1>
      %masked_cumsum3A_1167 = tpu.scan <sum>, %get3A_1164 masked %broadcast_in_dim3A_1166 : vector<16xf32>, vector<16xi1> -> vector<16xf32>
      %add3A_1168 = arith.addf %masked_cumsum3A_1167, %gather3A_1078 : vector<16xf32>
      %mul3A_1169 = arith.constant 16 : i32
      %mul3A_1170 = arith.muli %scan3A_1132, %mul3A_1169 : i32
      %swap3A_1171 = arith.constant 1 : i32
      %swap3A_1172 = arith.index_cast %swap3A_1171 : i32 to index
      %swap3A_1173 = arith.index_cast %mul3A_1170 : i32 to index
      %swap3A_1174 = tpu.vector_load %arg5[%swap3A_1172, %swap3A_1173] {strides = array<i32>} : memref<4x8192xf32, #tpu.memory_space<vmem>>, vector<16xf32>,
      tpu.vector_store %arg5[%swap3A_1172, %swap3A_1173], %add3A_1168 {strides = array<i32>} : memref<4x8192xf32, #tpu.memory_space<vmem>>, vector<16xf32>,
      %lt3A_1175 = arith.constant 0 : i32
      %lt3A_1176 = vector.broadcast %lt3A_1175 : i32 to vector<16xi32>
      %lt3A_1177 = arith.cmpi slt, %broadcast_in_dim3A_3, %lt3A_1176 : vector<16xi32>
      %add3A_1178 = arith.constant 16 : i32
      %add3A_1179 = vector.broadcast %add3A_1178 : i32 to vector<16xi32>
      %add3A_1180 = arith.addi %broadcast_in_dim3A_3, %add3A_1179 : vector<16xi32>
      %select_n3A_1181 = arith.select %lt3A_1177, %add3A_1180, %broadcast_in_dim3A_3 : vector<16xi1>, vector<16xi32>
      %reshape3A_1182 = vector.shape_cast %select_n3A_1181 : vector<16xi32> to vector<16x1xi32>
      %gather3A_1183 = vector.shape_cast %reshape3A_1182 : vector<16x1xi32> to vector<16xi32>
      %gather3A_1184 = tpu.dynamic_gather %add3A_1168[%gather3A_1183] in [0] : vector<16xf32>, vector<16xi32> -> vector<16xf32>
      %mul3A_1185 = arith.constant 16 : i32
      %mul3A_1186 = arith.muli %scan3A_1132, %mul3A_1185 : i32
      %get3A_1187 = arith.constant 2 : i32
      %get3A_1188 = arith.index_cast %get3A_1187 : i32 to index
      %get3A_1189 = arith.index_cast %mul3A_1186 : i32 to index
      %get3A_1190 = tpu.vector_load %arg5[%get3A_1188, %get3A_1189] {strides = array<i32>} : memref<4x8192xf32, #tpu.memory_space<vmem>>, vector<16xf32>,
      %broadcast_in_dim3A_1191 = arith.constant true
      %broadcast_in_dim3A_1192 = vector.broadcast %broadcast_in_dim3A_1191 : i1 to vector<16xi1>
      %masked_cumsum3A_1193 = tpu.scan <sum>, %get3A_1190 masked %broadcast_in_dim3A_1192 : vector<16xf32>, vector<16xi1> -> vector<16xf32>
      %add3A_1194 = arith.addf %masked_cumsum3A_1193, %gather3A_1104 : vector<16xf32>
      %mul3A_1195 = arith.constant 16 : i32
      %mul3A_1196 = arith.muli %scan3A_1132, %mul3A_1195 : i32
      %swap3A_1197 = arith.constant 2 : i32
      %swap3A_1198 = arith.index_cast %swap3A_1197 : i32 to index
      %swap3A_1199 = arith.index_cast %mul3A_1196 : i32 to index
      %swap3A_1200 = tpu.vector_load %arg5[%swap3A_1198, %swap3A_1199] {strides = array<i32>} : memref<4x8192xf32, #tpu.memory_space<vmem>>, vector<16xf32>,
      tpu.vector_store %arg5[%swap3A_1198, %swap3A_1199], %add3A_1194 {strides = array<i32>} : memref<4x8192xf32, #tpu.memory_space<vmem>>, vector<16xf32>,
      %lt3A_1201 = arith.constant 0 : i32
      %lt3A_1202 = vector.broadcast %lt3A_1201 : i32 to vector<16xi32>
      %lt3A_1203 = arith.cmpi slt, %broadcast_in_dim3A_3, %lt3A_1202 : vector<16xi32>
      %add3A_1204 = arith.constant 16 : i32
      %add3A_1205 = vector.broadcast %add3A_1204 : i32 to vector<16xi32>
      %add3A_1206 = arith.addi %broadcast_in_dim3A_3, %add3A_1205 : vector<16xi32>
      %select_n3A_1207 = arith.select %lt3A_1203, %add3A_1206, %broadcast_in_dim3A_3 : vector<16xi1>, vector<16xi32>
      %reshape3A_1208 = vector.shape_cast %select_n3A_1207 : vector<16xi32> to vector<16x1xi32>
      %gather3A_1209 = vector.shape_cast %reshape3A_1208 : vector<16x1xi32> to vector<16xi32>
      %gather3A_1210 = tpu.dynamic_gather %add3A_1194[%gather3A_1209] in [0] : vector<16xf32>, vector<16xi32> -> vector<16xf32>
      %mul3A_1211 = arith.constant 16 : i32
      %mul3A_1212 = arith.muli %scan3A_1132, %mul3A_1211 : i32
      %get3A_1213 = arith.constant 3 : i32
      %get3A_1214 = arith.index_cast %get3A_1213 : i32 to index
      %get3A_1215 = arith.index_cast %mul3A_1212 : i32 to index
      %get3A_1216 = tpu.vector_load %arg5[%get3A_1214, %get3A_1215] {strides = array<i32>} : memref<4x8192xf32, #tpu.memory_space<vmem>>, vector<16xf32>,
      %broadcast_in_dim3A_1217 = arith.constant true
      %broadcast_in_dim3A_1218 = vector.broadcast %broadcast_in_dim3A_1217 : i1 to vector<16xi1>
      %masked_cumsum3A_1219 = tpu.scan <sum>, %get3A_1216 masked %broadcast_in_dim3A_1218 : vector<16xf32>, vector<16xi1> -> vector<16xf32>
      %add3A_1220 = arith.addf %masked_cumsum3A_1219, %gather3A_1130 : vector<16xf32>
      %mul3A_1221 = arith.constant 16 : i32
      %mul3A_1222 = arith.muli %scan3A_1132, %mul3A_1221 : i32
      %swap3A_1223 = arith.constant 3 : i32
      %swap3A_1224 = arith.index_cast %swap3A_1223 : i32 to index
      %swap3A_1225 = arith.index_cast %mul3A_1222 : i32 to index
      %swap3A_1226 = tpu.vector_load %arg5[%swap3A_1224, %swap3A_1225] {strides = array<i32>} : memref<4x8192xf32, #tpu.memory_space<vmem>>, vector<16xf32>,
      tpu.vector_store %arg5[%swap3A_1224, %swap3A_1225], %add3A_1220 {strides = array<i32>} : memref<4x8192xf32, #tpu.memory_space<vmem>>, vector<16xf32>,
      %lt3A_1227 = arith.constant 0 : i32
      %lt3A_1228 = vector.broadcast %lt3A_1227 : i32 to vector<16xi32>
      %lt3A_1229 = arith.cmpi slt, %broadcast_in_dim3A_3, %lt3A_1228 : vector<16xi32>
      %add3A_1230 = arith.constant 16 : i32
      %add3A_1231 = vector.broadcast %add3A_1230 : i32 to vector<16xi32>
      %add3A_1232 = arith.addi %broadcast_in_dim3A_3, %add3A_1231 : vector<16xi32>
      %select_n3A_1233 = arith.select %lt3A_1229, %add3A_1232, %broadcast_in_dim3A_3 : vector<16xi1>, vector<16xi32>
      %reshape3A_1234 = vector.shape_cast %select_n3A_1233 : vector<16xi32> to vector<16x1xi32>
      %gather3A_1235 = vector.shape_cast %reshape3A_1234 : vector<16x1xi32> to vector<16xi32>
      %gather3A_1236 = tpu.dynamic_gather %add3A_1220[%gather3A_1235] in [0] : vector<16xf32>, vector<16xi32> -> vector<16xf32>
      %scan3A_1237 = arith.constant 3 : i32
      %scan3A_1238 = arith.addi %scan3A_923, %scan3A_1237 : i32
      %mul3A_1239 = arith.constant 16 : i32
      %mul3A_1240 = arith.muli %scan3A_1238, %mul3A_1239 : i32
      %get3A_1241 = arith.constant 0 : i32
      %get3A_1242 = arith.index_cast %get3A_1241 : i32 to index
      %get3A_1243 = arith.index_cast %mul3A_1240 : i32 to index
      %get3A_1244 = tpu.vector_load %arg5[%get3A_1242, %get3A_1243] {strides = array<i32>} : memref<4x8192xf32, #tpu.memory_space<vmem>>, vector<16xf32>,
      %broadcast_in_dim3A_1245 = arith.constant true
      %broadcast_in_dim3A_1246 = vector.broadcast %broadcast_in_dim3A_1245 : i1 to vector<16xi1>
      %masked_cumsum3A_1247 = tpu.scan <sum>, %get3A_1244 masked %broadcast_in_dim3A_1246 : vector<16xf32>, vector<16xi1> -> vector<16xf32>
      %add3A_1248 = arith.addf %masked_cumsum3A_1247, %gather3A_1158 : vector<16xf32>
      %mul3A_1249 = arith.constant 16 : i32
      %mul3A_1250 = arith.muli %scan3A_1238, %mul3A_1249 : i32
      %swap3A_1251 = arith.constant 0 : i32
      %swap3A_1252 = arith.index_cast %swap3A_1251 : i32 to index
      %swap3A_1253 = arith.index_cast %mul3A_1250 : i32 to index
      %swap3A_1254 = tpu.vector_load %arg5[%swap3A_1252, %swap3A_1253] {strides = array<i32>} : memref<4x8192xf32, #tpu.memory_space<vmem>>, vector<16xf32>,
      tpu.vector_store %arg5[%swap3A_1252, %swap3A_1253], %add3A_1248 {strides = array<i32>} : memref<4x8192xf32, #tpu.memory_space<vmem>>, vector<16xf32>,
      %lt3A_1255 = arith.constant 0 : i32
      %lt3A_1256 = vector.broadcast %lt3A_1255 : i32 to vector<16xi32>
      %lt3A_1257 = arith.cmpi slt, %broadcast_in_dim3A_3, %lt3A_1256 : vector<16xi32>
      %add3A_1258 = arith.constant 16 : i32
      %add3A_1259 = vector.broadcast %add3A_1258 : i32 to vector<16xi32>
      %add3A_1260 = arith.addi %broadcast_in_dim3A_3, %add3A_1259 : vector<16xi32>
      %select_n3A_1261 = arith.select %lt3A_1257, %add3A_1260, %broadcast_in_dim3A_3 : vector<16xi1>, vector<16xi32>
      %reshape3A_1262 = vector.shape_cast %select_n3A_1261 : vector<16xi32> to vector<16x1xi32>
      %gather3A_1263 = vector.shape_cast %reshape3A_1262 : vector<16x1xi32> to vector<16xi32>
      %gather3A_1264 = tpu.dynamic_gather %add3A_1248[%gather3A_1263] in [0] : vector<16xf32>, vector<16xi32> -> vector<16xf32>
      %mul3A_1265 = arith.constant 16 : i32
      %mul3A_1266 = arith.muli %scan3A_1238, %mul3A_1265 : i32
      %get3A_1267 = arith.constant 1 : i32
      %get3A_1268 = arith.index_cast %get3A_1267 : i32 to index
      %get3A_1269 = arith.index_cast %mul3A_1266 : i32 to index
      %get3A_1270 = tpu.vector_load %arg5[%get3A_1268, %get3A_1269] {strides = array<i32>} : memref<4x8192xf32, #tpu.memory_space<vmem>>, vector<16xf32>,
      %broadcast_in_dim3A_1271 = arith.constant true
      %broadcast_in_dim3A_1272 = vector.broadcast %broadcast_in_dim3A_1271 : i1 to vector<16xi1>
      %masked_cumsum3A_1273 = tpu.scan <sum>, %get3A_1270 masked %broadcast_in_dim3A_1272 : vector<16xf32>, vector<16xi1> -> vector<16xf32>
      %add3A_1274 = arith.addf %masked_cumsum3A_1273, %gather3A_1184 : vector<16xf32>
      %mul3A_1275 = arith.constant 16 : i32
      %mul3A_1276 = arith.muli %scan3A_1238, %mul3A_1275 : i32
      %swap3A_1277 = arith.constant 1 : i32
      %swap3A_1278 = arith.index_cast %swap3A_1277 : i32 to index
      %swap3A_1279 = arith.index_cast %mul3A_1276 : i32 to index
      %swap3A_1280 = tpu.vector_load %arg5[%swap3A_1278, %swap3A_1279] {strides = array<i32>} : memref<4x8192xf32, #tpu.memory_space<vmem>>, vector<16xf32>,
      tpu.vector_store %arg5[%swap3A_1278, %swap3A_1279], %add3A_1274 {strides = array<i32>} : memref<4x8192xf32, #tpu.memory_space<vmem>>, vector<16xf32>,
      %lt3A_1281 = arith.constant 0 : i32
      %lt3A_1282 = vector.broadcast %lt3A_1281 : i32 to vector<16xi32>
      %lt3A_1283 = arith.cmpi slt, %broadcast_in_dim3A_3, %lt3A_1282 : vector<16xi32>
      %add3A_1284 = arith.constant 16 : i32
      %add3A_1285 = vector.broadcast %add3A_1284 : i32 to vector<16xi32>
      %add3A_1286 = arith.addi %broadcast_in_dim3A_3, %add3A_1285 : vector<16xi32>
      %select_n3A_1287 = arith.select %lt3A_1283, %add3A_1286, %broadcast_in_dim3A_3 : vector<16xi1>, vector<16xi32>
      %reshape3A_1288 = vector.shape_cast %select_n3A_1287 : vector<16xi32> to vector<16x1xi32>
      %gather3A_1289 = vector.shape_cast %reshape3A_1288 : vector<16x1xi32> to vector<16xi32>
      %gather3A_1290 = tpu.dynamic_gather %add3A_1274[%gather3A_1289] in [0] : vector<16xf32>, vector<16xi32> -> vector<16xf32>
      %mul3A_1291 = arith.constant 16 : i32
      %mul3A_1292 = arith.muli %scan3A_1238, %mul3A_1291 : i32
      %get3A_1293 = arith.constant 2 : i32
      %get3A_1294 = arith.index_cast %get3A_1293 : i32 to index
      %get3A_1295 = arith.index_cast %mul3A_1292 : i32 to index
      %get3A_1296 = tpu.vector_load %arg5[%get3A_1294, %get3A_1295] {strides = array<i32>} : memref<4x8192xf32, #tpu.memory_space<vmem>>, vector<16xf32>,
      %broadcast_in_dim3A_1297 = arith.constant true
      %broadcast_in_dim3A_1298 = vector.broadcast %broadcast_in_dim3A_1297 : i1 to vector<16xi1>
      %masked_cumsum3A_1299 = tpu.scan <sum>, %get3A_1296 masked %broadcast_in_dim3A_1298 : vector<16xf32>, vector<16xi1> -> vector<16xf32>
      %add3A_1300 = arith.addf %masked_cumsum3A_1299, %gather3A_1210 : vector<16xf32>
      %mul3A_1301 = arith.constant 16 : i32
      %mul3A_1302 = arith.muli %scan3A_1238, %mul3A_1301 : i32
      %swap3A_1303 = arith.constant 2 : i32
      %swap3A_1304 = arith.index_cast %swap3A_1303 : i32 to index
      %swap3A_1305 = arith.index_cast %mul3A_1302 : i32 to index
      %swap3A_1306 = tpu.vector_load %arg5[%swap3A_1304, %swap3A_1305] {strides = array<i32>} : memref<4x8192xf32, #tpu.memory_space<vmem>>, vector<16xf32>,
      tpu.vector_store %arg5[%swap3A_1304, %swap3A_1305], %add3A_1300 {strides = array<i32>} : memref<4x8192xf32, #tpu.memory_space<vmem>>, vector<16xf32>,
      %lt3A_1307 = arith.constant 0 : i32
      %lt3A_1308 = vector.broadcast %lt3A_1307 : i32 to vector<16xi32>
      %lt3A_1309 = arith.cmpi slt, %broadcast_in_dim3A_3, %lt3A_1308 : vector<16xi32>
      %add3A_1310 = arith.constant 16 : i32
      %add3A_1311 = vector.broadcast %add3A_1310 : i32 to vector<16xi32>
      %add3A_1312 = arith.addi %broadcast_in_dim3A_3, %add3A_1311 : vector<16xi32>
      %select_n3A_1313 = arith.select %lt3A_1309, %add3A_1312, %broadcast_in_dim3A_3 : vector<16xi1>, vector<16xi32>
      %reshape3A_1314 = vector.shape_cast %select_n3A_1313 : vector<16xi32> to vector<16x1xi32>
      %gather3A_1315 = vector.shape_cast %reshape3A_1314 : vector<16x1xi32> to vector<16xi32>
      %gather3A_1316 = tpu.dynamic_gather %add3A_1300[%gather3A_1315] in [0] : vector<16xf32>, vector<16xi32> -> vector<16xf32>
      %mul3A_1317 = arith.constant 16 : i32
      %mul3A_1318 = arith.muli %scan3A_1238, %mul3A_1317 : i32
      %get3A_1319 = arith.constant 3 : i32
      %get3A_1320 = arith.index_cast %get3A_1319 : i32 to index
      %get3A_1321 = arith.index_cast %mul3A_1318 : i32 to index
      %get3A_1322 = tpu.vector_load %arg5[%get3A_1320, %get3A_1321] {strides = array<i32>} : memref<4x8192xf32, #tpu.memory_space<vmem>>, vector<16xf32>,
      %broadcast_in_dim3A_1323 = arith.constant true
      %broadcast_in_dim3A_1324 = vector.broadcast %broadcast_in_dim3A_1323 : i1 to vector<16xi1>
      %masked_cumsum3A_1325 = tpu.scan <sum>, %get3A_1322 masked %broadcast_in_dim3A_1324 : vector<16xf32>, vector<16xi1> -> vector<16xf32>
      %add3A_1326 = arith.addf %masked_cumsum3A_1325, %gather3A_1236 : vector<16xf32>
      %mul3A_1327 = arith.constant 16 : i32
      %mul3A_1328 = arith.muli %scan3A_1238, %mul3A_1327 : i32
      %swap3A_1329 = arith.constant 3 : i32
      %swap3A_1330 = arith.index_cast %swap3A_1329 : i32 to index
      %swap3A_1331 = arith.index_cast %mul3A_1328 : i32 to index
      %swap3A_1332 = tpu.vector_load %arg5[%swap3A_1330, %swap3A_1331] {strides = array<i32>} : memref<4x8192xf32, #tpu.memory_space<vmem>>, vector<16xf32>,
      tpu.vector_store %arg5[%swap3A_1330, %swap3A_1331], %add3A_1326 {strides = array<i32>} : memref<4x8192xf32, #tpu.memory_space<vmem>>, vector<16xf32>,
      %lt3A_1333 = arith.constant 0 : i32
      %lt3A_1334 = vector.broadcast %lt3A_1333 : i32 to vector<16xi32>
      %lt3A_1335 = arith.cmpi slt, %broadcast_in_dim3A_3, %lt3A_1334 : vector<16xi32>
      %add3A_1336 = arith.constant 16 : i32
      %add3A_1337 = vector.broadcast %add3A_1336 : i32 to vector<16xi32>
      %add3A_1338 = arith.addi %broadcast_in_dim3A_3, %add3A_1337 : vector<16xi32>
      %select_n3A_1339 = arith.select %lt3A_1335, %add3A_1338, %broadcast_in_dim3A_3 : vector<16xi1>, vector<16xi32>
      %reshape3A_1340 = vector.shape_cast %select_n3A_1339 : vector<16xi32> to vector<16x1xi32>
      %gather3A_1341 = vector.shape_cast %reshape3A_1340 : vector<16x1xi32> to vector<16xi32>
      %gather3A_1342 = tpu.dynamic_gather %add3A_1326[%gather3A_1341] in [0] : vector<16xf32>, vector<16xi32> -> vector<16xf32>
      %scan3A_1343 = arith.constant 4 : i32
      %scan3A_1344 = arith.addi %scan3A_923, %scan3A_1343 : i32
      %mul3A_1345 = arith.constant 16 : i32
      %mul3A_1346 = arith.muli %scan3A_1344, %mul3A_1345 : i32
      %get3A_1347 = arith.constant 0 : i32
      %get3A_1348 = arith.index_cast %get3A_1347 : i32 to index
      %get3A_1349 = arith.index_cast %mul3A_1346 : i32 to index
      %get3A_1350 = tpu.vector_load %arg5[%get3A_1348, %get3A_1349] {strides = array<i32>} : memref<4x8192xf32, #tpu.memory_space<vmem>>, vector<16xf32>,
      %broadcast_in_dim3A_1351 = arith.constant true
      %broadcast_in_dim3A_1352 = vector.broadcast %broadcast_in_dim3A_1351 : i1 to vector<16xi1>
      %masked_cumsum3A_1353 = tpu.scan <sum>, %get3A_1350 masked %broadcast_in_dim3A_1352 : vector<16xf32>, vector<16xi1> -> vector<16xf32>
      %add3A_1354 = arith.addf %masked_cumsum3A_1353, %gather3A_1264 : vector<16xf32>
      %mul3A_1355 = arith.constant 16 : i32
      %mul3A_1356 = arith.muli %scan3A_1344, %mul3A_1355 : i32
      %swap3A_1357 = arith.constant 0 : i32
      %swap3A_1358 = arith.index_cast %swap3A_1357 : i32 to index
      %swap3A_1359 = arith.index_cast %mul3A_1356 : i32 to index
      %swap3A_1360 = tpu.vector_load %arg5[%swap3A_1358, %swap3A_1359] {strides = array<i32>} : memref<4x8192xf32, #tpu.memory_space<vmem>>, vector<16xf32>,
      tpu.vector_store %arg5[%swap3A_1358, %swap3A_1359], %add3A_1354 {strides = array<i32>} : memref<4x8192xf32, #tpu.memory_space<vmem>>, vector<16xf32>,
      %lt3A_1361 = arith.constant 0 : i32
      %lt3A_1362 = vector.broadcast %lt3A_1361 : i32 to vector<16xi32>
      %lt3A_1363 = arith.cmpi slt, %broadcast_in_dim3A_3, %lt3A_1362 : vector<16xi32>
      %add3A_1364 = arith.constant 16 : i32
      %add3A_1365 = vector.broadcast %add3A_1364 : i32 to vector<16xi32>
      %add3A_1366 = arith.addi %broadcast_in_dim3A_3, %add3A_1365 : vector<16xi32>
      %select_n3A_1367 = arith.select %lt3A_1363, %add3A_1366, %broadcast_in_dim3A_3 : vector<16xi1>, vector<16xi32>
      %reshape3A_1368 = vector.shape_cast %select_n3A_1367 : vector<16xi32> to vector<16x1xi32>
      %gather3A_1369 = vector.shape_cast %reshape3A_1368 : vector<16x1xi32> to vector<16xi32>
      %gather3A_1370 = tpu.dynamic_gather %add3A_1354[%gather3A_1369] in [0] : vector<16xf32>, vector<16xi32> -> vector<16xf32>
      %mul3A_1371 = arith.constant 16 : i32
      %mul3A_1372 = arith.muli %scan3A_1344, %mul3A_1371 : i32
      %get3A_1373 = arith.constant 1 : i32
      %get3A_1374 = arith.index_cast %get3A_1373 : i32 to index
      %get3A_1375 = arith.index_cast %mul3A_1372 : i32 to index
      %get3A_1376 = tpu.vector_load %arg5[%get3A_1374, %get3A_1375] {strides = array<i32>} : memref<4x8192xf32, #tpu.memory_space<vmem>>, vector<16xf32>,
      %broadcast_in_dim3A_1377 = arith.constant true
      %broadcast_in_dim3A_1378 = vector.broadcast %broadcast_in_dim3A_1377 : i1 to vector<16xi1>
      %masked_cumsum3A_1379 = tpu.scan <sum>, %get3A_1376 masked %broadcast_in_dim3A_1378 : vector<16xf32>, vector<16xi1> -> vector<16xf32>
      %add3A_1380 = arith.addf %masked_cumsum3A_1379, %gather3A_1290 : vector<16xf32>
      %mul3A_1381 = arith.constant 16 : i32
      %mul3A_1382 = arith.muli %scan3A_1344, %mul3A_1381 : i32
      %swap3A_1383 = arith.constant 1 : i32
      %swap3A_1384 = arith.index_cast %swap3A_1383 : i32 to index
      %swap3A_1385 = arith.index_cast %mul3A_1382 : i32 to index
      %swap3A_1386 = tpu.vector_load %arg5[%swap3A_1384, %swap3A_1385] {strides = array<i32>} : memref<4x8192xf32, #tpu.memory_space<vmem>>, vector<16xf32>,
      tpu.vector_store %arg5[%swap3A_1384, %swap3A_1385], %add3A_1380 {strides = array<i32>} : memref<4x8192xf32, #tpu.memory_space<vmem>>, vector<16xf32>,
      %lt3A_1387 = arith.constant 0 : i32
      %lt3A_1388 = vector.broadcast %lt3A_1387 : i32 to vector<16xi32>
      %lt3A_1389 = arith.cmpi slt, %broadcast_in_dim3A_3, %lt3A_1388 : vector<16xi32>
      %add3A_1390 = arith.constant 16 : i32
      %add3A_1391 = vector.broadcast %add3A_1390 : i32 to vector<16xi32>
      %add3A_1392 = arith.addi %broadcast_in_dim3A_3, %add3A_1391 : vector<16xi32>
      %select_n3A_1393 = arith.select %lt3A_1389, %add3A_1392, %broadcast_in_dim3A_3 : vector<16xi1>, vector<16xi32>
      %reshape3A_1394 = vector.shape_cast %select_n3A_1393 : vector<16xi32> to vector<16x1xi32>
      %gather3A_1395 = vector.shape_cast %reshape3A_1394 : vector<16x1xi32> to vector<16xi32>
      %gather3A_1396 = tpu.dynamic_gather %add3A_1380[%gather3A_1395] in [0] : vector<16xf32>, vector<16xi32> -> vector<16xf32>
      %mul3A_1397 = arith.constant 16 : i32
      %mul3A_1398 = arith.muli %scan3A_1344, %mul3A_1397 : i32
      %get3A_1399 = arith.constant 2 : i32
      %get3A_1400 = arith.index_cast %get3A_1399 : i32 to index
      %get3A_1401 = arith.index_cast %mul3A_1398 : i32 to index
      %get3A_1402 = tpu.vector_load %arg5[%get3A_1400, %get3A_1401] {strides = array<i32>} : memref<4x8192xf32, #tpu.memory_space<vmem>>, vector<16xf32>,
      %broadcast_in_dim3A_1403 = arith.constant true
      %broadcast_in_dim3A_1404 = vector.broadcast %broadcast_in_dim3A_1403 : i1 to vector<16xi1>
      %masked_cumsum3A_1405 = tpu.scan <sum>, %get3A_1402 masked %broadcast_in_dim3A_1404 : vector<16xf32>, vector<16xi1> -> vector<16xf32>
      %add3A_1406 = arith.addf %masked_cumsum3A_1405, %gather3A_1316 : vector<16xf32>
      %mul3A_1407 = arith.constant 16 : i32
      %mul3A_1408 = arith.muli %scan3A_1344, %mul3A_1407 : i32
      %swap3A_1409 = arith.constant 2 : i32
      %swap3A_1410 = arith.index_cast %swap3A_1409 : i32 to index
      %swap3A_1411 = arith.index_cast %mul3A_1408 : i32 to index
      %swap3A_1412 = tpu.vector_load %arg5[%swap3A_1410, %swap3A_1411] {strides = array<i32>} : memref<4x8192xf32, #tpu.memory_space<vmem>>, vector<16xf32>,
      tpu.vector_store %arg5[%swap3A_1410, %swap3A_1411], %add3A_1406 {strides = array<i32>} : memref<4x8192xf32, #tpu.memory_space<vmem>>, vector<16xf32>,
      %lt3A_1413 = arith.constant 0 : i32
      %lt3A_1414 = vector.broadcast %lt3A_1413 : i32 to vector<16xi32>
      %lt3A_1415 = arith.cmpi slt, %broadcast_in_dim3A_3, %lt3A_1414 : vector<16xi32>
      %add3A_1416 = arith.constant 16 : i32
      %add3A_1417 = vector.broadcast %add3A_1416 : i32 to vector<16xi32>
      %add3A_1418 = arith.addi %broadcast_in_dim3A_3, %add3A_1417 : vector<16xi32>
      %select_n3A_1419 = arith.select %lt3A_1415, %add3A_1418, %broadcast_in_dim3A_3 : vector<16xi1>, vector<16xi32>
      %reshape3A_1420 = vector.shape_cast %select_n3A_1419 : vector<16xi32> to vector<16x1xi32>
      %gather3A_1421 = vector.shape_cast %reshape3A_1420 : vector<16x1xi32> to vector<16xi32>
      %gather3A_1422 = tpu.dynamic_gather %add3A_1406[%gather3A_1421] in [0] : vector<16xf32>, vector<16xi32> -> vector<16xf32>
      %mul3A_1423 = arith.constant 16 : i32
      %mul3A_1424 = arith.muli %scan3A_1344, %mul3A_1423 : i32
      %get3A_1425 = arith.constant 3 : i32
      %get3A_1426 = arith.index_cast %get3A_1425 : i32 to index
      %get3A_1427 = arith.index_cast %mul3A_1424 : i32 to index
      %get3A_1428 = tpu.vector_load %arg5[%get3A_1426, %get3A_1427] {strides = array<i32>} : memref<4x8192xf32, #tpu.memory_space<vmem>>, vector<16xf32>,
      %broadcast_in_dim3A_1429 = arith.constant true
      %broadcast_in_dim3A_1430 = vector.broadcast %broadcast_in_dim3A_1429 : i1 to vector<16xi1>
      %masked_cumsum3A_1431 = tpu.scan <sum>, %get3A_1428 masked %broadcast_in_dim3A_1430 : vector<16xf32>, vector<16xi1> -> vector<16xf32>
      %add3A_1432 = arith.addf %masked_cumsum3A_1431, %gather3A_1342 : vector<16xf32>
      %mul3A_1433 = arith.constant 16 : i32
      %mul3A_1434 = arith.muli %scan3A_1344, %mul3A_1433 : i32
      %swap3A_1435 = arith.constant 3 : i32
      %swap3A_1436 = arith.index_cast %swap3A_1435 : i32 to index
      %swap3A_1437 = arith.index_cast %mul3A_1434 : i32 to index
      %swap3A_1438 = tpu.vector_load %arg5[%swap3A_1436, %swap3A_1437] {strides = array<i32>} : memref<4x8192xf32, #tpu.memory_space<vmem>>, vector<16xf32>,
      tpu.vector_store %arg5[%swap3A_1436, %swap3A_1437], %add3A_1432 {strides = array<i32>} : memref<4x8192xf32, #tpu.memory_space<vmem>>, vector<16xf32>,
      %lt3A_1439 = arith.constant 0 : i32
      %lt3A_1440 = vector.broadcast %lt3A_1439 : i32 to vector<16xi32>
      %lt3A_1441 = arith.cmpi slt, %broadcast_in_dim3A_3, %lt3A_1440 : vector<16xi32>
      %add3A_1442 = arith.constant 16 : i32
      %add3A_1443 = vector.broadcast %add3A_1442 : i32 to vector<16xi32>
      %add3A_1444 = arith.addi %broadcast_in_dim3A_3, %add3A_1443 : vector<16xi32>
      %select_n3A_1445 = arith.select %lt3A_1441, %add3A_1444, %broadcast_in_dim3A_3 : vector<16xi1>, vector<16xi32>
      %reshape3A_1446 = vector.shape_cast %select_n3A_1445 : vector<16xi32> to vector<16x1xi32>
      %gather3A_1447 = vector.shape_cast %reshape3A_1446 : vector<16x1xi32> to vector<16xi32>
      %gather3A_1448 = tpu.dynamic_gather %add3A_1432[%gather3A_1447] in [0] : vector<16xf32>, vector<16xi32> -> vector<16xf32>
      %scan3A_1449 = arith.constant 5 : i32
      %scan3A_1450 = arith.addi %scan3A_923, %scan3A_1449 : i32
      %mul3A_1451 = arith.constant 16 : i32
      %mul3A_1452 = arith.muli %scan3A_1450, %mul3A_1451 : i32
      %get3A_1453 = arith.constant 0 : i32
      %get3A_1454 = arith.index_cast %get3A_1453 : i32 to index
      %get3A_1455 = arith.index_cast %mul3A_1452 : i32 to index
      %get3A_1456 = tpu.vector_load %arg5[%get3A_1454, %get3A_1455] {strides = array<i32>} : memref<4x8192xf32, #tpu.memory_space<vmem>>, vector<16xf32>,
      %broadcast_in_dim3A_1457 = arith.constant true
      %broadcast_in_dim3A_1458 = vector.broadcast %broadcast_in_dim3A_1457 : i1 to vector<16xi1>
      %masked_cumsum3A_1459 = tpu.scan <sum>, %get3A_1456 masked %broadcast_in_dim3A_1458 : vector<16xf32>, vector<16xi1> -> vector<16xf32>
      %add3A_1460 = arith.addf %masked_cumsum3A_1459, %gather3A_1370 : vector<16xf32>
      %mul3A_1461 = arith.constant 16 : i32
      %mul3A_1462 = arith.muli %scan3A_1450, %mul3A_1461 : i32
      %swap3A_1463 = arith.constant 0 : i32
      %swap3A_1464 = arith.index_cast %swap3A_1463 : i32 to index
      %swap3A_1465 = arith.index_cast %mul3A_1462 : i32 to index
      %swap3A_1466 = tpu.vector_load %arg5[%swap3A_1464, %swap3A_1465] {strides = array<i32>} : memref<4x8192xf32, #tpu.memory_space<vmem>>, vector<16xf32>,
      tpu.vector_store %arg5[%swap3A_1464, %swap3A_1465], %add3A_1460 {strides = array<i32>} : memref<4x8192xf32, #tpu.memory_space<vmem>>, vector<16xf32>,
      %lt3A_1467 = arith.constant 0 : i32
      %lt3A_1468 = vector.broadcast %lt3A_1467 : i32 to vector<16xi32>
      %lt3A_1469 = arith.cmpi slt, %broadcast_in_dim3A_3, %lt3A_1468 : vector<16xi32>
      %add3A_1470 = arith.constant 16 : i32
      %add3A_1471 = vector.broadcast %add3A_1470 : i32 to vector<16xi32>
      %add3A_1472 = arith.addi %broadcast_in_dim3A_3, %add3A_1471 : vector<16xi32>
      %select_n3A_1473 = arith.select %lt3A_1469, %add3A_1472, %broadcast_in_dim3A_3 : vector<16xi1>, vector<16xi32>
      %reshape3A_1474 = vector.shape_cast %select_n3A_1473 : vector<16xi32> to vector<16x1xi32>
      %gather3A_1475 = vector.shape_cast %reshape3A_1474 : vector<16x1xi32> to vector<16xi32>
      %gather3A_1476 = tpu.dynamic_gather %add3A_1460[%gather3A_1475] in [0] : vector<16xf32>, vector<16xi32> -> vector<16xf32>
      %mul3A_1477 = arith.constant 16 : i32
      %mul3A_1478 = arith.muli %scan3A_1450, %mul3A_1477 : i32
      %get3A_1479 = arith.constant 1 : i32
      %get3A_1480 = arith.index_cast %get3A_1479 : i32 to index
      %get3A_1481 = arith.index_cast %mul3A_1478 : i32 to index
      %get3A_1482 = tpu.vector_load %arg5[%get3A_1480, %get3A_1481] {strides = array<i32>} : memref<4x8192xf32, #tpu.memory_space<vmem>>, vector<16xf32>,
      %broadcast_in_dim3A_1483 = arith.constant true
      %broadcast_in_dim3A_1484 = vector.broadcast %broadcast_in_dim3A_1483 : i1 to vector<16xi1>
      %masked_cumsum3A_1485 = tpu.scan <sum>, %get3A_1482 masked %broadcast_in_dim3A_1484 : vector<16xf32>, vector<16xi1> -> vector<16xf32>
      %add3A_1486 = arith.addf %masked_cumsum3A_1485, %gather3A_1396 : vector<16xf32>
      %mul3A_1487 = arith.constant 16 : i32
      %mul3A_1488 = arith.muli %scan3A_1450, %mul3A_1487 : i32
      %swap3A_1489 = arith.constant 1 : i32
      %swap3A_1490 = arith.index_cast %swap3A_1489 : i32 to index
      %swap3A_1491 = arith.index_cast %mul3A_1488 : i32 to index
      %swap3A_1492 = tpu.vector_load %arg5[%swap3A_1490, %swap3A_1491] {strides = array<i32>} : memref<4x8192xf32, #tpu.memory_space<vmem>>, vector<16xf32>,
      tpu.vector_store %arg5[%swap3A_1490, %swap3A_1491], %add3A_1486 {strides = array<i32>} : memref<4x8192xf32, #tpu.memory_space<vmem>>, vector<16xf32>,
      %lt3A_1493 = arith.constant 0 : i32
      %lt3A_1494 = vector.broadcast %lt3A_1493 : i32 to vector<16xi32>
      %lt3A_1495 = arith.cmpi slt, %broadcast_in_dim3A_3, %lt3A_1494 : vector<16xi32>
      %add3A_1496 = arith.constant 16 : i32
      %add3A_1497 = vector.broadcast %add3A_1496 : i32 to vector<16xi32>
      %add3A_1498 = arith.addi %broadcast_in_dim3A_3, %add3A_1497 : vector<16xi32>
      %select_n3A_1499 = arith.select %lt3A_1495, %add3A_1498, %broadcast_in_dim3A_3 : vector<16xi1>, vector<16xi32>
      %reshape3A_1500 = vector.shape_cast %select_n3A_1499 : vector<16xi32> to vector<16x1xi32>
      %gather3A_1501 = vector.shape_cast %reshape3A_1500 : vector<16x1xi32> to vector<16xi32>
      %gather3A_1502 = tpu.dynamic_gather %add3A_1486[%gather3A_1501] in [0] : vector<16xf32>, vector<16xi32> -> vector<16xf32>
      %mul3A_1503 = arith.constant 16 : i32
      %mul3A_1504 = arith.muli %scan3A_1450, %mul3A_1503 : i32
      %get3A_1505 = arith.constant 2 : i32
      %get3A_1506 = arith.index_cast %get3A_1505 : i32 to index
      %get3A_1507 = arith.index_cast %mul3A_1504 : i32 to index
      %get3A_1508 = tpu.vector_load %arg5[%get3A_1506, %get3A_1507] {strides = array<i32>} : memref<4x8192xf32, #tpu.memory_space<vmem>>, vector<16xf32>,
      %broadcast_in_dim3A_1509 = arith.constant true
      %broadcast_in_dim3A_1510 = vector.broadcast %broadcast_in_dim3A_1509 : i1 to vector<16xi1>
      %masked_cumsum3A_1511 = tpu.scan <sum>, %get3A_1508 masked %broadcast_in_dim3A_1510 : vector<16xf32>, vector<16xi1> -> vector<16xf32>
      %add3A_1512 = arith.addf %masked_cumsum3A_1511, %gather3A_1422 : vector<16xf32>
      %mul3A_1513 = arith.constant 16 : i32
      %mul3A_1514 = arith.muli %scan3A_1450, %mul3A_1513 : i32
      %swap3A_1515 = arith.constant 2 : i32
      %swap3A_1516 = arith.index_cast %swap3A_1515 : i32 to index
      %swap3A_1517 = arith.index_cast %mul3A_1514 : i32 to index
      %swap3A_1518 = tpu.vector_load %arg5[%swap3A_1516, %swap3A_1517] {strides = array<i32>} : memref<4x8192xf32, #tpu.memory_space<vmem>>, vector<16xf32>,
      tpu.vector_store %arg5[%swap3A_1516, %swap3A_1517], %add3A_1512 {strides = array<i32>} : memref<4x8192xf32, #tpu.memory_space<vmem>>, vector<16xf32>,
      %lt3A_1519 = arith.constant 0 : i32
      %lt3A_1520 = vector.broadcast %lt3A_1519 : i32 to vector<16xi32>
      %lt3A_1521 = arith.cmpi slt, %broadcast_in_dim3A_3, %lt3A_1520 : vector<16xi32>
      %add3A_1522 = arith.constant 16 : i32
      %add3A_1523 = vector.broadcast %add3A_1522 : i32 to vector<16xi32>
      %add3A_1524 = arith.addi %broadcast_in_dim3A_3, %add3A_1523 : vector<16xi32>
      %select_n3A_1525 = arith.select %lt3A_1521, %add3A_1524, %broadcast_in_dim3A_3 : vector<16xi1>, vector<16xi32>
      %reshape3A_1526 = vector.shape_cast %select_n3A_1525 : vector<16xi32> to vector<16x1xi32>
      %gather3A_1527 = vector.shape_cast %reshape3A_1526 : vector<16x1xi32> to vector<16xi32>
      %gather3A_1528 = tpu.dynamic_gather %add3A_1512[%gather3A_1527] in [0] : vector<16xf32>, vector<16xi32> -> vector<16xf32>
      %mul3A_1529 = arith.constant 16 : i32
      %mul3A_1530 = arith.muli %scan3A_1450, %mul3A_1529 : i32
      %get3A_1531 = arith.constant 3 : i32
      %get3A_1532 = arith.index_cast %get3A_1531 : i32 to index
      %get3A_1533 = arith.index_cast %mul3A_1530 : i32 to index
      %get3A_1534 = tpu.vector_load %arg5[%get3A_1532, %get3A_1533] {strides = array<i32>} : memref<4x8192xf32, #tpu.memory_space<vmem>>, vector<16xf32>,
      %broadcast_in_dim3A_1535 = arith.constant true
      %broadcast_in_dim3A_1536 = vector.broadcast %broadcast_in_dim3A_1535 : i1 to vector<16xi1>
      %masked_cumsum3A_1537 = tpu.scan <sum>, %get3A_1534 masked %broadcast_in_dim3A_1536 : vector<16xf32>, vector<16xi1> -> vector<16xf32>
      %add3A_1538 = arith.addf %masked_cumsum3A_1537, %gather3A_1448 : vector<16xf32>
      %mul3A_1539 = arith.constant 16 : i32
      %mul3A_1540 = arith.muli %scan3A_1450, %mul3A_1539 : i32
      %swap3A_1541 = arith.constant 3 : i32
      %swap3A_1542 = arith.index_cast %swap3A_1541 : i32 to index
      %swap3A_1543 = arith.index_cast %mul3A_1540 : i32 to index
      %swap3A_1544 = tpu.vector_load %arg5[%swap3A_1542, %swap3A_1543] {strides = array<i32>} : memref<4x8192xf32, #tpu.memory_space<vmem>>, vector<16xf32>,
      tpu.vector_store %arg5[%swap3A_1542, %swap3A_1543], %add3A_1538 {strides = array<i32>} : memref<4x8192xf32, #tpu.memory_space<vmem>>, vector<16xf32>,
      %lt3A_1545 = arith.constant 0 : i32
      %lt3A_1546 = vector.broadcast %lt3A_1545 : i32 to vector<16xi32>
      %lt3A_1547 = arith.cmpi slt, %broadcast_in_dim3A_3, %lt3A_1546 : vector<16xi32>
      %add3A_1548 = arith.constant 16 : i32
      %add3A_1549 = vector.broadcast %add3A_1548 : i32 to vector<16xi32>
      %add3A_1550 = arith.addi %broadcast_in_dim3A_3, %add3A_1549 : vector<16xi32>
      %select_n3A_1551 = arith.select %lt3A_1547, %add3A_1550, %broadcast_in_dim3A_3 : vector<16xi1>, vector<16xi32>
      %reshape3A_1552 = vector.shape_cast %select_n3A_1551 : vector<16xi32> to vector<16x1xi32>
      %gather3A_1553 = vector.shape_cast %reshape3A_1552 : vector<16x1xi32> to vector<16xi32>
      %gather3A_1554 = tpu.dynamic_gather %add3A_1538[%gather3A_1553] in [0] : vector<16xf32>, vector<16xi32> -> vector<16xf32>
      %scan3A_1555 = arith.constant 6 : i32
      %scan3A_1556 = arith.addi %scan3A_923, %scan3A_1555 : i32
      %mul3A_1557 = arith.constant 16 : i32
      %mul3A_1558 = arith.muli %scan3A_1556, %mul3A_1557 : i32
      %get3A_1559 = arith.constant 0 : i32
      %get3A_1560 = arith.index_cast %get3A_1559 : i32 to index
      %get3A_1561 = arith.index_cast %mul3A_1558 : i32 to index
      %get3A_1562 = tpu.vector_load %arg5[%get3A_1560, %get3A_1561] {strides = array<i32>} : memref<4x8192xf32, #tpu.memory_space<vmem>>, vector<16xf32>,
      %broadcast_in_dim3A_1563 = arith.constant true
      %broadcast_in_dim3A_1564 = vector.broadcast %broadcast_in_dim3A_1563 : i1 to vector<16xi1>
      %masked_cumsum3A_1565 = tpu.scan <sum>, %get3A_1562 masked %broadcast_in_dim3A_1564 : vector<16xf32>, vector<16xi1> -> vector<16xf32>
      %add3A_1566 = arith.addf %masked_cumsum3A_1565, %gather3A_1476 : vector<16xf32>
      %mul3A_1567 = arith.constant 16 : i32
      %mul3A_1568 = arith.muli %scan3A_1556, %mul3A_1567 : i32
      %swap3A_1569 = arith.constant 0 : i32
      %swap3A_1570 = arith.index_cast %swap3A_1569 : i32 to index
      %swap3A_1571 = arith.index_cast %mul3A_1568 : i32 to index
      %swap3A_1572 = tpu.vector_load %arg5[%swap3A_1570, %swap3A_1571] {strides = array<i32>} : memref<4x8192xf32, #tpu.memory_space<vmem>>, vector<16xf32>,
      tpu.vector_store %arg5[%swap3A_1570, %swap3A_1571], %add3A_1566 {strides = array<i32>} : memref<4x8192xf32, #tpu.memory_space<vmem>>, vector<16xf32>,
      %lt3A_1573 = arith.constant 0 : i32
      %lt3A_1574 = vector.broadcast %lt3A_1573 : i32 to vector<16xi32>
      %lt3A_1575 = arith.cmpi slt, %broadcast_in_dim3A_3, %lt3A_1574 : vector<16xi32>
      %add3A_1576 = arith.constant 16 : i32
      %add3A_1577 = vector.broadcast %add3A_1576 : i32 to vector<16xi32>
      %add3A_1578 = arith.addi %broadcast_in_dim3A_3, %add3A_1577 : vector<16xi32>
      %select_n3A_1579 = arith.select %lt3A_1575, %add3A_1578, %broadcast_in_dim3A_3 : vector<16xi1>, vector<16xi32>
      %reshape3A_1580 = vector.shape_cast %select_n3A_1579 : vector<16xi32> to vector<16x1xi32>
      %gather3A_1581 = vector.shape_cast %reshape3A_1580 : vector<16x1xi32> to vector<16xi32>
      %gather3A_1582 = tpu.dynamic_gather %add3A_1566[%gather3A_1581] in [0] : vector<16xf32>, vector<16xi32> -> vector<16xf32>
      %mul3A_1583 = arith.constant 16 : i32
      %mul3A_1584 = arith.muli %scan3A_1556, %mul3A_1583 : i32
      %get3A_1585 = arith.constant 1 : i32
      %get3A_1586 = arith.index_cast %get3A_1585 : i32 to index
      %get3A_1587 = arith.index_cast %mul3A_1584 : i32 to index
      %get3A_1588 = tpu.vector_load %arg5[%get3A_1586, %get3A_1587] {strides = array<i32>} : memref<4x8192xf32, #tpu.memory_space<vmem>>, vector<16xf32>,
      %broadcast_in_dim3A_1589 = arith.constant true
      %broadcast_in_dim3A_1590 = vector.broadcast %broadcast_in_dim3A_1589 : i1 to vector<16xi1>
      %masked_cumsum3A_1591 = tpu.scan <sum>, %get3A_1588 masked %broadcast_in_dim3A_1590 : vector<16xf32>, vector<16xi1> -> vector<16xf32>
      %add3A_1592 = arith.addf %masked_cumsum3A_1591, %gather3A_1502 : vector<16xf32>
      %mul3A_1593 = arith.constant 16 : i32
      %mul3A_1594 = arith.muli %scan3A_1556, %mul3A_1593 : i32
      %swap3A_1595 = arith.constant 1 : i32
      %swap3A_1596 = arith.index_cast %swap3A_1595 : i32 to index
      %swap3A_1597 = arith.index_cast %mul3A_1594 : i32 to index
      %swap3A_1598 = tpu.vector_load %arg5[%swap3A_1596, %swap3A_1597] {strides = array<i32>} : memref<4x8192xf32, #tpu.memory_space<vmem>>, vector<16xf32>,
      tpu.vector_store %arg5[%swap3A_1596, %swap3A_1597], %add3A_1592 {strides = array<i32>} : memref<4x8192xf32, #tpu.memory_space<vmem>>, vector<16xf32>,
      %lt3A_1599 = arith.constant 0 : i32
      %lt3A_1600 = vector.broadcast %lt3A_1599 : i32 to vector<16xi32>
      %lt3A_1601 = arith.cmpi slt, %broadcast_in_dim3A_3, %lt3A_1600 : vector<16xi32>
      %add3A_1602 = arith.constant 16 : i32
      %add3A_1603 = vector.broadcast %add3A_1602 : i32 to vector<16xi32>
      %add3A_1604 = arith.addi %broadcast_in_dim3A_3, %add3A_1603 : vector<16xi32>
      %select_n3A_1605 = arith.select %lt3A_1601, %add3A_1604, %broadcast_in_dim3A_3 : vector<16xi1>, vector<16xi32>
      %reshape3A_1606 = vector.shape_cast %select_n3A_1605 : vector<16xi32> to vector<16x1xi32>
      %gather3A_1607 = vector.shape_cast %reshape3A_1606 : vector<16x1xi32> to vector<16xi32>
      %gather3A_1608 = tpu.dynamic_gather %add3A_1592[%gather3A_1607] in [0] : vector<16xf32>, vector<16xi32> -> vector<16xf32>
      %mul3A_1609 = arith.constant 16 : i32
      %mul3A_1610 = arith.muli %scan3A_1556, %mul3A_1609 : i32
      %get3A_1611 = arith.constant 2 : i32
      %get3A_1612 = arith.index_cast %get3A_1611 : i32 to index
      %get3A_1613 = arith.index_cast %mul3A_1610 : i32 to index
      %get3A_1614 = tpu.vector_load %arg5[%get3A_1612, %get3A_1613] {strides = array<i32>} : memref<4x8192xf32, #tpu.memory_space<vmem>>, vector<16xf32>,
      %broadcast_in_dim3A_1615 = arith.constant true
      %broadcast_in_dim3A_1616 = vector.broadcast %broadcast_in_dim3A_1615 : i1 to vector<16xi1>
      %masked_cumsum3A_1617 = tpu.scan <sum>, %get3A_1614 masked %broadcast_in_dim3A_1616 : vector<16xf32>, vector<16xi1> -> vector<16xf32>
      %add3A_1618 = arith.addf %masked_cumsum3A_1617, %gather3A_1528 : vector<16xf32>
      %mul3A_1619 = arith.constant 16 : i32
      %mul3A_1620 = arith.muli %scan3A_1556, %mul3A_1619 : i32
      %swap3A_1621 = arith.constant 2 : i32
      %swap3A_1622 = arith.index_cast %swap3A_1621 : i32 to index
      %swap3A_1623 = arith.index_cast %mul3A_1620 : i32 to index
      %swap3A_1624 = tpu.vector_load %arg5[%swap3A_1622, %swap3A_1623] {strides = array<i32>} : memref<4x8192xf32, #tpu.memory_space<vmem>>, vector<16xf32>,
      tpu.vector_store %arg5[%swap3A_1622, %swap3A_1623], %add3A_1618 {strides = array<i32>} : memref<4x8192xf32, #tpu.memory_space<vmem>>, vector<16xf32>,
      %lt3A_1625 = arith.constant 0 : i32
      %lt3A_1626 = vector.broadcast %lt3A_1625 : i32 to vector<16xi32>
      %lt3A_1627 = arith.cmpi slt, %broadcast_in_dim3A_3, %lt3A_1626 : vector<16xi32>
      %add3A_1628 = arith.constant 16 : i32
      %add3A_1629 = vector.broadcast %add3A_1628 : i32 to vector<16xi32>
      %add3A_1630 = arith.addi %broadcast_in_dim3A_3, %add3A_1629 : vector<16xi32>
      %select_n3A_1631 = arith.select %lt3A_1627, %add3A_1630, %broadcast_in_dim3A_3 : vector<16xi1>, vector<16xi32>
      %reshape3A_1632 = vector.shape_cast %select_n3A_1631 : vector<16xi32> to vector<16x1xi32>
      %gather3A_1633 = vector.shape_cast %reshape3A_1632 : vector<16x1xi32> to vector<16xi32>
      %gather3A_1634 = tpu.dynamic_gather %add3A_1618[%gather3A_1633] in [0] : vector<16xf32>, vector<16xi32> -> vector<16xf32>
      %mul3A_1635 = arith.constant 16 : i32
      %mul3A_1636 = arith.muli %scan3A_1556, %mul3A_1635 : i32
      %get3A_1637 = arith.constant 3 : i32
      %get3A_1638 = arith.index_cast %get3A_1637 : i32 to index
      %get3A_1639 = arith.index_cast %mul3A_1636 : i32 to index
      %get3A_1640 = tpu.vector_load %arg5[%get3A_1638, %get3A_1639] {strides = array<i32>} : memref<4x8192xf32, #tpu.memory_space<vmem>>, vector<16xf32>,
      %broadcast_in_dim3A_1641 = arith.constant true
      %broadcast_in_dim3A_1642 = vector.broadcast %broadcast_in_dim3A_1641 : i1 to vector<16xi1>
      %masked_cumsum3A_1643 = tpu.scan <sum>, %get3A_1640 masked %broadcast_in_dim3A_1642 : vector<16xf32>, vector<16xi1> -> vector<16xf32>
      %add3A_1644 = arith.addf %masked_cumsum3A_1643, %gather3A_1554 : vector<16xf32>
      %mul3A_1645 = arith.constant 16 : i32
      %mul3A_1646 = arith.muli %scan3A_1556, %mul3A_1645 : i32
      %swap3A_1647 = arith.constant 3 : i32
      %swap3A_1648 = arith.index_cast %swap3A_1647 : i32 to index
      %swap3A_1649 = arith.index_cast %mul3A_1646 : i32 to index
      %swap3A_1650 = tpu.vector_load %arg5[%swap3A_1648, %swap3A_1649] {strides = array<i32>} : memref<4x8192xf32, #tpu.memory_space<vmem>>, vector<16xf32>,
      tpu.vector_store %arg5[%swap3A_1648, %swap3A_1649], %add3A_1644 {strides = array<i32>} : memref<4x8192xf32, #tpu.memory_space<vmem>>, vector<16xf32>,
      %lt3A_1651 = arith.constant 0 : i32
      %lt3A_1652 = vector.broadcast %lt3A_1651 : i32 to vector<16xi32>
      %lt3A_1653 = arith.cmpi slt, %broadcast_in_dim3A_3, %lt3A_1652 : vector<16xi32>
      %add3A_1654 = arith.constant 16 : i32
      %add3A_1655 = vector.broadcast %add3A_1654 : i32 to vector<16xi32>
      %add3A_1656 = arith.addi %broadcast_in_dim3A_3, %add3A_1655 : vector<16xi32>
      %select_n3A_1657 = arith.select %lt3A_1653, %add3A_1656, %broadcast_in_dim3A_3 : vector<16xi1>, vector<16xi32>
      %reshape3A_1658 = vector.shape_cast %select_n3A_1657 : vector<16xi32> to vector<16x1xi32>
      %gather3A_1659 = vector.shape_cast %reshape3A_1658 : vector<16x1xi32> to vector<16xi32>
      %gather3A_1660 = tpu.dynamic_gather %add3A_1644[%gather3A_1659] in [0] : vector<16xf32>, vector<16xi32> -> vector<16xf32>
      %scan3A_1661 = arith.constant 7 : i32
      %scan3A_1662 = arith.addi %scan3A_923, %scan3A_1661 : i32
      %mul3A_1663 = arith.constant 16 : i32
      %mul3A_1664 = arith.muli %scan3A_1662, %mul3A_1663 : i32
      %get3A_1665 = arith.constant 0 : i32
      %get3A_1666 = arith.index_cast %get3A_1665 : i32 to index
      %get3A_1667 = arith.index_cast %mul3A_1664 : i32 to index
      %get3A_1668 = tpu.vector_load %arg5[%get3A_1666, %get3A_1667] {strides = array<i32>} : memref<4x8192xf32, #tpu.memory_space<vmem>>, vector<16xf32>,
      %broadcast_in_dim3A_1669 = arith.constant true
      %broadcast_in_dim3A_1670 = vector.broadcast %broadcast_in_dim3A_1669 : i1 to vector<16xi1>
      %masked_cumsum3A_1671 = tpu.scan <sum>, %get3A_1668 masked %broadcast_in_dim3A_1670 : vector<16xf32>, vector<16xi1> -> vector<16xf32>
      %add3A_1672 = arith.addf %masked_cumsum3A_1671, %gather3A_1582 : vector<16xf32>
      %mul3A_1673 = arith.constant 16 : i32
      %mul3A_1674 = arith.muli %scan3A_1662, %mul3A_1673 : i32
      %swap3A_1675 = arith.constant 0 : i32
      %swap3A_1676 = arith.index_cast %swap3A_1675 : i32 to index
      %swap3A_1677 = arith.index_cast %mul3A_1674 : i32 to index
      %swap3A_1678 = tpu.vector_load %arg5[%swap3A_1676, %swap3A_1677] {strides = array<i32>} : memref<4x8192xf32, #tpu.memory_space<vmem>>, vector<16xf32>,
      tpu.vector_store %arg5[%swap3A_1676, %swap3A_1677], %add3A_1672 {strides = array<i32>} : memref<4x8192xf32, #tpu.memory_space<vmem>>, vector<16xf32>,
      %lt3A_1679 = arith.constant 0 : i32
      %lt3A_1680 = vector.broadcast %lt3A_1679 : i32 to vector<16xi32>
      %lt3A_1681 = arith.cmpi slt, %broadcast_in_dim3A_3, %lt3A_1680 : vector<16xi32>
      %add3A_1682 = arith.constant 16 : i32
      %add3A_1683 = vector.broadcast %add3A_1682 : i32 to vector<16xi32>
      %add3A_1684 = arith.addi %broadcast_in_dim3A_3, %add3A_1683 : vector<16xi32>
      %select_n3A_1685 = arith.select %lt3A_1681, %add3A_1684, %broadcast_in_dim3A_3 : vector<16xi1>, vector<16xi32>
      %reshape3A_1686 = vector.shape_cast %select_n3A_1685 : vector<16xi32> to vector<16x1xi32>
      %gather3A_1687 = vector.shape_cast %reshape3A_1686 : vector<16x1xi32> to vector<16xi32>
      %gather3A_1688 = tpu.dynamic_gather %add3A_1672[%gather3A_1687] in [0] : vector<16xf32>, vector<16xi32> -> vector<16xf32>
      %mul3A_1689 = arith.constant 16 : i32
      %mul3A_1690 = arith.muli %scan3A_1662, %mul3A_1689 : i32
      %get3A_1691 = arith.constant 1 : i32
      %get3A_1692 = arith.index_cast %get3A_1691 : i32 to index
      %get3A_1693 = arith.index_cast %mul3A_1690 : i32 to index
      %get3A_1694 = tpu.vector_load %arg5[%get3A_1692, %get3A_1693] {strides = array<i32>} : memref<4x8192xf32, #tpu.memory_space<vmem>>, vector<16xf32>,
      %broadcast_in_dim3A_1695 = arith.constant true
      %broadcast_in_dim3A_1696 = vector.broadcast %broadcast_in_dim3A_1695 : i1 to vector<16xi1>
      %masked_cumsum3A_1697 = tpu.scan <sum>, %get3A_1694 masked %broadcast_in_dim3A_1696 : vector<16xf32>, vector<16xi1> -> vector<16xf32>
      %add3A_1698 = arith.addf %masked_cumsum3A_1697, %gather3A_1608 : vector<16xf32>
      %mul3A_1699 = arith.constant 16 : i32
      %mul3A_1700 = arith.muli %scan3A_1662, %mul3A_1699 : i32
      %swap3A_1701 = arith.constant 1 : i32
      %swap3A_1702 = arith.index_cast %swap3A_1701 : i32 to index
      %swap3A_1703 = arith.index_cast %mul3A_1700 : i32 to index
      %swap3A_1704 = tpu.vector_load %arg5[%swap3A_1702, %swap3A_1703] {strides = array<i32>} : memref<4x8192xf32, #tpu.memory_space<vmem>>, vector<16xf32>,
      tpu.vector_store %arg5[%swap3A_1702, %swap3A_1703], %add3A_1698 {strides = array<i32>} : memref<4x8192xf32, #tpu.memory_space<vmem>>, vector<16xf32>,
      %lt3A_1705 = arith.constant 0 : i32
      %lt3A_1706 = vector.broadcast %lt3A_1705 : i32 to vector<16xi32>
      %lt3A_1707 = arith.cmpi slt, %broadcast_in_dim3A_3, %lt3A_1706 : vector<16xi32>
      %add3A_1708 = arith.constant 16 : i32
      %add3A_1709 = vector.broadcast %add3A_1708 : i32 to vector<16xi32>
      %add3A_1710 = arith.addi %broadcast_in_dim3A_3, %add3A_1709 : vector<16xi32>
      %select_n3A_1711 = arith.select %lt3A_1707, %add3A_1710, %broadcast_in_dim3A_3 : vector<16xi1>, vector<16xi32>
      %reshape3A_1712 = vector.shape_cast %select_n3A_1711 : vector<16xi32> to vector<16x1xi32>
      %gather3A_1713 = vector.shape_cast %reshape3A_1712 : vector<16x1xi32> to vector<16xi32>
      %gather3A_1714 = tpu.dynamic_gather %add3A_1698[%gather3A_1713] in [0] : vector<16xf32>, vector<16xi32> -> vector<16xf32>
      %mul3A_1715 = arith.constant 16 : i32
      %mul3A_1716 = arith.muli %scan3A_1662, %mul3A_1715 : i32
      %get3A_1717 = arith.constant 2 : i32
      %get3A_1718 = arith.index_cast %get3A_1717 : i32 to index
      %get3A_1719 = arith.index_cast %mul3A_1716 : i32 to index
      %get3A_1720 = tpu.vector_load %arg5[%get3A_1718, %get3A_1719] {strides = array<i32>} : memref<4x8192xf32, #tpu.memory_space<vmem>>, vector<16xf32>,
      %broadcast_in_dim3A_1721 = arith.constant true
      %broadcast_in_dim3A_1722 = vector.broadcast %broadcast_in_dim3A_1721 : i1 to vector<16xi1>
      %masked_cumsum3A_1723 = tpu.scan <sum>, %get3A_1720 masked %broadcast_in_dim3A_1722 : vector<16xf32>, vector<16xi1> -> vector<16xf32>
      %add3A_1724 = arith.addf %masked_cumsum3A_1723, %gather3A_1634 : vector<16xf32>
      %mul3A_1725 = arith.constant 16 : i32
      %mul3A_1726 = arith.muli %scan3A_1662, %mul3A_1725 : i32
      %swap3A_1727 = arith.constant 2 : i32
      %swap3A_1728 = arith.index_cast %swap3A_1727 : i32 to index
      %swap3A_1729 = arith.index_cast %mul3A_1726 : i32 to index
      %swap3A_1730 = tpu.vector_load %arg5[%swap3A_1728, %swap3A_1729] {strides = array<i32>} : memref<4x8192xf32, #tpu.memory_space<vmem>>, vector<16xf32>,
      tpu.vector_store %arg5[%swap3A_1728, %swap3A_1729], %add3A_1724 {strides = array<i32>} : memref<4x8192xf32, #tpu.memory_space<vmem>>, vector<16xf32>,
      %lt3A_1731 = arith.constant 0 : i32
      %lt3A_1732 = vector.broadcast %lt3A_1731 : i32 to vector<16xi32>
      %lt3A_1733 = arith.cmpi slt, %broadcast_in_dim3A_3, %lt3A_1732 : vector<16xi32>
      %add3A_1734 = arith.constant 16 : i32
      %add3A_1735 = vector.broadcast %add3A_1734 : i32 to vector<16xi32>
      %add3A_1736 = arith.addi %broadcast_in_dim3A_3, %add3A_1735 : vector<16xi32>
      %select_n3A_1737 = arith.select %lt3A_1733, %add3A_1736, %broadcast_in_dim3A_3 : vector<16xi1>, vector<16xi32>
      %reshape3A_1738 = vector.shape_cast %select_n3A_1737 : vector<16xi32> to vector<16x1xi32>
      %gather3A_1739 = vector.shape_cast %reshape3A_1738 : vector<16x1xi32> to vector<16xi32>
      %gather3A_1740 = tpu.dynamic_gather %add3A_1724[%gather3A_1739] in [0] : vector<16xf32>, vector<16xi32> -> vector<16xf32>
      %mul3A_1741 = arith.constant 16 : i32
      %mul3A_1742 = arith.muli %scan3A_1662, %mul3A_1741 : i32
      %get3A_1743 = arith.constant 3 : i32
      %get3A_1744 = arith.index_cast %get3A_1743 : i32 to index
      %get3A_1745 = arith.index_cast %mul3A_1742 : i32 to index
      %get3A_1746 = tpu.vector_load %arg5[%get3A_1744, %get3A_1745] {strides = array<i32>} : memref<4x8192xf32, #tpu.memory_space<vmem>>, vector<16xf32>,
      %broadcast_in_dim3A_1747 = arith.constant true
      %broadcast_in_dim3A_1748 = vector.broadcast %broadcast_in_dim3A_1747 : i1 to vector<16xi1>
      %masked_cumsum3A_1749 = tpu.scan <sum>, %get3A_1746 masked %broadcast_in_dim3A_1748 : vector<16xf32>, vector<16xi1> -> vector<16xf32>
      %add3A_1750 = arith.addf %masked_cumsum3A_1749, %gather3A_1660 : vector<16xf32>
      %mul3A_1751 = arith.constant 16 : i32
      %mul3A_1752 = arith.muli %scan3A_1662, %mul3A_1751 : i32
      %swap3A_1753 = arith.constant 3 : i32
      %swap3A_1754 = arith.index_cast %swap3A_1753 : i32 to index
      %swap3A_1755 = arith.index_cast %mul3A_1752 : i32 to index
      %swap3A_1756 = tpu.vector_load %arg5[%swap3A_1754, %swap3A_1755] {strides = array<i32>} : memref<4x8192xf32, #tpu.memory_space<vmem>>, vector<16xf32>,
      tpu.vector_store %arg5[%swap3A_1754, %swap3A_1755], %add3A_1750 {strides = array<i32>} : memref<4x8192xf32, #tpu.memory_space<vmem>>, vector<16xf32>,
      %lt3A_1757 = arith.constant 0 : i32
      %lt3A_1758 = vector.broadcast %lt3A_1757 : i32 to vector<16xi32>
      %lt3A_1759 = arith.cmpi slt, %broadcast_in_dim3A_3, %lt3A_1758 : vector<16xi32>
      %add3A_1760 = arith.constant 16 : i32
      %add3A_1761 = vector.broadcast %add3A_1760 : i32 to vector<16xi32>
      %add3A_1762 = arith.addi %broadcast_in_dim3A_3, %add3A_1761 : vector<16xi32>
      %select_n3A_1763 = arith.select %lt3A_1759, %add3A_1762, %broadcast_in_dim3A_3 : vector<16xi1>, vector<16xi32>
      %reshape3A_1764 = vector.shape_cast %select_n3A_1763 : vector<16xi32> to vector<16x1xi32>
      %gather3A_1765 = vector.shape_cast %reshape3A_1764 : vector<16x1xi32> to vector<16xi32>
      %gather3A_1766 = tpu.dynamic_gather %add3A_1750[%gather3A_1765] in [0] : vector<16xf32>, vector<16xi32> -> vector<16xf32>
      scf.yield %gather3A_1688, %gather3A_1714, %gather3A_1740, %gather3A_1766 : vector<16xf32>, vector<16xf32>, vector<16xf32>, vector<16xf32>
    }
    %scan3A_410 = arith.constant 512 : i32
    %add3A_411 = arith.constant 0 : i32
    %add3A_412 = arith.addi %mul3A_2, %add3A_411 : i32
    %dma_start3A_413 = arith.constant 0 : i32
    %dma_start3A_414 = arith.constant 0 : i32
    %dma_start3A_415 = tpu.memref_slice %arg5[%dma_start3A_413, %dma_start3A_414] : memref<4x8192xf32, #tpu.memory_space<vmem>> -> memref<1x8192xf32, #tpu.memory_space<vmem>>
    %dma_start3A_416 = tpu.memref_squeeze %dma_start3A_415 : memref<1x8192xf32, #tpu.memory_space<vmem>> -> memref<8192xf32, #tpu.memory_space<vmem>>
    %dma_start3A_417 = arith.constant 8192 : i32
    %dma_start3A_418 = tpu.memref_slice %arg3[%add3A_412, %dma_start3A_417] : memref<128x32768xf32, #tpu.memory_space<hbm>> -> memref<1x8192xf32, #tpu.memory_space<hbm>>
    %dma_start3A_419 = tpu.memref_squeeze %dma_start3A_418 : memref<1x8192xf32, #tpu.memory_space<hbm>> -> memref<8192xf32, #tpu.memory_space<hbm>>
    %dma_start3A_420 = arith.constant 8192 : i32
    %dma_start3A_421 = tpu.memref_slice %arg3[%add3A_412, %dma_start3A_420] : memref<128x32768xf32, #tpu.memory_space<hbm>> -> memref<1x8192xf32, #tpu.memory_space<hbm>>
    %dma_start3A_422 = tpu.memref_squeeze %dma_start3A_421 : memref<1x8192xf32, #tpu.memory_space<hbm>> -> memref<8192xf32, #tpu.memory_space<hbm>>
    %dma_start3A_423 = arith.constant 0 : i32
    %dma_start3A_424 = tpu.memref_slice %arg5[%dma_start3A_413, %dma_start3A_423] : memref<4x8192xf32, #tpu.memory_space<vmem>> -> memref<1x8192xf32, #tpu.memory_space<vmem>>
    %dma_start3A_425 = tpu.memref_squeeze %dma_start3A_424 : memref<1x8192xf32, #tpu.memory_space<vmem>> -> memref<8192xf32, #tpu.memory_space<vmem>>
    tpu.enqueue_dma source(%dma_start3A_425 : memref<8192xf32, #tpu.memory_space<vmem>>) target(%dma_start3A_422 : memref<8192xf32, #tpu.memory_space<hbm>>) target_semaphore(%arg7 : memref<!tpu.dma_semaphore, #tpu.memory_space<semaphore_mem>>)
    %add3A_426 = arith.constant 1 : i32
    %add3A_427 = arith.addi %mul3A_2, %add3A_426 : i32
    %dma_start3A_428 = arith.constant 1 : i32
    %dma_start3A_429 = arith.constant 0 : i32
    %dma_start3A_430 = tpu.memref_slice %arg5[%dma_start3A_428, %dma_start3A_429] : memref<4x8192xf32, #tpu.memory_space<vmem>> -> memref<1x8192xf32, #tpu.memory_space<vmem>>
    %dma_start3A_431 = tpu.memref_squeeze %dma_start3A_430 : memref<1x8192xf32, #tpu.memory_space<vmem>> -> memref<8192xf32, #tpu.memory_space<vmem>>
    %dma_start3A_432 = arith.constant 8192 : i32
    %dma_start3A_433 = tpu.memref_slice %arg3[%add3A_427, %dma_start3A_432] : memref<128x32768xf32, #tpu.memory_space<hbm>> -> memref<1x8192xf32, #tpu.memory_space<hbm>>
    %dma_start3A_434 = tpu.memref_squeeze %dma_start3A_433 : memref<1x8192xf32, #tpu.memory_space<hbm>> -> memref<8192xf32, #tpu.memory_space<hbm>>
    %dma_start3A_435 = arith.constant 8192 : i32
    %dma_start3A_436 = tpu.memref_slice %arg3[%add3A_427, %dma_start3A_435] : memref<128x32768xf32, #tpu.memory_space<hbm>> -> memref<1x8192xf32, #tpu.memory_space<hbm>>
    %dma_start3A_437 = tpu.memref_squeeze %dma_start3A_436 : memref<1x8192xf32, #tpu.memory_space<hbm>> -> memref<8192xf32, #tpu.memory_space<hbm>>
    %dma_start3A_438 = arith.constant 0 : i32
    %dma_start3A_439 = tpu.memref_slice %arg5[%dma_start3A_428, %dma_start3A_438] : memref<4x8192xf32, #tpu.memory_space<vmem>> -> memref<1x8192xf32, #tpu.memory_space<vmem>>
    %dma_start3A_440 = tpu.memref_squeeze %dma_start3A_439 : memref<1x8192xf32, #tpu.memory_space<vmem>> -> memref<8192xf32, #tpu.memory_space<vmem>>
    tpu.enqueue_dma source(%dma_start3A_440 : memref<8192xf32, #tpu.memory_space<vmem>>) target(%dma_start3A_437 : memref<8192xf32, #tpu.memory_space<hbm>>) target_semaphore(%arg7 : memref<!tpu.dma_semaphore, #tpu.memory_space<semaphore_mem>>)
    %add3A_441 = arith.constant 2 : i32
    %add3A_442 = arith.addi %mul3A_2, %add3A_441 : i32
    %dma_start3A_443 = arith.constant 2 : i32
    %dma_start3A_444 = arith.constant 0 : i32
    %dma_start3A_445 = tpu.memref_slice %arg5[%dma_start3A_443, %dma_start3A_444] : memref<4x8192xf32, #tpu.memory_space<vmem>> -> memref<1x8192xf32, #tpu.memory_space<vmem>>
    %dma_start3A_446 = tpu.memref_squeeze %dma_start3A_445 : memref<1x8192xf32, #tpu.memory_space<vmem>> -> memref<8192xf32, #tpu.memory_space<vmem>>
    %dma_start3A_447 = arith.constant 8192 : i32
    %dma_start3A_448 = tpu.memref_slice %arg3[%add3A_442, %dma_start3A_447] : memref<128x32768xf32, #tpu.memory_space<hbm>> -> memref<1x8192xf32, #tpu.memory_space<hbm>>
    %dma_start3A_449 = tpu.memref_squeeze %dma_start3A_448 : memref<1x8192xf32, #tpu.memory_space<hbm>> -> memref<8192xf32, #tpu.memory_space<hbm>>
    %dma_start3A_450 = arith.constant 8192 : i32
    %dma_start3A_451 = tpu.memref_slice %arg3[%add3A_442, %dma_start3A_450] : memref<128x32768xf32, #tpu.memory_space<hbm>> -> memref<1x8192xf32, #tpu.memory_space<hbm>>
    %dma_start3A_452 = tpu.memref_squeeze %dma_start3A_451 : memref<1x8192xf32, #tpu.memory_space<hbm>> -> memref<8192xf32, #tpu.memory_space<hbm>>
    %dma_start3A_453 = arith.constant 0 : i32
    %dma_start3A_454 = tpu.memref_slice %arg5[%dma_start3A_443, %dma_start3A_453] : memref<4x8192xf32, #tpu.memory_space<vmem>> -> memref<1x8192xf32, #tpu.memory_space<vmem>>
    %dma_start3A_455 = tpu.memref_squeeze %dma_start3A_454 : memref<1x8192xf32, #tpu.memory_space<vmem>> -> memref<8192xf32, #tpu.memory_space<vmem>>
    tpu.enqueue_dma source(%dma_start3A_455 : memref<8192xf32, #tpu.memory_space<vmem>>) target(%dma_start3A_452 : memref<8192xf32, #tpu.memory_space<hbm>>) target_semaphore(%arg7 : memref<!tpu.dma_semaphore, #tpu.memory_space<semaphore_mem>>)
    %add3A_456 = arith.constant 3 : i32
    %add3A_457 = arith.addi %mul3A_2, %add3A_456 : i32
    %dma_start3A_458 = arith.constant 3 : i32
    %dma_start3A_459 = arith.constant 0 : i32
    %dma_start3A_460 = tpu.memref_slice %arg5[%dma_start3A_458, %dma_start3A_459] : memref<4x8192xf32, #tpu.memory_space<vmem>> -> memref<1x8192xf32, #tpu.memory_space<vmem>>
    %dma_start3A_461 = tpu.memref_squeeze %dma_start3A_460 : memref<1x8192xf32, #tpu.memory_space<vmem>> -> memref<8192xf32, #tpu.memory_space<vmem>>
    %dma_start3A_462 = arith.constant 8192 : i32
    %dma_start3A_463 = tpu.memref_slice %arg3[%add3A_457, %dma_start3A_462] : memref<128x32768xf32, #tpu.memory_space<hbm>> -> memref<1x8192xf32, #tpu.memory_space<hbm>>
    %dma_start3A_464 = tpu.memref_squeeze %dma_start3A_463 : memref<1x8192xf32, #tpu.memory_space<hbm>> -> memref<8192xf32, #tpu.memory_space<hbm>>
    %dma_start3A_465 = arith.constant 8192 : i32
    %dma_start3A_466 = tpu.memref_slice %arg3[%add3A_457, %dma_start3A_465] : memref<128x32768xf32, #tpu.memory_space<hbm>> -> memref<1x8192xf32, #tpu.memory_space<hbm>>
    %dma_start3A_467 = tpu.memref_squeeze %dma_start3A_466 : memref<1x8192xf32, #tpu.memory_space<hbm>> -> memref<8192xf32, #tpu.memory_space<hbm>>
    %dma_start3A_468 = arith.constant 0 : i32
    %dma_start3A_469 = tpu.memref_slice %arg5[%dma_start3A_458, %dma_start3A_468] : memref<4x8192xf32, #tpu.memory_space<vmem>> -> memref<1x8192xf32, #tpu.memory_space<vmem>>
    %dma_start3A_470 = tpu.memref_squeeze %dma_start3A_469 : memref<1x8192xf32, #tpu.memory_space<vmem>> -> memref<8192xf32, #tpu.memory_space<vmem>>
    tpu.enqueue_dma source(%dma_start3A_470 : memref<8192xf32, #tpu.memory_space<vmem>>) target(%dma_start3A_467 : memref<8192xf32, #tpu.memory_space<hbm>>) target_semaphore(%arg7 : memref<!tpu.dma_semaphore, #tpu.memory_space<semaphore_mem>>)
    %dma_wait3A_471 = arith.constant 0 : i32
    %dma_wait3A_472 = arith.constant 0 : i32
    %dma_wait3A_473 = tpu.memref_slice %arg4[%dma_wait3A_471, %dma_wait3A_472] : memref<4x8192xf32, #tpu.memory_space<vmem>> -> memref<1x8192xf32, #tpu.memory_space<vmem>>
    %dma_wait3A_474 = tpu.memref_squeeze %dma_wait3A_473 : memref<1x8192xf32, #tpu.memory_space<vmem>> -> memref<8192xf32, #tpu.memory_space<vmem>>
    %dma_wait3A_475 = arith.constant 16384 : i32
    %dma_wait3A_476 = tpu.memref_slice %arg2[%add3A_346, %dma_wait3A_475] : memref<128x32768xf32, #tpu.memory_space<hbm>> -> memref<1x8192xf32, #tpu.memory_space<hbm>>
    %dma_wait3A_477 = tpu.memref_squeeze %dma_wait3A_476 : memref<1x8192xf32, #tpu.memory_space<hbm>> -> memref<8192xf32, #tpu.memory_space<hbm>>
    %dma_wait3A_478 = arith.constant 0 : i32
    %dma_wait3A_479 = tpu.memref_slice %arg4[%dma_wait3A_471, %dma_wait3A_478] : memref<4x8192xf32, #tpu.memory_space<vmem>> -> memref<1x8192xf32, #tpu.memory_space<vmem>>
    %dma_wait3A_480 = tpu.memref_squeeze %dma_wait3A_479 : memref<1x8192xf32, #tpu.memory_space<vmem>> -> memref<8192xf32, #tpu.memory_space<vmem>>
    %dma_wait3A_481 = arith.constant 16384 : i32
    %dma_wait3A_482 = tpu.memref_slice %arg2[%add3A_346, %dma_wait3A_481] : memref<128x32768xf32, #tpu.memory_space<hbm>> -> memref<1x8192xf32, #tpu.memory_space<hbm>>
    %dma_wait3A_483 = tpu.memref_squeeze %dma_wait3A_482 : memref<1x8192xf32, #tpu.memory_space<hbm>> -> memref<8192xf32, #tpu.memory_space<hbm>>
    tpu.wait_dma2 semaphore(%arg6 : memref<!tpu.dma_semaphore, #tpu.memory_space<semaphore_mem>>) src(%dma_wait3A_483 : memref<8192xf32, #tpu.memory_space<hbm>>) dst(%dma_wait3A_480 : memref<8192xf32, #tpu.memory_space<vmem>>)
    %dma_wait3A_484 = arith.constant 1 : i32
    %dma_wait3A_485 = arith.constant 0 : i32
    %dma_wait3A_486 = tpu.memref_slice %arg4[%dma_wait3A_484, %dma_wait3A_485] : memref<4x8192xf32, #tpu.memory_space<vmem>> -> memref<1x8192xf32, #tpu.memory_space<vmem>>
    %dma_wait3A_487 = tpu.memref_squeeze %dma_wait3A_486 : memref<1x8192xf32, #tpu.memory_space<vmem>> -> memref<8192xf32, #tpu.memory_space<vmem>>
    %dma_wait3A_488 = arith.constant 16384 : i32
    %dma_wait3A_489 = tpu.memref_slice %arg2[%add3A_361, %dma_wait3A_488] : memref<128x32768xf32, #tpu.memory_space<hbm>> -> memref<1x8192xf32, #tpu.memory_space<hbm>>
    %dma_wait3A_490 = tpu.memref_squeeze %dma_wait3A_489 : memref<1x8192xf32, #tpu.memory_space<hbm>> -> memref<8192xf32, #tpu.memory_space<hbm>>
    %dma_wait3A_491 = arith.constant 0 : i32
    %dma_wait3A_492 = tpu.memref_slice %arg4[%dma_wait3A_484, %dma_wait3A_491] : memref<4x8192xf32, #tpu.memory_space<vmem>> -> memref<1x8192xf32, #tpu.memory_space<vmem>>
    %dma_wait3A_493 = tpu.memref_squeeze %dma_wait3A_492 : memref<1x8192xf32, #tpu.memory_space<vmem>> -> memref<8192xf32, #tpu.memory_space<vmem>>
    %dma_wait3A_494 = arith.constant 16384 : i32
    %dma_wait3A_495 = tpu.memref_slice %arg2[%add3A_361, %dma_wait3A_494] : memref<128x32768xf32, #tpu.memory_space<hbm>> -> memref<1x8192xf32, #tpu.memory_space<hbm>>
    %dma_wait3A_496 = tpu.memref_squeeze %dma_wait3A_495 : memref<1x8192xf32, #tpu.memory_space<hbm>> -> memref<8192xf32, #tpu.memory_space<hbm>>
    tpu.wait_dma2 semaphore(%arg6 : memref<!tpu.dma_semaphore, #tpu.memory_space<semaphore_mem>>) src(%dma_wait3A_496 : memref<8192xf32, #tpu.memory_space<hbm>>) dst(%dma_wait3A_493 : memref<8192xf32, #tpu.memory_space<vmem>>)
    %dma_wait3A_497 = arith.constant 2 : i32
    %dma_wait3A_498 = arith.constant 0 : i32
    %dma_wait3A_499 = tpu.memref_slice %arg4[%dma_wait3A_497, %dma_wait3A_498] : memref<4x8192xf32, #tpu.memory_space<vmem>> -> memref<1x8192xf32, #tpu.memory_space<vmem>>
    %dma_wait3A_500 = tpu.memref_squeeze %dma_wait3A_499 : memref<1x8192xf32, #tpu.memory_space<vmem>> -> memref<8192xf32, #tpu.memory_space<vmem>>
    %dma_wait3A_501 = arith.constant 16384 : i32
    %dma_wait3A_502 = tpu.memref_slice %arg2[%add3A_376, %dma_wait3A_501] : memref<128x32768xf32, #tpu.memory_space<hbm>> -> memref<1x8192xf32, #tpu.memory_space<hbm>>
    %dma_wait3A_503 = tpu.memref_squeeze %dma_wait3A_502 : memref<1x8192xf32, #tpu.memory_space<hbm>> -> memref<8192xf32, #tpu.memory_space<hbm>>
    %dma_wait3A_504 = arith.constant 0 : i32
    %dma_wait3A_505 = tpu.memref_slice %arg4[%dma_wait3A_497, %dma_wait3A_504] : memref<4x8192xf32, #tpu.memory_space<vmem>> -> memref<1x8192xf32, #tpu.memory_space<vmem>>
    %dma_wait3A_506 = tpu.memref_squeeze %dma_wait3A_505 : memref<1x8192xf32, #tpu.memory_space<vmem>> -> memref<8192xf32, #tpu.memory_space<vmem>>
    %dma_wait3A_507 = arith.constant 16384 : i32
    %dma_wait3A_508 = tpu.memref_slice %arg2[%add3A_376, %dma_wait3A_507] : memref<128x32768xf32, #tpu.memory_space<hbm>> -> memref<1x8192xf32, #tpu.memory_space<hbm>>
    %dma_wait3A_509 = tpu.memref_squeeze %dma_wait3A_508 : memref<1x8192xf32, #tpu.memory_space<hbm>> -> memref<8192xf32, #tpu.memory_space<hbm>>
    tpu.wait_dma2 semaphore(%arg6 : memref<!tpu.dma_semaphore, #tpu.memory_space<semaphore_mem>>) src(%dma_wait3A_509 : memref<8192xf32, #tpu.memory_space<hbm>>) dst(%dma_wait3A_506 : memref<8192xf32, #tpu.memory_space<vmem>>)
    %dma_wait3A_510 = arith.constant 3 : i32
    %dma_wait3A_511 = arith.constant 0 : i32
    %dma_wait3A_512 = tpu.memref_slice %arg4[%dma_wait3A_510, %dma_wait3A_511] : memref<4x8192xf32, #tpu.memory_space<vmem>> -> memref<1x8192xf32, #tpu.memory_space<vmem>>
    %dma_wait3A_513 = tpu.memref_squeeze %dma_wait3A_512 : memref<1x8192xf32, #tpu.memory_space<vmem>> -> memref<8192xf32, #tpu.memory_space<vmem>>
    %dma_wait3A_514 = arith.constant 16384 : i32
    %dma_wait3A_515 = tpu.memref_slice %arg2[%add3A_391, %dma_wait3A_514] : memref<128x32768xf32, #tpu.memory_space<hbm>> -> memref<1x8192xf32, #tpu.memory_space<hbm>>
    %dma_wait3A_516 = tpu.memref_squeeze %dma_wait3A_515 : memref<1x8192xf32, #tpu.memory_space<hbm>> -> memref<8192xf32, #tpu.memory_space<hbm>>
    %dma_wait3A_517 = arith.constant 0 : i32
    %dma_wait3A_518 = tpu.memref_slice %arg4[%dma_wait3A_510, %dma_wait3A_517] : memref<4x8192xf32, #tpu.memory_space<vmem>> -> memref<1x8192xf32, #tpu.memory_space<vmem>>
    %dma_wait3A_519 = tpu.memref_squeeze %dma_wait3A_518 : memref<1x8192xf32, #tpu.memory_space<vmem>> -> memref<8192xf32, #tpu.memory_space<vmem>>
    %dma_wait3A_520 = arith.constant 16384 : i32
    %dma_wait3A_521 = tpu.memref_slice %arg2[%add3A_391, %dma_wait3A_520] : memref<128x32768xf32, #tpu.memory_space<hbm>> -> memref<1x8192xf32, #tpu.memory_space<hbm>>
    %dma_wait3A_522 = tpu.memref_squeeze %dma_wait3A_521 : memref<1x8192xf32, #tpu.memory_space<hbm>> -> memref<8192xf32, #tpu.memory_space<hbm>>
    tpu.wait_dma2 semaphore(%arg6 : memref<!tpu.dma_semaphore, #tpu.memory_space<semaphore_mem>>) src(%dma_wait3A_522 : memref<8192xf32, #tpu.memory_space<hbm>>) dst(%dma_wait3A_519 : memref<8192xf32, #tpu.memory_space<vmem>>)
    %dma_wait3A_523 = arith.constant 0 : i32
    %dma_wait3A_524 = arith.constant 0 : i32
    %dma_wait3A_525 = tpu.memref_slice %arg5[%dma_wait3A_523, %dma_wait3A_524] : memref<4x8192xf32, #tpu.memory_space<vmem>> -> memref<1x8192xf32, #tpu.memory_space<vmem>>
    %dma_wait3A_526 = tpu.memref_squeeze %dma_wait3A_525 : memref<1x8192xf32, #tpu.memory_space<vmem>> -> memref<8192xf32, #tpu.memory_space<vmem>>
    %dma_wait3A_527 = arith.constant 8192 : i32
    %dma_wait3A_528 = tpu.memref_slice %arg3[%add3A_412, %dma_wait3A_527] : memref<128x32768xf32, #tpu.memory_space<hbm>> -> memref<1x8192xf32, #tpu.memory_space<hbm>>
    %dma_wait3A_529 = tpu.memref_squeeze %dma_wait3A_528 : memref<1x8192xf32, #tpu.memory_space<hbm>> -> memref<8192xf32, #tpu.memory_space<hbm>>
    %dma_wait3A_530 = arith.constant 8192 : i32
    %dma_wait3A_531 = tpu.memref_slice %arg3[%add3A_412, %dma_wait3A_530] : memref<128x32768xf32, #tpu.memory_space<hbm>> -> memref<1x8192xf32, #tpu.memory_space<hbm>>
    %dma_wait3A_532 = tpu.memref_squeeze %dma_wait3A_531 : memref<1x8192xf32, #tpu.memory_space<hbm>> -> memref<8192xf32, #tpu.memory_space<hbm>>
    %dma_wait3A_533 = arith.constant 0 : i32
    %dma_wait3A_534 = tpu.memref_slice %arg5[%dma_wait3A_523, %dma_wait3A_533] : memref<4x8192xf32, #tpu.memory_space<vmem>> -> memref<1x8192xf32, #tpu.memory_space<vmem>>
    %dma_wait3A_535 = tpu.memref_squeeze %dma_wait3A_534 : memref<1x8192xf32, #tpu.memory_space<vmem>> -> memref<8192xf32, #tpu.memory_space<vmem>>
    tpu.wait_dma2 semaphore(%arg7 : memref<!tpu.dma_semaphore, #tpu.memory_space<semaphore_mem>>) src(%dma_wait3A_535 : memref<8192xf32, #tpu.memory_space<vmem>>) dst(%dma_wait3A_532 : memref<8192xf32, #tpu.memory_space<hbm>>)
    %dma_wait3A_536 = arith.constant 1 : i32
    %dma_wait3A_537 = arith.constant 0 : i32
    %dma_wait3A_538 = tpu.memref_slice %arg5[%dma_wait3A_536, %dma_wait3A_537] : memref<4x8192xf32, #tpu.memory_space<vmem>> -> memref<1x8192xf32, #tpu.memory_space<vmem>>
    %dma_wait3A_539 = tpu.memref_squeeze %dma_wait3A_538 : memref<1x8192xf32, #tpu.memory_space<vmem>> -> memref<8192xf32, #tpu.memory_space<vmem>>
    %dma_wait3A_540 = arith.constant 8192 : i32
    %dma_wait3A_541 = tpu.memref_slice %arg3[%add3A_427, %dma_wait3A_540] : memref<128x32768xf32, #tpu.memory_space<hbm>> -> memref<1x8192xf32, #tpu.memory_space<hbm>>
    %dma_wait3A_542 = tpu.memref_squeeze %dma_wait3A_541 : memref<1x8192xf32, #tpu.memory_space<hbm>> -> memref<8192xf32, #tpu.memory_space<hbm>>
    %dma_wait3A_543 = arith.constant 8192 : i32
    %dma_wait3A_544 = tpu.memref_slice %arg3[%add3A_427, %dma_wait3A_543] : memref<128x32768xf32, #tpu.memory_space<hbm>> -> memref<1x8192xf32, #tpu.memory_space<hbm>>
    %dma_wait3A_545 = tpu.memref_squeeze %dma_wait3A_544 : memref<1x8192xf32, #tpu.memory_space<hbm>> -> memref<8192xf32, #tpu.memory_space<hbm>>
    %dma_wait3A_546 = arith.constant 0 : i32
    %dma_wait3A_547 = tpu.memref_slice %arg5[%dma_wait3A_536, %dma_wait3A_546] : memref<4x8192xf32, #tpu.memory_space<vmem>> -> memref<1x8192xf32, #tpu.memory_space<vmem>>
    %dma_wait3A_548 = tpu.memref_squeeze %dma_wait3A_547 : memref<1x8192xf32, #tpu.memory_space<vmem>> -> memref<8192xf32, #tpu.memory_space<vmem>>
    tpu.wait_dma2 semaphore(%arg7 : memref<!tpu.dma_semaphore, #tpu.memory_space<semaphore_mem>>) src(%dma_wait3A_548 : memref<8192xf32, #tpu.memory_space<vmem>>) dst(%dma_wait3A_545 : memref<8192xf32, #tpu.memory_space<hbm>>)
    %dma_wait3A_549 = arith.constant 2 : i32
    %dma_wait3A_550 = arith.constant 0 : i32
    %dma_wait3A_551 = tpu.memref_slice %arg5[%dma_wait3A_549, %dma_wait3A_550] : memref<4x8192xf32, #tpu.memory_space<vmem>> -> memref<1x8192xf32, #tpu.memory_space<vmem>>
    %dma_wait3A_552 = tpu.memref_squeeze %dma_wait3A_551 : memref<1x8192xf32, #tpu.memory_space<vmem>> -> memref<8192xf32, #tpu.memory_space<vmem>>
    %dma_wait3A_553 = arith.constant 8192 : i32
    %dma_wait3A_554 = tpu.memref_slice %arg3[%add3A_442, %dma_wait3A_553] : memref<128x32768xf32, #tpu.memory_space<hbm>> -> memref<1x8192xf32, #tpu.memory_space<hbm>>
    %dma_wait3A_555 = tpu.memref_squeeze %dma_wait3A_554 : memref<1x8192xf32, #tpu.memory_space<hbm>> -> memref<8192xf32, #tpu.memory_space<hbm>>
    %dma_wait3A_556 = arith.constant 8192 : i32
    %dma_wait3A_557 = tpu.memref_slice %arg3[%add3A_442, %dma_wait3A_556] : memref<128x32768xf32, #tpu.memory_space<hbm>> -> memref<1x8192xf32, #tpu.memory_space<hbm>>
    %dma_wait3A_558 = tpu.memref_squeeze %dma_wait3A_557 : memref<1x8192xf32, #tpu.memory_space<hbm>> -> memref<8192xf32, #tpu.memory_space<hbm>>
    %dma_wait3A_559 = arith.constant 0 : i32
    %dma_wait3A_560 = tpu.memref_slice %arg5[%dma_wait3A_549, %dma_wait3A_559] : memref<4x8192xf32, #tpu.memory_space<vmem>> -> memref<1x8192xf32, #tpu.memory_space<vmem>>
    %dma_wait3A_561 = tpu.memref_squeeze %dma_wait3A_560 : memref<1x8192xf32, #tpu.memory_space<vmem>> -> memref<8192xf32, #tpu.memory_space<vmem>>
    tpu.wait_dma2 semaphore(%arg7 : memref<!tpu.dma_semaphore, #tpu.memory_space<semaphore_mem>>) src(%dma_wait3A_561 : memref<8192xf32, #tpu.memory_space<vmem>>) dst(%dma_wait3A_558 : memref<8192xf32, #tpu.memory_space<hbm>>)
    %dma_wait3A_562 = arith.constant 3 : i32
    %dma_wait3A_563 = arith.constant 0 : i32
    %dma_wait3A_564 = tpu.memref_slice %arg5[%dma_wait3A_562, %dma_wait3A_563] : memref<4x8192xf32, #tpu.memory_space<vmem>> -> memref<1x8192xf32, #tpu.memory_space<vmem>>
    %dma_wait3A_565 = tpu.memref_squeeze %dma_wait3A_564 : memref<1x8192xf32, #tpu.memory_space<vmem>> -> memref<8192xf32, #tpu.memory_space<vmem>>
    %dma_wait3A_566 = arith.constant 8192 : i32
    %dma_wait3A_567 = tpu.memref_slice %arg3[%add3A_457, %dma_wait3A_566] : memref<128x32768xf32, #tpu.memory_space<hbm>> -> memref<1x8192xf32, #tpu.memory_space<hbm>>
    %dma_wait3A_568 = tpu.memref_squeeze %dma_wait3A_567 : memref<1x8192xf32, #tpu.memory_space<hbm>> -> memref<8192xf32, #tpu.memory_space<hbm>>
    %dma_wait3A_569 = arith.constant 8192 : i32
    %dma_wait3A_570 = tpu.memref_slice %arg3[%add3A_457, %dma_wait3A_569] : memref<128x32768xf32, #tpu.memory_space<hbm>> -> memref<1x8192xf32, #tpu.memory_space<hbm>>
    %dma_wait3A_571 = tpu.memref_squeeze %dma_wait3A_570 : memref<1x8192xf32, #tpu.memory_space<hbm>> -> memref<8192xf32, #tpu.memory_space<hbm>>
    %dma_wait3A_572 = arith.constant 0 : i32
    %dma_wait3A_573 = tpu.memref_slice %arg5[%dma_wait3A_562, %dma_wait3A_572] : memref<4x8192xf32, #tpu.memory_space<vmem>> -> memref<1x8192xf32, #tpu.memory_space<vmem>>
    %dma_wait3A_574 = tpu.memref_squeeze %dma_wait3A_573 : memref<1x8192xf32, #tpu.memory_space<vmem>> -> memref<8192xf32, #tpu.memory_space<vmem>>
    tpu.wait_dma2 semaphore(%arg7 : memref<!tpu.dma_semaphore, #tpu.memory_space<semaphore_mem>>) src(%dma_wait3A_574 : memref<8192xf32, #tpu.memory_space<vmem>>) dst(%dma_wait3A_571 : memref<8192xf32, #tpu.memory_space<hbm>>)
    %add3A_575 = arith.constant 0 : i32
    %add3A_576 = arith.addi %mul3A_2, %add3A_575 : i32
    %dma_start3A_577 = arith.constant 0 : i32
    %dma_start3A_578 = arith.constant 0 : i32
    %dma_start3A_579 = tpu.memref_slice %arg5[%dma_start3A_577, %dma_start3A_578] : memref<4x8192xf32, #tpu.memory_space<vmem>> -> memref<1x8192xf32, #tpu.memory_space<vmem>>
    %dma_start3A_580 = tpu.memref_squeeze %dma_start3A_579 : memref<1x8192xf32, #tpu.memory_space<vmem>> -> memref<8192xf32, #tpu.memory_space<vmem>>
    %dma_start3A_581 = arith.constant 24576 : i32
    %dma_start3A_582 = tpu.memref_slice %arg2[%add3A_576, %dma_start3A_581] : memref<128x32768xf32, #tpu.memory_space<hbm>> -> memref<1x8192xf32, #tpu.memory_space<hbm>>
    %dma_start3A_583 = tpu.memref_squeeze %dma_start3A_582 : memref<1x8192xf32, #tpu.memory_space<hbm>> -> memref<8192xf32, #tpu.memory_space<hbm>>
    %dma_start3A_584 = arith.constant 0 : i32
    %dma_start3A_585 = tpu.memref_slice %arg5[%dma_start3A_577, %dma_start3A_584] : memref<4x8192xf32, #tpu.memory_space<vmem>> -> memref<1x8192xf32, #tpu.memory_space<vmem>>
    %dma_start3A_586 = tpu.memref_squeeze %dma_start3A_585 : memref<1x8192xf32, #tpu.memory_space<vmem>> -> memref<8192xf32, #tpu.memory_space<vmem>>
    %dma_start3A_587 = arith.constant 24576 : i32
    %dma_start3A_588 = tpu.memref_slice %arg2[%add3A_576, %dma_start3A_587] : memref<128x32768xf32, #tpu.memory_space<hbm>> -> memref<1x8192xf32, #tpu.memory_space<hbm>>
    %dma_start3A_589 = tpu.memref_squeeze %dma_start3A_588 : memref<1x8192xf32, #tpu.memory_space<hbm>> -> memref<8192xf32, #tpu.memory_space<hbm>>
    tpu.enqueue_dma source(%dma_start3A_589 : memref<8192xf32, #tpu.memory_space<hbm>>) target(%dma_start3A_586 : memref<8192xf32, #tpu.memory_space<vmem>>) target_semaphore(%arg6 : memref<!tpu.dma_semaphore, #tpu.memory_space<semaphore_mem>>)
    %add3A_590 = arith.constant 1 : i32
    %add3A_591 = arith.addi %mul3A_2, %add3A_590 : i32
    %dma_start3A_592 = arith.constant 1 : i32
    %dma_start3A_593 = arith.constant 0 : i32
    %dma_start3A_594 = tpu.memref_slice %arg5[%dma_start3A_592, %dma_start3A_593] : memref<4x8192xf32, #tpu.memory_space<vmem>> -> memref<1x8192xf32, #tpu.memory_space<vmem>>
    %dma_start3A_595 = tpu.memref_squeeze %dma_start3A_594 : memref<1x8192xf32, #tpu.memory_space<vmem>> -> memref<8192xf32, #tpu.memory_space<vmem>>
    %dma_start3A_596 = arith.constant 24576 : i32
    %dma_start3A_597 = tpu.memref_slice %arg2[%add3A_591, %dma_start3A_596] : memref<128x32768xf32, #tpu.memory_space<hbm>> -> memref<1x8192xf32, #tpu.memory_space<hbm>>
    %dma_start3A_598 = tpu.memref_squeeze %dma_start3A_597 : memref<1x8192xf32, #tpu.memory_space<hbm>> -> memref<8192xf32, #tpu.memory_space<hbm>>
    %dma_start3A_599 = arith.constant 0 : i32
    %dma_start3A_600 = tpu.memref_slice %arg5[%dma_start3A_592, %dma_start3A_599] : memref<4x8192xf32, #tpu.memory_space<vmem>> -> memref<1x8192xf32, #tpu.memory_space<vmem>>
    %dma_start3A_601 = tpu.memref_squeeze %dma_start3A_600 : memref<1x8192xf32, #tpu.memory_space<vmem>> -> memref<8192xf32, #tpu.memory_space<vmem>>
    %dma_start3A_602 = arith.constant 24576 : i32
    %dma_start3A_603 = tpu.memref_slice %arg2[%add3A_591, %dma_start3A_602] : memref<128x32768xf32, #tpu.memory_space<hbm>> -> memref<1x8192xf32, #tpu.memory_space<hbm>>
    %dma_start3A_604 = tpu.memref_squeeze %dma_start3A_603 : memref<1x8192xf32, #tpu.memory_space<hbm>> -> memref<8192xf32, #tpu.memory_space<hbm>>
    tpu.enqueue_dma source(%dma_start3A_604 : memref<8192xf32, #tpu.memory_space<hbm>>) target(%dma_start3A_601 : memref<8192xf32, #tpu.memory_space<vmem>>) target_semaphore(%arg6 : memref<!tpu.dma_semaphore, #tpu.memory_space<semaphore_mem>>)
    %add3A_605 = arith.constant 2 : i32
    %add3A_606 = arith.addi %mul3A_2, %add3A_605 : i32
    %dma_start3A_607 = arith.constant 2 : i32
    %dma_start3A_608 = arith.constant 0 : i32
    %dma_start3A_609 = tpu.memref_slice %arg5[%dma_start3A_607, %dma_start3A_608] : memref<4x8192xf32, #tpu.memory_space<vmem>> -> memref<1x8192xf32, #tpu.memory_space<vmem>>
    %dma_start3A_610 = tpu.memref_squeeze %dma_start3A_609 : memref<1x8192xf32, #tpu.memory_space<vmem>> -> memref<8192xf32, #tpu.memory_space<vmem>>
    %dma_start3A_611 = arith.constant 24576 : i32
    %dma_start3A_612 = tpu.memref_slice %arg2[%add3A_606, %dma_start3A_611] : memref<128x32768xf32, #tpu.memory_space<hbm>> -> memref<1x8192xf32, #tpu.memory_space<hbm>>
    %dma_start3A_613 = tpu.memref_squeeze %dma_start3A_612 : memref<1x8192xf32, #tpu.memory_space<hbm>> -> memref<8192xf32, #tpu.memory_space<hbm>>
    %dma_start3A_614 = arith.constant 0 : i32
    %dma_start3A_615 = tpu.memref_slice %arg5[%dma_start3A_607, %dma_start3A_614] : memref<4x8192xf32, #tpu.memory_space<vmem>> -> memref<1x8192xf32, #tpu.memory_space<vmem>>
    %dma_start3A_616 = tpu.memref_squeeze %dma_start3A_615 : memref<1x8192xf32, #tpu.memory_space<vmem>> -> memref<8192xf32, #tpu.memory_space<vmem>>
    %dma_start3A_617 = arith.constant 24576 : i32
    %dma_start3A_618 = tpu.memref_slice %arg2[%add3A_606, %dma_start3A_617] : memref<128x32768xf32, #tpu.memory_space<hbm>> -> memref<1x8192xf32, #tpu.memory_space<hbm>>
    %dma_start3A_619 = tpu.memref_squeeze %dma_start3A_618 : memref<1x8192xf32, #tpu.memory_space<hbm>> -> memref<8192xf32, #tpu.memory_space<hbm>>
    tpu.enqueue_dma source(%dma_start3A_619 : memref<8192xf32, #tpu.memory_space<hbm>>) target(%dma_start3A_616 : memref<8192xf32, #tpu.memory_space<vmem>>) target_semaphore(%arg6 : memref<!tpu.dma_semaphore, #tpu.memory_space<semaphore_mem>>)
    %add3A_620 = arith.constant 3 : i32
    %add3A_621 = arith.addi %mul3A_2, %add3A_620 : i32
    %dma_start3A_622 = arith.constant 3 : i32
    %dma_start3A_623 = arith.constant 0 : i32
    %dma_start3A_624 = tpu.memref_slice %arg5[%dma_start3A_622, %dma_start3A_623] : memref<4x8192xf32, #tpu.memory_space<vmem>> -> memref<1x8192xf32, #tpu.memory_space<vmem>>
    %dma_start3A_625 = tpu.memref_squeeze %dma_start3A_624 : memref<1x8192xf32, #tpu.memory_space<vmem>> -> memref<8192xf32, #tpu.memory_space<vmem>>
    %dma_start3A_626 = arith.constant 24576 : i32
    %dma_start3A_627 = tpu.memref_slice %arg2[%add3A_621, %dma_start3A_626] : memref<128x32768xf32, #tpu.memory_space<hbm>> -> memref<1x8192xf32, #tpu.memory_space<hbm>>
    %dma_start3A_628 = tpu.memref_squeeze %dma_start3A_627 : memref<1x8192xf32, #tpu.memory_space<hbm>> -> memref<8192xf32, #tpu.memory_space<hbm>>
    %dma_start3A_629 = arith.constant 0 : i32
    %dma_start3A_630 = tpu.memref_slice %arg5[%dma_start3A_622, %dma_start3A_629] : memref<4x8192xf32, #tpu.memory_space<vmem>> -> memref<1x8192xf32, #tpu.memory_space<vmem>>
    %dma_start3A_631 = tpu.memref_squeeze %dma_start3A_630 : memref<1x8192xf32, #tpu.memory_space<vmem>> -> memref<8192xf32, #tpu.memory_space<vmem>>
    %dma_start3A_632 = arith.constant 24576 : i32
    %dma_start3A_633 = tpu.memref_slice %arg2[%add3A_621, %dma_start3A_632] : memref<128x32768xf32, #tpu.memory_space<hbm>> -> memref<1x8192xf32, #tpu.memory_space<hbm>>
    %dma_start3A_634 = tpu.memref_squeeze %dma_start3A_633 : memref<1x8192xf32, #tpu.memory_space<hbm>> -> memref<8192xf32, #tpu.memory_space<hbm>>
    tpu.enqueue_dma source(%dma_start3A_634 : memref<8192xf32, #tpu.memory_space<hbm>>) target(%dma_start3A_631 : memref<8192xf32, #tpu.memory_space<vmem>>) target_semaphore(%arg6 : memref<!tpu.dma_semaphore, #tpu.memory_space<semaphore_mem>>)
    %scan3A_635 = arith.constant 0 : i32
    %scan3A_636 = arith.constant 512 : i32
    %scan3A_637 = arith.addi %scan3A_635, %scan3A_636 : i32
    %scan3A_638 = arith.constant 8 : i32
    %scan3A_639:4 = scf.for %scan3A_923 = %scan3A_635 to %scan3A_637 step %scan3A_638 iter_args(%scan3A_924 = %scan3A_409#0, %scan3A_925 = %scan3A_409#1, %scan3A_926 = %scan3A_409#2, %scan3A_927 = %scan3A_409#3) -> (vector<16xf32>, vector<16xf32>, vector<16xf32>, vector<16xf32>)  : i32 {
      %mul3A_928 = arith.constant 16 : i32
      %mul3A_929 = arith.muli %scan3A_923, %mul3A_928 : i32
      %get3A = arith.constant 0 : i32
      %get3A_930 = arith.index_cast %get3A : i32 to index
      %get3A_931 = arith.index_cast %mul3A_929 : i32 to index
      %get3A_932 = tpu.vector_load %arg4[%get3A_930, %get3A_931] {strides = array<i32>} : memref<4x8192xf32, #tpu.memory_space<vmem>>, vector<16xf32>,
      %broadcast_in_dim3A_933 = arith.constant true
      %broadcast_in_dim3A_934 = vector.broadcast %broadcast_in_dim3A_933 : i1 to vector<16xi1>
      %masked_cumsum3A = tpu.scan <sum>, %get3A_932 masked %broadcast_in_dim3A_934 : vector<16xf32>, vector<16xi1> -> vector<16xf32>
      %add3A_935 = arith.addf %masked_cumsum3A, %scan3A_924 : vector<16xf32>
      %mul3A_936 = arith.constant 16 : i32
      %mul3A_937 = arith.muli %scan3A_923, %mul3A_936 : i32
      %swap3A = arith.constant 0 : i32
      %swap3A_938 = arith.index_cast %swap3A : i32 to index
      %swap3A_939 = arith.index_cast %mul3A_937 : i32 to index
      %swap3A_940 = tpu.vector_load %arg4[%swap3A_938, %swap3A_939] {strides = array<i32>} : memref<4x8192xf32, #tpu.memory_space<vmem>>, vector<16xf32>,
      tpu.vector_store %arg4[%swap3A_938, %swap3A_939], %add3A_935 {strides = array<i32>} : memref<4x8192xf32, #tpu.memory_space<vmem>>, vector<16xf32>,
      %lt3A = arith.constant 0 : i32
      %lt3A_941 = vector.broadcast %lt3A : i32 to vector<16xi32>
      %lt3A_942 = arith.cmpi slt, %broadcast_in_dim3A_3, %lt3A_941 : vector<16xi32>
      %add3A_943 = arith.constant 16 : i32
      %add3A_944 = vector.broadcast %add3A_943 : i32 to vector<16xi32>
      %add3A_945 = arith.addi %broadcast_in_dim3A_3, %add3A_944 : vector<16xi32>
      %select_n3A = arith.select %lt3A_942, %add3A_945, %broadcast_in_dim3A_3 : vector<16xi1>, vector<16xi32>
      %reshape3A = vector.shape_cast %select_n3A : vector<16xi32> to vector<16x1xi32>
      %gather3A = vector.shape_cast %reshape3A : vector<16x1xi32> to vector<16xi32>
      %gather3A_946 = tpu.dynamic_gather %add3A_935[%gather3A] in [0] : vector<16xf32>, vector<16xi32> -> vector<16xf32>
      %mul3A_947 = arith.constant 16 : i32
      %mul3A_948 = arith.muli %scan3A_923, %mul3A_947 : i32
      %get3A_949 = arith.constant 1 : i32
      %get3A_950 = arith.index_cast %get3A_949 : i32 to index
      %get3A_951 = arith.index_cast %mul3A_948 : i32 to index
      %get3A_952 = tpu.vector_load %arg4[%get3A_950, %get3A_951] {strides = array<i32>} : memref<4x8192xf32, #tpu.memory_space<vmem>>, vector<16xf32>,
      %broadcast_in_dim3A_953 = arith.constant true
      %broadcast_in_dim3A_954 = vector.broadcast %broadcast_in_dim3A_953 : i1 to vector<16xi1>
      %masked_cumsum3A_955 = tpu.scan <sum>, %get3A_952 masked %broadcast_in_dim3A_954 : vector<16xf32>, vector<16xi1> -> vector<16xf32>
      %add3A_956 = arith.addf %masked_cumsum3A_955, %scan3A_925 : vector<16xf32>
      %mul3A_957 = arith.constant 16 : i32
      %mul3A_958 = arith.muli %scan3A_923, %mul3A_957 : i32
      %swap3A_959 = arith.constant 1 : i32
      %swap3A_960 = arith.index_cast %swap3A_959 : i32 to index
      %swap3A_961 = arith.index_cast %mul3A_958 : i32 to index
      %swap3A_962 = tpu.vector_load %arg4[%swap3A_960, %swap3A_961] {strides = array<i32>} : memref<4x8192xf32, #tpu.memory_space<vmem>>, vector<16xf32>,
      tpu.vector_store %arg4[%swap3A_960, %swap3A_961], %add3A_956 {strides = array<i32>} : memref<4x8192xf32, #tpu.memory_space<vmem>>, vector<16xf32>,
      %lt3A_963 = arith.constant 0 : i32
      %lt3A_964 = vector.broadcast %lt3A_963 : i32 to vector<16xi32>
      %lt3A_965 = arith.cmpi slt, %broadcast_in_dim3A_3, %lt3A_964 : vector<16xi32>
      %add3A_966 = arith.constant 16 : i32
      %add3A_967 = vector.broadcast %add3A_966 : i32 to vector<16xi32>
      %add3A_968 = arith.addi %broadcast_in_dim3A_3, %add3A_967 : vector<16xi32>
      %select_n3A_969 = arith.select %lt3A_965, %add3A_968, %broadcast_in_dim3A_3 : vector<16xi1>, vector<16xi32>
      %reshape3A_970 = vector.shape_cast %select_n3A_969 : vector<16xi32> to vector<16x1xi32>
      %gather3A_971 = vector.shape_cast %reshape3A_970 : vector<16x1xi32> to vector<16xi32>
      %gather3A_972 = tpu.dynamic_gather %add3A_956[%gather3A_971] in [0] : vector<16xf32>, vector<16xi32> -> vector<16xf32>
      %mul3A_973 = arith.constant 16 : i32
      %mul3A_974 = arith.muli %scan3A_923, %mul3A_973 : i32
      %get3A_975 = arith.constant 2 : i32
      %get3A_976 = arith.index_cast %get3A_975 : i32 to index
      %get3A_977 = arith.index_cast %mul3A_974 : i32 to index
      %get3A_978 = tpu.vector_load %arg4[%get3A_976, %get3A_977] {strides = array<i32>} : memref<4x8192xf32, #tpu.memory_space<vmem>>, vector<16xf32>,
      %broadcast_in_dim3A_979 = arith.constant true
      %broadcast_in_dim3A_980 = vector.broadcast %broadcast_in_dim3A_979 : i1 to vector<16xi1>
      %masked_cumsum3A_981 = tpu.scan <sum>, %get3A_978 masked %broadcast_in_dim3A_980 : vector<16xf32>, vector<16xi1> -> vector<16xf32>
      %add3A_982 = arith.addf %masked_cumsum3A_981, %scan3A_926 : vector<16xf32>
      %mul3A_983 = arith.constant 16 : i32
      %mul3A_984 = arith.muli %scan3A_923, %mul3A_983 : i32
      %swap3A_985 = arith.constant 2 : i32
      %swap3A_986 = arith.index_cast %swap3A_985 : i32 to index
      %swap3A_987 = arith.index_cast %mul3A_984 : i32 to index
      %swap3A_988 = tpu.vector_load %arg4[%swap3A_986, %swap3A_987] {strides = array<i32>} : memref<4x8192xf32, #tpu.memory_space<vmem>>, vector<16xf32>,
      tpu.vector_store %arg4[%swap3A_986, %swap3A_987], %add3A_982 {strides = array<i32>} : memref<4x8192xf32, #tpu.memory_space<vmem>>, vector<16xf32>,
      %lt3A_989 = arith.constant 0 : i32
      %lt3A_990 = vector.broadcast %lt3A_989 : i32 to vector<16xi32>
      %lt3A_991 = arith.cmpi slt, %broadcast_in_dim3A_3, %lt3A_990 : vector<16xi32>
      %add3A_992 = arith.constant 16 : i32
      %add3A_993 = vector.broadcast %add3A_992 : i32 to vector<16xi32>
      %add3A_994 = arith.addi %broadcast_in_dim3A_3, %add3A_993 : vector<16xi32>
      %select_n3A_995 = arith.select %lt3A_991, %add3A_994, %broadcast_in_dim3A_3 : vector<16xi1>, vector<16xi32>
      %reshape3A_996 = vector.shape_cast %select_n3A_995 : vector<16xi32> to vector<16x1xi32>
      %gather3A_997 = vector.shape_cast %reshape3A_996 : vector<16x1xi32> to vector<16xi32>
      %gather3A_998 = tpu.dynamic_gather %add3A_982[%gather3A_997] in [0] : vector<16xf32>, vector<16xi32> -> vector<16xf32>
      %mul3A_999 = arith.constant 16 : i32
      %mul3A_1000 = arith.muli %scan3A_923, %mul3A_999 : i32
      %get3A_1001 = arith.constant 3 : i32
      %get3A_1002 = arith.index_cast %get3A_1001 : i32 to index
      %get3A_1003 = arith.index_cast %mul3A_1000 : i32 to index
      %get3A_1004 = tpu.vector_load %arg4[%get3A_1002, %get3A_1003] {strides = array<i32>} : memref<4x8192xf32, #tpu.memory_space<vmem>>, vector<16xf32>,
      %broadcast_in_dim3A_1005 = arith.constant true
      %broadcast_in_dim3A_1006 = vector.broadcast %broadcast_in_dim3A_1005 : i1 to vector<16xi1>
      %masked_cumsum3A_1007 = tpu.scan <sum>, %get3A_1004 masked %broadcast_in_dim3A_1006 : vector<16xf32>, vector<16xi1> -> vector<16xf32>
      %add3A_1008 = arith.addf %masked_cumsum3A_1007, %scan3A_927 : vector<16xf32>
      %mul3A_1009 = arith.constant 16 : i32
      %mul3A_1010 = arith.muli %scan3A_923, %mul3A_1009 : i32
      %swap3A_1011 = arith.constant 3 : i32
      %swap3A_1012 = arith.index_cast %swap3A_1011 : i32 to index
      %swap3A_1013 = arith.index_cast %mul3A_1010 : i32 to index
      %swap3A_1014 = tpu.vector_load %arg4[%swap3A_1012, %swap3A_1013] {strides = array<i32>} : memref<4x8192xf32, #tpu.memory_space<vmem>>, vector<16xf32>,
      tpu.vector_store %arg4[%swap3A_1012, %swap3A_1013], %add3A_1008 {strides = array<i32>} : memref<4x8192xf32, #tpu.memory_space<vmem>>, vector<16xf32>,
      %lt3A_1015 = arith.constant 0 : i32
      %lt3A_1016 = vector.broadcast %lt3A_1015 : i32 to vector<16xi32>
      %lt3A_1017 = arith.cmpi slt, %broadcast_in_dim3A_3, %lt3A_1016 : vector<16xi32>
      %add3A_1018 = arith.constant 16 : i32
      %add3A_1019 = vector.broadcast %add3A_1018 : i32 to vector<16xi32>
      %add3A_1020 = arith.addi %broadcast_in_dim3A_3, %add3A_1019 : vector<16xi32>
      %select_n3A_1021 = arith.select %lt3A_1017, %add3A_1020, %broadcast_in_dim3A_3 : vector<16xi1>, vector<16xi32>
      %reshape3A_1022 = vector.shape_cast %select_n3A_1021 : vector<16xi32> to vector<16x1xi32>
      %gather3A_1023 = vector.shape_cast %reshape3A_1022 : vector<16x1xi32> to vector<16xi32>
      %gather3A_1024 = tpu.dynamic_gather %add3A_1008[%gather3A_1023] in [0] : vector<16xf32>, vector<16xi32> -> vector<16xf32>
      %scan3A_1025 = arith.constant 1 : i32
      %scan3A_1026 = arith.addi %scan3A_923, %scan3A_1025 : i32
      %mul3A_1027 = arith.constant 16 : i32
      %mul3A_1028 = arith.muli %scan3A_1026, %mul3A_1027 : i32
      %get3A_1029 = arith.constant 0 : i32
      %get3A_1030 = arith.index_cast %get3A_1029 : i32 to index
      %get3A_1031 = arith.index_cast %mul3A_1028 : i32 to index
      %get3A_1032 = tpu.vector_load %arg4[%get3A_1030, %get3A_1031] {strides = array<i32>} : memref<4x8192xf32, #tpu.memory_space<vmem>>, vector<16xf32>,
      %broadcast_in_dim3A_1033 = arith.constant true
      %broadcast_in_dim3A_1034 = vector.broadcast %broadcast_in_dim3A_1033 : i1 to vector<16xi1>
      %masked_cumsum3A_1035 = tpu.scan <sum>, %get3A_1032 masked %broadcast_in_dim3A_1034 : vector<16xf32>, vector<16xi1> -> vector<16xf32>
      %add3A_1036 = arith.addf %masked_cumsum3A_1035, %gather3A_946 : vector<16xf32>
      %mul3A_1037 = arith.constant 16 : i32
      %mul3A_1038 = arith.muli %scan3A_1026, %mul3A_1037 : i32
      %swap3A_1039 = arith.constant 0 : i32
      %swap3A_1040 = arith.index_cast %swap3A_1039 : i32 to index
      %swap3A_1041 = arith.index_cast %mul3A_1038 : i32 to index
      %swap3A_1042 = tpu.vector_load %arg4[%swap3A_1040, %swap3A_1041] {strides = array<i32>} : memref<4x8192xf32, #tpu.memory_space<vmem>>, vector<16xf32>,
      tpu.vector_store %arg4[%swap3A_1040, %swap3A_1041], %add3A_1036 {strides = array<i32>} : memref<4x8192xf32, #tpu.memory_space<vmem>>, vector<16xf32>,
      %lt3A_1043 = arith.constant 0 : i32
      %lt3A_1044 = vector.broadcast %lt3A_1043 : i32 to vector<16xi32>
      %lt3A_1045 = arith.cmpi slt, %broadcast_in_dim3A_3, %lt3A_1044 : vector<16xi32>
      %add3A_1046 = arith.constant 16 : i32
      %add3A_1047 = vector.broadcast %add3A_1046 : i32 to vector<16xi32>
      %add3A_1048 = arith.addi %broadcast_in_dim3A_3, %add3A_1047 : vector<16xi32>
      %select_n3A_1049 = arith.select %lt3A_1045, %add3A_1048, %broadcast_in_dim3A_3 : vector<16xi1>, vector<16xi32>
      %reshape3A_1050 = vector.shape_cast %select_n3A_1049 : vector<16xi32> to vector<16x1xi32>
      %gather3A_1051 = vector.shape_cast %reshape3A_1050 : vector<16x1xi32> to vector<16xi32>
      %gather3A_1052 = tpu.dynamic_gather %add3A_1036[%gather3A_1051] in [0] : vector<16xf32>, vector<16xi32> -> vector<16xf32>
      %mul3A_1053 = arith.constant 16 : i32
      %mul3A_1054 = arith.muli %scan3A_1026, %mul3A_1053 : i32
      %get3A_1055 = arith.constant 1 : i32
      %get3A_1056 = arith.index_cast %get3A_1055 : i32 to index
      %get3A_1057 = arith.index_cast %mul3A_1054 : i32 to index
      %get3A_1058 = tpu.vector_load %arg4[%get3A_1056, %get3A_1057] {strides = array<i32>} : memref<4x8192xf32, #tpu.memory_space<vmem>>, vector<16xf32>,
      %broadcast_in_dim3A_1059 = arith.constant true
      %broadcast_in_dim3A_1060 = vector.broadcast %broadcast_in_dim3A_1059 : i1 to vector<16xi1>
      %masked_cumsum3A_1061 = tpu.scan <sum>, %get3A_1058 masked %broadcast_in_dim3A_1060 : vector<16xf32>, vector<16xi1> -> vector<16xf32>
      %add3A_1062 = arith.addf %masked_cumsum3A_1061, %gather3A_972 : vector<16xf32>
      %mul3A_1063 = arith.constant 16 : i32
      %mul3A_1064 = arith.muli %scan3A_1026, %mul3A_1063 : i32
      %swap3A_1065 = arith.constant 1 : i32
      %swap3A_1066 = arith.index_cast %swap3A_1065 : i32 to index
      %swap3A_1067 = arith.index_cast %mul3A_1064 : i32 to index
      %swap3A_1068 = tpu.vector_load %arg4[%swap3A_1066, %swap3A_1067] {strides = array<i32>} : memref<4x8192xf32, #tpu.memory_space<vmem>>, vector<16xf32>,
      tpu.vector_store %arg4[%swap3A_1066, %swap3A_1067], %add3A_1062 {strides = array<i32>} : memref<4x8192xf32, #tpu.memory_space<vmem>>, vector<16xf32>,
      %lt3A_1069 = arith.constant 0 : i32
      %lt3A_1070 = vector.broadcast %lt3A_1069 : i32 to vector<16xi32>
      %lt3A_1071 = arith.cmpi slt, %broadcast_in_dim3A_3, %lt3A_1070 : vector<16xi32>
      %add3A_1072 = arith.constant 16 : i32
      %add3A_1073 = vector.broadcast %add3A_1072 : i32 to vector<16xi32>
      %add3A_1074 = arith.addi %broadcast_in_dim3A_3, %add3A_1073 : vector<16xi32>
      %select_n3A_1075 = arith.select %lt3A_1071, %add3A_1074, %broadcast_in_dim3A_3 : vector<16xi1>, vector<16xi32>
      %reshape3A_1076 = vector.shape_cast %select_n3A_1075 : vector<16xi32> to vector<16x1xi32>
      %gather3A_1077 = vector.shape_cast %reshape3A_1076 : vector<16x1xi32> to vector<16xi32>
      %gather3A_1078 = tpu.dynamic_gather %add3A_1062[%gather3A_1077] in [0] : vector<16xf32>, vector<16xi32> -> vector<16xf32>
      %mul3A_1079 = arith.constant 16 : i32
      %mul3A_1080 = arith.muli %scan3A_1026, %mul3A_1079 : i32
      %get3A_1081 = arith.constant 2 : i32
      %get3A_1082 = arith.index_cast %get3A_1081 : i32 to index
      %get3A_1083 = arith.index_cast %mul3A_1080 : i32 to index
      %get3A_1084 = tpu.vector_load %arg4[%get3A_1082, %get3A_1083] {strides = array<i32>} : memref<4x8192xf32, #tpu.memory_space<vmem>>, vector<16xf32>,
      %broadcast_in_dim3A_1085 = arith.constant true
      %broadcast_in_dim3A_1086 = vector.broadcast %broadcast_in_dim3A_1085 : i1 to vector<16xi1>
      %masked_cumsum3A_1087 = tpu.scan <sum>, %get3A_1084 masked %broadcast_in_dim3A_1086 : vector<16xf32>, vector<16xi1> -> vector<16xf32>
      %add3A_1088 = arith.addf %masked_cumsum3A_1087, %gather3A_998 : vector<16xf32>
      %mul3A_1089 = arith.constant 16 : i32
      %mul3A_1090 = arith.muli %scan3A_1026, %mul3A_1089 : i32
      %swap3A_1091 = arith.constant 2 : i32
      %swap3A_1092 = arith.index_cast %swap3A_1091 : i32 to index
      %swap3A_1093 = arith.index_cast %mul3A_1090 : i32 to index
      %swap3A_1094 = tpu.vector_load %arg4[%swap3A_1092, %swap3A_1093] {strides = array<i32>} : memref<4x8192xf32, #tpu.memory_space<vmem>>, vector<16xf32>,
      tpu.vector_store %arg4[%swap3A_1092, %swap3A_1093], %add3A_1088 {strides = array<i32>} : memref<4x8192xf32, #tpu.memory_space<vmem>>, vector<16xf32>,
      %lt3A_1095 = arith.constant 0 : i32
      %lt3A_1096 = vector.broadcast %lt3A_1095 : i32 to vector<16xi32>
      %lt3A_1097 = arith.cmpi slt, %broadcast_in_dim3A_3, %lt3A_1096 : vector<16xi32>
      %add3A_1098 = arith.constant 16 : i32
      %add3A_1099 = vector.broadcast %add3A_1098 : i32 to vector<16xi32>
      %add3A_1100 = arith.addi %broadcast_in_dim3A_3, %add3A_1099 : vector<16xi32>
      %select_n3A_1101 = arith.select %lt3A_1097, %add3A_1100, %broadcast_in_dim3A_3 : vector<16xi1>, vector<16xi32>
      %reshape3A_1102 = vector.shape_cast %select_n3A_1101 : vector<16xi32> to vector<16x1xi32>
      %gather3A_1103 = vector.shape_cast %reshape3A_1102 : vector<16x1xi32> to vector<16xi32>
      %gather3A_1104 = tpu.dynamic_gather %add3A_1088[%gather3A_1103] in [0] : vector<16xf32>, vector<16xi32> -> vector<16xf32>
      %mul3A_1105 = arith.constant 16 : i32
      %mul3A_1106 = arith.muli %scan3A_1026, %mul3A_1105 : i32
      %get3A_1107 = arith.constant 3 : i32
      %get3A_1108 = arith.index_cast %get3A_1107 : i32 to index
      %get3A_1109 = arith.index_cast %mul3A_1106 : i32 to index
      %get3A_1110 = tpu.vector_load %arg4[%get3A_1108, %get3A_1109] {strides = array<i32>} : memref<4x8192xf32, #tpu.memory_space<vmem>>, vector<16xf32>,
      %broadcast_in_dim3A_1111 = arith.constant true
      %broadcast_in_dim3A_1112 = vector.broadcast %broadcast_in_dim3A_1111 : i1 to vector<16xi1>
      %masked_cumsum3A_1113 = tpu.scan <sum>, %get3A_1110 masked %broadcast_in_dim3A_1112 : vector<16xf32>, vector<16xi1> -> vector<16xf32>
      %add3A_1114 = arith.addf %masked_cumsum3A_1113, %gather3A_1024 : vector<16xf32>
      %mul3A_1115 = arith.constant 16 : i32
      %mul3A_1116 = arith.muli %scan3A_1026, %mul3A_1115 : i32
      %swap3A_1117 = arith.constant 3 : i32
      %swap3A_1118 = arith.index_cast %swap3A_1117 : i32 to index
      %swap3A_1119 = arith.index_cast %mul3A_1116 : i32 to index
      %swap3A_1120 = tpu.vector_load %arg4[%swap3A_1118, %swap3A_1119] {strides = array<i32>} : memref<4x8192xf32, #tpu.memory_space<vmem>>, vector<16xf32>,
      tpu.vector_store %arg4[%swap3A_1118, %swap3A_1119], %add3A_1114 {strides = array<i32>} : memref<4x8192xf32, #tpu.memory_space<vmem>>, vector<16xf32>,
      %lt3A_1121 = arith.constant 0 : i32
      %lt3A_1122 = vector.broadcast %lt3A_1121 : i32 to vector<16xi32>
      %lt3A_1123 = arith.cmpi slt, %broadcast_in_dim3A_3, %lt3A_1122 : vector<16xi32>
      %add3A_1124 = arith.constant 16 : i32
      %add3A_1125 = vector.broadcast %add3A_1124 : i32 to vector<16xi32>
      %add3A_1126 = arith.addi %broadcast_in_dim3A_3, %add3A_1125 : vector<16xi32>
      %select_n3A_1127 = arith.select %lt3A_1123, %add3A_1126, %broadcast_in_dim3A_3 : vector<16xi1>, vector<16xi32>
      %reshape3A_1128 = vector.shape_cast %select_n3A_1127 : vector<16xi32> to vector<16x1xi32>
      %gather3A_1129 = vector.shape_cast %reshape3A_1128 : vector<16x1xi32> to vector<16xi32>
      %gather3A_1130 = tpu.dynamic_gather %add3A_1114[%gather3A_1129] in [0] : vector<16xf32>, vector<16xi32> -> vector<16xf32>
      %scan3A_1131 = arith.constant 2 : i32
      %scan3A_1132 = arith.addi %scan3A_923, %scan3A_1131 : i32
      %mul3A_1133 = arith.constant 16 : i32
      %mul3A_1134 = arith.muli %scan3A_1132, %mul3A_1133 : i32
      %get3A_1135 = arith.constant 0 : i32
      %get3A_1136 = arith.index_cast %get3A_1135 : i32 to index
      %get3A_1137 = arith.index_cast %mul3A_1134 : i32 to index
      %get3A_1138 = tpu.vector_load %arg4[%get3A_1136, %get3A_1137] {strides = array<i32>} : memref<4x8192xf32, #tpu.memory_space<vmem>>, vector<16xf32>,
      %broadcast_in_dim3A_1139 = arith.constant true
      %broadcast_in_dim3A_1140 = vector.broadcast %broadcast_in_dim3A_1139 : i1 to vector<16xi1>
      %masked_cumsum3A_1141 = tpu.scan <sum>, %get3A_1138 masked %broadcast_in_dim3A_1140 : vector<16xf32>, vector<16xi1> -> vector<16xf32>
      %add3A_1142 = arith.addf %masked_cumsum3A_1141, %gather3A_1052 : vector<16xf32>
      %mul3A_1143 = arith.constant 16 : i32
      %mul3A_1144 = arith.muli %scan3A_1132, %mul3A_1143 : i32
      %swap3A_1145 = arith.constant 0 : i32
      %swap3A_1146 = arith.index_cast %swap3A_1145 : i32 to index
      %swap3A_1147 = arith.index_cast %mul3A_1144 : i32 to index
      %swap3A_1148 = tpu.vector_load %arg4[%swap3A_1146, %swap3A_1147] {strides = array<i32>} : memref<4x8192xf32, #tpu.memory_space<vmem>>, vector<16xf32>,
      tpu.vector_store %arg4[%swap3A_1146, %swap3A_1147], %add3A_1142 {strides = array<i32>} : memref<4x8192xf32, #tpu.memory_space<vmem>>, vector<16xf32>,
      %lt3A_1149 = arith.constant 0 : i32
      %lt3A_1150 = vector.broadcast %lt3A_1149 : i32 to vector<16xi32>
      %lt3A_1151 = arith.cmpi slt, %broadcast_in_dim3A_3, %lt3A_1150 : vector<16xi32>
      %add3A_1152 = arith.constant 16 : i32
      %add3A_1153 = vector.broadcast %add3A_1152 : i32 to vector<16xi32>
      %add3A_1154 = arith.addi %broadcast_in_dim3A_3, %add3A_1153 : vector<16xi32>
      %select_n3A_1155 = arith.select %lt3A_1151, %add3A_1154, %broadcast_in_dim3A_3 : vector<16xi1>, vector<16xi32>
      %reshape3A_1156 = vector.shape_cast %select_n3A_1155 : vector<16xi32> to vector<16x1xi32>
      %gather3A_1157 = vector.shape_cast %reshape3A_1156 : vector<16x1xi32> to vector<16xi32>
      %gather3A_1158 = tpu.dynamic_gather %add3A_1142[%gather3A_1157] in [0] : vector<16xf32>, vector<16xi32> -> vector<16xf32>
      %mul3A_1159 = arith.constant 16 : i32
      %mul3A_1160 = arith.muli %scan3A_1132, %mul3A_1159 : i32
      %get3A_1161 = arith.constant 1 : i32
      %get3A_1162 = arith.index_cast %get3A_1161 : i32 to index
      %get3A_1163 = arith.index_cast %mul3A_1160 : i32 to index
      %get3A_1164 = tpu.vector_load %arg4[%get3A_1162, %get3A_1163] {strides = array<i32>} : memref<4x8192xf32, #tpu.memory_space<vmem>>, vector<16xf32>,
      %broadcast_in_dim3A_1165 = arith.constant true
      %broadcast_in_dim3A_1166 = vector.broadcast %broadcast_in_dim3A_1165 : i1 to vector<16xi1>
      %masked_cumsum3A_1167 = tpu.scan <sum>, %get3A_1164 masked %broadcast_in_dim3A_1166 : vector<16xf32>, vector<16xi1> -> vector<16xf32>
      %add3A_1168 = arith.addf %masked_cumsum3A_1167, %gather3A_1078 : vector<16xf32>
      %mul3A_1169 = arith.constant 16 : i32
      %mul3A_1170 = arith.muli %scan3A_1132, %mul3A_1169 : i32
      %swap3A_1171 = arith.constant 1 : i32
      %swap3A_1172 = arith.index_cast %swap3A_1171 : i32 to index
      %swap3A_1173 = arith.index_cast %mul3A_1170 : i32 to index
      %swap3A_1174 = tpu.vector_load %arg4[%swap3A_1172, %swap3A_1173] {strides = array<i32>} : memref<4x8192xf32, #tpu.memory_space<vmem>>, vector<16xf32>,
      tpu.vector_store %arg4[%swap3A_1172, %swap3A_1173], %add3A_1168 {strides = array<i32>} : memref<4x8192xf32, #tpu.memory_space<vmem>>, vector<16xf32>,
      %lt3A_1175 = arith.constant 0 : i32
      %lt3A_1176 = vector.broadcast %lt3A_1175 : i32 to vector<16xi32>
      %lt3A_1177 = arith.cmpi slt, %broadcast_in_dim3A_3, %lt3A_1176 : vector<16xi32>
      %add3A_1178 = arith.constant 16 : i32
      %add3A_1179 = vector.broadcast %add3A_1178 : i32 to vector<16xi32>
      %add3A_1180 = arith.addi %broadcast_in_dim3A_3, %add3A_1179 : vector<16xi32>
      %select_n3A_1181 = arith.select %lt3A_1177, %add3A_1180, %broadcast_in_dim3A_3 : vector<16xi1>, vector<16xi32>
      %reshape3A_1182 = vector.shape_cast %select_n3A_1181 : vector<16xi32> to vector<16x1xi32>
      %gather3A_1183 = vector.shape_cast %reshape3A_1182 : vector<16x1xi32> to vector<16xi32>
      %gather3A_1184 = tpu.dynamic_gather %add3A_1168[%gather3A_1183] in [0] : vector<16xf32>, vector<16xi32> -> vector<16xf32>
      %mul3A_1185 = arith.constant 16 : i32
      %mul3A_1186 = arith.muli %scan3A_1132, %mul3A_1185 : i32
      %get3A_1187 = arith.constant 2 : i32
      %get3A_1188 = arith.index_cast %get3A_1187 : i32 to index
      %get3A_1189 = arith.index_cast %mul3A_1186 : i32 to index
      %get3A_1190 = tpu.vector_load %arg4[%get3A_1188, %get3A_1189] {strides = array<i32>} : memref<4x8192xf32, #tpu.memory_space<vmem>>, vector<16xf32>,
      %broadcast_in_dim3A_1191 = arith.constant true
      %broadcast_in_dim3A_1192 = vector.broadcast %broadcast_in_dim3A_1191 : i1 to vector<16xi1>
      %masked_cumsum3A_1193 = tpu.scan <sum>, %get3A_1190 masked %broadcast_in_dim3A_1192 : vector<16xf32>, vector<16xi1> -> vector<16xf32>
      %add3A_1194 = arith.addf %masked_cumsum3A_1193, %gather3A_1104 : vector<16xf32>
      %mul3A_1195 = arith.constant 16 : i32
      %mul3A_1196 = arith.muli %scan3A_1132, %mul3A_1195 : i32
      %swap3A_1197 = arith.constant 2 : i32
      %swap3A_1198 = arith.index_cast %swap3A_1197 : i32 to index
      %swap3A_1199 = arith.index_cast %mul3A_1196 : i32 to index
      %swap3A_1200 = tpu.vector_load %arg4[%swap3A_1198, %swap3A_1199] {strides = array<i32>} : memref<4x8192xf32, #tpu.memory_space<vmem>>, vector<16xf32>,
      tpu.vector_store %arg4[%swap3A_1198, %swap3A_1199], %add3A_1194 {strides = array<i32>} : memref<4x8192xf32, #tpu.memory_space<vmem>>, vector<16xf32>,
      %lt3A_1201 = arith.constant 0 : i32
      %lt3A_1202 = vector.broadcast %lt3A_1201 : i32 to vector<16xi32>
      %lt3A_1203 = arith.cmpi slt, %broadcast_in_dim3A_3, %lt3A_1202 : vector<16xi32>
      %add3A_1204 = arith.constant 16 : i32
      %add3A_1205 = vector.broadcast %add3A_1204 : i32 to vector<16xi32>
      %add3A_1206 = arith.addi %broadcast_in_dim3A_3, %add3A_1205 : vector<16xi32>
      %select_n3A_1207 = arith.select %lt3A_1203, %add3A_1206, %broadcast_in_dim3A_3 : vector<16xi1>, vector<16xi32>
      %reshape3A_1208 = vector.shape_cast %select_n3A_1207 : vector<16xi32> to vector<16x1xi32>
      %gather3A_1209 = vector.shape_cast %reshape3A_1208 : vector<16x1xi32> to vector<16xi32>
      %gather3A_1210 = tpu.dynamic_gather %add3A_1194[%gather3A_1209] in [0] : vector<16xf32>, vector<16xi32> -> vector<16xf32>
      %mul3A_1211 = arith.constant 16 : i32
      %mul3A_1212 = arith.muli %scan3A_1132, %mul3A_1211 : i32
      %get3A_1213 = arith.constant 3 : i32
      %get3A_1214 = arith.index_cast %get3A_1213 : i32 to index
      %get3A_1215 = arith.index_cast %mul3A_1212 : i32 to index
      %get3A_1216 = tpu.vector_load %arg4[%get3A_1214, %get3A_1215] {strides = array<i32>} : memref<4x8192xf32, #tpu.memory_space<vmem>>, vector<16xf32>,
      %broadcast_in_dim3A_1217 = arith.constant true
      %broadcast_in_dim3A_1218 = vector.broadcast %broadcast_in_dim3A_1217 : i1 to vector<16xi1>
      %masked_cumsum3A_1219 = tpu.scan <sum>, %get3A_1216 masked %broadcast_in_dim3A_1218 : vector<16xf32>, vector<16xi1> -> vector<16xf32>
      %add3A_1220 = arith.addf %masked_cumsum3A_1219, %gather3A_1130 : vector<16xf32>
      %mul3A_1221 = arith.constant 16 : i32
      %mul3A_1222 = arith.muli %scan3A_1132, %mul3A_1221 : i32
      %swap3A_1223 = arith.constant 3 : i32
      %swap3A_1224 = arith.index_cast %swap3A_1223 : i32 to index
      %swap3A_1225 = arith.index_cast %mul3A_1222 : i32 to index
      %swap3A_1226 = tpu.vector_load %arg4[%swap3A_1224, %swap3A_1225] {strides = array<i32>} : memref<4x8192xf32, #tpu.memory_space<vmem>>, vector<16xf32>,
      tpu.vector_store %arg4[%swap3A_1224, %swap3A_1225], %add3A_1220 {strides = array<i32>} : memref<4x8192xf32, #tpu.memory_space<vmem>>, vector<16xf32>,
      %lt3A_1227 = arith.constant 0 : i32
      %lt3A_1228 = vector.broadcast %lt3A_1227 : i32 to vector<16xi32>
      %lt3A_1229 = arith.cmpi slt, %broadcast_in_dim3A_3, %lt3A_1228 : vector<16xi32>
      %add3A_1230 = arith.constant 16 : i32
      %add3A_1231 = vector.broadcast %add3A_1230 : i32 to vector<16xi32>
      %add3A_1232 = arith.addi %broadcast_in_dim3A_3, %add3A_1231 : vector<16xi32>
      %select_n3A_1233 = arith.select %lt3A_1229, %add3A_1232, %broadcast_in_dim3A_3 : vector<16xi1>, vector<16xi32>
      %reshape3A_1234 = vector.shape_cast %select_n3A_1233 : vector<16xi32> to vector<16x1xi32>
      %gather3A_1235 = vector.shape_cast %reshape3A_1234 : vector<16x1xi32> to vector<16xi32>
      %gather3A_1236 = tpu.dynamic_gather %add3A_1220[%gather3A_1235] in [0] : vector<16xf32>, vector<16xi32> -> vector<16xf32>
      %scan3A_1237 = arith.constant 3 : i32
      %scan3A_1238 = arith.addi %scan3A_923, %scan3A_1237 : i32
      %mul3A_1239 = arith.constant 16 : i32
      %mul3A_1240 = arith.muli %scan3A_1238, %mul3A_1239 : i32
      %get3A_1241 = arith.constant 0 : i32
      %get3A_1242 = arith.index_cast %get3A_1241 : i32 to index
      %get3A_1243 = arith.index_cast %mul3A_1240 : i32 to index
      %get3A_1244 = tpu.vector_load %arg4[%get3A_1242, %get3A_1243] {strides = array<i32>} : memref<4x8192xf32, #tpu.memory_space<vmem>>, vector<16xf32>,
      %broadcast_in_dim3A_1245 = arith.constant true
      %broadcast_in_dim3A_1246 = vector.broadcast %broadcast_in_dim3A_1245 : i1 to vector<16xi1>
      %masked_cumsum3A_1247 = tpu.scan <sum>, %get3A_1244 masked %broadcast_in_dim3A_1246 : vector<16xf32>, vector<16xi1> -> vector<16xf32>
      %add3A_1248 = arith.addf %masked_cumsum3A_1247, %gather3A_1158 : vector<16xf32>
      %mul3A_1249 = arith.constant 16 : i32
      %mul3A_1250 = arith.muli %scan3A_1238, %mul3A_1249 : i32
      %swap3A_1251 = arith.constant 0 : i32
      %swap3A_1252 = arith.index_cast %swap3A_1251 : i32 to index
      %swap3A_1253 = arith.index_cast %mul3A_1250 : i32 to index
      %swap3A_1254 = tpu.vector_load %arg4[%swap3A_1252, %swap3A_1253] {strides = array<i32>} : memref<4x8192xf32, #tpu.memory_space<vmem>>, vector<16xf32>,
      tpu.vector_store %arg4[%swap3A_1252, %swap3A_1253], %add3A_1248 {strides = array<i32>} : memref<4x8192xf32, #tpu.memory_space<vmem>>, vector<16xf32>,
      %lt3A_1255 = arith.constant 0 : i32
      %lt3A_1256 = vector.broadcast %lt3A_1255 : i32 to vector<16xi32>
      %lt3A_1257 = arith.cmpi slt, %broadcast_in_dim3A_3, %lt3A_1256 : vector<16xi32>
      %add3A_1258 = arith.constant 16 : i32
      %add3A_1259 = vector.broadcast %add3A_1258 : i32 to vector<16xi32>
      %add3A_1260 = arith.addi %broadcast_in_dim3A_3, %add3A_1259 : vector<16xi32>
      %select_n3A_1261 = arith.select %lt3A_1257, %add3A_1260, %broadcast_in_dim3A_3 : vector<16xi1>, vector<16xi32>
      %reshape3A_1262 = vector.shape_cast %select_n3A_1261 : vector<16xi32> to vector<16x1xi32>
      %gather3A_1263 = vector.shape_cast %reshape3A_1262 : vector<16x1xi32> to vector<16xi32>
      %gather3A_1264 = tpu.dynamic_gather %add3A_1248[%gather3A_1263] in [0] : vector<16xf32>, vector<16xi32> -> vector<16xf32>
      %mul3A_1265 = arith.constant 16 : i32
      %mul3A_1266 = arith.muli %scan3A_1238, %mul3A_1265 : i32
      %get3A_1267 = arith.constant 1 : i32
      %get3A_1268 = arith.index_cast %get3A_1267 : i32 to index
      %get3A_1269 = arith.index_cast %mul3A_1266 : i32 to index
      %get3A_1270 = tpu.vector_load %arg4[%get3A_1268, %get3A_1269] {strides = array<i32>} : memref<4x8192xf32, #tpu.memory_space<vmem>>, vector<16xf32>,
      %broadcast_in_dim3A_1271 = arith.constant true
      %broadcast_in_dim3A_1272 = vector.broadcast %broadcast_in_dim3A_1271 : i1 to vector<16xi1>
      %masked_cumsum3A_1273 = tpu.scan <sum>, %get3A_1270 masked %broadcast_in_dim3A_1272 : vector<16xf32>, vector<16xi1> -> vector<16xf32>
      %add3A_1274 = arith.addf %masked_cumsum3A_1273, %gather3A_1184 : vector<16xf32>
      %mul3A_1275 = arith.constant 16 : i32
      %mul3A_1276 = arith.muli %scan3A_1238, %mul3A_1275 : i32
      %swap3A_1277 = arith.constant 1 : i32
      %swap3A_1278 = arith.index_cast %swap3A_1277 : i32 to index
      %swap3A_1279 = arith.index_cast %mul3A_1276 : i32 to index
      %swap3A_1280 = tpu.vector_load %arg4[%swap3A_1278, %swap3A_1279] {strides = array<i32>} : memref<4x8192xf32, #tpu.memory_space<vmem>>, vector<16xf32>,
      tpu.vector_store %arg4[%swap3A_1278, %swap3A_1279], %add3A_1274 {strides = array<i32>} : memref<4x8192xf32, #tpu.memory_space<vmem>>, vector<16xf32>,
      %lt3A_1281 = arith.constant 0 : i32
      %lt3A_1282 = vector.broadcast %lt3A_1281 : i32 to vector<16xi32>
      %lt3A_1283 = arith.cmpi slt, %broadcast_in_dim3A_3, %lt3A_1282 : vector<16xi32>
      %add3A_1284 = arith.constant 16 : i32
      %add3A_1285 = vector.broadcast %add3A_1284 : i32 to vector<16xi32>
      %add3A_1286 = arith.addi %broadcast_in_dim3A_3, %add3A_1285 : vector<16xi32>
      %select_n3A_1287 = arith.select %lt3A_1283, %add3A_1286, %broadcast_in_dim3A_3 : vector<16xi1>, vector<16xi32>
      %reshape3A_1288 = vector.shape_cast %select_n3A_1287 : vector<16xi32> to vector<16x1xi32>
      %gather3A_1289 = vector.shape_cast %reshape3A_1288 : vector<16x1xi32> to vector<16xi32>
      %gather3A_1290 = tpu.dynamic_gather %add3A_1274[%gather3A_1289] in [0] : vector<16xf32>, vector<16xi32> -> vector<16xf32>
      %mul3A_1291 = arith.constant 16 : i32
      %mul3A_1292 = arith.muli %scan3A_1238, %mul3A_1291 : i32
      %get3A_1293 = arith.constant 2 : i32
      %get3A_1294 = arith.index_cast %get3A_1293 : i32 to index
      %get3A_1295 = arith.index_cast %mul3A_1292 : i32 to index
      %get3A_1296 = tpu.vector_load %arg4[%get3A_1294, %get3A_1295] {strides = array<i32>} : memref<4x8192xf32, #tpu.memory_space<vmem>>, vector<16xf32>,
      %broadcast_in_dim3A_1297 = arith.constant true
      %broadcast_in_dim3A_1298 = vector.broadcast %broadcast_in_dim3A_1297 : i1 to vector<16xi1>
      %masked_cumsum3A_1299 = tpu.scan <sum>, %get3A_1296 masked %broadcast_in_dim3A_1298 : vector<16xf32>, vector<16xi1> -> vector<16xf32>
      %add3A_1300 = arith.addf %masked_cumsum3A_1299, %gather3A_1210 : vector<16xf32>
      %mul3A_1301 = arith.constant 16 : i32
      %mul3A_1302 = arith.muli %scan3A_1238, %mul3A_1301 : i32
      %swap3A_1303 = arith.constant 2 : i32
      %swap3A_1304 = arith.index_cast %swap3A_1303 : i32 to index
      %swap3A_1305 = arith.index_cast %mul3A_1302 : i32 to index
      %swap3A_1306 = tpu.vector_load %arg4[%swap3A_1304, %swap3A_1305] {strides = array<i32>} : memref<4x8192xf32, #tpu.memory_space<vmem>>, vector<16xf32>,
      tpu.vector_store %arg4[%swap3A_1304, %swap3A_1305], %add3A_1300 {strides = array<i32>} : memref<4x8192xf32, #tpu.memory_space<vmem>>, vector<16xf32>,
      %lt3A_1307 = arith.constant 0 : i32
      %lt3A_1308 = vector.broadcast %lt3A_1307 : i32 to vector<16xi32>
      %lt3A_1309 = arith.cmpi slt, %broadcast_in_dim3A_3, %lt3A_1308 : vector<16xi32>
      %add3A_1310 = arith.constant 16 : i32
      %add3A_1311 = vector.broadcast %add3A_1310 : i32 to vector<16xi32>
      %add3A_1312 = arith.addi %broadcast_in_dim3A_3, %add3A_1311 : vector<16xi32>
      %select_n3A_1313 = arith.select %lt3A_1309, %add3A_1312, %broadcast_in_dim3A_3 : vector<16xi1>, vector<16xi32>
      %reshape3A_1314 = vector.shape_cast %select_n3A_1313 : vector<16xi32> to vector<16x1xi32>
      %gather3A_1315 = vector.shape_cast %reshape3A_1314 : vector<16x1xi32> to vector<16xi32>
      %gather3A_1316 = tpu.dynamic_gather %add3A_1300[%gather3A_1315] in [0] : vector<16xf32>, vector<16xi32> -> vector<16xf32>
      %mul3A_1317 = arith.constant 16 : i32
      %mul3A_1318 = arith.muli %scan3A_1238, %mul3A_1317 : i32
      %get3A_1319 = arith.constant 3 : i32
      %get3A_1320 = arith.index_cast %get3A_1319 : i32 to index
      %get3A_1321 = arith.index_cast %mul3A_1318 : i32 to index
      %get3A_1322 = tpu.vector_load %arg4[%get3A_1320, %get3A_1321] {strides = array<i32>} : memref<4x8192xf32, #tpu.memory_space<vmem>>, vector<16xf32>,
      %broadcast_in_dim3A_1323 = arith.constant true
      %broadcast_in_dim3A_1324 = vector.broadcast %broadcast_in_dim3A_1323 : i1 to vector<16xi1>
      %masked_cumsum3A_1325 = tpu.scan <sum>, %get3A_1322 masked %broadcast_in_dim3A_1324 : vector<16xf32>, vector<16xi1> -> vector<16xf32>
      %add3A_1326 = arith.addf %masked_cumsum3A_1325, %gather3A_1236 : vector<16xf32>
      %mul3A_1327 = arith.constant 16 : i32
      %mul3A_1328 = arith.muli %scan3A_1238, %mul3A_1327 : i32
      %swap3A_1329 = arith.constant 3 : i32
      %swap3A_1330 = arith.index_cast %swap3A_1329 : i32 to index
      %swap3A_1331 = arith.index_cast %mul3A_1328 : i32 to index
      %swap3A_1332 = tpu.vector_load %arg4[%swap3A_1330, %swap3A_1331] {strides = array<i32>} : memref<4x8192xf32, #tpu.memory_space<vmem>>, vector<16xf32>,
      tpu.vector_store %arg4[%swap3A_1330, %swap3A_1331], %add3A_1326 {strides = array<i32>} : memref<4x8192xf32, #tpu.memory_space<vmem>>, vector<16xf32>,
      %lt3A_1333 = arith.constant 0 : i32
      %lt3A_1334 = vector.broadcast %lt3A_1333 : i32 to vector<16xi32>
      %lt3A_1335 = arith.cmpi slt, %broadcast_in_dim3A_3, %lt3A_1334 : vector<16xi32>
      %add3A_1336 = arith.constant 16 : i32
      %add3A_1337 = vector.broadcast %add3A_1336 : i32 to vector<16xi32>
      %add3A_1338 = arith.addi %broadcast_in_dim3A_3, %add3A_1337 : vector<16xi32>
      %select_n3A_1339 = arith.select %lt3A_1335, %add3A_1338, %broadcast_in_dim3A_3 : vector<16xi1>, vector<16xi32>
      %reshape3A_1340 = vector.shape_cast %select_n3A_1339 : vector<16xi32> to vector<16x1xi32>
      %gather3A_1341 = vector.shape_cast %reshape3A_1340 : vector<16x1xi32> to vector<16xi32>
      %gather3A_1342 = tpu.dynamic_gather %add3A_1326[%gather3A_1341] in [0] : vector<16xf32>, vector<16xi32> -> vector<16xf32>
      %scan3A_1343 = arith.constant 4 : i32
      %scan3A_1344 = arith.addi %scan3A_923, %scan3A_1343 : i32
      %mul3A_1345 = arith.constant 16 : i32
      %mul3A_1346 = arith.muli %scan3A_1344, %mul3A_1345 : i32
      %get3A_1347 = arith.constant 0 : i32
      %get3A_1348 = arith.index_cast %get3A_1347 : i32 to index
      %get3A_1349 = arith.index_cast %mul3A_1346 : i32 to index
      %get3A_1350 = tpu.vector_load %arg4[%get3A_1348, %get3A_1349] {strides = array<i32>} : memref<4x8192xf32, #tpu.memory_space<vmem>>, vector<16xf32>,
      %broadcast_in_dim3A_1351 = arith.constant true
      %broadcast_in_dim3A_1352 = vector.broadcast %broadcast_in_dim3A_1351 : i1 to vector<16xi1>
      %masked_cumsum3A_1353 = tpu.scan <sum>, %get3A_1350 masked %broadcast_in_dim3A_1352 : vector<16xf32>, vector<16xi1> -> vector<16xf32>
      %add3A_1354 = arith.addf %masked_cumsum3A_1353, %gather3A_1264 : vector<16xf32>
      %mul3A_1355 = arith.constant 16 : i32
      %mul3A_1356 = arith.muli %scan3A_1344, %mul3A_1355 : i32
      %swap3A_1357 = arith.constant 0 : i32
      %swap3A_1358 = arith.index_cast %swap3A_1357 : i32 to index
      %swap3A_1359 = arith.index_cast %mul3A_1356 : i32 to index
      %swap3A_1360 = tpu.vector_load %arg4[%swap3A_1358, %swap3A_1359] {strides = array<i32>} : memref<4x8192xf32, #tpu.memory_space<vmem>>, vector<16xf32>,
      tpu.vector_store %arg4[%swap3A_1358, %swap3A_1359], %add3A_1354 {strides = array<i32>} : memref<4x8192xf32, #tpu.memory_space<vmem>>, vector<16xf32>,
      %lt3A_1361 = arith.constant 0 : i32
      %lt3A_1362 = vector.broadcast %lt3A_1361 : i32 to vector<16xi32>
      %lt3A_1363 = arith.cmpi slt, %broadcast_in_dim3A_3, %lt3A_1362 : vector<16xi32>
      %add3A_1364 = arith.constant 16 : i32
      %add3A_1365 = vector.broadcast %add3A_1364 : i32 to vector<16xi32>
      %add3A_1366 = arith.addi %broadcast_in_dim3A_3, %add3A_1365 : vector<16xi32>
      %select_n3A_1367 = arith.select %lt3A_1363, %add3A_1366, %broadcast_in_dim3A_3 : vector<16xi1>, vector<16xi32>
      %reshape3A_1368 = vector.shape_cast %select_n3A_1367 : vector<16xi32> to vector<16x1xi32>
      %gather3A_1369 = vector.shape_cast %reshape3A_1368 : vector<16x1xi32> to vector<16xi32>
      %gather3A_1370 = tpu.dynamic_gather %add3A_1354[%gather3A_1369] in [0] : vector<16xf32>, vector<16xi32> -> vector<16xf32>
      %mul3A_1371 = arith.constant 16 : i32
      %mul3A_1372 = arith.muli %scan3A_1344, %mul3A_1371 : i32
      %get3A_1373 = arith.constant 1 : i32
      %get3A_1374 = arith.index_cast %get3A_1373 : i32 to index
      %get3A_1375 = arith.index_cast %mul3A_1372 : i32 to index
      %get3A_1376 = tpu.vector_load %arg4[%get3A_1374, %get3A_1375] {strides = array<i32>} : memref<4x8192xf32, #tpu.memory_space<vmem>>, vector<16xf32>,
      %broadcast_in_dim3A_1377 = arith.constant true
      %broadcast_in_dim3A_1378 = vector.broadcast %broadcast_in_dim3A_1377 : i1 to vector<16xi1>
      %masked_cumsum3A_1379 = tpu.scan <sum>, %get3A_1376 masked %broadcast_in_dim3A_1378 : vector<16xf32>, vector<16xi1> -> vector<16xf32>
      %add3A_1380 = arith.addf %masked_cumsum3A_1379, %gather3A_1290 : vector<16xf32>
      %mul3A_1381 = arith.constant 16 : i32
      %mul3A_1382 = arith.muli %scan3A_1344, %mul3A_1381 : i32
      %swap3A_1383 = arith.constant 1 : i32
      %swap3A_1384 = arith.index_cast %swap3A_1383 : i32 to index
      %swap3A_1385 = arith.index_cast %mul3A_1382 : i32 to index
      %swap3A_1386 = tpu.vector_load %arg4[%swap3A_1384, %swap3A_1385] {strides = array<i32>} : memref<4x8192xf32, #tpu.memory_space<vmem>>, vector<16xf32>,
      tpu.vector_store %arg4[%swap3A_1384, %swap3A_1385], %add3A_1380 {strides = array<i32>} : memref<4x8192xf32, #tpu.memory_space<vmem>>, vector<16xf32>,
      %lt3A_1387 = arith.constant 0 : i32
      %lt3A_1388 = vector.broadcast %lt3A_1387 : i32 to vector<16xi32>
      %lt3A_1389 = arith.cmpi slt, %broadcast_in_dim3A_3, %lt3A_1388 : vector<16xi32>
      %add3A_1390 = arith.constant 16 : i32
      %add3A_1391 = vector.broadcast %add3A_1390 : i32 to vector<16xi32>
      %add3A_1392 = arith.addi %broadcast_in_dim3A_3, %add3A_1391 : vector<16xi32>
      %select_n3A_1393 = arith.select %lt3A_1389, %add3A_1392, %broadcast_in_dim3A_3 : vector<16xi1>, vector<16xi32>
      %reshape3A_1394 = vector.shape_cast %select_n3A_1393 : vector<16xi32> to vector<16x1xi32>
      %gather3A_1395 = vector.shape_cast %reshape3A_1394 : vector<16x1xi32> to vector<16xi32>
      %gather3A_1396 = tpu.dynamic_gather %add3A_1380[%gather3A_1395] in [0] : vector<16xf32>, vector<16xi32> -> vector<16xf32>
      %mul3A_1397 = arith.constant 16 : i32
      %mul3A_1398 = arith.muli %scan3A_1344, %mul3A_1397 : i32
      %get3A_1399 = arith.constant 2 : i32
      %get3A_1400 = arith.index_cast %get3A_1399 : i32 to index
      %get3A_1401 = arith.index_cast %mul3A_1398 : i32 to index
      %get3A_1402 = tpu.vector_load %arg4[%get3A_1400, %get3A_1401] {strides = array<i32>} : memref<4x8192xf32, #tpu.memory_space<vmem>>, vector<16xf32>,
      %broadcast_in_dim3A_1403 = arith.constant true
      %broadcast_in_dim3A_1404 = vector.broadcast %broadcast_in_dim3A_1403 : i1 to vector<16xi1>
      %masked_cumsum3A_1405 = tpu.scan <sum>, %get3A_1402 masked %broadcast_in_dim3A_1404 : vector<16xf32>, vector<16xi1> -> vector<16xf32>
      %add3A_1406 = arith.addf %masked_cumsum3A_1405, %gather3A_1316 : vector<16xf32>
      %mul3A_1407 = arith.constant 16 : i32
      %mul3A_1408 = arith.muli %scan3A_1344, %mul3A_1407 : i32
      %swap3A_1409 = arith.constant 2 : i32
      %swap3A_1410 = arith.index_cast %swap3A_1409 : i32 to index
      %swap3A_1411 = arith.index_cast %mul3A_1408 : i32 to index
      %swap3A_1412 = tpu.vector_load %arg4[%swap3A_1410, %swap3A_1411] {strides = array<i32>} : memref<4x8192xf32, #tpu.memory_space<vmem>>, vector<16xf32>,
      tpu.vector_store %arg4[%swap3A_1410, %swap3A_1411], %add3A_1406 {strides = array<i32>} : memref<4x8192xf32, #tpu.memory_space<vmem>>, vector<16xf32>,
      %lt3A_1413 = arith.constant 0 : i32
      %lt3A_1414 = vector.broadcast %lt3A_1413 : i32 to vector<16xi32>
      %lt3A_1415 = arith.cmpi slt, %broadcast_in_dim3A_3, %lt3A_1414 : vector<16xi32>
      %add3A_1416 = arith.constant 16 : i32
      %add3A_1417 = vector.broadcast %add3A_1416 : i32 to vector<16xi32>
      %add3A_1418 = arith.addi %broadcast_in_dim3A_3, %add3A_1417 : vector<16xi32>
      %select_n3A_1419 = arith.select %lt3A_1415, %add3A_1418, %broadcast_in_dim3A_3 : vector<16xi1>, vector<16xi32>
      %reshape3A_1420 = vector.shape_cast %select_n3A_1419 : vector<16xi32> to vector<16x1xi32>
      %gather3A_1421 = vector.shape_cast %reshape3A_1420 : vector<16x1xi32> to vector<16xi32>
      %gather3A_1422 = tpu.dynamic_gather %add3A_1406[%gather3A_1421] in [0] : vector<16xf32>, vector<16xi32> -> vector<16xf32>
      %mul3A_1423 = arith.constant 16 : i32
      %mul3A_1424 = arith.muli %scan3A_1344, %mul3A_1423 : i32
      %get3A_1425 = arith.constant 3 : i32
      %get3A_1426 = arith.index_cast %get3A_1425 : i32 to index
      %get3A_1427 = arith.index_cast %mul3A_1424 : i32 to index
      %get3A_1428 = tpu.vector_load %arg4[%get3A_1426, %get3A_1427] {strides = array<i32>} : memref<4x8192xf32, #tpu.memory_space<vmem>>, vector<16xf32>,
      %broadcast_in_dim3A_1429 = arith.constant true
      %broadcast_in_dim3A_1430 = vector.broadcast %broadcast_in_dim3A_1429 : i1 to vector<16xi1>
      %masked_cumsum3A_1431 = tpu.scan <sum>, %get3A_1428 masked %broadcast_in_dim3A_1430 : vector<16xf32>, vector<16xi1> -> vector<16xf32>
      %add3A_1432 = arith.addf %masked_cumsum3A_1431, %gather3A_1342 : vector<16xf32>
      %mul3A_1433 = arith.constant 16 : i32
      %mul3A_1434 = arith.muli %scan3A_1344, %mul3A_1433 : i32
      %swap3A_1435 = arith.constant 3 : i32
      %swap3A_1436 = arith.index_cast %swap3A_1435 : i32 to index
      %swap3A_1437 = arith.index_cast %mul3A_1434 : i32 to index
      %swap3A_1438 = tpu.vector_load %arg4[%swap3A_1436, %swap3A_1437] {strides = array<i32>} : memref<4x8192xf32, #tpu.memory_space<vmem>>, vector<16xf32>,
      tpu.vector_store %arg4[%swap3A_1436, %swap3A_1437], %add3A_1432 {strides = array<i32>} : memref<4x8192xf32, #tpu.memory_space<vmem>>, vector<16xf32>,
      %lt3A_1439 = arith.constant 0 : i32
      %lt3A_1440 = vector.broadcast %lt3A_1439 : i32 to vector<16xi32>
      %lt3A_1441 = arith.cmpi slt, %broadcast_in_dim3A_3, %lt3A_1440 : vector<16xi32>
      %add3A_1442 = arith.constant 16 : i32
      %add3A_1443 = vector.broadcast %add3A_1442 : i32 to vector<16xi32>
      %add3A_1444 = arith.addi %broadcast_in_dim3A_3, %add3A_1443 : vector<16xi32>
      %select_n3A_1445 = arith.select %lt3A_1441, %add3A_1444, %broadcast_in_dim3A_3 : vector<16xi1>, vector<16xi32>
      %reshape3A_1446 = vector.shape_cast %select_n3A_1445 : vector<16xi32> to vector<16x1xi32>
      %gather3A_1447 = vector.shape_cast %reshape3A_1446 : vector<16x1xi32> to vector<16xi32>
      %gather3A_1448 = tpu.dynamic_gather %add3A_1432[%gather3A_1447] in [0] : vector<16xf32>, vector<16xi32> -> vector<16xf32>
      %scan3A_1449 = arith.constant 5 : i32
      %scan3A_1450 = arith.addi %scan3A_923, %scan3A_1449 : i32
      %mul3A_1451 = arith.constant 16 : i32
      %mul3A_1452 = arith.muli %scan3A_1450, %mul3A_1451 : i32
      %get3A_1453 = arith.constant 0 : i32
      %get3A_1454 = arith.index_cast %get3A_1453 : i32 to index
      %get3A_1455 = arith.index_cast %mul3A_1452 : i32 to index
      %get3A_1456 = tpu.vector_load %arg4[%get3A_1454, %get3A_1455] {strides = array<i32>} : memref<4x8192xf32, #tpu.memory_space<vmem>>, vector<16xf32>,
      %broadcast_in_dim3A_1457 = arith.constant true
      %broadcast_in_dim3A_1458 = vector.broadcast %broadcast_in_dim3A_1457 : i1 to vector<16xi1>
      %masked_cumsum3A_1459 = tpu.scan <sum>, %get3A_1456 masked %broadcast_in_dim3A_1458 : vector<16xf32>, vector<16xi1> -> vector<16xf32>
      %add3A_1460 = arith.addf %masked_cumsum3A_1459, %gather3A_1370 : vector<16xf32>
      %mul3A_1461 = arith.constant 16 : i32
      %mul3A_1462 = arith.muli %scan3A_1450, %mul3A_1461 : i32
      %swap3A_1463 = arith.constant 0 : i32
      %swap3A_1464 = arith.index_cast %swap3A_1463 : i32 to index
      %swap3A_1465 = arith.index_cast %mul3A_1462 : i32 to index
      %swap3A_1466 = tpu.vector_load %arg4[%swap3A_1464, %swap3A_1465] {strides = array<i32>} : memref<4x8192xf32, #tpu.memory_space<vmem>>, vector<16xf32>,
      tpu.vector_store %arg4[%swap3A_1464, %swap3A_1465], %add3A_1460 {strides = array<i32>} : memref<4x8192xf32, #tpu.memory_space<vmem>>, vector<16xf32>,
      %lt3A_1467 = arith.constant 0 : i32
      %lt3A_1468 = vector.broadcast %lt3A_1467 : i32 to vector<16xi32>
      %lt3A_1469 = arith.cmpi slt, %broadcast_in_dim3A_3, %lt3A_1468 : vector<16xi32>
      %add3A_1470 = arith.constant 16 : i32
      %add3A_1471 = vector.broadcast %add3A_1470 : i32 to vector<16xi32>
      %add3A_1472 = arith.addi %broadcast_in_dim3A_3, %add3A_1471 : vector<16xi32>
      %select_n3A_1473 = arith.select %lt3A_1469, %add3A_1472, %broadcast_in_dim3A_3 : vector<16xi1>, vector<16xi32>
      %reshape3A_1474 = vector.shape_cast %select_n3A_1473 : vector<16xi32> to vector<16x1xi32>
      %gather3A_1475 = vector.shape_cast %reshape3A_1474 : vector<16x1xi32> to vector<16xi32>
      %gather3A_1476 = tpu.dynamic_gather %add3A_1460[%gather3A_1475] in [0] : vector<16xf32>, vector<16xi32> -> vector<16xf32>
      %mul3A_1477 = arith.constant 16 : i32
      %mul3A_1478 = arith.muli %scan3A_1450, %mul3A_1477 : i32
      %get3A_1479 = arith.constant 1 : i32
      %get3A_1480 = arith.index_cast %get3A_1479 : i32 to index
      %get3A_1481 = arith.index_cast %mul3A_1478 : i32 to index
      %get3A_1482 = tpu.vector_load %arg4[%get3A_1480, %get3A_1481] {strides = array<i32>} : memref<4x8192xf32, #tpu.memory_space<vmem>>, vector<16xf32>,
      %broadcast_in_dim3A_1483 = arith.constant true
      %broadcast_in_dim3A_1484 = vector.broadcast %broadcast_in_dim3A_1483 : i1 to vector<16xi1>
      %masked_cumsum3A_1485 = tpu.scan <sum>, %get3A_1482 masked %broadcast_in_dim3A_1484 : vector<16xf32>, vector<16xi1> -> vector<16xf32>
      %add3A_1486 = arith.addf %masked_cumsum3A_1485, %gather3A_1396 : vector<16xf32>
      %mul3A_1487 = arith.constant 16 : i32
      %mul3A_1488 = arith.muli %scan3A_1450, %mul3A_1487 : i32
      %swap3A_1489 = arith.constant 1 : i32
      %swap3A_1490 = arith.index_cast %swap3A_1489 : i32 to index
      %swap3A_1491 = arith.index_cast %mul3A_1488 : i32 to index
      %swap3A_1492 = tpu.vector_load %arg4[%swap3A_1490, %swap3A_1491] {strides = array<i32>} : memref<4x8192xf32, #tpu.memory_space<vmem>>, vector<16xf32>,
      tpu.vector_store %arg4[%swap3A_1490, %swap3A_1491], %add3A_1486 {strides = array<i32>} : memref<4x8192xf32, #tpu.memory_space<vmem>>, vector<16xf32>,
      %lt3A_1493 = arith.constant 0 : i32
      %lt3A_1494 = vector.broadcast %lt3A_1493 : i32 to vector<16xi32>
      %lt3A_1495 = arith.cmpi slt, %broadcast_in_dim3A_3, %lt3A_1494 : vector<16xi32>
      %add3A_1496 = arith.constant 16 : i32
      %add3A_1497 = vector.broadcast %add3A_1496 : i32 to vector<16xi32>
      %add3A_1498 = arith.addi %broadcast_in_dim3A_3, %add3A_1497 : vector<16xi32>
      %select_n3A_1499 = arith.select %lt3A_1495, %add3A_1498, %broadcast_in_dim3A_3 : vector<16xi1>, vector<16xi32>
      %reshape3A_1500 = vector.shape_cast %select_n3A_1499 : vector<16xi32> to vector<16x1xi32>
      %gather3A_1501 = vector.shape_cast %reshape3A_1500 : vector<16x1xi32> to vector<16xi32>
      %gather3A_1502 = tpu.dynamic_gather %add3A_1486[%gather3A_1501] in [0] : vector<16xf32>, vector<16xi32> -> vector<16xf32>
      %mul3A_1503 = arith.constant 16 : i32
      %mul3A_1504 = arith.muli %scan3A_1450, %mul3A_1503 : i32
      %get3A_1505 = arith.constant 2 : i32
      %get3A_1506 = arith.index_cast %get3A_1505 : i32 to index
      %get3A_1507 = arith.index_cast %mul3A_1504 : i32 to index
      %get3A_1508 = tpu.vector_load %arg4[%get3A_1506, %get3A_1507] {strides = array<i32>} : memref<4x8192xf32, #tpu.memory_space<vmem>>, vector<16xf32>,
      %broadcast_in_dim3A_1509 = arith.constant true
      %broadcast_in_dim3A_1510 = vector.broadcast %broadcast_in_dim3A_1509 : i1 to vector<16xi1>
      %masked_cumsum3A_1511 = tpu.scan <sum>, %get3A_1508 masked %broadcast_in_dim3A_1510 : vector<16xf32>, vector<16xi1> -> vector<16xf32>
      %add3A_1512 = arith.addf %masked_cumsum3A_1511, %gather3A_1422 : vector<16xf32>
      %mul3A_1513 = arith.constant 16 : i32
      %mul3A_1514 = arith.muli %scan3A_1450, %mul3A_1513 : i32
      %swap3A_1515 = arith.constant 2 : i32
      %swap3A_1516 = arith.index_cast %swap3A_1515 : i32 to index
      %swap3A_1517 = arith.index_cast %mul3A_1514 : i32 to index
      %swap3A_1518 = tpu.vector_load %arg4[%swap3A_1516, %swap3A_1517] {strides = array<i32>} : memref<4x8192xf32, #tpu.memory_space<vmem>>, vector<16xf32>,
      tpu.vector_store %arg4[%swap3A_1516, %swap3A_1517], %add3A_1512 {strides = array<i32>} : memref<4x8192xf32, #tpu.memory_space<vmem>>, vector<16xf32>,
      %lt3A_1519 = arith.constant 0 : i32
      %lt3A_1520 = vector.broadcast %lt3A_1519 : i32 to vector<16xi32>
      %lt3A_1521 = arith.cmpi slt, %broadcast_in_dim3A_3, %lt3A_1520 : vector<16xi32>
      %add3A_1522 = arith.constant 16 : i32
      %add3A_1523 = vector.broadcast %add3A_1522 : i32 to vector<16xi32>
      %add3A_1524 = arith.addi %broadcast_in_dim3A_3, %add3A_1523 : vector<16xi32>
      %select_n3A_1525 = arith.select %lt3A_1521, %add3A_1524, %broadcast_in_dim3A_3 : vector<16xi1>, vector<16xi32>
      %reshape3A_1526 = vector.shape_cast %select_n3A_1525 : vector<16xi32> to vector<16x1xi32>
      %gather3A_1527 = vector.shape_cast %reshape3A_1526 : vector<16x1xi32> to vector<16xi32>
      %gather3A_1528 = tpu.dynamic_gather %add3A_1512[%gather3A_1527] in [0] : vector<16xf32>, vector<16xi32> -> vector<16xf32>
      %mul3A_1529 = arith.constant 16 : i32
      %mul3A_1530 = arith.muli %scan3A_1450, %mul3A_1529 : i32
      %get3A_1531 = arith.constant 3 : i32
      %get3A_1532 = arith.index_cast %get3A_1531 : i32 to index
      %get3A_1533 = arith.index_cast %mul3A_1530 : i32 to index
      %get3A_1534 = tpu.vector_load %arg4[%get3A_1532, %get3A_1533] {strides = array<i32>} : memref<4x8192xf32, #tpu.memory_space<vmem>>, vector<16xf32>,
      %broadcast_in_dim3A_1535 = arith.constant true
      %broadcast_in_dim3A_1536 = vector.broadcast %broadcast_in_dim3A_1535 : i1 to vector<16xi1>
      %masked_cumsum3A_1537 = tpu.scan <sum>, %get3A_1534 masked %broadcast_in_dim3A_1536 : vector<16xf32>, vector<16xi1> -> vector<16xf32>
      %add3A_1538 = arith.addf %masked_cumsum3A_1537, %gather3A_1448 : vector<16xf32>
      %mul3A_1539 = arith.constant 16 : i32
      %mul3A_1540 = arith.muli %scan3A_1450, %mul3A_1539 : i32
      %swap3A_1541 = arith.constant 3 : i32
      %swap3A_1542 = arith.index_cast %swap3A_1541 : i32 to index
      %swap3A_1543 = arith.index_cast %mul3A_1540 : i32 to index
      %swap3A_1544 = tpu.vector_load %arg4[%swap3A_1542, %swap3A_1543] {strides = array<i32>} : memref<4x8192xf32, #tpu.memory_space<vmem>>, vector<16xf32>,
      tpu.vector_store %arg4[%swap3A_1542, %swap3A_1543], %add3A_1538 {strides = array<i32>} : memref<4x8192xf32, #tpu.memory_space<vmem>>, vector<16xf32>,
      %lt3A_1545 = arith.constant 0 : i32
      %lt3A_1546 = vector.broadcast %lt3A_1545 : i32 to vector<16xi32>
      %lt3A_1547 = arith.cmpi slt, %broadcast_in_dim3A_3, %lt3A_1546 : vector<16xi32>
      %add3A_1548 = arith.constant 16 : i32
      %add3A_1549 = vector.broadcast %add3A_1548 : i32 to vector<16xi32>
      %add3A_1550 = arith.addi %broadcast_in_dim3A_3, %add3A_1549 : vector<16xi32>
      %select_n3A_1551 = arith.select %lt3A_1547, %add3A_1550, %broadcast_in_dim3A_3 : vector<16xi1>, vector<16xi32>
      %reshape3A_1552 = vector.shape_cast %select_n3A_1551 : vector<16xi32> to vector<16x1xi32>
      %gather3A_1553 = vector.shape_cast %reshape3A_1552 : vector<16x1xi32> to vector<16xi32>
      %gather3A_1554 = tpu.dynamic_gather %add3A_1538[%gather3A_1553] in [0] : vector<16xf32>, vector<16xi32> -> vector<16xf32>
      %scan3A_1555 = arith.constant 6 : i32
      %scan3A_1556 = arith.addi %scan3A_923, %scan3A_1555 : i32
      %mul3A_1557 = arith.constant 16 : i32
      %mul3A_1558 = arith.muli %scan3A_1556, %mul3A_1557 : i32
      %get3A_1559 = arith.constant 0 : i32
      %get3A_1560 = arith.index_cast %get3A_1559 : i32 to index
      %get3A_1561 = arith.index_cast %mul3A_1558 : i32 to index
      %get3A_1562 = tpu.vector_load %arg4[%get3A_1560, %get3A_1561] {strides = array<i32>} : memref<4x8192xf32, #tpu.memory_space<vmem>>, vector<16xf32>,
      %broadcast_in_dim3A_1563 = arith.constant true
      %broadcast_in_dim3A_1564 = vector.broadcast %broadcast_in_dim3A_1563 : i1 to vector<16xi1>
      %masked_cumsum3A_1565 = tpu.scan <sum>, %get3A_1562 masked %broadcast_in_dim3A_1564 : vector<16xf32>, vector<16xi1> -> vector<16xf32>
      %add3A_1566 = arith.addf %masked_cumsum3A_1565, %gather3A_1476 : vector<16xf32>
      %mul3A_1567 = arith.constant 16 : i32
      %mul3A_1568 = arith.muli %scan3A_1556, %mul3A_1567 : i32
      %swap3A_1569 = arith.constant 0 : i32
      %swap3A_1570 = arith.index_cast %swap3A_1569 : i32 to index
      %swap3A_1571 = arith.index_cast %mul3A_1568 : i32 to index
      %swap3A_1572 = tpu.vector_load %arg4[%swap3A_1570, %swap3A_1571] {strides = array<i32>} : memref<4x8192xf32, #tpu.memory_space<vmem>>, vector<16xf32>,
      tpu.vector_store %arg4[%swap3A_1570, %swap3A_1571], %add3A_1566 {strides = array<i32>} : memref<4x8192xf32, #tpu.memory_space<vmem>>, vector<16xf32>,
      %lt3A_1573 = arith.constant 0 : i32
      %lt3A_1574 = vector.broadcast %lt3A_1573 : i32 to vector<16xi32>
      %lt3A_1575 = arith.cmpi slt, %broadcast_in_dim3A_3, %lt3A_1574 : vector<16xi32>
      %add3A_1576 = arith.constant 16 : i32
      %add3A_1577 = vector.broadcast %add3A_1576 : i32 to vector<16xi32>
      %add3A_1578 = arith.addi %broadcast_in_dim3A_3, %add3A_1577 : vector<16xi32>
      %select_n3A_1579 = arith.select %lt3A_1575, %add3A_1578, %broadcast_in_dim3A_3 : vector<16xi1>, vector<16xi32>
      %reshape3A_1580 = vector.shape_cast %select_n3A_1579 : vector<16xi32> to vector<16x1xi32>
      %gather3A_1581 = vector.shape_cast %reshape3A_1580 : vector<16x1xi32> to vector<16xi32>
      %gather3A_1582 = tpu.dynamic_gather %add3A_1566[%gather3A_1581] in [0] : vector<16xf32>, vector<16xi32> -> vector<16xf32>
      %mul3A_1583 = arith.constant 16 : i32
      %mul3A_1584 = arith.muli %scan3A_1556, %mul3A_1583 : i32
      %get3A_1585 = arith.constant 1 : i32
      %get3A_1586 = arith.index_cast %get3A_1585 : i32 to index
      %get3A_1587 = arith.index_cast %mul3A_1584 : i32 to index
      %get3A_1588 = tpu.vector_load %arg4[%get3A_1586, %get3A_1587] {strides = array<i32>} : memref<4x8192xf32, #tpu.memory_space<vmem>>, vector<16xf32>,
      %broadcast_in_dim3A_1589 = arith.constant true
      %broadcast_in_dim3A_1590 = vector.broadcast %broadcast_in_dim3A_1589 : i1 to vector<16xi1>
      %masked_cumsum3A_1591 = tpu.scan <sum>, %get3A_1588 masked %broadcast_in_dim3A_1590 : vector<16xf32>, vector<16xi1> -> vector<16xf32>
      %add3A_1592 = arith.addf %masked_cumsum3A_1591, %gather3A_1502 : vector<16xf32>
      %mul3A_1593 = arith.constant 16 : i32
      %mul3A_1594 = arith.muli %scan3A_1556, %mul3A_1593 : i32
      %swap3A_1595 = arith.constant 1 : i32
      %swap3A_1596 = arith.index_cast %swap3A_1595 : i32 to index
      %swap3A_1597 = arith.index_cast %mul3A_1594 : i32 to index
      %swap3A_1598 = tpu.vector_load %arg4[%swap3A_1596, %swap3A_1597] {strides = array<i32>} : memref<4x8192xf32, #tpu.memory_space<vmem>>, vector<16xf32>,
      tpu.vector_store %arg4[%swap3A_1596, %swap3A_1597], %add3A_1592 {strides = array<i32>} : memref<4x8192xf32, #tpu.memory_space<vmem>>, vector<16xf32>,
      %lt3A_1599 = arith.constant 0 : i32
      %lt3A_1600 = vector.broadcast %lt3A_1599 : i32 to vector<16xi32>
      %lt3A_1601 = arith.cmpi slt, %broadcast_in_dim3A_3, %lt3A_1600 : vector<16xi32>
      %add3A_1602 = arith.constant 16 : i32
      %add3A_1603 = vector.broadcast %add3A_1602 : i32 to vector<16xi32>
      %add3A_1604 = arith.addi %broadcast_in_dim3A_3, %add3A_1603 : vector<16xi32>
      %select_n3A_1605 = arith.select %lt3A_1601, %add3A_1604, %broadcast_in_dim3A_3 : vector<16xi1>, vector<16xi32>
      %reshape3A_1606 = vector.shape_cast %select_n3A_1605 : vector<16xi32> to vector<16x1xi32>
      %gather3A_1607 = vector.shape_cast %reshape3A_1606 : vector<16x1xi32> to vector<16xi32>
      %gather3A_1608 = tpu.dynamic_gather %add3A_1592[%gather3A_1607] in [0] : vector<16xf32>, vector<16xi32> -> vector<16xf32>
      %mul3A_1609 = arith.constant 16 : i32
      %mul3A_1610 = arith.muli %scan3A_1556, %mul3A_1609 : i32
      %get3A_1611 = arith.constant 2 : i32
      %get3A_1612 = arith.index_cast %get3A_1611 : i32 to index
      %get3A_1613 = arith.index_cast %mul3A_1610 : i32 to index
      %get3A_1614 = tpu.vector_load %arg4[%get3A_1612, %get3A_1613] {strides = array<i32>} : memref<4x8192xf32, #tpu.memory_space<vmem>>, vector<16xf32>,
      %broadcast_in_dim3A_1615 = arith.constant true
      %broadcast_in_dim3A_1616 = vector.broadcast %broadcast_in_dim3A_1615 : i1 to vector<16xi1>
      %masked_cumsum3A_1617 = tpu.scan <sum>, %get3A_1614 masked %broadcast_in_dim3A_1616 : vector<16xf32>, vector<16xi1> -> vector<16xf32>
      %add3A_1618 = arith.addf %masked_cumsum3A_1617, %gather3A_1528 : vector<16xf32>
      %mul3A_1619 = arith.constant 16 : i32
      %mul3A_1620 = arith.muli %scan3A_1556, %mul3A_1619 : i32
      %swap3A_1621 = arith.constant 2 : i32
      %swap3A_1622 = arith.index_cast %swap3A_1621 : i32 to index
      %swap3A_1623 = arith.index_cast %mul3A_1620 : i32 to index
      %swap3A_1624 = tpu.vector_load %arg4[%swap3A_1622, %swap3A_1623] {strides = array<i32>} : memref<4x8192xf32, #tpu.memory_space<vmem>>, vector<16xf32>,
      tpu.vector_store %arg4[%swap3A_1622, %swap3A_1623], %add3A_1618 {strides = array<i32>} : memref<4x8192xf32, #tpu.memory_space<vmem>>, vector<16xf32>,
      %lt3A_1625 = arith.constant 0 : i32
      %lt3A_1626 = vector.broadcast %lt3A_1625 : i32 to vector<16xi32>
      %lt3A_1627 = arith.cmpi slt, %broadcast_in_dim3A_3, %lt3A_1626 : vector<16xi32>
      %add3A_1628 = arith.constant 16 : i32
      %add3A_1629 = vector.broadcast %add3A_1628 : i32 to vector<16xi32>
      %add3A_1630 = arith.addi %broadcast_in_dim3A_3, %add3A_1629 : vector<16xi32>
      %select_n3A_1631 = arith.select %lt3A_1627, %add3A_1630, %broadcast_in_dim3A_3 : vector<16xi1>, vector<16xi32>
      %reshape3A_1632 = vector.shape_cast %select_n3A_1631 : vector<16xi32> to vector<16x1xi32>
      %gather3A_1633 = vector.shape_cast %reshape3A_1632 : vector<16x1xi32> to vector<16xi32>
      %gather3A_1634 = tpu.dynamic_gather %add3A_1618[%gather3A_1633] in [0] : vector<16xf32>, vector<16xi32> -> vector<16xf32>
      %mul3A_1635 = arith.constant 16 : i32
      %mul3A_1636 = arith.muli %scan3A_1556, %mul3A_1635 : i32
      %get3A_1637 = arith.constant 3 : i32
      %get3A_1638 = arith.index_cast %get3A_1637 : i32 to index
      %get3A_1639 = arith.index_cast %mul3A_1636 : i32 to index
      %get3A_1640 = tpu.vector_load %arg4[%get3A_1638, %get3A_1639] {strides = array<i32>} : memref<4x8192xf32, #tpu.memory_space<vmem>>, vector<16xf32>,
      %broadcast_in_dim3A_1641 = arith.constant true
      %broadcast_in_dim3A_1642 = vector.broadcast %broadcast_in_dim3A_1641 : i1 to vector<16xi1>
      %masked_cumsum3A_1643 = tpu.scan <sum>, %get3A_1640 masked %broadcast_in_dim3A_1642 : vector<16xf32>, vector<16xi1> -> vector<16xf32>
      %add3A_1644 = arith.addf %masked_cumsum3A_1643, %gather3A_1554 : vector<16xf32>
      %mul3A_1645 = arith.constant 16 : i32
      %mul3A_1646 = arith.muli %scan3A_1556, %mul3A_1645 : i32
      %swap3A_1647 = arith.constant 3 : i32
      %swap3A_1648 = arith.index_cast %swap3A_1647 : i32 to index
      %swap3A_1649 = arith.index_cast %mul3A_1646 : i32 to index
      %swap3A_1650 = tpu.vector_load %arg4[%swap3A_1648, %swap3A_1649] {strides = array<i32>} : memref<4x8192xf32, #tpu.memory_space<vmem>>, vector<16xf32>,
      tpu.vector_store %arg4[%swap3A_1648, %swap3A_1649], %add3A_1644 {strides = array<i32>} : memref<4x8192xf32, #tpu.memory_space<vmem>>, vector<16xf32>,
      %lt3A_1651 = arith.constant 0 : i32
      %lt3A_1652 = vector.broadcast %lt3A_1651 : i32 to vector<16xi32>
      %lt3A_1653 = arith.cmpi slt, %broadcast_in_dim3A_3, %lt3A_1652 : vector<16xi32>
      %add3A_1654 = arith.constant 16 : i32
      %add3A_1655 = vector.broadcast %add3A_1654 : i32 to vector<16xi32>
      %add3A_1656 = arith.addi %broadcast_in_dim3A_3, %add3A_1655 : vector<16xi32>
      %select_n3A_1657 = arith.select %lt3A_1653, %add3A_1656, %broadcast_in_dim3A_3 : vector<16xi1>, vector<16xi32>
      %reshape3A_1658 = vector.shape_cast %select_n3A_1657 : vector<16xi32> to vector<16x1xi32>
      %gather3A_1659 = vector.shape_cast %reshape3A_1658 : vector<16x1xi32> to vector<16xi32>
      %gather3A_1660 = tpu.dynamic_gather %add3A_1644[%gather3A_1659] in [0] : vector<16xf32>, vector<16xi32> -> vector<16xf32>
      %scan3A_1661 = arith.constant 7 : i32
      %scan3A_1662 = arith.addi %scan3A_923, %scan3A_1661 : i32
      %mul3A_1663 = arith.constant 16 : i32
      %mul3A_1664 = arith.muli %scan3A_1662, %mul3A_1663 : i32
      %get3A_1665 = arith.constant 0 : i32
      %get3A_1666 = arith.index_cast %get3A_1665 : i32 to index
      %get3A_1667 = arith.index_cast %mul3A_1664 : i32 to index
      %get3A_1668 = tpu.vector_load %arg4[%get3A_1666, %get3A_1667] {strides = array<i32>} : memref<4x8192xf32, #tpu.memory_space<vmem>>, vector<16xf32>,
      %broadcast_in_dim3A_1669 = arith.constant true
      %broadcast_in_dim3A_1670 = vector.broadcast %broadcast_in_dim3A_1669 : i1 to vector<16xi1>
      %masked_cumsum3A_1671 = tpu.scan <sum>, %get3A_1668 masked %broadcast_in_dim3A_1670 : vector<16xf32>, vector<16xi1> -> vector<16xf32>
      %add3A_1672 = arith.addf %masked_cumsum3A_1671, %gather3A_1582 : vector<16xf32>
      %mul3A_1673 = arith.constant 16 : i32
      %mul3A_1674 = arith.muli %scan3A_1662, %mul3A_1673 : i32
      %swap3A_1675 = arith.constant 0 : i32
      %swap3A_1676 = arith.index_cast %swap3A_1675 : i32 to index
      %swap3A_1677 = arith.index_cast %mul3A_1674 : i32 to index
      %swap3A_1678 = tpu.vector_load %arg4[%swap3A_1676, %swap3A_1677] {strides = array<i32>} : memref<4x8192xf32, #tpu.memory_space<vmem>>, vector<16xf32>,
      tpu.vector_store %arg4[%swap3A_1676, %swap3A_1677], %add3A_1672 {strides = array<i32>} : memref<4x8192xf32, #tpu.memory_space<vmem>>, vector<16xf32>,
      %lt3A_1679 = arith.constant 0 : i32
      %lt3A_1680 = vector.broadcast %lt3A_1679 : i32 to vector<16xi32>
      %lt3A_1681 = arith.cmpi slt, %broadcast_in_dim3A_3, %lt3A_1680 : vector<16xi32>
      %add3A_1682 = arith.constant 16 : i32
      %add3A_1683 = vector.broadcast %add3A_1682 : i32 to vector<16xi32>
      %add3A_1684 = arith.addi %broadcast_in_dim3A_3, %add3A_1683 : vector<16xi32>
      %select_n3A_1685 = arith.select %lt3A_1681, %add3A_1684, %broadcast_in_dim3A_3 : vector<16xi1>, vector<16xi32>
      %reshape3A_1686 = vector.shape_cast %select_n3A_1685 : vector<16xi32> to vector<16x1xi32>
      %gather3A_1687 = vector.shape_cast %reshape3A_1686 : vector<16x1xi32> to vector<16xi32>
      %gather3A_1688 = tpu.dynamic_gather %add3A_1672[%gather3A_1687] in [0] : vector<16xf32>, vector<16xi32> -> vector<16xf32>
      %mul3A_1689 = arith.constant 16 : i32
      %mul3A_1690 = arith.muli %scan3A_1662, %mul3A_1689 : i32
      %get3A_1691 = arith.constant 1 : i32
      %get3A_1692 = arith.index_cast %get3A_1691 : i32 to index
      %get3A_1693 = arith.index_cast %mul3A_1690 : i32 to index
      %get3A_1694 = tpu.vector_load %arg4[%get3A_1692, %get3A_1693] {strides = array<i32>} : memref<4x8192xf32, #tpu.memory_space<vmem>>, vector<16xf32>,
      %broadcast_in_dim3A_1695 = arith.constant true
      %broadcast_in_dim3A_1696 = vector.broadcast %broadcast_in_dim3A_1695 : i1 to vector<16xi1>
      %masked_cumsum3A_1697 = tpu.scan <sum>, %get3A_1694 masked %broadcast_in_dim3A_1696 : vector<16xf32>, vector<16xi1> -> vector<16xf32>
      %add3A_1698 = arith.addf %masked_cumsum3A_1697, %gather3A_1608 : vector<16xf32>
      %mul3A_1699 = arith.constant 16 : i32
      %mul3A_1700 = arith.muli %scan3A_1662, %mul3A_1699 : i32
      %swap3A_1701 = arith.constant 1 : i32
      %swap3A_1702 = arith.index_cast %swap3A_1701 : i32 to index
      %swap3A_1703 = arith.index_cast %mul3A_1700 : i32 to index
      %swap3A_1704 = tpu.vector_load %arg4[%swap3A_1702, %swap3A_1703] {strides = array<i32>} : memref<4x8192xf32, #tpu.memory_space<vmem>>, vector<16xf32>,
      tpu.vector_store %arg4[%swap3A_1702, %swap3A_1703], %add3A_1698 {strides = array<i32>} : memref<4x8192xf32, #tpu.memory_space<vmem>>, vector<16xf32>,
      %lt3A_1705 = arith.constant 0 : i32
      %lt3A_1706 = vector.broadcast %lt3A_1705 : i32 to vector<16xi32>
      %lt3A_1707 = arith.cmpi slt, %broadcast_in_dim3A_3, %lt3A_1706 : vector<16xi32>
      %add3A_1708 = arith.constant 16 : i32
      %add3A_1709 = vector.broadcast %add3A_1708 : i32 to vector<16xi32>
      %add3A_1710 = arith.addi %broadcast_in_dim3A_3, %add3A_1709 : vector<16xi32>
      %select_n3A_1711 = arith.select %lt3A_1707, %add3A_1710, %broadcast_in_dim3A_3 : vector<16xi1>, vector<16xi32>
      %reshape3A_1712 = vector.shape_cast %select_n3A_1711 : vector<16xi32> to vector<16x1xi32>
      %gather3A_1713 = vector.shape_cast %reshape3A_1712 : vector<16x1xi32> to vector<16xi32>
      %gather3A_1714 = tpu.dynamic_gather %add3A_1698[%gather3A_1713] in [0] : vector<16xf32>, vector<16xi32> -> vector<16xf32>
      %mul3A_1715 = arith.constant 16 : i32
      %mul3A_1716 = arith.muli %scan3A_1662, %mul3A_1715 : i32
      %get3A_1717 = arith.constant 2 : i32
      %get3A_1718 = arith.index_cast %get3A_1717 : i32 to index
      %get3A_1719 = arith.index_cast %mul3A_1716 : i32 to index
      %get3A_1720 = tpu.vector_load %arg4[%get3A_1718, %get3A_1719] {strides = array<i32>} : memref<4x8192xf32, #tpu.memory_space<vmem>>, vector<16xf32>,
      %broadcast_in_dim3A_1721 = arith.constant true
      %broadcast_in_dim3A_1722 = vector.broadcast %broadcast_in_dim3A_1721 : i1 to vector<16xi1>
      %masked_cumsum3A_1723 = tpu.scan <sum>, %get3A_1720 masked %broadcast_in_dim3A_1722 : vector<16xf32>, vector<16xi1> -> vector<16xf32>
      %add3A_1724 = arith.addf %masked_cumsum3A_1723, %gather3A_1634 : vector<16xf32>
      %mul3A_1725 = arith.constant 16 : i32
      %mul3A_1726 = arith.muli %scan3A_1662, %mul3A_1725 : i32
      %swap3A_1727 = arith.constant 2 : i32
      %swap3A_1728 = arith.index_cast %swap3A_1727 : i32 to index
      %swap3A_1729 = arith.index_cast %mul3A_1726 : i32 to index
      %swap3A_1730 = tpu.vector_load %arg4[%swap3A_1728, %swap3A_1729] {strides = array<i32>} : memref<4x8192xf32, #tpu.memory_space<vmem>>, vector<16xf32>,
      tpu.vector_store %arg4[%swap3A_1728, %swap3A_1729], %add3A_1724 {strides = array<i32>} : memref<4x8192xf32, #tpu.memory_space<vmem>>, vector<16xf32>,
      %lt3A_1731 = arith.constant 0 : i32
      %lt3A_1732 = vector.broadcast %lt3A_1731 : i32 to vector<16xi32>
      %lt3A_1733 = arith.cmpi slt, %broadcast_in_dim3A_3, %lt3A_1732 : vector<16xi32>
      %add3A_1734 = arith.constant 16 : i32
      %add3A_1735 = vector.broadcast %add3A_1734 : i32 to vector<16xi32>
      %add3A_1736 = arith.addi %broadcast_in_dim3A_3, %add3A_1735 : vector<16xi32>
      %select_n3A_1737 = arith.select %lt3A_1733, %add3A_1736, %broadcast_in_dim3A_3 : vector<16xi1>, vector<16xi32>
      %reshape3A_1738 = vector.shape_cast %select_n3A_1737 : vector<16xi32> to vector<16x1xi32>
      %gather3A_1739 = vector.shape_cast %reshape3A_1738 : vector<16x1xi32> to vector<16xi32>
      %gather3A_1740 = tpu.dynamic_gather %add3A_1724[%gather3A_1739] in [0] : vector<16xf32>, vector<16xi32> -> vector<16xf32>
      %mul3A_1741 = arith.constant 16 : i32
      %mul3A_1742 = arith.muli %scan3A_1662, %mul3A_1741 : i32
      %get3A_1743 = arith.constant 3 : i32
      %get3A_1744 = arith.index_cast %get3A_1743 : i32 to index
      %get3A_1745 = arith.index_cast %mul3A_1742 : i32 to index
      %get3A_1746 = tpu.vector_load %arg4[%get3A_1744, %get3A_1745] {strides = array<i32>} : memref<4x8192xf32, #tpu.memory_space<vmem>>, vector<16xf32>,
      %broadcast_in_dim3A_1747 = arith.constant true
      %broadcast_in_dim3A_1748 = vector.broadcast %broadcast_in_dim3A_1747 : i1 to vector<16xi1>
      %masked_cumsum3A_1749 = tpu.scan <sum>, %get3A_1746 masked %broadcast_in_dim3A_1748 : vector<16xf32>, vector<16xi1> -> vector<16xf32>
      %add3A_1750 = arith.addf %masked_cumsum3A_1749, %gather3A_1660 : vector<16xf32>
      %mul3A_1751 = arith.constant 16 : i32
      %mul3A_1752 = arith.muli %scan3A_1662, %mul3A_1751 : i32
      %swap3A_1753 = arith.constant 3 : i32
      %swap3A_1754 = arith.index_cast %swap3A_1753 : i32 to index
      %swap3A_1755 = arith.index_cast %mul3A_1752 : i32 to index
      %swap3A_1756 = tpu.vector_load %arg4[%swap3A_1754, %swap3A_1755] {strides = array<i32>} : memref<4x8192xf32, #tpu.memory_space<vmem>>, vector<16xf32>,
      tpu.vector_store %arg4[%swap3A_1754, %swap3A_1755], %add3A_1750 {strides = array<i32>} : memref<4x8192xf32, #tpu.memory_space<vmem>>, vector<16xf32>,
      %lt3A_1757 = arith.constant 0 : i32
      %lt3A_1758 = vector.broadcast %lt3A_1757 : i32 to vector<16xi32>
      %lt3A_1759 = arith.cmpi slt, %broadcast_in_dim3A_3, %lt3A_1758 : vector<16xi32>
      %add3A_1760 = arith.constant 16 : i32
      %add3A_1761 = vector.broadcast %add3A_1760 : i32 to vector<16xi32>
      %add3A_1762 = arith.addi %broadcast_in_dim3A_3, %add3A_1761 : vector<16xi32>
      %select_n3A_1763 = arith.select %lt3A_1759, %add3A_1762, %broadcast_in_dim3A_3 : vector<16xi1>, vector<16xi32>
      %reshape3A_1764 = vector.shape_cast %select_n3A_1763 : vector<16xi32> to vector<16x1xi32>
      %gather3A_1765 = vector.shape_cast %reshape3A_1764 : vector<16x1xi32> to vector<16xi32>
      %gather3A_1766 = tpu.dynamic_gather %add3A_1750[%gather3A_1765] in [0] : vector<16xf32>, vector<16xi32> -> vector<16xf32>
      scf.yield %gather3A_1688, %gather3A_1714, %gather3A_1740, %gather3A_1766 : vector<16xf32>, vector<16xf32>, vector<16xf32>, vector<16xf32>
    }
    %scan3A_640 = arith.constant 512 : i32
    %add3A_641 = arith.constant 0 : i32
    %add3A_642 = arith.addi %mul3A_2, %add3A_641 : i32
    %dma_start3A_643 = arith.constant 0 : i32
    %dma_start3A_644 = arith.constant 0 : i32
    %dma_start3A_645 = tpu.memref_slice %arg4[%dma_start3A_643, %dma_start3A_644] : memref<4x8192xf32, #tpu.memory_space<vmem>> -> memref<1x8192xf32, #tpu.memory_space<vmem>>
    %dma_start3A_646 = tpu.memref_squeeze %dma_start3A_645 : memref<1x8192xf32, #tpu.memory_space<vmem>> -> memref<8192xf32, #tpu.memory_space<vmem>>
    %dma_start3A_647 = arith.constant 16384 : i32
    %dma_start3A_648 = tpu.memref_slice %arg3[%add3A_642, %dma_start3A_647] : memref<128x32768xf32, #tpu.memory_space<hbm>> -> memref<1x8192xf32, #tpu.memory_space<hbm>>
    %dma_start3A_649 = tpu.memref_squeeze %dma_start3A_648 : memref<1x8192xf32, #tpu.memory_space<hbm>> -> memref<8192xf32, #tpu.memory_space<hbm>>
    %dma_start3A_650 = arith.constant 16384 : i32
    %dma_start3A_651 = tpu.memref_slice %arg3[%add3A_642, %dma_start3A_650] : memref<128x32768xf32, #tpu.memory_space<hbm>> -> memref<1x8192xf32, #tpu.memory_space<hbm>>
    %dma_start3A_652 = tpu.memref_squeeze %dma_start3A_651 : memref<1x8192xf32, #tpu.memory_space<hbm>> -> memref<8192xf32, #tpu.memory_space<hbm>>
    %dma_start3A_653 = arith.constant 0 : i32
    %dma_start3A_654 = tpu.memref_slice %arg4[%dma_start3A_643, %dma_start3A_653] : memref<4x8192xf32, #tpu.memory_space<vmem>> -> memref<1x8192xf32, #tpu.memory_space<vmem>>
    %dma_start3A_655 = tpu.memref_squeeze %dma_start3A_654 : memref<1x8192xf32, #tpu.memory_space<vmem>> -> memref<8192xf32, #tpu.memory_space<vmem>>
    tpu.enqueue_dma source(%dma_start3A_655 : memref<8192xf32, #tpu.memory_space<vmem>>) target(%dma_start3A_652 : memref<8192xf32, #tpu.memory_space<hbm>>) target_semaphore(%arg7 : memref<!tpu.dma_semaphore, #tpu.memory_space<semaphore_mem>>)
    %add3A_656 = arith.constant 1 : i32
    %add3A_657 = arith.addi %mul3A_2, %add3A_656 : i32
    %dma_start3A_658 = arith.constant 1 : i32
    %dma_start3A_659 = arith.constant 0 : i32
    %dma_start3A_660 = tpu.memref_slice %arg4[%dma_start3A_658, %dma_start3A_659] : memref<4x8192xf32, #tpu.memory_space<vmem>> -> memref<1x8192xf32, #tpu.memory_space<vmem>>
    %dma_start3A_661 = tpu.memref_squeeze %dma_start3A_660 : memref<1x8192xf32, #tpu.memory_space<vmem>> -> memref<8192xf32, #tpu.memory_space<vmem>>
    %dma_start3A_662 = arith.constant 16384 : i32
    %dma_start3A_663 = tpu.memref_slice %arg3[%add3A_657, %dma_start3A_662] : memref<128x32768xf32, #tpu.memory_space<hbm>> -> memref<1x8192xf32, #tpu.memory_space<hbm>>
    %dma_start3A_664 = tpu.memref_squeeze %dma_start3A_663 : memref<1x8192xf32, #tpu.memory_space<hbm>> -> memref<8192xf32, #tpu.memory_space<hbm>>
    %dma_start3A_665 = arith.constant 16384 : i32
    %dma_start3A_666 = tpu.memref_slice %arg3[%add3A_657, %dma_start3A_665] : memref<128x32768xf32, #tpu.memory_space<hbm>> -> memref<1x8192xf32, #tpu.memory_space<hbm>>
    %dma_start3A_667 = tpu.memref_squeeze %dma_start3A_666 : memref<1x8192xf32, #tpu.memory_space<hbm>> -> memref<8192xf32, #tpu.memory_space<hbm>>
    %dma_start3A_668 = arith.constant 0 : i32
    %dma_start3A_669 = tpu.memref_slice %arg4[%dma_start3A_658, %dma_start3A_668] : memref<4x8192xf32, #tpu.memory_space<vmem>> -> memref<1x8192xf32, #tpu.memory_space<vmem>>
    %dma_start3A_670 = tpu.memref_squeeze %dma_start3A_669 : memref<1x8192xf32, #tpu.memory_space<vmem>> -> memref<8192xf32, #tpu.memory_space<vmem>>
    tpu.enqueue_dma source(%dma_start3A_670 : memref<8192xf32, #tpu.memory_space<vmem>>) target(%dma_start3A_667 : memref<8192xf32, #tpu.memory_space<hbm>>) target_semaphore(%arg7 : memref<!tpu.dma_semaphore, #tpu.memory_space<semaphore_mem>>)
    %add3A_671 = arith.constant 2 : i32
    %add3A_672 = arith.addi %mul3A_2, %add3A_671 : i32
    %dma_start3A_673 = arith.constant 2 : i32
    %dma_start3A_674 = arith.constant 0 : i32
    %dma_start3A_675 = tpu.memref_slice %arg4[%dma_start3A_673, %dma_start3A_674] : memref<4x8192xf32, #tpu.memory_space<vmem>> -> memref<1x8192xf32, #tpu.memory_space<vmem>>
    %dma_start3A_676 = tpu.memref_squeeze %dma_start3A_675 : memref<1x8192xf32, #tpu.memory_space<vmem>> -> memref<8192xf32, #tpu.memory_space<vmem>>
    %dma_start3A_677 = arith.constant 16384 : i32
    %dma_start3A_678 = tpu.memref_slice %arg3[%add3A_672, %dma_start3A_677] : memref<128x32768xf32, #tpu.memory_space<hbm>> -> memref<1x8192xf32, #tpu.memory_space<hbm>>
    %dma_start3A_679 = tpu.memref_squeeze %dma_start3A_678 : memref<1x8192xf32, #tpu.memory_space<hbm>> -> memref<8192xf32, #tpu.memory_space<hbm>>
    %dma_start3A_680 = arith.constant 16384 : i32
    %dma_start3A_681 = tpu.memref_slice %arg3[%add3A_672, %dma_start3A_680] : memref<128x32768xf32, #tpu.memory_space<hbm>> -> memref<1x8192xf32, #tpu.memory_space<hbm>>
    %dma_start3A_682 = tpu.memref_squeeze %dma_start3A_681 : memref<1x8192xf32, #tpu.memory_space<hbm>> -> memref<8192xf32, #tpu.memory_space<hbm>>
    %dma_start3A_683 = arith.constant 0 : i32
    %dma_start3A_684 = tpu.memref_slice %arg4[%dma_start3A_673, %dma_start3A_683] : memref<4x8192xf32, #tpu.memory_space<vmem>> -> memref<1x8192xf32, #tpu.memory_space<vmem>>
    %dma_start3A_685 = tpu.memref_squeeze %dma_start3A_684 : memref<1x8192xf32, #tpu.memory_space<vmem>> -> memref<8192xf32, #tpu.memory_space<vmem>>
    tpu.enqueue_dma source(%dma_start3A_685 : memref<8192xf32, #tpu.memory_space<vmem>>) target(%dma_start3A_682 : memref<8192xf32, #tpu.memory_space<hbm>>) target_semaphore(%arg7 : memref<!tpu.dma_semaphore, #tpu.memory_space<semaphore_mem>>)
    %add3A_686 = arith.constant 3 : i32
    %add3A_687 = arith.addi %mul3A_2, %add3A_686 : i32
    %dma_start3A_688 = arith.constant 3 : i32
    %dma_start3A_689 = arith.constant 0 : i32
    %dma_start3A_690 = tpu.memref_slice %arg4[%dma_start3A_688, %dma_start3A_689] : memref<4x8192xf32, #tpu.memory_space<vmem>> -> memref<1x8192xf32, #tpu.memory_space<vmem>>
    %dma_start3A_691 = tpu.memref_squeeze %dma_start3A_690 : memref<1x8192xf32, #tpu.memory_space<vmem>> -> memref<8192xf32, #tpu.memory_space<vmem>>
    %dma_start3A_692 = arith.constant 16384 : i32
    %dma_start3A_693 = tpu.memref_slice %arg3[%add3A_687, %dma_start3A_692] : memref<128x32768xf32, #tpu.memory_space<hbm>> -> memref<1x8192xf32, #tpu.memory_space<hbm>>
    %dma_start3A_694 = tpu.memref_squeeze %dma_start3A_693 : memref<1x8192xf32, #tpu.memory_space<hbm>> -> memref<8192xf32, #tpu.memory_space<hbm>>
    %dma_start3A_695 = arith.constant 16384 : i32
    %dma_start3A_696 = tpu.memref_slice %arg3[%add3A_687, %dma_start3A_695] : memref<128x32768xf32, #tpu.memory_space<hbm>> -> memref<1x8192xf32, #tpu.memory_space<hbm>>
    %dma_start3A_697 = tpu.memref_squeeze %dma_start3A_696 : memref<1x8192xf32, #tpu.memory_space<hbm>> -> memref<8192xf32, #tpu.memory_space<hbm>>
    %dma_start3A_698 = arith.constant 0 : i32
    %dma_start3A_699 = tpu.memref_slice %arg4[%dma_start3A_688, %dma_start3A_698] : memref<4x8192xf32, #tpu.memory_space<vmem>> -> memref<1x8192xf32, #tpu.memory_space<vmem>>
    %dma_start3A_700 = tpu.memref_squeeze %dma_start3A_699 : memref<1x8192xf32, #tpu.memory_space<vmem>> -> memref<8192xf32, #tpu.memory_space<vmem>>
    tpu.enqueue_dma source(%dma_start3A_700 : memref<8192xf32, #tpu.memory_space<vmem>>) target(%dma_start3A_697 : memref<8192xf32, #tpu.memory_space<hbm>>) target_semaphore(%arg7 : memref<!tpu.dma_semaphore, #tpu.memory_space<semaphore_mem>>)
    %dma_wait3A_701 = arith.constant 0 : i32
    %dma_wait3A_702 = arith.constant 0 : i32
    %dma_wait3A_703 = tpu.memref_slice %arg5[%dma_wait3A_701, %dma_wait3A_702] : memref<4x8192xf32, #tpu.memory_space<vmem>> -> memref<1x8192xf32, #tpu.memory_space<vmem>>
    %dma_wait3A_704 = tpu.memref_squeeze %dma_wait3A_703 : memref<1x8192xf32, #tpu.memory_space<vmem>> -> memref<8192xf32, #tpu.memory_space<vmem>>
    %dma_wait3A_705 = arith.constant 24576 : i32
    %dma_wait3A_706 = tpu.memref_slice %arg2[%add3A_576, %dma_wait3A_705] : memref<128x32768xf32, #tpu.memory_space<hbm>> -> memref<1x8192xf32, #tpu.memory_space<hbm>>
    %dma_wait3A_707 = tpu.memref_squeeze %dma_wait3A_706 : memref<1x8192xf32, #tpu.memory_space<hbm>> -> memref<8192xf32, #tpu.memory_space<hbm>>
    %dma_wait3A_708 = arith.constant 0 : i32
    %dma_wait3A_709 = tpu.memref_slice %arg5[%dma_wait3A_701, %dma_wait3A_708] : memref<4x8192xf32, #tpu.memory_space<vmem>> -> memref<1x8192xf32, #tpu.memory_space<vmem>>
    %dma_wait3A_710 = tpu.memref_squeeze %dma_wait3A_709 : memref<1x8192xf32, #tpu.memory_space<vmem>> -> memref<8192xf32, #tpu.memory_space<vmem>>
    %dma_wait3A_711 = arith.constant 24576 : i32
    %dma_wait3A_712 = tpu.memref_slice %arg2[%add3A_576, %dma_wait3A_711] : memref<128x32768xf32, #tpu.memory_space<hbm>> -> memref<1x8192xf32, #tpu.memory_space<hbm>>
    %dma_wait3A_713 = tpu.memref_squeeze %dma_wait3A_712 : memref<1x8192xf32, #tpu.memory_space<hbm>> -> memref<8192xf32, #tpu.memory_space<hbm>>
    tpu.wait_dma2 semaphore(%arg6 : memref<!tpu.dma_semaphore, #tpu.memory_space<semaphore_mem>>) src(%dma_wait3A_713 : memref<8192xf32, #tpu.memory_space<hbm>>) dst(%dma_wait3A_710 : memref<8192xf32, #tpu.memory_space<vmem>>)
    %dma_wait3A_714 = arith.constant 1 : i32
    %dma_wait3A_715 = arith.constant 0 : i32
    %dma_wait3A_716 = tpu.memref_slice %arg5[%dma_wait3A_714, %dma_wait3A_715] : memref<4x8192xf32, #tpu.memory_space<vmem>> -> memref<1x8192xf32, #tpu.memory_space<vmem>>
    %dma_wait3A_717 = tpu.memref_squeeze %dma_wait3A_716 : memref<1x8192xf32, #tpu.memory_space<vmem>> -> memref<8192xf32, #tpu.memory_space<vmem>>
    %dma_wait3A_718 = arith.constant 24576 : i32
    %dma_wait3A_719 = tpu.memref_slice %arg2[%add3A_591, %dma_wait3A_718] : memref<128x32768xf32, #tpu.memory_space<hbm>> -> memref<1x8192xf32, #tpu.memory_space<hbm>>
    %dma_wait3A_720 = tpu.memref_squeeze %dma_wait3A_719 : memref<1x8192xf32, #tpu.memory_space<hbm>> -> memref<8192xf32, #tpu.memory_space<hbm>>
    %dma_wait3A_721 = arith.constant 0 : i32
    %dma_wait3A_722 = tpu.memref_slice %arg5[%dma_wait3A_714, %dma_wait3A_721] : memref<4x8192xf32, #tpu.memory_space<vmem>> -> memref<1x8192xf32, #tpu.memory_space<vmem>>
    %dma_wait3A_723 = tpu.memref_squeeze %dma_wait3A_722 : memref<1x8192xf32, #tpu.memory_space<vmem>> -> memref<8192xf32, #tpu.memory_space<vmem>>
    %dma_wait3A_724 = arith.constant 24576 : i32
    %dma_wait3A_725 = tpu.memref_slice %arg2[%add3A_591, %dma_wait3A_724] : memref<128x32768xf32, #tpu.memory_space<hbm>> -> memref<1x8192xf32, #tpu.memory_space<hbm>>
    %dma_wait3A_726 = tpu.memref_squeeze %dma_wait3A_725 : memref<1x8192xf32, #tpu.memory_space<hbm>> -> memref<8192xf32, #tpu.memory_space<hbm>>
    tpu.wait_dma2 semaphore(%arg6 : memref<!tpu.dma_semaphore, #tpu.memory_space<semaphore_mem>>) src(%dma_wait3A_726 : memref<8192xf32, #tpu.memory_space<hbm>>) dst(%dma_wait3A_723 : memref<8192xf32, #tpu.memory_space<vmem>>)
    %dma_wait3A_727 = arith.constant 2 : i32
    %dma_wait3A_728 = arith.constant 0 : i32
    %dma_wait3A_729 = tpu.memref_slice %arg5[%dma_wait3A_727, %dma_wait3A_728] : memref<4x8192xf32, #tpu.memory_space<vmem>> -> memref<1x8192xf32, #tpu.memory_space<vmem>>
    %dma_wait3A_730 = tpu.memref_squeeze %dma_wait3A_729 : memref<1x8192xf32, #tpu.memory_space<vmem>> -> memref<8192xf32, #tpu.memory_space<vmem>>
    %dma_wait3A_731 = arith.constant 24576 : i32
    %dma_wait3A_732 = tpu.memref_slice %arg2[%add3A_606, %dma_wait3A_731] : memref<128x32768xf32, #tpu.memory_space<hbm>> -> memref<1x8192xf32, #tpu.memory_space<hbm>>
    %dma_wait3A_733 = tpu.memref_squeeze %dma_wait3A_732 : memref<1x8192xf32, #tpu.memory_space<hbm>> -> memref<8192xf32, #tpu.memory_space<hbm>>
    %dma_wait3A_734 = arith.constant 0 : i32
    %dma_wait3A_735 = tpu.memref_slice %arg5[%dma_wait3A_727, %dma_wait3A_734] : memref<4x8192xf32, #tpu.memory_space<vmem>> -> memref<1x8192xf32, #tpu.memory_space<vmem>>
    %dma_wait3A_736 = tpu.memref_squeeze %dma_wait3A_735 : memref<1x8192xf32, #tpu.memory_space<vmem>> -> memref<8192xf32, #tpu.memory_space<vmem>>
    %dma_wait3A_737 = arith.constant 24576 : i32
    %dma_wait3A_738 = tpu.memref_slice %arg2[%add3A_606, %dma_wait3A_737] : memref<128x32768xf32, #tpu.memory_space<hbm>> -> memref<1x8192xf32, #tpu.memory_space<hbm>>
    %dma_wait3A_739 = tpu.memref_squeeze %dma_wait3A_738 : memref<1x8192xf32, #tpu.memory_space<hbm>> -> memref<8192xf32, #tpu.memory_space<hbm>>
    tpu.wait_dma2 semaphore(%arg6 : memref<!tpu.dma_semaphore, #tpu.memory_space<semaphore_mem>>) src(%dma_wait3A_739 : memref<8192xf32, #tpu.memory_space<hbm>>) dst(%dma_wait3A_736 : memref<8192xf32, #tpu.memory_space<vmem>>)
    %dma_wait3A_740 = arith.constant 3 : i32
    %dma_wait3A_741 = arith.constant 0 : i32
    %dma_wait3A_742 = tpu.memref_slice %arg5[%dma_wait3A_740, %dma_wait3A_741] : memref<4x8192xf32, #tpu.memory_space<vmem>> -> memref<1x8192xf32, #tpu.memory_space<vmem>>
    %dma_wait3A_743 = tpu.memref_squeeze %dma_wait3A_742 : memref<1x8192xf32, #tpu.memory_space<vmem>> -> memref<8192xf32, #tpu.memory_space<vmem>>
    %dma_wait3A_744 = arith.constant 24576 : i32
    %dma_wait3A_745 = tpu.memref_slice %arg2[%add3A_621, %dma_wait3A_744] : memref<128x32768xf32, #tpu.memory_space<hbm>> -> memref<1x8192xf32, #tpu.memory_space<hbm>>
    %dma_wait3A_746 = tpu.memref_squeeze %dma_wait3A_745 : memref<1x8192xf32, #tpu.memory_space<hbm>> -> memref<8192xf32, #tpu.memory_space<hbm>>
    %dma_wait3A_747 = arith.constant 0 : i32
    %dma_wait3A_748 = tpu.memref_slice %arg5[%dma_wait3A_740, %dma_wait3A_747] : memref<4x8192xf32, #tpu.memory_space<vmem>> -> memref<1x8192xf32, #tpu.memory_space<vmem>>
    %dma_wait3A_749 = tpu.memref_squeeze %dma_wait3A_748 : memref<1x8192xf32, #tpu.memory_space<vmem>> -> memref<8192xf32, #tpu.memory_space<vmem>>
    %dma_wait3A_750 = arith.constant 24576 : i32
    %dma_wait3A_751 = tpu.memref_slice %arg2[%add3A_621, %dma_wait3A_750] : memref<128x32768xf32, #tpu.memory_space<hbm>> -> memref<1x8192xf32, #tpu.memory_space<hbm>>
    %dma_wait3A_752 = tpu.memref_squeeze %dma_wait3A_751 : memref<1x8192xf32, #tpu.memory_space<hbm>> -> memref<8192xf32, #tpu.memory_space<hbm>>
    tpu.wait_dma2 semaphore(%arg6 : memref<!tpu.dma_semaphore, #tpu.memory_space<semaphore_mem>>) src(%dma_wait3A_752 : memref<8192xf32, #tpu.memory_space<hbm>>) dst(%dma_wait3A_749 : memref<8192xf32, #tpu.memory_space<vmem>>)
    %scan3A_753 = arith.constant 0 : i32
    %scan3A_754 = arith.constant 512 : i32
    %scan3A_755 = arith.addi %scan3A_753, %scan3A_754 : i32
    %scan3A_756 = arith.constant 8 : i32
    %scan3A_757:4 = scf.for %scan3A_923 = %scan3A_753 to %scan3A_755 step %scan3A_756 iter_args(%scan3A_924 = %scan3A_639#0, %scan3A_925 = %scan3A_639#1, %scan3A_926 = %scan3A_639#2, %scan3A_927 = %scan3A_639#3) -> (vector<16xf32>, vector<16xf32>, vector<16xf32>, vector<16xf32>)  : i32 {
      %mul3A_928 = arith.constant 16 : i32
      %mul3A_929 = arith.muli %scan3A_923, %mul3A_928 : i32
      %get3A = arith.constant 0 : i32
      %get3A_930 = arith.index_cast %get3A : i32 to index
      %get3A_931 = arith.index_cast %mul3A_929 : i32 to index
      %get3A_932 = tpu.vector_load %arg5[%get3A_930, %get3A_931] {strides = array<i32>} : memref<4x8192xf32, #tpu.memory_space<vmem>>, vector<16xf32>,
      %broadcast_in_dim3A_933 = arith.constant true
      %broadcast_in_dim3A_934 = vector.broadcast %broadcast_in_dim3A_933 : i1 to vector<16xi1>
      %masked_cumsum3A = tpu.scan <sum>, %get3A_932 masked %broadcast_in_dim3A_934 : vector<16xf32>, vector<16xi1> -> vector<16xf32>
      %add3A_935 = arith.addf %masked_cumsum3A, %scan3A_924 : vector<16xf32>
      %mul3A_936 = arith.constant 16 : i32
      %mul3A_937 = arith.muli %scan3A_923, %mul3A_936 : i32
      %swap3A = arith.constant 0 : i32
      %swap3A_938 = arith.index_cast %swap3A : i32 to index
      %swap3A_939 = arith.index_cast %mul3A_937 : i32 to index
      %swap3A_940 = tpu.vector_load %arg5[%swap3A_938, %swap3A_939] {strides = array<i32>} : memref<4x8192xf32, #tpu.memory_space<vmem>>, vector<16xf32>,
      tpu.vector_store %arg5[%swap3A_938, %swap3A_939], %add3A_935 {strides = array<i32>} : memref<4x8192xf32, #tpu.memory_space<vmem>>, vector<16xf32>,
      %lt3A = arith.constant 0 : i32
      %lt3A_941 = vector.broadcast %lt3A : i32 to vector<16xi32>
      %lt3A_942 = arith.cmpi slt, %broadcast_in_dim3A_3, %lt3A_941 : vector<16xi32>
      %add3A_943 = arith.constant 16 : i32
      %add3A_944 = vector.broadcast %add3A_943 : i32 to vector<16xi32>
      %add3A_945 = arith.addi %broadcast_in_dim3A_3, %add3A_944 : vector<16xi32>
      %select_n3A = arith.select %lt3A_942, %add3A_945, %broadcast_in_dim3A_3 : vector<16xi1>, vector<16xi32>
      %reshape3A = vector.shape_cast %select_n3A : vector<16xi32> to vector<16x1xi32>
      %gather3A = vector.shape_cast %reshape3A : vector<16x1xi32> to vector<16xi32>
      %gather3A_946 = tpu.dynamic_gather %add3A_935[%gather3A] in [0] : vector<16xf32>, vector<16xi32> -> vector<16xf32>
      %mul3A_947 = arith.constant 16 : i32
      %mul3A_948 = arith.muli %scan3A_923, %mul3A_947 : i32
      %get3A_949 = arith.constant 1 : i32
      %get3A_950 = arith.index_cast %get3A_949 : i32 to index
      %get3A_951 = arith.index_cast %mul3A_948 : i32 to index
      %get3A_952 = tpu.vector_load %arg5[%get3A_950, %get3A_951] {strides = array<i32>} : memref<4x8192xf32, #tpu.memory_space<vmem>>, vector<16xf32>,
      %broadcast_in_dim3A_953 = arith.constant true
      %broadcast_in_dim3A_954 = vector.broadcast %broadcast_in_dim3A_953 : i1 to vector<16xi1>
      %masked_cumsum3A_955 = tpu.scan <sum>, %get3A_952 masked %broadcast_in_dim3A_954 : vector<16xf32>, vector<16xi1> -> vector<16xf32>
      %add3A_956 = arith.addf %masked_cumsum3A_955, %scan3A_925 : vector<16xf32>
      %mul3A_957 = arith.constant 16 : i32
      %mul3A_958 = arith.muli %scan3A_923, %mul3A_957 : i32
      %swap3A_959 = arith.constant 1 : i32
      %swap3A_960 = arith.index_cast %swap3A_959 : i32 to index
      %swap3A_961 = arith.index_cast %mul3A_958 : i32 to index
      %swap3A_962 = tpu.vector_load %arg5[%swap3A_960, %swap3A_961] {strides = array<i32>} : memref<4x8192xf32, #tpu.memory_space<vmem>>, vector<16xf32>,
      tpu.vector_store %arg5[%swap3A_960, %swap3A_961], %add3A_956 {strides = array<i32>} : memref<4x8192xf32, #tpu.memory_space<vmem>>, vector<16xf32>,
      %lt3A_963 = arith.constant 0 : i32
      %lt3A_964 = vector.broadcast %lt3A_963 : i32 to vector<16xi32>
      %lt3A_965 = arith.cmpi slt, %broadcast_in_dim3A_3, %lt3A_964 : vector<16xi32>
      %add3A_966 = arith.constant 16 : i32
      %add3A_967 = vector.broadcast %add3A_966 : i32 to vector<16xi32>
      %add3A_968 = arith.addi %broadcast_in_dim3A_3, %add3A_967 : vector<16xi32>
      %select_n3A_969 = arith.select %lt3A_965, %add3A_968, %broadcast_in_dim3A_3 : vector<16xi1>, vector<16xi32>
      %reshape3A_970 = vector.shape_cast %select_n3A_969 : vector<16xi32> to vector<16x1xi32>
      %gather3A_971 = vector.shape_cast %reshape3A_970 : vector<16x1xi32> to vector<16xi32>
      %gather3A_972 = tpu.dynamic_gather %add3A_956[%gather3A_971] in [0] : vector<16xf32>, vector<16xi32> -> vector<16xf32>
      %mul3A_973 = arith.constant 16 : i32
      %mul3A_974 = arith.muli %scan3A_923, %mul3A_973 : i32
      %get3A_975 = arith.constant 2 : i32
      %get3A_976 = arith.index_cast %get3A_975 : i32 to index
      %get3A_977 = arith.index_cast %mul3A_974 : i32 to index
      %get3A_978 = tpu.vector_load %arg5[%get3A_976, %get3A_977] {strides = array<i32>} : memref<4x8192xf32, #tpu.memory_space<vmem>>, vector<16xf32>,
      %broadcast_in_dim3A_979 = arith.constant true
      %broadcast_in_dim3A_980 = vector.broadcast %broadcast_in_dim3A_979 : i1 to vector<16xi1>
      %masked_cumsum3A_981 = tpu.scan <sum>, %get3A_978 masked %broadcast_in_dim3A_980 : vector<16xf32>, vector<16xi1> -> vector<16xf32>
      %add3A_982 = arith.addf %masked_cumsum3A_981, %scan3A_926 : vector<16xf32>
      %mul3A_983 = arith.constant 16 : i32
      %mul3A_984 = arith.muli %scan3A_923, %mul3A_983 : i32
      %swap3A_985 = arith.constant 2 : i32
      %swap3A_986 = arith.index_cast %swap3A_985 : i32 to index
      %swap3A_987 = arith.index_cast %mul3A_984 : i32 to index
      %swap3A_988 = tpu.vector_load %arg5[%swap3A_986, %swap3A_987] {strides = array<i32>} : memref<4x8192xf32, #tpu.memory_space<vmem>>, vector<16xf32>,
      tpu.vector_store %arg5[%swap3A_986, %swap3A_987], %add3A_982 {strides = array<i32>} : memref<4x8192xf32, #tpu.memory_space<vmem>>, vector<16xf32>,
      %lt3A_989 = arith.constant 0 : i32
      %lt3A_990 = vector.broadcast %lt3A_989 : i32 to vector<16xi32>
      %lt3A_991 = arith.cmpi slt, %broadcast_in_dim3A_3, %lt3A_990 : vector<16xi32>
      %add3A_992 = arith.constant 16 : i32
      %add3A_993 = vector.broadcast %add3A_992 : i32 to vector<16xi32>
      %add3A_994 = arith.addi %broadcast_in_dim3A_3, %add3A_993 : vector<16xi32>
      %select_n3A_995 = arith.select %lt3A_991, %add3A_994, %broadcast_in_dim3A_3 : vector<16xi1>, vector<16xi32>
      %reshape3A_996 = vector.shape_cast %select_n3A_995 : vector<16xi32> to vector<16x1xi32>
      %gather3A_997 = vector.shape_cast %reshape3A_996 : vector<16x1xi32> to vector<16xi32>
      %gather3A_998 = tpu.dynamic_gather %add3A_982[%gather3A_997] in [0] : vector<16xf32>, vector<16xi32> -> vector<16xf32>
      %mul3A_999 = arith.constant 16 : i32
      %mul3A_1000 = arith.muli %scan3A_923, %mul3A_999 : i32
      %get3A_1001 = arith.constant 3 : i32
      %get3A_1002 = arith.index_cast %get3A_1001 : i32 to index
      %get3A_1003 = arith.index_cast %mul3A_1000 : i32 to index
      %get3A_1004 = tpu.vector_load %arg5[%get3A_1002, %get3A_1003] {strides = array<i32>} : memref<4x8192xf32, #tpu.memory_space<vmem>>, vector<16xf32>,
      %broadcast_in_dim3A_1005 = arith.constant true
      %broadcast_in_dim3A_1006 = vector.broadcast %broadcast_in_dim3A_1005 : i1 to vector<16xi1>
      %masked_cumsum3A_1007 = tpu.scan <sum>, %get3A_1004 masked %broadcast_in_dim3A_1006 : vector<16xf32>, vector<16xi1> -> vector<16xf32>
      %add3A_1008 = arith.addf %masked_cumsum3A_1007, %scan3A_927 : vector<16xf32>
      %mul3A_1009 = arith.constant 16 : i32
      %mul3A_1010 = arith.muli %scan3A_923, %mul3A_1009 : i32
      %swap3A_1011 = arith.constant 3 : i32
      %swap3A_1012 = arith.index_cast %swap3A_1011 : i32 to index
      %swap3A_1013 = arith.index_cast %mul3A_1010 : i32 to index
      %swap3A_1014 = tpu.vector_load %arg5[%swap3A_1012, %swap3A_1013] {strides = array<i32>} : memref<4x8192xf32, #tpu.memory_space<vmem>>, vector<16xf32>,
      tpu.vector_store %arg5[%swap3A_1012, %swap3A_1013], %add3A_1008 {strides = array<i32>} : memref<4x8192xf32, #tpu.memory_space<vmem>>, vector<16xf32>,
      %lt3A_1015 = arith.constant 0 : i32
      %lt3A_1016 = vector.broadcast %lt3A_1015 : i32 to vector<16xi32>
      %lt3A_1017 = arith.cmpi slt, %broadcast_in_dim3A_3, %lt3A_1016 : vector<16xi32>
      %add3A_1018 = arith.constant 16 : i32
      %add3A_1019 = vector.broadcast %add3A_1018 : i32 to vector<16xi32>
      %add3A_1020 = arith.addi %broadcast_in_dim3A_3, %add3A_1019 : vector<16xi32>
      %select_n3A_1021 = arith.select %lt3A_1017, %add3A_1020, %broadcast_in_dim3A_3 : vector<16xi1>, vector<16xi32>
      %reshape3A_1022 = vector.shape_cast %select_n3A_1021 : vector<16xi32> to vector<16x1xi32>
      %gather3A_1023 = vector.shape_cast %reshape3A_1022 : vector<16x1xi32> to vector<16xi32>
      %gather3A_1024 = tpu.dynamic_gather %add3A_1008[%gather3A_1023] in [0] : vector<16xf32>, vector<16xi32> -> vector<16xf32>
      %scan3A_1025 = arith.constant 1 : i32
      %scan3A_1026 = arith.addi %scan3A_923, %scan3A_1025 : i32
      %mul3A_1027 = arith.constant 16 : i32
      %mul3A_1028 = arith.muli %scan3A_1026, %mul3A_1027 : i32
      %get3A_1029 = arith.constant 0 : i32
      %get3A_1030 = arith.index_cast %get3A_1029 : i32 to index
      %get3A_1031 = arith.index_cast %mul3A_1028 : i32 to index
      %get3A_1032 = tpu.vector_load %arg5[%get3A_1030, %get3A_1031] {strides = array<i32>} : memref<4x8192xf32, #tpu.memory_space<vmem>>, vector<16xf32>,
      %broadcast_in_dim3A_1033 = arith.constant true
      %broadcast_in_dim3A_1034 = vector.broadcast %broadcast_in_dim3A_1033 : i1 to vector<16xi1>
      %masked_cumsum3A_1035 = tpu.scan <sum>, %get3A_1032 masked %broadcast_in_dim3A_1034 : vector<16xf32>, vector<16xi1> -> vector<16xf32>
      %add3A_1036 = arith.addf %masked_cumsum3A_1035, %gather3A_946 : vector<16xf32>
      %mul3A_1037 = arith.constant 16 : i32
      %mul3A_1038 = arith.muli %scan3A_1026, %mul3A_1037 : i32
      %swap3A_1039 = arith.constant 0 : i32
      %swap3A_1040 = arith.index_cast %swap3A_1039 : i32 to index
      %swap3A_1041 = arith.index_cast %mul3A_1038 : i32 to index
      %swap3A_1042 = tpu.vector_load %arg5[%swap3A_1040, %swap3A_1041] {strides = array<i32>} : memref<4x8192xf32, #tpu.memory_space<vmem>>, vector<16xf32>,
      tpu.vector_store %arg5[%swap3A_1040, %swap3A_1041], %add3A_1036 {strides = array<i32>} : memref<4x8192xf32, #tpu.memory_space<vmem>>, vector<16xf32>,
      %lt3A_1043 = arith.constant 0 : i32
      %lt3A_1044 = vector.broadcast %lt3A_1043 : i32 to vector<16xi32>
      %lt3A_1045 = arith.cmpi slt, %broadcast_in_dim3A_3, %lt3A_1044 : vector<16xi32>
      %add3A_1046 = arith.constant 16 : i32
      %add3A_1047 = vector.broadcast %add3A_1046 : i32 to vector<16xi32>
      %add3A_1048 = arith.addi %broadcast_in_dim3A_3, %add3A_1047 : vector<16xi32>
      %select_n3A_1049 = arith.select %lt3A_1045, %add3A_1048, %broadcast_in_dim3A_3 : vector<16xi1>, vector<16xi32>
      %reshape3A_1050 = vector.shape_cast %select_n3A_1049 : vector<16xi32> to vector<16x1xi32>
      %gather3A_1051 = vector.shape_cast %reshape3A_1050 : vector<16x1xi32> to vector<16xi32>
      %gather3A_1052 = tpu.dynamic_gather %add3A_1036[%gather3A_1051] in [0] : vector<16xf32>, vector<16xi32> -> vector<16xf32>
      %mul3A_1053 = arith.constant 16 : i32
      %mul3A_1054 = arith.muli %scan3A_1026, %mul3A_1053 : i32
      %get3A_1055 = arith.constant 1 : i32
      %get3A_1056 = arith.index_cast %get3A_1055 : i32 to index
      %get3A_1057 = arith.index_cast %mul3A_1054 : i32 to index
      %get3A_1058 = tpu.vector_load %arg5[%get3A_1056, %get3A_1057] {strides = array<i32>} : memref<4x8192xf32, #tpu.memory_space<vmem>>, vector<16xf32>,
      %broadcast_in_dim3A_1059 = arith.constant true
      %broadcast_in_dim3A_1060 = vector.broadcast %broadcast_in_dim3A_1059 : i1 to vector<16xi1>
      %masked_cumsum3A_1061 = tpu.scan <sum>, %get3A_1058 masked %broadcast_in_dim3A_1060 : vector<16xf32>, vector<16xi1> -> vector<16xf32>
      %add3A_1062 = arith.addf %masked_cumsum3A_1061, %gather3A_972 : vector<16xf32>
      %mul3A_1063 = arith.constant 16 : i32
      %mul3A_1064 = arith.muli %scan3A_1026, %mul3A_1063 : i32
      %swap3A_1065 = arith.constant 1 : i32
      %swap3A_1066 = arith.index_cast %swap3A_1065 : i32 to index
      %swap3A_1067 = arith.index_cast %mul3A_1064 : i32 to index
      %swap3A_1068 = tpu.vector_load %arg5[%swap3A_1066, %swap3A_1067] {strides = array<i32>} : memref<4x8192xf32, #tpu.memory_space<vmem>>, vector<16xf32>,
      tpu.vector_store %arg5[%swap3A_1066, %swap3A_1067], %add3A_1062 {strides = array<i32>} : memref<4x8192xf32, #tpu.memory_space<vmem>>, vector<16xf32>,
      %lt3A_1069 = arith.constant 0 : i32
      %lt3A_1070 = vector.broadcast %lt3A_1069 : i32 to vector<16xi32>
      %lt3A_1071 = arith.cmpi slt, %broadcast_in_dim3A_3, %lt3A_1070 : vector<16xi32>
      %add3A_1072 = arith.constant 16 : i32
      %add3A_1073 = vector.broadcast %add3A_1072 : i32 to vector<16xi32>
      %add3A_1074 = arith.addi %broadcast_in_dim3A_3, %add3A_1073 : vector<16xi32>
      %select_n3A_1075 = arith.select %lt3A_1071, %add3A_1074, %broadcast_in_dim3A_3 : vector<16xi1>, vector<16xi32>
      %reshape3A_1076 = vector.shape_cast %select_n3A_1075 : vector<16xi32> to vector<16x1xi32>
      %gather3A_1077 = vector.shape_cast %reshape3A_1076 : vector<16x1xi32> to vector<16xi32>
      %gather3A_1078 = tpu.dynamic_gather %add3A_1062[%gather3A_1077] in [0] : vector<16xf32>, vector<16xi32> -> vector<16xf32>
      %mul3A_1079 = arith.constant 16 : i32
      %mul3A_1080 = arith.muli %scan3A_1026, %mul3A_1079 : i32
      %get3A_1081 = arith.constant 2 : i32
      %get3A_1082 = arith.index_cast %get3A_1081 : i32 to index
      %get3A_1083 = arith.index_cast %mul3A_1080 : i32 to index
      %get3A_1084 = tpu.vector_load %arg5[%get3A_1082, %get3A_1083] {strides = array<i32>} : memref<4x8192xf32, #tpu.memory_space<vmem>>, vector<16xf32>,
      %broadcast_in_dim3A_1085 = arith.constant true
      %broadcast_in_dim3A_1086 = vector.broadcast %broadcast_in_dim3A_1085 : i1 to vector<16xi1>
      %masked_cumsum3A_1087 = tpu.scan <sum>, %get3A_1084 masked %broadcast_in_dim3A_1086 : vector<16xf32>, vector<16xi1> -> vector<16xf32>
      %add3A_1088 = arith.addf %masked_cumsum3A_1087, %gather3A_998 : vector<16xf32>
      %mul3A_1089 = arith.constant 16 : i32
      %mul3A_1090 = arith.muli %scan3A_1026, %mul3A_1089 : i32
      %swap3A_1091 = arith.constant 2 : i32
      %swap3A_1092 = arith.index_cast %swap3A_1091 : i32 to index
      %swap3A_1093 = arith.index_cast %mul3A_1090 : i32 to index
      %swap3A_1094 = tpu.vector_load %arg5[%swap3A_1092, %swap3A_1093] {strides = array<i32>} : memref<4x8192xf32, #tpu.memory_space<vmem>>, vector<16xf32>,
      tpu.vector_store %arg5[%swap3A_1092, %swap3A_1093], %add3A_1088 {strides = array<i32>} : memref<4x8192xf32, #tpu.memory_space<vmem>>, vector<16xf32>,
      %lt3A_1095 = arith.constant 0 : i32
      %lt3A_1096 = vector.broadcast %lt3A_1095 : i32 to vector<16xi32>
      %lt3A_1097 = arith.cmpi slt, %broadcast_in_dim3A_3, %lt3A_1096 : vector<16xi32>
      %add3A_1098 = arith.constant 16 : i32
      %add3A_1099 = vector.broadcast %add3A_1098 : i32 to vector<16xi32>
      %add3A_1100 = arith.addi %broadcast_in_dim3A_3, %add3A_1099 : vector<16xi32>
      %select_n3A_1101 = arith.select %lt3A_1097, %add3A_1100, %broadcast_in_dim3A_3 : vector<16xi1>, vector<16xi32>
      %reshape3A_1102 = vector.shape_cast %select_n3A_1101 : vector<16xi32> to vector<16x1xi32>
      %gather3A_1103 = vector.shape_cast %reshape3A_1102 : vector<16x1xi32> to vector<16xi32>
      %gather3A_1104 = tpu.dynamic_gather %add3A_1088[%gather3A_1103] in [0] : vector<16xf32>, vector<16xi32> -> vector<16xf32>
      %mul3A_1105 = arith.constant 16 : i32
      %mul3A_1106 = arith.muli %scan3A_1026, %mul3A_1105 : i32
      %get3A_1107 = arith.constant 3 : i32
      %get3A_1108 = arith.index_cast %get3A_1107 : i32 to index
      %get3A_1109 = arith.index_cast %mul3A_1106 : i32 to index
      %get3A_1110 = tpu.vector_load %arg5[%get3A_1108, %get3A_1109] {strides = array<i32>} : memref<4x8192xf32, #tpu.memory_space<vmem>>, vector<16xf32>,
      %broadcast_in_dim3A_1111 = arith.constant true
      %broadcast_in_dim3A_1112 = vector.broadcast %broadcast_in_dim3A_1111 : i1 to vector<16xi1>
      %masked_cumsum3A_1113 = tpu.scan <sum>, %get3A_1110 masked %broadcast_in_dim3A_1112 : vector<16xf32>, vector<16xi1> -> vector<16xf32>
      %add3A_1114 = arith.addf %masked_cumsum3A_1113, %gather3A_1024 : vector<16xf32>
      %mul3A_1115 = arith.constant 16 : i32
      %mul3A_1116 = arith.muli %scan3A_1026, %mul3A_1115 : i32
      %swap3A_1117 = arith.constant 3 : i32
      %swap3A_1118 = arith.index_cast %swap3A_1117 : i32 to index
      %swap3A_1119 = arith.index_cast %mul3A_1116 : i32 to index
      %swap3A_1120 = tpu.vector_load %arg5[%swap3A_1118, %swap3A_1119] {strides = array<i32>} : memref<4x8192xf32, #tpu.memory_space<vmem>>, vector<16xf32>,
      tpu.vector_store %arg5[%swap3A_1118, %swap3A_1119], %add3A_1114 {strides = array<i32>} : memref<4x8192xf32, #tpu.memory_space<vmem>>, vector<16xf32>,
      %lt3A_1121 = arith.constant 0 : i32
      %lt3A_1122 = vector.broadcast %lt3A_1121 : i32 to vector<16xi32>
      %lt3A_1123 = arith.cmpi slt, %broadcast_in_dim3A_3, %lt3A_1122 : vector<16xi32>
      %add3A_1124 = arith.constant 16 : i32
      %add3A_1125 = vector.broadcast %add3A_1124 : i32 to vector<16xi32>
      %add3A_1126 = arith.addi %broadcast_in_dim3A_3, %add3A_1125 : vector<16xi32>
      %select_n3A_1127 = arith.select %lt3A_1123, %add3A_1126, %broadcast_in_dim3A_3 : vector<16xi1>, vector<16xi32>
      %reshape3A_1128 = vector.shape_cast %select_n3A_1127 : vector<16xi32> to vector<16x1xi32>
      %gather3A_1129 = vector.shape_cast %reshape3A_1128 : vector<16x1xi32> to vector<16xi32>
      %gather3A_1130 = tpu.dynamic_gather %add3A_1114[%gather3A_1129] in [0] : vector<16xf32>, vector<16xi32> -> vector<16xf32>
      %scan3A_1131 = arith.constant 2 : i32
      %scan3A_1132 = arith.addi %scan3A_923, %scan3A_1131 : i32
      %mul3A_1133 = arith.constant 16 : i32
      %mul3A_1134 = arith.muli %scan3A_1132, %mul3A_1133 : i32
      %get3A_1135 = arith.constant 0 : i32
      %get3A_1136 = arith.index_cast %get3A_1135 : i32 to index
      %get3A_1137 = arith.index_cast %mul3A_1134 : i32 to index
      %get3A_1138 = tpu.vector_load %arg5[%get3A_1136, %get3A_1137] {strides = array<i32>} : memref<4x8192xf32, #tpu.memory_space<vmem>>, vector<16xf32>,
      %broadcast_in_dim3A_1139 = arith.constant true
      %broadcast_in_dim3A_1140 = vector.broadcast %broadcast_in_dim3A_1139 : i1 to vector<16xi1>
      %masked_cumsum3A_1141 = tpu.scan <sum>, %get3A_1138 masked %broadcast_in_dim3A_1140 : vector<16xf32>, vector<16xi1> -> vector<16xf32>
      %add3A_1142 = arith.addf %masked_cumsum3A_1141, %gather3A_1052 : vector<16xf32>
      %mul3A_1143 = arith.constant 16 : i32
      %mul3A_1144 = arith.muli %scan3A_1132, %mul3A_1143 : i32
      %swap3A_1145 = arith.constant 0 : i32
      %swap3A_1146 = arith.index_cast %swap3A_1145 : i32 to index
      %swap3A_1147 = arith.index_cast %mul3A_1144 : i32 to index
      %swap3A_1148 = tpu.vector_load %arg5[%swap3A_1146, %swap3A_1147] {strides = array<i32>} : memref<4x8192xf32, #tpu.memory_space<vmem>>, vector<16xf32>,
      tpu.vector_store %arg5[%swap3A_1146, %swap3A_1147], %add3A_1142 {strides = array<i32>} : memref<4x8192xf32, #tpu.memory_space<vmem>>, vector<16xf32>,
      %lt3A_1149 = arith.constant 0 : i32
      %lt3A_1150 = vector.broadcast %lt3A_1149 : i32 to vector<16xi32>
      %lt3A_1151 = arith.cmpi slt, %broadcast_in_dim3A_3, %lt3A_1150 : vector<16xi32>
      %add3A_1152 = arith.constant 16 : i32
      %add3A_1153 = vector.broadcast %add3A_1152 : i32 to vector<16xi32>
      %add3A_1154 = arith.addi %broadcast_in_dim3A_3, %add3A_1153 : vector<16xi32>
      %select_n3A_1155 = arith.select %lt3A_1151, %add3A_1154, %broadcast_in_dim3A_3 : vector<16xi1>, vector<16xi32>
      %reshape3A_1156 = vector.shape_cast %select_n3A_1155 : vector<16xi32> to vector<16x1xi32>
      %gather3A_1157 = vector.shape_cast %reshape3A_1156 : vector<16x1xi32> to vector<16xi32>
      %gather3A_1158 = tpu.dynamic_gather %add3A_1142[%gather3A_1157] in [0] : vector<16xf32>, vector<16xi32> -> vector<16xf32>
      %mul3A_1159 = arith.constant 16 : i32
      %mul3A_1160 = arith.muli %scan3A_1132, %mul3A_1159 : i32
      %get3A_1161 = arith.constant 1 : i32
      %get3A_1162 = arith.index_cast %get3A_1161 : i32 to index
      %get3A_1163 = arith.index_cast %mul3A_1160 : i32 to index
      %get3A_1164 = tpu.vector_load %arg5[%get3A_1162, %get3A_1163] {strides = array<i32>} : memref<4x8192xf32, #tpu.memory_space<vmem>>, vector<16xf32>,
      %broadcast_in_dim3A_1165 = arith.constant true
      %broadcast_in_dim3A_1166 = vector.broadcast %broadcast_in_dim3A_1165 : i1 to vector<16xi1>
      %masked_cumsum3A_1167 = tpu.scan <sum>, %get3A_1164 masked %broadcast_in_dim3A_1166 : vector<16xf32>, vector<16xi1> -> vector<16xf32>
      %add3A_1168 = arith.addf %masked_cumsum3A_1167, %gather3A_1078 : vector<16xf32>
      %mul3A_1169 = arith.constant 16 : i32
      %mul3A_1170 = arith.muli %scan3A_1132, %mul3A_1169 : i32
      %swap3A_1171 = arith.constant 1 : i32
      %swap3A_1172 = arith.index_cast %swap3A_1171 : i32 to index
      %swap3A_1173 = arith.index_cast %mul3A_1170 : i32 to index
      %swap3A_1174 = tpu.vector_load %arg5[%swap3A_1172, %swap3A_1173] {strides = array<i32>} : memref<4x8192xf32, #tpu.memory_space<vmem>>, vector<16xf32>,
      tpu.vector_store %arg5[%swap3A_1172, %swap3A_1173], %add3A_1168 {strides = array<i32>} : memref<4x8192xf32, #tpu.memory_space<vmem>>, vector<16xf32>,
      %lt3A_1175 = arith.constant 0 : i32
      %lt3A_1176 = vector.broadcast %lt3A_1175 : i32 to vector<16xi32>
      %lt3A_1177 = arith.cmpi slt, %broadcast_in_dim3A_3, %lt3A_1176 : vector<16xi32>
      %add3A_1178 = arith.constant 16 : i32
      %add3A_1179 = vector.broadcast %add3A_1178 : i32 to vector<16xi32>
      %add3A_1180 = arith.addi %broadcast_in_dim3A_3, %add3A_1179 : vector<16xi32>
      %select_n3A_1181 = arith.select %lt3A_1177, %add3A_1180, %broadcast_in_dim3A_3 : vector<16xi1>, vector<16xi32>
      %reshape3A_1182 = vector.shape_cast %select_n3A_1181 : vector<16xi32> to vector<16x1xi32>
      %gather3A_1183 = vector.shape_cast %reshape3A_1182 : vector<16x1xi32> to vector<16xi32>
      %gather3A_1184 = tpu.dynamic_gather %add3A_1168[%gather3A_1183] in [0] : vector<16xf32>, vector<16xi32> -> vector<16xf32>
      %mul3A_1185 = arith.constant 16 : i32
      %mul3A_1186 = arith.muli %scan3A_1132, %mul3A_1185 : i32
      %get3A_1187 = arith.constant 2 : i32
      %get3A_1188 = arith.index_cast %get3A_1187 : i32 to index
      %get3A_1189 = arith.index_cast %mul3A_1186 : i32 to index
      %get3A_1190 = tpu.vector_load %arg5[%get3A_1188, %get3A_1189] {strides = array<i32>} : memref<4x8192xf32, #tpu.memory_space<vmem>>, vector<16xf32>,
      %broadcast_in_dim3A_1191 = arith.constant true
      %broadcast_in_dim3A_1192 = vector.broadcast %broadcast_in_dim3A_1191 : i1 to vector<16xi1>
      %masked_cumsum3A_1193 = tpu.scan <sum>, %get3A_1190 masked %broadcast_in_dim3A_1192 : vector<16xf32>, vector<16xi1> -> vector<16xf32>
      %add3A_1194 = arith.addf %masked_cumsum3A_1193, %gather3A_1104 : vector<16xf32>
      %mul3A_1195 = arith.constant 16 : i32
      %mul3A_1196 = arith.muli %scan3A_1132, %mul3A_1195 : i32
      %swap3A_1197 = arith.constant 2 : i32
      %swap3A_1198 = arith.index_cast %swap3A_1197 : i32 to index
      %swap3A_1199 = arith.index_cast %mul3A_1196 : i32 to index
      %swap3A_1200 = tpu.vector_load %arg5[%swap3A_1198, %swap3A_1199] {strides = array<i32>} : memref<4x8192xf32, #tpu.memory_space<vmem>>, vector<16xf32>,
      tpu.vector_store %arg5[%swap3A_1198, %swap3A_1199], %add3A_1194 {strides = array<i32>} : memref<4x8192xf32, #tpu.memory_space<vmem>>, vector<16xf32>,
      %lt3A_1201 = arith.constant 0 : i32
      %lt3A_1202 = vector.broadcast %lt3A_1201 : i32 to vector<16xi32>
      %lt3A_1203 = arith.cmpi slt, %broadcast_in_dim3A_3, %lt3A_1202 : vector<16xi32>
      %add3A_1204 = arith.constant 16 : i32
      %add3A_1205 = vector.broadcast %add3A_1204 : i32 to vector<16xi32>
      %add3A_1206 = arith.addi %broadcast_in_dim3A_3, %add3A_1205 : vector<16xi32>
      %select_n3A_1207 = arith.select %lt3A_1203, %add3A_1206, %broadcast_in_dim3A_3 : vector<16xi1>, vector<16xi32>
      %reshape3A_1208 = vector.shape_cast %select_n3A_1207 : vector<16xi32> to vector<16x1xi32>
      %gather3A_1209 = vector.shape_cast %reshape3A_1208 : vector<16x1xi32> to vector<16xi32>
      %gather3A_1210 = tpu.dynamic_gather %add3A_1194[%gather3A_1209] in [0] : vector<16xf32>, vector<16xi32> -> vector<16xf32>
      %mul3A_1211 = arith.constant 16 : i32
      %mul3A_1212 = arith.muli %scan3A_1132, %mul3A_1211 : i32
      %get3A_1213 = arith.constant 3 : i32
      %get3A_1214 = arith.index_cast %get3A_1213 : i32 to index
      %get3A_1215 = arith.index_cast %mul3A_1212 : i32 to index
      %get3A_1216 = tpu.vector_load %arg5[%get3A_1214, %get3A_1215] {strides = array<i32>} : memref<4x8192xf32, #tpu.memory_space<vmem>>, vector<16xf32>,
      %broadcast_in_dim3A_1217 = arith.constant true
      %broadcast_in_dim3A_1218 = vector.broadcast %broadcast_in_dim3A_1217 : i1 to vector<16xi1>
      %masked_cumsum3A_1219 = tpu.scan <sum>, %get3A_1216 masked %broadcast_in_dim3A_1218 : vector<16xf32>, vector<16xi1> -> vector<16xf32>
      %add3A_1220 = arith.addf %masked_cumsum3A_1219, %gather3A_1130 : vector<16xf32>
      %mul3A_1221 = arith.constant 16 : i32
      %mul3A_1222 = arith.muli %scan3A_1132, %mul3A_1221 : i32
      %swap3A_1223 = arith.constant 3 : i32
      %swap3A_1224 = arith.index_cast %swap3A_1223 : i32 to index
      %swap3A_1225 = arith.index_cast %mul3A_1222 : i32 to index
      %swap3A_1226 = tpu.vector_load %arg5[%swap3A_1224, %swap3A_1225] {strides = array<i32>} : memref<4x8192xf32, #tpu.memory_space<vmem>>, vector<16xf32>,
      tpu.vector_store %arg5[%swap3A_1224, %swap3A_1225], %add3A_1220 {strides = array<i32>} : memref<4x8192xf32, #tpu.memory_space<vmem>>, vector<16xf32>,
      %lt3A_1227 = arith.constant 0 : i32
      %lt3A_1228 = vector.broadcast %lt3A_1227 : i32 to vector<16xi32>
      %lt3A_1229 = arith.cmpi slt, %broadcast_in_dim3A_3, %lt3A_1228 : vector<16xi32>
      %add3A_1230 = arith.constant 16 : i32
      %add3A_1231 = vector.broadcast %add3A_1230 : i32 to vector<16xi32>
      %add3A_1232 = arith.addi %broadcast_in_dim3A_3, %add3A_1231 : vector<16xi32>
      %select_n3A_1233 = arith.select %lt3A_1229, %add3A_1232, %broadcast_in_dim3A_3 : vector<16xi1>, vector<16xi32>
      %reshape3A_1234 = vector.shape_cast %select_n3A_1233 : vector<16xi32> to vector<16x1xi32>
      %gather3A_1235 = vector.shape_cast %reshape3A_1234 : vector<16x1xi32> to vector<16xi32>
      %gather3A_1236 = tpu.dynamic_gather %add3A_1220[%gather3A_1235] in [0] : vector<16xf32>, vector<16xi32> -> vector<16xf32>
      %scan3A_1237 = arith.constant 3 : i32
      %scan3A_1238 = arith.addi %scan3A_923, %scan3A_1237 : i32
      %mul3A_1239 = arith.constant 16 : i32
      %mul3A_1240 = arith.muli %scan3A_1238, %mul3A_1239 : i32
      %get3A_1241 = arith.constant 0 : i32
      %get3A_1242 = arith.index_cast %get3A_1241 : i32 to index
      %get3A_1243 = arith.index_cast %mul3A_1240 : i32 to index
      %get3A_1244 = tpu.vector_load %arg5[%get3A_1242, %get3A_1243] {strides = array<i32>} : memref<4x8192xf32, #tpu.memory_space<vmem>>, vector<16xf32>,
      %broadcast_in_dim3A_1245 = arith.constant true
      %broadcast_in_dim3A_1246 = vector.broadcast %broadcast_in_dim3A_1245 : i1 to vector<16xi1>
      %masked_cumsum3A_1247 = tpu.scan <sum>, %get3A_1244 masked %broadcast_in_dim3A_1246 : vector<16xf32>, vector<16xi1> -> vector<16xf32>
      %add3A_1248 = arith.addf %masked_cumsum3A_1247, %gather3A_1158 : vector<16xf32>
      %mul3A_1249 = arith.constant 16 : i32
      %mul3A_1250 = arith.muli %scan3A_1238, %mul3A_1249 : i32
      %swap3A_1251 = arith.constant 0 : i32
      %swap3A_1252 = arith.index_cast %swap3A_1251 : i32 to index
      %swap3A_1253 = arith.index_cast %mul3A_1250 : i32 to index
      %swap3A_1254 = tpu.vector_load %arg5[%swap3A_1252, %swap3A_1253] {strides = array<i32>} : memref<4x8192xf32, #tpu.memory_space<vmem>>, vector<16xf32>,
      tpu.vector_store %arg5[%swap3A_1252, %swap3A_1253], %add3A_1248 {strides = array<i32>} : memref<4x8192xf32, #tpu.memory_space<vmem>>, vector<16xf32>,
      %lt3A_1255 = arith.constant 0 : i32
      %lt3A_1256 = vector.broadcast %lt3A_1255 : i32 to vector<16xi32>
      %lt3A_1257 = arith.cmpi slt, %broadcast_in_dim3A_3, %lt3A_1256 : vector<16xi32>
      %add3A_1258 = arith.constant 16 : i32
      %add3A_1259 = vector.broadcast %add3A_1258 : i32 to vector<16xi32>
      %add3A_1260 = arith.addi %broadcast_in_dim3A_3, %add3A_1259 : vector<16xi32>
      %select_n3A_1261 = arith.select %lt3A_1257, %add3A_1260, %broadcast_in_dim3A_3 : vector<16xi1>, vector<16xi32>
      %reshape3A_1262 = vector.shape_cast %select_n3A_1261 : vector<16xi32> to vector<16x1xi32>
      %gather3A_1263 = vector.shape_cast %reshape3A_1262 : vector<16x1xi32> to vector<16xi32>
      %gather3A_1264 = tpu.dynamic_gather %add3A_1248[%gather3A_1263] in [0] : vector<16xf32>, vector<16xi32> -> vector<16xf32>
      %mul3A_1265 = arith.constant 16 : i32
      %mul3A_1266 = arith.muli %scan3A_1238, %mul3A_1265 : i32
      %get3A_1267 = arith.constant 1 : i32
      %get3A_1268 = arith.index_cast %get3A_1267 : i32 to index
      %get3A_1269 = arith.index_cast %mul3A_1266 : i32 to index
      %get3A_1270 = tpu.vector_load %arg5[%get3A_1268, %get3A_1269] {strides = array<i32>} : memref<4x8192xf32, #tpu.memory_space<vmem>>, vector<16xf32>,
      %broadcast_in_dim3A_1271 = arith.constant true
      %broadcast_in_dim3A_1272 = vector.broadcast %broadcast_in_dim3A_1271 : i1 to vector<16xi1>
      %masked_cumsum3A_1273 = tpu.scan <sum>, %get3A_1270 masked %broadcast_in_dim3A_1272 : vector<16xf32>, vector<16xi1> -> vector<16xf32>
      %add3A_1274 = arith.addf %masked_cumsum3A_1273, %gather3A_1184 : vector<16xf32>
      %mul3A_1275 = arith.constant 16 : i32
      %mul3A_1276 = arith.muli %scan3A_1238, %mul3A_1275 : i32
      %swap3A_1277 = arith.constant 1 : i32
      %swap3A_1278 = arith.index_cast %swap3A_1277 : i32 to index
      %swap3A_1279 = arith.index_cast %mul3A_1276 : i32 to index
      %swap3A_1280 = tpu.vector_load %arg5[%swap3A_1278, %swap3A_1279] {strides = array<i32>} : memref<4x8192xf32, #tpu.memory_space<vmem>>, vector<16xf32>,
      tpu.vector_store %arg5[%swap3A_1278, %swap3A_1279], %add3A_1274 {strides = array<i32>} : memref<4x8192xf32, #tpu.memory_space<vmem>>, vector<16xf32>,
      %lt3A_1281 = arith.constant 0 : i32
      %lt3A_1282 = vector.broadcast %lt3A_1281 : i32 to vector<16xi32>
      %lt3A_1283 = arith.cmpi slt, %broadcast_in_dim3A_3, %lt3A_1282 : vector<16xi32>
      %add3A_1284 = arith.constant 16 : i32
      %add3A_1285 = vector.broadcast %add3A_1284 : i32 to vector<16xi32>
      %add3A_1286 = arith.addi %broadcast_in_dim3A_3, %add3A_1285 : vector<16xi32>
      %select_n3A_1287 = arith.select %lt3A_1283, %add3A_1286, %broadcast_in_dim3A_3 : vector<16xi1>, vector<16xi32>
      %reshape3A_1288 = vector.shape_cast %select_n3A_1287 : vector<16xi32> to vector<16x1xi32>
      %gather3A_1289 = vector.shape_cast %reshape3A_1288 : vector<16x1xi32> to vector<16xi32>
      %gather3A_1290 = tpu.dynamic_gather %add3A_1274[%gather3A_1289] in [0] : vector<16xf32>, vector<16xi32> -> vector<16xf32>
      %mul3A_1291 = arith.constant 16 : i32
      %mul3A_1292 = arith.muli %scan3A_1238, %mul3A_1291 : i32
      %get3A_1293 = arith.constant 2 : i32
      %get3A_1294 = arith.index_cast %get3A_1293 : i32 to index
      %get3A_1295 = arith.index_cast %mul3A_1292 : i32 to index
      %get3A_1296 = tpu.vector_load %arg5[%get3A_1294, %get3A_1295] {strides = array<i32>} : memref<4x8192xf32, #tpu.memory_space<vmem>>, vector<16xf32>,
      %broadcast_in_dim3A_1297 = arith.constant true
      %broadcast_in_dim3A_1298 = vector.broadcast %broadcast_in_dim3A_1297 : i1 to vector<16xi1>
      %masked_cumsum3A_1299 = tpu.scan <sum>, %get3A_1296 masked %broadcast_in_dim3A_1298 : vector<16xf32>, vector<16xi1> -> vector<16xf32>
      %add3A_1300 = arith.addf %masked_cumsum3A_1299, %gather3A_1210 : vector<16xf32>
      %mul3A_1301 = arith.constant 16 : i32
      %mul3A_1302 = arith.muli %scan3A_1238, %mul3A_1301 : i32
      %swap3A_1303 = arith.constant 2 : i32
      %swap3A_1304 = arith.index_cast %swap3A_1303 : i32 to index
      %swap3A_1305 = arith.index_cast %mul3A_1302 : i32 to index
      %swap3A_1306 = tpu.vector_load %arg5[%swap3A_1304, %swap3A_1305] {strides = array<i32>} : memref<4x8192xf32, #tpu.memory_space<vmem>>, vector<16xf32>,
      tpu.vector_store %arg5[%swap3A_1304, %swap3A_1305], %add3A_1300 {strides = array<i32>} : memref<4x8192xf32, #tpu.memory_space<vmem>>, vector<16xf32>,
      %lt3A_1307 = arith.constant 0 : i32
      %lt3A_1308 = vector.broadcast %lt3A_1307 : i32 to vector<16xi32>
      %lt3A_1309 = arith.cmpi slt, %broadcast_in_dim3A_3, %lt3A_1308 : vector<16xi32>
      %add3A_1310 = arith.constant 16 : i32
      %add3A_1311 = vector.broadcast %add3A_1310 : i32 to vector<16xi32>
      %add3A_1312 = arith.addi %broadcast_in_dim3A_3, %add3A_1311 : vector<16xi32>
      %select_n3A_1313 = arith.select %lt3A_1309, %add3A_1312, %broadcast_in_dim3A_3 : vector<16xi1>, vector<16xi32>
      %reshape3A_1314 = vector.shape_cast %select_n3A_1313 : vector<16xi32> to vector<16x1xi32>
      %gather3A_1315 = vector.shape_cast %reshape3A_1314 : vector<16x1xi32> to vector<16xi32>
      %gather3A_1316 = tpu.dynamic_gather %add3A_1300[%gather3A_1315] in [0] : vector<16xf32>, vector<16xi32> -> vector<16xf32>
      %mul3A_1317 = arith.constant 16 : i32
      %mul3A_1318 = arith.muli %scan3A_1238, %mul3A_1317 : i32
      %get3A_1319 = arith.constant 3 : i32
      %get3A_1320 = arith.index_cast %get3A_1319 : i32 to index
      %get3A_1321 = arith.index_cast %mul3A_1318 : i32 to index
      %get3A_1322 = tpu.vector_load %arg5[%get3A_1320, %get3A_1321] {strides = array<i32>} : memref<4x8192xf32, #tpu.memory_space<vmem>>, vector<16xf32>,
      %broadcast_in_dim3A_1323 = arith.constant true
      %broadcast_in_dim3A_1324 = vector.broadcast %broadcast_in_dim3A_1323 : i1 to vector<16xi1>
      %masked_cumsum3A_1325 = tpu.scan <sum>, %get3A_1322 masked %broadcast_in_dim3A_1324 : vector<16xf32>, vector<16xi1> -> vector<16xf32>
      %add3A_1326 = arith.addf %masked_cumsum3A_1325, %gather3A_1236 : vector<16xf32>
      %mul3A_1327 = arith.constant 16 : i32
      %mul3A_1328 = arith.muli %scan3A_1238, %mul3A_1327 : i32
      %swap3A_1329 = arith.constant 3 : i32
      %swap3A_1330 = arith.index_cast %swap3A_1329 : i32 to index
      %swap3A_1331 = arith.index_cast %mul3A_1328 : i32 to index
      %swap3A_1332 = tpu.vector_load %arg5[%swap3A_1330, %swap3A_1331] {strides = array<i32>} : memref<4x8192xf32, #tpu.memory_space<vmem>>, vector<16xf32>,
      tpu.vector_store %arg5[%swap3A_1330, %swap3A_1331], %add3A_1326 {strides = array<i32>} : memref<4x8192xf32, #tpu.memory_space<vmem>>, vector<16xf32>,
      %lt3A_1333 = arith.constant 0 : i32
      %lt3A_1334 = vector.broadcast %lt3A_1333 : i32 to vector<16xi32>
      %lt3A_1335 = arith.cmpi slt, %broadcast_in_dim3A_3, %lt3A_1334 : vector<16xi32>
      %add3A_1336 = arith.constant 16 : i32
      %add3A_1337 = vector.broadcast %add3A_1336 : i32 to vector<16xi32>
      %add3A_1338 = arith.addi %broadcast_in_dim3A_3, %add3A_1337 : vector<16xi32>
      %select_n3A_1339 = arith.select %lt3A_1335, %add3A_1338, %broadcast_in_dim3A_3 : vector<16xi1>, vector<16xi32>
      %reshape3A_1340 = vector.shape_cast %select_n3A_1339 : vector<16xi32> to vector<16x1xi32>
      %gather3A_1341 = vector.shape_cast %reshape3A_1340 : vector<16x1xi32> to vector<16xi32>
      %gather3A_1342 = tpu.dynamic_gather %add3A_1326[%gather3A_1341] in [0] : vector<16xf32>, vector<16xi32> -> vector<16xf32>
      %scan3A_1343 = arith.constant 4 : i32
      %scan3A_1344 = arith.addi %scan3A_923, %scan3A_1343 : i32
      %mul3A_1345 = arith.constant 16 : i32
      %mul3A_1346 = arith.muli %scan3A_1344, %mul3A_1345 : i32
      %get3A_1347 = arith.constant 0 : i32
      %get3A_1348 = arith.index_cast %get3A_1347 : i32 to index
      %get3A_1349 = arith.index_cast %mul3A_1346 : i32 to index
      %get3A_1350 = tpu.vector_load %arg5[%get3A_1348, %get3A_1349] {strides = array<i32>} : memref<4x8192xf32, #tpu.memory_space<vmem>>, vector<16xf32>,
      %broadcast_in_dim3A_1351 = arith.constant true
      %broadcast_in_dim3A_1352 = vector.broadcast %broadcast_in_dim3A_1351 : i1 to vector<16xi1>
      %masked_cumsum3A_1353 = tpu.scan <sum>, %get3A_1350 masked %broadcast_in_dim3A_1352 : vector<16xf32>, vector<16xi1> -> vector<16xf32>
      %add3A_1354 = arith.addf %masked_cumsum3A_1353, %gather3A_1264 : vector<16xf32>
      %mul3A_1355 = arith.constant 16 : i32
      %mul3A_1356 = arith.muli %scan3A_1344, %mul3A_1355 : i32
      %swap3A_1357 = arith.constant 0 : i32
      %swap3A_1358 = arith.index_cast %swap3A_1357 : i32 to index
      %swap3A_1359 = arith.index_cast %mul3A_1356 : i32 to index
      %swap3A_1360 = tpu.vector_load %arg5[%swap3A_1358, %swap3A_1359] {strides = array<i32>} : memref<4x8192xf32, #tpu.memory_space<vmem>>, vector<16xf32>,
      tpu.vector_store %arg5[%swap3A_1358, %swap3A_1359], %add3A_1354 {strides = array<i32>} : memref<4x8192xf32, #tpu.memory_space<vmem>>, vector<16xf32>,
      %lt3A_1361 = arith.constant 0 : i32
      %lt3A_1362 = vector.broadcast %lt3A_1361 : i32 to vector<16xi32>
      %lt3A_1363 = arith.cmpi slt, %broadcast_in_dim3A_3, %lt3A_1362 : vector<16xi32>
      %add3A_1364 = arith.constant 16 : i32
      %add3A_1365 = vector.broadcast %add3A_1364 : i32 to vector<16xi32>
      %add3A_1366 = arith.addi %broadcast_in_dim3A_3, %add3A_1365 : vector<16xi32>
      %select_n3A_1367 = arith.select %lt3A_1363, %add3A_1366, %broadcast_in_dim3A_3 : vector<16xi1>, vector<16xi32>
      %reshape3A_1368 = vector.shape_cast %select_n3A_1367 : vector<16xi32> to vector<16x1xi32>
      %gather3A_1369 = vector.shape_cast %reshape3A_1368 : vector<16x1xi32> to vector<16xi32>
      %gather3A_1370 = tpu.dynamic_gather %add3A_1354[%gather3A_1369] in [0] : vector<16xf32>, vector<16xi32> -> vector<16xf32>
      %mul3A_1371 = arith.constant 16 : i32
      %mul3A_1372 = arith.muli %scan3A_1344, %mul3A_1371 : i32
      %get3A_1373 = arith.constant 1 : i32
      %get3A_1374 = arith.index_cast %get3A_1373 : i32 to index
      %get3A_1375 = arith.index_cast %mul3A_1372 : i32 to index
      %get3A_1376 = tpu.vector_load %arg5[%get3A_1374, %get3A_1375] {strides = array<i32>} : memref<4x8192xf32, #tpu.memory_space<vmem>>, vector<16xf32>,
      %broadcast_in_dim3A_1377 = arith.constant true
      %broadcast_in_dim3A_1378 = vector.broadcast %broadcast_in_dim3A_1377 : i1 to vector<16xi1>
      %masked_cumsum3A_1379 = tpu.scan <sum>, %get3A_1376 masked %broadcast_in_dim3A_1378 : vector<16xf32>, vector<16xi1> -> vector<16xf32>
      %add3A_1380 = arith.addf %masked_cumsum3A_1379, %gather3A_1290 : vector<16xf32>
      %mul3A_1381 = arith.constant 16 : i32
      %mul3A_1382 = arith.muli %scan3A_1344, %mul3A_1381 : i32
      %swap3A_1383 = arith.constant 1 : i32
      %swap3A_1384 = arith.index_cast %swap3A_1383 : i32 to index
      %swap3A_1385 = arith.index_cast %mul3A_1382 : i32 to index
      %swap3A_1386 = tpu.vector_load %arg5[%swap3A_1384, %swap3A_1385] {strides = array<i32>} : memref<4x8192xf32, #tpu.memory_space<vmem>>, vector<16xf32>,
      tpu.vector_store %arg5[%swap3A_1384, %swap3A_1385], %add3A_1380 {strides = array<i32>} : memref<4x8192xf32, #tpu.memory_space<vmem>>, vector<16xf32>,
      %lt3A_1387 = arith.constant 0 : i32
      %lt3A_1388 = vector.broadcast %lt3A_1387 : i32 to vector<16xi32>
      %lt3A_1389 = arith.cmpi slt, %broadcast_in_dim3A_3, %lt3A_1388 : vector<16xi32>
      %add3A_1390 = arith.constant 16 : i32
      %add3A_1391 = vector.broadcast %add3A_1390 : i32 to vector<16xi32>
      %add3A_1392 = arith.addi %broadcast_in_dim3A_3, %add3A_1391 : vector<16xi32>
      %select_n3A_1393 = arith.select %lt3A_1389, %add3A_1392, %broadcast_in_dim3A_3 : vector<16xi1>, vector<16xi32>
      %reshape3A_1394 = vector.shape_cast %select_n3A_1393 : vector<16xi32> to vector<16x1xi32>
      %gather3A_1395 = vector.shape_cast %reshape3A_1394 : vector<16x1xi32> to vector<16xi32>
      %gather3A_1396 = tpu.dynamic_gather %add3A_1380[%gather3A_1395] in [0] : vector<16xf32>, vector<16xi32> -> vector<16xf32>
      %mul3A_1397 = arith.constant 16 : i32
      %mul3A_1398 = arith.muli %scan3A_1344, %mul3A_1397 : i32
      %get3A_1399 = arith.constant 2 : i32
      %get3A_1400 = arith.index_cast %get3A_1399 : i32 to index
      %get3A_1401 = arith.index_cast %mul3A_1398 : i32 to index
      %get3A_1402 = tpu.vector_load %arg5[%get3A_1400, %get3A_1401] {strides = array<i32>} : memref<4x8192xf32, #tpu.memory_space<vmem>>, vector<16xf32>,
      %broadcast_in_dim3A_1403 = arith.constant true
      %broadcast_in_dim3A_1404 = vector.broadcast %broadcast_in_dim3A_1403 : i1 to vector<16xi1>
      %masked_cumsum3A_1405 = tpu.scan <sum>, %get3A_1402 masked %broadcast_in_dim3A_1404 : vector<16xf32>, vector<16xi1> -> vector<16xf32>
      %add3A_1406 = arith.addf %masked_cumsum3A_1405, %gather3A_1316 : vector<16xf32>
      %mul3A_1407 = arith.constant 16 : i32
      %mul3A_1408 = arith.muli %scan3A_1344, %mul3A_1407 : i32
      %swap3A_1409 = arith.constant 2 : i32
      %swap3A_1410 = arith.index_cast %swap3A_1409 : i32 to index
      %swap3A_1411 = arith.index_cast %mul3A_1408 : i32 to index
      %swap3A_1412 = tpu.vector_load %arg5[%swap3A_1410, %swap3A_1411] {strides = array<i32>} : memref<4x8192xf32, #tpu.memory_space<vmem>>, vector<16xf32>,
      tpu.vector_store %arg5[%swap3A_1410, %swap3A_1411], %add3A_1406 {strides = array<i32>} : memref<4x8192xf32, #tpu.memory_space<vmem>>, vector<16xf32>,
      %lt3A_1413 = arith.constant 0 : i32
      %lt3A_1414 = vector.broadcast %lt3A_1413 : i32 to vector<16xi32>
      %lt3A_1415 = arith.cmpi slt, %broadcast_in_dim3A_3, %lt3A_1414 : vector<16xi32>
      %add3A_1416 = arith.constant 16 : i32
      %add3A_1417 = vector.broadcast %add3A_1416 : i32 to vector<16xi32>
      %add3A_1418 = arith.addi %broadcast_in_dim3A_3, %add3A_1417 : vector<16xi32>
      %select_n3A_1419 = arith.select %lt3A_1415, %add3A_1418, %broadcast_in_dim3A_3 : vector<16xi1>, vector<16xi32>
      %reshape3A_1420 = vector.shape_cast %select_n3A_1419 : vector<16xi32> to vector<16x1xi32>
      %gather3A_1421 = vector.shape_cast %reshape3A_1420 : vector<16x1xi32> to vector<16xi32>
      %gather3A_1422 = tpu.dynamic_gather %add3A_1406[%gather3A_1421] in [0] : vector<16xf32>, vector<16xi32> -> vector<16xf32>
      %mul3A_1423 = arith.constant 16 : i32
      %mul3A_1424 = arith.muli %scan3A_1344, %mul3A_1423 : i32
      %get3A_1425 = arith.constant 3 : i32
      %get3A_1426 = arith.index_cast %get3A_1425 : i32 to index
      %get3A_1427 = arith.index_cast %mul3A_1424 : i32 to index
      %get3A_1428 = tpu.vector_load %arg5[%get3A_1426, %get3A_1427] {strides = array<i32>} : memref<4x8192xf32, #tpu.memory_space<vmem>>, vector<16xf32>,
      %broadcast_in_dim3A_1429 = arith.constant true
      %broadcast_in_dim3A_1430 = vector.broadcast %broadcast_in_dim3A_1429 : i1 to vector<16xi1>
      %masked_cumsum3A_1431 = tpu.scan <sum>, %get3A_1428 masked %broadcast_in_dim3A_1430 : vector<16xf32>, vector<16xi1> -> vector<16xf32>
      %add3A_1432 = arith.addf %masked_cumsum3A_1431, %gather3A_1342 : vector<16xf32>
      %mul3A_1433 = arith.constant 16 : i32
      %mul3A_1434 = arith.muli %scan3A_1344, %mul3A_1433 : i32
      %swap3A_1435 = arith.constant 3 : i32
      %swap3A_1436 = arith.index_cast %swap3A_1435 : i32 to index
      %swap3A_1437 = arith.index_cast %mul3A_1434 : i32 to index
      %swap3A_1438 = tpu.vector_load %arg5[%swap3A_1436, %swap3A_1437] {strides = array<i32>} : memref<4x8192xf32, #tpu.memory_space<vmem>>, vector<16xf32>,
      tpu.vector_store %arg5[%swap3A_1436, %swap3A_1437], %add3A_1432 {strides = array<i32>} : memref<4x8192xf32, #tpu.memory_space<vmem>>, vector<16xf32>,
      %lt3A_1439 = arith.constant 0 : i32
      %lt3A_1440 = vector.broadcast %lt3A_1439 : i32 to vector<16xi32>
      %lt3A_1441 = arith.cmpi slt, %broadcast_in_dim3A_3, %lt3A_1440 : vector<16xi32>
      %add3A_1442 = arith.constant 16 : i32
      %add3A_1443 = vector.broadcast %add3A_1442 : i32 to vector<16xi32>
      %add3A_1444 = arith.addi %broadcast_in_dim3A_3, %add3A_1443 : vector<16xi32>
      %select_n3A_1445 = arith.select %lt3A_1441, %add3A_1444, %broadcast_in_dim3A_3 : vector<16xi1>, vector<16xi32>
      %reshape3A_1446 = vector.shape_cast %select_n3A_1445 : vector<16xi32> to vector<16x1xi32>
      %gather3A_1447 = vector.shape_cast %reshape3A_1446 : vector<16x1xi32> to vector<16xi32>
      %gather3A_1448 = tpu.dynamic_gather %add3A_1432[%gather3A_1447] in [0] : vector<16xf32>, vector<16xi32> -> vector<16xf32>
      %scan3A_1449 = arith.constant 5 : i32
      %scan3A_1450 = arith.addi %scan3A_923, %scan3A_1449 : i32
      %mul3A_1451 = arith.constant 16 : i32
      %mul3A_1452 = arith.muli %scan3A_1450, %mul3A_1451 : i32
      %get3A_1453 = arith.constant 0 : i32
      %get3A_1454 = arith.index_cast %get3A_1453 : i32 to index
      %get3A_1455 = arith.index_cast %mul3A_1452 : i32 to index
      %get3A_1456 = tpu.vector_load %arg5[%get3A_1454, %get3A_1455] {strides = array<i32>} : memref<4x8192xf32, #tpu.memory_space<vmem>>, vector<16xf32>,
      %broadcast_in_dim3A_1457 = arith.constant true
      %broadcast_in_dim3A_1458 = vector.broadcast %broadcast_in_dim3A_1457 : i1 to vector<16xi1>
      %masked_cumsum3A_1459 = tpu.scan <sum>, %get3A_1456 masked %broadcast_in_dim3A_1458 : vector<16xf32>, vector<16xi1> -> vector<16xf32>
      %add3A_1460 = arith.addf %masked_cumsum3A_1459, %gather3A_1370 : vector<16xf32>
      %mul3A_1461 = arith.constant 16 : i32
      %mul3A_1462 = arith.muli %scan3A_1450, %mul3A_1461 : i32
      %swap3A_1463 = arith.constant 0 : i32
      %swap3A_1464 = arith.index_cast %swap3A_1463 : i32 to index
      %swap3A_1465 = arith.index_cast %mul3A_1462 : i32 to index
      %swap3A_1466 = tpu.vector_load %arg5[%swap3A_1464, %swap3A_1465] {strides = array<i32>} : memref<4x8192xf32, #tpu.memory_space<vmem>>, vector<16xf32>,
      tpu.vector_store %arg5[%swap3A_1464, %swap3A_1465], %add3A_1460 {strides = array<i32>} : memref<4x8192xf32, #tpu.memory_space<vmem>>, vector<16xf32>,
      %lt3A_1467 = arith.constant 0 : i32
      %lt3A_1468 = vector.broadcast %lt3A_1467 : i32 to vector<16xi32>
      %lt3A_1469 = arith.cmpi slt, %broadcast_in_dim3A_3, %lt3A_1468 : vector<16xi32>
      %add3A_1470 = arith.constant 16 : i32
      %add3A_1471 = vector.broadcast %add3A_1470 : i32 to vector<16xi32>
      %add3A_1472 = arith.addi %broadcast_in_dim3A_3, %add3A_1471 : vector<16xi32>
      %select_n3A_1473 = arith.select %lt3A_1469, %add3A_1472, %broadcast_in_dim3A_3 : vector<16xi1>, vector<16xi32>
      %reshape3A_1474 = vector.shape_cast %select_n3A_1473 : vector<16xi32> to vector<16x1xi32>
      %gather3A_1475 = vector.shape_cast %reshape3A_1474 : vector<16x1xi32> to vector<16xi32>
      %gather3A_1476 = tpu.dynamic_gather %add3A_1460[%gather3A_1475] in [0] : vector<16xf32>, vector<16xi32> -> vector<16xf32>
      %mul3A_1477 = arith.constant 16 : i32
      %mul3A_1478 = arith.muli %scan3A_1450, %mul3A_1477 : i32
      %get3A_1479 = arith.constant 1 : i32
      %get3A_1480 = arith.index_cast %get3A_1479 : i32 to index
      %get3A_1481 = arith.index_cast %mul3A_1478 : i32 to index
      %get3A_1482 = tpu.vector_load %arg5[%get3A_1480, %get3A_1481] {strides = array<i32>} : memref<4x8192xf32, #tpu.memory_space<vmem>>, vector<16xf32>,
      %broadcast_in_dim3A_1483 = arith.constant true
      %broadcast_in_dim3A_1484 = vector.broadcast %broadcast_in_dim3A_1483 : i1 to vector<16xi1>
      %masked_cumsum3A_1485 = tpu.scan <sum>, %get3A_1482 masked %broadcast_in_dim3A_1484 : vector<16xf32>, vector<16xi1> -> vector<16xf32>
      %add3A_1486 = arith.addf %masked_cumsum3A_1485, %gather3A_1396 : vector<16xf32>
      %mul3A_1487 = arith.constant 16 : i32
      %mul3A_1488 = arith.muli %scan3A_1450, %mul3A_1487 : i32
      %swap3A_1489 = arith.constant 1 : i32
      %swap3A_1490 = arith.index_cast %swap3A_1489 : i32 to index
      %swap3A_1491 = arith.index_cast %mul3A_1488 : i32 to index
      %swap3A_1492 = tpu.vector_load %arg5[%swap3A_1490, %swap3A_1491] {strides = array<i32>} : memref<4x8192xf32, #tpu.memory_space<vmem>>, vector<16xf32>,
      tpu.vector_store %arg5[%swap3A_1490, %swap3A_1491], %add3A_1486 {strides = array<i32>} : memref<4x8192xf32, #tpu.memory_space<vmem>>, vector<16xf32>,
      %lt3A_1493 = arith.constant 0 : i32
      %lt3A_1494 = vector.broadcast %lt3A_1493 : i32 to vector<16xi32>
      %lt3A_1495 = arith.cmpi slt, %broadcast_in_dim3A_3, %lt3A_1494 : vector<16xi32>
      %add3A_1496 = arith.constant 16 : i32
      %add3A_1497 = vector.broadcast %add3A_1496 : i32 to vector<16xi32>
      %add3A_1498 = arith.addi %broadcast_in_dim3A_3, %add3A_1497 : vector<16xi32>
      %select_n3A_1499 = arith.select %lt3A_1495, %add3A_1498, %broadcast_in_dim3A_3 : vector<16xi1>, vector<16xi32>
      %reshape3A_1500 = vector.shape_cast %select_n3A_1499 : vector<16xi32> to vector<16x1xi32>
      %gather3A_1501 = vector.shape_cast %reshape3A_1500 : vector<16x1xi32> to vector<16xi32>
      %gather3A_1502 = tpu.dynamic_gather %add3A_1486[%gather3A_1501] in [0] : vector<16xf32>, vector<16xi32> -> vector<16xf32>
      %mul3A_1503 = arith.constant 16 : i32
      %mul3A_1504 = arith.muli %scan3A_1450, %mul3A_1503 : i32
      %get3A_1505 = arith.constant 2 : i32
      %get3A_1506 = arith.index_cast %get3A_1505 : i32 to index
      %get3A_1507 = arith.index_cast %mul3A_1504 : i32 to index
      %get3A_1508 = tpu.vector_load %arg5[%get3A_1506, %get3A_1507] {strides = array<i32>} : memref<4x8192xf32, #tpu.memory_space<vmem>>, vector<16xf32>,
      %broadcast_in_dim3A_1509 = arith.constant true
      %broadcast_in_dim3A_1510 = vector.broadcast %broadcast_in_dim3A_1509 : i1 to vector<16xi1>
      %masked_cumsum3A_1511 = tpu.scan <sum>, %get3A_1508 masked %broadcast_in_dim3A_1510 : vector<16xf32>, vector<16xi1> -> vector<16xf32>
      %add3A_1512 = arith.addf %masked_cumsum3A_1511, %gather3A_1422 : vector<16xf32>
      %mul3A_1513 = arith.constant 16 : i32
      %mul3A_1514 = arith.muli %scan3A_1450, %mul3A_1513 : i32
      %swap3A_1515 = arith.constant 2 : i32
      %swap3A_1516 = arith.index_cast %swap3A_1515 : i32 to index
      %swap3A_1517 = arith.index_cast %mul3A_1514 : i32 to index
      %swap3A_1518 = tpu.vector_load %arg5[%swap3A_1516, %swap3A_1517] {strides = array<i32>} : memref<4x8192xf32, #tpu.memory_space<vmem>>, vector<16xf32>,
      tpu.vector_store %arg5[%swap3A_1516, %swap3A_1517], %add3A_1512 {strides = array<i32>} : memref<4x8192xf32, #tpu.memory_space<vmem>>, vector<16xf32>,
      %lt3A_1519 = arith.constant 0 : i32
      %lt3A_1520 = vector.broadcast %lt3A_1519 : i32 to vector<16xi32>
      %lt3A_1521 = arith.cmpi slt, %broadcast_in_dim3A_3, %lt3A_1520 : vector<16xi32>
      %add3A_1522 = arith.constant 16 : i32
      %add3A_1523 = vector.broadcast %add3A_1522 : i32 to vector<16xi32>
      %add3A_1524 = arith.addi %broadcast_in_dim3A_3, %add3A_1523 : vector<16xi32>
      %select_n3A_1525 = arith.select %lt3A_1521, %add3A_1524, %broadcast_in_dim3A_3 : vector<16xi1>, vector<16xi32>
      %reshape3A_1526 = vector.shape_cast %select_n3A_1525 : vector<16xi32> to vector<16x1xi32>
      %gather3A_1527 = vector.shape_cast %reshape3A_1526 : vector<16x1xi32> to vector<16xi32>
      %gather3A_1528 = tpu.dynamic_gather %add3A_1512[%gather3A_1527] in [0] : vector<16xf32>, vector<16xi32> -> vector<16xf32>
      %mul3A_1529 = arith.constant 16 : i32
      %mul3A_1530 = arith.muli %scan3A_1450, %mul3A_1529 : i32
      %get3A_1531 = arith.constant 3 : i32
      %get3A_1532 = arith.index_cast %get3A_1531 : i32 to index
      %get3A_1533 = arith.index_cast %mul3A_1530 : i32 to index
      %get3A_1534 = tpu.vector_load %arg5[%get3A_1532, %get3A_1533] {strides = array<i32>} : memref<4x8192xf32, #tpu.memory_space<vmem>>, vector<16xf32>,
      %broadcast_in_dim3A_1535 = arith.constant true
      %broadcast_in_dim3A_1536 = vector.broadcast %broadcast_in_dim3A_1535 : i1 to vector<16xi1>
      %masked_cumsum3A_1537 = tpu.scan <sum>, %get3A_1534 masked %broadcast_in_dim3A_1536 : vector<16xf32>, vector<16xi1> -> vector<16xf32>
      %add3A_1538 = arith.addf %masked_cumsum3A_1537, %gather3A_1448 : vector<16xf32>
      %mul3A_1539 = arith.constant 16 : i32
      %mul3A_1540 = arith.muli %scan3A_1450, %mul3A_1539 : i32
      %swap3A_1541 = arith.constant 3 : i32
      %swap3A_1542 = arith.index_cast %swap3A_1541 : i32 to index
      %swap3A_1543 = arith.index_cast %mul3A_1540 : i32 to index
      %swap3A_1544 = tpu.vector_load %arg5[%swap3A_1542, %swap3A_1543] {strides = array<i32>} : memref<4x8192xf32, #tpu.memory_space<vmem>>, vector<16xf32>,
      tpu.vector_store %arg5[%swap3A_1542, %swap3A_1543], %add3A_1538 {strides = array<i32>} : memref<4x8192xf32, #tpu.memory_space<vmem>>, vector<16xf32>,
      %lt3A_1545 = arith.constant 0 : i32
      %lt3A_1546 = vector.broadcast %lt3A_1545 : i32 to vector<16xi32>
      %lt3A_1547 = arith.cmpi slt, %broadcast_in_dim3A_3, %lt3A_1546 : vector<16xi32>
      %add3A_1548 = arith.constant 16 : i32
      %add3A_1549 = vector.broadcast %add3A_1548 : i32 to vector<16xi32>
      %add3A_1550 = arith.addi %broadcast_in_dim3A_3, %add3A_1549 : vector<16xi32>
      %select_n3A_1551 = arith.select %lt3A_1547, %add3A_1550, %broadcast_in_dim3A_3 : vector<16xi1>, vector<16xi32>
      %reshape3A_1552 = vector.shape_cast %select_n3A_1551 : vector<16xi32> to vector<16x1xi32>
      %gather3A_1553 = vector.shape_cast %reshape3A_1552 : vector<16x1xi32> to vector<16xi32>
      %gather3A_1554 = tpu.dynamic_gather %add3A_1538[%gather3A_1553] in [0] : vector<16xf32>, vector<16xi32> -> vector<16xf32>
      %scan3A_1555 = arith.constant 6 : i32
      %scan3A_1556 = arith.addi %scan3A_923, %scan3A_1555 : i32
      %mul3A_1557 = arith.constant 16 : i32
      %mul3A_1558 = arith.muli %scan3A_1556, %mul3A_1557 : i32
      %get3A_1559 = arith.constant 0 : i32
      %get3A_1560 = arith.index_cast %get3A_1559 : i32 to index
      %get3A_1561 = arith.index_cast %mul3A_1558 : i32 to index
      %get3A_1562 = tpu.vector_load %arg5[%get3A_1560, %get3A_1561] {strides = array<i32>} : memref<4x8192xf32, #tpu.memory_space<vmem>>, vector<16xf32>,
      %broadcast_in_dim3A_1563 = arith.constant true
      %broadcast_in_dim3A_1564 = vector.broadcast %broadcast_in_dim3A_1563 : i1 to vector<16xi1>
      %masked_cumsum3A_1565 = tpu.scan <sum>, %get3A_1562 masked %broadcast_in_dim3A_1564 : vector<16xf32>, vector<16xi1> -> vector<16xf32>
      %add3A_1566 = arith.addf %masked_cumsum3A_1565, %gather3A_1476 : vector<16xf32>
      %mul3A_1567 = arith.constant 16 : i32
      %mul3A_1568 = arith.muli %scan3A_1556, %mul3A_1567 : i32
      %swap3A_1569 = arith.constant 0 : i32
      %swap3A_1570 = arith.index_cast %swap3A_1569 : i32 to index
      %swap3A_1571 = arith.index_cast %mul3A_1568 : i32 to index
      %swap3A_1572 = tpu.vector_load %arg5[%swap3A_1570, %swap3A_1571] {strides = array<i32>} : memref<4x8192xf32, #tpu.memory_space<vmem>>, vector<16xf32>,
      tpu.vector_store %arg5[%swap3A_1570, %swap3A_1571], %add3A_1566 {strides = array<i32>} : memref<4x8192xf32, #tpu.memory_space<vmem>>, vector<16xf32>,
      %lt3A_1573 = arith.constant 0 : i32
      %lt3A_1574 = vector.broadcast %lt3A_1573 : i32 to vector<16xi32>
      %lt3A_1575 = arith.cmpi slt, %broadcast_in_dim3A_3, %lt3A_1574 : vector<16xi32>
      %add3A_1576 = arith.constant 16 : i32
      %add3A_1577 = vector.broadcast %add3A_1576 : i32 to vector<16xi32>
      %add3A_1578 = arith.addi %broadcast_in_dim3A_3, %add3A_1577 : vector<16xi32>
      %select_n3A_1579 = arith.select %lt3A_1575, %add3A_1578, %broadcast_in_dim3A_3 : vector<16xi1>, vector<16xi32>
      %reshape3A_1580 = vector.shape_cast %select_n3A_1579 : vector<16xi32> to vector<16x1xi32>
      %gather3A_1581 = vector.shape_cast %reshape3A_1580 : vector<16x1xi32> to vector<16xi32>
      %gather3A_1582 = tpu.dynamic_gather %add3A_1566[%gather3A_1581] in [0] : vector<16xf32>, vector<16xi32> -> vector<16xf32>
      %mul3A_1583 = arith.constant 16 : i32
      %mul3A_1584 = arith.muli %scan3A_1556, %mul3A_1583 : i32
      %get3A_1585 = arith.constant 1 : i32
      %get3A_1586 = arith.index_cast %get3A_1585 : i32 to index
      %get3A_1587 = arith.index_cast %mul3A_1584 : i32 to index
      %get3A_1588 = tpu.vector_load %arg5[%get3A_1586, %get3A_1587] {strides = array<i32>} : memref<4x8192xf32, #tpu.memory_space<vmem>>, vector<16xf32>,
      %broadcast_in_dim3A_1589 = arith.constant true
      %broadcast_in_dim3A_1590 = vector.broadcast %broadcast_in_dim3A_1589 : i1 to vector<16xi1>
      %masked_cumsum3A_1591 = tpu.scan <sum>, %get3A_1588 masked %broadcast_in_dim3A_1590 : vector<16xf32>, vector<16xi1> -> vector<16xf32>
      %add3A_1592 = arith.addf %masked_cumsum3A_1591, %gather3A_1502 : vector<16xf32>
      %mul3A_1593 = arith.constant 16 : i32
      %mul3A_1594 = arith.muli %scan3A_1556, %mul3A_1593 : i32
      %swap3A_1595 = arith.constant 1 : i32
      %swap3A_1596 = arith.index_cast %swap3A_1595 : i32 to index
      %swap3A_1597 = arith.index_cast %mul3A_1594 : i32 to index
      %swap3A_1598 = tpu.vector_load %arg5[%swap3A_1596, %swap3A_1597] {strides = array<i32>} : memref<4x8192xf32, #tpu.memory_space<vmem>>, vector<16xf32>,
      tpu.vector_store %arg5[%swap3A_1596, %swap3A_1597], %add3A_1592 {strides = array<i32>} : memref<4x8192xf32, #tpu.memory_space<vmem>>, vector<16xf32>,
      %lt3A_1599 = arith.constant 0 : i32
      %lt3A_1600 = vector.broadcast %lt3A_1599 : i32 to vector<16xi32>
      %lt3A_1601 = arith.cmpi slt, %broadcast_in_dim3A_3, %lt3A_1600 : vector<16xi32>
      %add3A_1602 = arith.constant 16 : i32
      %add3A_1603 = vector.broadcast %add3A_1602 : i32 to vector<16xi32>
      %add3A_1604 = arith.addi %broadcast_in_dim3A_3, %add3A_1603 : vector<16xi32>
      %select_n3A_1605 = arith.select %lt3A_1601, %add3A_1604, %broadcast_in_dim3A_3 : vector<16xi1>, vector<16xi32>
      %reshape3A_1606 = vector.shape_cast %select_n3A_1605 : vector<16xi32> to vector<16x1xi32>
      %gather3A_1607 = vector.shape_cast %reshape3A_1606 : vector<16x1xi32> to vector<16xi32>
      %gather3A_1608 = tpu.dynamic_gather %add3A_1592[%gather3A_1607] in [0] : vector<16xf32>, vector<16xi32> -> vector<16xf32>
      %mul3A_1609 = arith.constant 16 : i32
      %mul3A_1610 = arith.muli %scan3A_1556, %mul3A_1609 : i32
      %get3A_1611 = arith.constant 2 : i32
      %get3A_1612 = arith.index_cast %get3A_1611 : i32 to index
      %get3A_1613 = arith.index_cast %mul3A_1610 : i32 to index
      %get3A_1614 = tpu.vector_load %arg5[%get3A_1612, %get3A_1613] {strides = array<i32>} : memref<4x8192xf32, #tpu.memory_space<vmem>>, vector<16xf32>,
      %broadcast_in_dim3A_1615 = arith.constant true
      %broadcast_in_dim3A_1616 = vector.broadcast %broadcast_in_dim3A_1615 : i1 to vector<16xi1>
      %masked_cumsum3A_1617 = tpu.scan <sum>, %get3A_1614 masked %broadcast_in_dim3A_1616 : vector<16xf32>, vector<16xi1> -> vector<16xf32>
      %add3A_1618 = arith.addf %masked_cumsum3A_1617, %gather3A_1528 : vector<16xf32>
      %mul3A_1619 = arith.constant 16 : i32
      %mul3A_1620 = arith.muli %scan3A_1556, %mul3A_1619 : i32
      %swap3A_1621 = arith.constant 2 : i32
      %swap3A_1622 = arith.index_cast %swap3A_1621 : i32 to index
      %swap3A_1623 = arith.index_cast %mul3A_1620 : i32 to index
      %swap3A_1624 = tpu.vector_load %arg5[%swap3A_1622, %swap3A_1623] {strides = array<i32>} : memref<4x8192xf32, #tpu.memory_space<vmem>>, vector<16xf32>,
      tpu.vector_store %arg5[%swap3A_1622, %swap3A_1623], %add3A_1618 {strides = array<i32>} : memref<4x8192xf32, #tpu.memory_space<vmem>>, vector<16xf32>,
      %lt3A_1625 = arith.constant 0 : i32
      %lt3A_1626 = vector.broadcast %lt3A_1625 : i32 to vector<16xi32>
      %lt3A_1627 = arith.cmpi slt, %broadcast_in_dim3A_3, %lt3A_1626 : vector<16xi32>
      %add3A_1628 = arith.constant 16 : i32
      %add3A_1629 = vector.broadcast %add3A_1628 : i32 to vector<16xi32>
      %add3A_1630 = arith.addi %broadcast_in_dim3A_3, %add3A_1629 : vector<16xi32>
      %select_n3A_1631 = arith.select %lt3A_1627, %add3A_1630, %broadcast_in_dim3A_3 : vector<16xi1>, vector<16xi32>
      %reshape3A_1632 = vector.shape_cast %select_n3A_1631 : vector<16xi32> to vector<16x1xi32>
      %gather3A_1633 = vector.shape_cast %reshape3A_1632 : vector<16x1xi32> to vector<16xi32>
      %gather3A_1634 = tpu.dynamic_gather %add3A_1618[%gather3A_1633] in [0] : vector<16xf32>, vector<16xi32> -> vector<16xf32>
      %mul3A_1635 = arith.constant 16 : i32
      %mul3A_1636 = arith.muli %scan3A_1556, %mul3A_1635 : i32
      %get3A_1637 = arith.constant 3 : i32
      %get3A_1638 = arith.index_cast %get3A_1637 : i32 to index
      %get3A_1639 = arith.index_cast %mul3A_1636 : i32 to index
      %get3A_1640 = tpu.vector_load %arg5[%get3A_1638, %get3A_1639] {strides = array<i32>} : memref<4x8192xf32, #tpu.memory_space<vmem>>, vector<16xf32>,
      %broadcast_in_dim3A_1641 = arith.constant true
      %broadcast_in_dim3A_1642 = vector.broadcast %broadcast_in_dim3A_1641 : i1 to vector<16xi1>
      %masked_cumsum3A_1643 = tpu.scan <sum>, %get3A_1640 masked %broadcast_in_dim3A_1642 : vector<16xf32>, vector<16xi1> -> vector<16xf32>
      %add3A_1644 = arith.addf %masked_cumsum3A_1643, %gather3A_1554 : vector<16xf32>
      %mul3A_1645 = arith.constant 16 : i32
      %mul3A_1646 = arith.muli %scan3A_1556, %mul3A_1645 : i32
      %swap3A_1647 = arith.constant 3 : i32
      %swap3A_1648 = arith.index_cast %swap3A_1647 : i32 to index
      %swap3A_1649 = arith.index_cast %mul3A_1646 : i32 to index
      %swap3A_1650 = tpu.vector_load %arg5[%swap3A_1648, %swap3A_1649] {strides = array<i32>} : memref<4x8192xf32, #tpu.memory_space<vmem>>, vector<16xf32>,
      tpu.vector_store %arg5[%swap3A_1648, %swap3A_1649], %add3A_1644 {strides = array<i32>} : memref<4x8192xf32, #tpu.memory_space<vmem>>, vector<16xf32>,
      %lt3A_1651 = arith.constant 0 : i32
      %lt3A_1652 = vector.broadcast %lt3A_1651 : i32 to vector<16xi32>
      %lt3A_1653 = arith.cmpi slt, %broadcast_in_dim3A_3, %lt3A_1652 : vector<16xi32>
      %add3A_1654 = arith.constant 16 : i32
      %add3A_1655 = vector.broadcast %add3A_1654 : i32 to vector<16xi32>
      %add3A_1656 = arith.addi %broadcast_in_dim3A_3, %add3A_1655 : vector<16xi32>
      %select_n3A_1657 = arith.select %lt3A_1653, %add3A_1656, %broadcast_in_dim3A_3 : vector<16xi1>, vector<16xi32>
      %reshape3A_1658 = vector.shape_cast %select_n3A_1657 : vector<16xi32> to vector<16x1xi32>
      %gather3A_1659 = vector.shape_cast %reshape3A_1658 : vector<16x1xi32> to vector<16xi32>
      %gather3A_1660 = tpu.dynamic_gather %add3A_1644[%gather3A_1659] in [0] : vector<16xf32>, vector<16xi32> -> vector<16xf32>
      %scan3A_1661 = arith.constant 7 : i32
      %scan3A_1662 = arith.addi %scan3A_923, %scan3A_1661 : i32
      %mul3A_1663 = arith.constant 16 : i32
      %mul3A_1664 = arith.muli %scan3A_1662, %mul3A_1663 : i32
      %get3A_1665 = arith.constant 0 : i32
      %get3A_1666 = arith.index_cast %get3A_1665 : i32 to index
      %get3A_1667 = arith.index_cast %mul3A_1664 : i32 to index
      %get3A_1668 = tpu.vector_load %arg5[%get3A_1666, %get3A_1667] {strides = array<i32>} : memref<4x8192xf32, #tpu.memory_space<vmem>>, vector<16xf32>,
      %broadcast_in_dim3A_1669 = arith.constant true
      %broadcast_in_dim3A_1670 = vector.broadcast %broadcast_in_dim3A_1669 : i1 to vector<16xi1>
      %masked_cumsum3A_1671 = tpu.scan <sum>, %get3A_1668 masked %broadcast_in_dim3A_1670 : vector<16xf32>, vector<16xi1> -> vector<16xf32>
      %add3A_1672 = arith.addf %masked_cumsum3A_1671, %gather3A_1582 : vector<16xf32>
      %mul3A_1673 = arith.constant 16 : i32
      %mul3A_1674 = arith.muli %scan3A_1662, %mul3A_1673 : i32
      %swap3A_1675 = arith.constant 0 : i32
      %swap3A_1676 = arith.index_cast %swap3A_1675 : i32 to index
      %swap3A_1677 = arith.index_cast %mul3A_1674 : i32 to index
      %swap3A_1678 = tpu.vector_load %arg5[%swap3A_1676, %swap3A_1677] {strides = array<i32>} : memref<4x8192xf32, #tpu.memory_space<vmem>>, vector<16xf32>,
      tpu.vector_store %arg5[%swap3A_1676, %swap3A_1677], %add3A_1672 {strides = array<i32>} : memref<4x8192xf32, #tpu.memory_space<vmem>>, vector<16xf32>,
      %lt3A_1679 = arith.constant 0 : i32
      %lt3A_1680 = vector.broadcast %lt3A_1679 : i32 to vector<16xi32>
      %lt3A_1681 = arith.cmpi slt, %broadcast_in_dim3A_3, %lt3A_1680 : vector<16xi32>
      %add3A_1682 = arith.constant 16 : i32
      %add3A_1683 = vector.broadcast %add3A_1682 : i32 to vector<16xi32>
      %add3A_1684 = arith.addi %broadcast_in_dim3A_3, %add3A_1683 : vector<16xi32>
      %select_n3A_1685 = arith.select %lt3A_1681, %add3A_1684, %broadcast_in_dim3A_3 : vector<16xi1>, vector<16xi32>
      %reshape3A_1686 = vector.shape_cast %select_n3A_1685 : vector<16xi32> to vector<16x1xi32>
      %gather3A_1687 = vector.shape_cast %reshape3A_1686 : vector<16x1xi32> to vector<16xi32>
      %gather3A_1688 = tpu.dynamic_gather %add3A_1672[%gather3A_1687] in [0] : vector<16xf32>, vector<16xi32> -> vector<16xf32>
      %mul3A_1689 = arith.constant 16 : i32
      %mul3A_1690 = arith.muli %scan3A_1662, %mul3A_1689 : i32
      %get3A_1691 = arith.constant 1 : i32
      %get3A_1692 = arith.index_cast %get3A_1691 : i32 to index
      %get3A_1693 = arith.index_cast %mul3A_1690 : i32 to index
      %get3A_1694 = tpu.vector_load %arg5[%get3A_1692, %get3A_1693] {strides = array<i32>} : memref<4x8192xf32, #tpu.memory_space<vmem>>, vector<16xf32>,
      %broadcast_in_dim3A_1695 = arith.constant true
      %broadcast_in_dim3A_1696 = vector.broadcast %broadcast_in_dim3A_1695 : i1 to vector<16xi1>
      %masked_cumsum3A_1697 = tpu.scan <sum>, %get3A_1694 masked %broadcast_in_dim3A_1696 : vector<16xf32>, vector<16xi1> -> vector<16xf32>
      %add3A_1698 = arith.addf %masked_cumsum3A_1697, %gather3A_1608 : vector<16xf32>
      %mul3A_1699 = arith.constant 16 : i32
      %mul3A_1700 = arith.muli %scan3A_1662, %mul3A_1699 : i32
      %swap3A_1701 = arith.constant 1 : i32
      %swap3A_1702 = arith.index_cast %swap3A_1701 : i32 to index
      %swap3A_1703 = arith.index_cast %mul3A_1700 : i32 to index
      %swap3A_1704 = tpu.vector_load %arg5[%swap3A_1702, %swap3A_1703] {strides = array<i32>} : memref<4x8192xf32, #tpu.memory_space<vmem>>, vector<16xf32>,
      tpu.vector_store %arg5[%swap3A_1702, %swap3A_1703], %add3A_1698 {strides = array<i32>} : memref<4x8192xf32, #tpu.memory_space<vmem>>, vector<16xf32>,
      %lt3A_1705 = arith.constant 0 : i32
      %lt3A_1706 = vector.broadcast %lt3A_1705 : i32 to vector<16xi32>
      %lt3A_1707 = arith.cmpi slt, %broadcast_in_dim3A_3, %lt3A_1706 : vector<16xi32>
      %add3A_1708 = arith.constant 16 : i32
      %add3A_1709 = vector.broadcast %add3A_1708 : i32 to vector<16xi32>
      %add3A_1710 = arith.addi %broadcast_in_dim3A_3, %add3A_1709 : vector<16xi32>
      %select_n3A_1711 = arith.select %lt3A_1707, %add3A_1710, %broadcast_in_dim3A_3 : vector<16xi1>, vector<16xi32>
      %reshape3A_1712 = vector.shape_cast %select_n3A_1711 : vector<16xi32> to vector<16x1xi32>
      %gather3A_1713 = vector.shape_cast %reshape3A_1712 : vector<16x1xi32> to vector<16xi32>
      %gather3A_1714 = tpu.dynamic_gather %add3A_1698[%gather3A_1713] in [0] : vector<16xf32>, vector<16xi32> -> vector<16xf32>
      %mul3A_1715 = arith.constant 16 : i32
      %mul3A_1716 = arith.muli %scan3A_1662, %mul3A_1715 : i32
      %get3A_1717 = arith.constant 2 : i32
      %get3A_1718 = arith.index_cast %get3A_1717 : i32 to index
      %get3A_1719 = arith.index_cast %mul3A_1716 : i32 to index
      %get3A_1720 = tpu.vector_load %arg5[%get3A_1718, %get3A_1719] {strides = array<i32>} : memref<4x8192xf32, #tpu.memory_space<vmem>>, vector<16xf32>,
      %broadcast_in_dim3A_1721 = arith.constant true
      %broadcast_in_dim3A_1722 = vector.broadcast %broadcast_in_dim3A_1721 : i1 to vector<16xi1>
      %masked_cumsum3A_1723 = tpu.scan <sum>, %get3A_1720 masked %broadcast_in_dim3A_1722 : vector<16xf32>, vector<16xi1> -> vector<16xf32>
      %add3A_1724 = arith.addf %masked_cumsum3A_1723, %gather3A_1634 : vector<16xf32>
      %mul3A_1725 = arith.constant 16 : i32
      %mul3A_1726 = arith.muli %scan3A_1662, %mul3A_1725 : i32
      %swap3A_1727 = arith.constant 2 : i32
      %swap3A_1728 = arith.index_cast %swap3A_1727 : i32 to index
      %swap3A_1729 = arith.index_cast %mul3A_1726 : i32 to index
      %swap3A_1730 = tpu.vector_load %arg5[%swap3A_1728, %swap3A_1729] {strides = array<i32>} : memref<4x8192xf32, #tpu.memory_space<vmem>>, vector<16xf32>,
      tpu.vector_store %arg5[%swap3A_1728, %swap3A_1729], %add3A_1724 {strides = array<i32>} : memref<4x8192xf32, #tpu.memory_space<vmem>>, vector<16xf32>,
      %lt3A_1731 = arith.constant 0 : i32
      %lt3A_1732 = vector.broadcast %lt3A_1731 : i32 to vector<16xi32>
      %lt3A_1733 = arith.cmpi slt, %broadcast_in_dim3A_3, %lt3A_1732 : vector<16xi32>
      %add3A_1734 = arith.constant 16 : i32
      %add3A_1735 = vector.broadcast %add3A_1734 : i32 to vector<16xi32>
      %add3A_1736 = arith.addi %broadcast_in_dim3A_3, %add3A_1735 : vector<16xi32>
      %select_n3A_1737 = arith.select %lt3A_1733, %add3A_1736, %broadcast_in_dim3A_3 : vector<16xi1>, vector<16xi32>
      %reshape3A_1738 = vector.shape_cast %select_n3A_1737 : vector<16xi32> to vector<16x1xi32>
      %gather3A_1739 = vector.shape_cast %reshape3A_1738 : vector<16x1xi32> to vector<16xi32>
      %gather3A_1740 = tpu.dynamic_gather %add3A_1724[%gather3A_1739] in [0] : vector<16xf32>, vector<16xi32> -> vector<16xf32>
      %mul3A_1741 = arith.constant 16 : i32
      %mul3A_1742 = arith.muli %scan3A_1662, %mul3A_1741 : i32
      %get3A_1743 = arith.constant 3 : i32
      %get3A_1744 = arith.index_cast %get3A_1743 : i32 to index
      %get3A_1745 = arith.index_cast %mul3A_1742 : i32 to index
      %get3A_1746 = tpu.vector_load %arg5[%get3A_1744, %get3A_1745] {strides = array<i32>} : memref<4x8192xf32, #tpu.memory_space<vmem>>, vector<16xf32>,
      %broadcast_in_dim3A_1747 = arith.constant true
      %broadcast_in_dim3A_1748 = vector.broadcast %broadcast_in_dim3A_1747 : i1 to vector<16xi1>
      %masked_cumsum3A_1749 = tpu.scan <sum>, %get3A_1746 masked %broadcast_in_dim3A_1748 : vector<16xf32>, vector<16xi1> -> vector<16xf32>
      %add3A_1750 = arith.addf %masked_cumsum3A_1749, %gather3A_1660 : vector<16xf32>
      %mul3A_1751 = arith.constant 16 : i32
      %mul3A_1752 = arith.muli %scan3A_1662, %mul3A_1751 : i32
      %swap3A_1753 = arith.constant 3 : i32
      %swap3A_1754 = arith.index_cast %swap3A_1753 : i32 to index
      %swap3A_1755 = arith.index_cast %mul3A_1752 : i32 to index
      %swap3A_1756 = tpu.vector_load %arg5[%swap3A_1754, %swap3A_1755] {strides = array<i32>} : memref<4x8192xf32, #tpu.memory_space<vmem>>, vector<16xf32>,
      tpu.vector_store %arg5[%swap3A_1754, %swap3A_1755], %add3A_1750 {strides = array<i32>} : memref<4x8192xf32, #tpu.memory_space<vmem>>, vector<16xf32>,
      %lt3A_1757 = arith.constant 0 : i32
      %lt3A_1758 = vector.broadcast %lt3A_1757 : i32 to vector<16xi32>
      %lt3A_1759 = arith.cmpi slt, %broadcast_in_dim3A_3, %lt3A_1758 : vector<16xi32>
      %add3A_1760 = arith.constant 16 : i32
      %add3A_1761 = vector.broadcast %add3A_1760 : i32 to vector<16xi32>
      %add3A_1762 = arith.addi %broadcast_in_dim3A_3, %add3A_1761 : vector<16xi32>
      %select_n3A_1763 = arith.select %lt3A_1759, %add3A_1762, %broadcast_in_dim3A_3 : vector<16xi1>, vector<16xi32>
      %reshape3A_1764 = vector.shape_cast %select_n3A_1763 : vector<16xi32> to vector<16x1xi32>
      %gather3A_1765 = vector.shape_cast %reshape3A_1764 : vector<16x1xi32> to vector<16xi32>
      %gather3A_1766 = tpu.dynamic_gather %add3A_1750[%gather3A_1765] in [0] : vector<16xf32>, vector<16xi32> -> vector<16xf32>
      scf.yield %gather3A_1688, %gather3A_1714, %gather3A_1740, %gather3A_1766 : vector<16xf32>, vector<16xf32>, vector<16xf32>, vector<16xf32>
    }
    %scan3A_758 = arith.constant 512 : i32
    %add3A_759 = arith.constant 0 : i32
    %add3A_760 = arith.addi %mul3A_2, %add3A_759 : i32
    %dma_start3A_761 = arith.constant 0 : i32
    %dma_start3A_762 = arith.constant 0 : i32
    %dma_start3A_763 = tpu.memref_slice %arg5[%dma_start3A_761, %dma_start3A_762] : memref<4x8192xf32, #tpu.memory_space<vmem>> -> memref<1x8192xf32, #tpu.memory_space<vmem>>
    %dma_start3A_764 = tpu.memref_squeeze %dma_start3A_763 : memref<1x8192xf32, #tpu.memory_space<vmem>> -> memref<8192xf32, #tpu.memory_space<vmem>>
    %dma_start3A_765 = arith.constant 24576 : i32
    %dma_start3A_766 = tpu.memref_slice %arg3[%add3A_760, %dma_start3A_765] : memref<128x32768xf32, #tpu.memory_space<hbm>> -> memref<1x8192xf32, #tpu.memory_space<hbm>>
    %dma_start3A_767 = tpu.memref_squeeze %dma_start3A_766 : memref<1x8192xf32, #tpu.memory_space<hbm>> -> memref<8192xf32, #tpu.memory_space<hbm>>
    %dma_start3A_768 = arith.constant 24576 : i32
    %dma_start3A_769 = tpu.memref_slice %arg3[%add3A_760, %dma_start3A_768] : memref<128x32768xf32, #tpu.memory_space<hbm>> -> memref<1x8192xf32, #tpu.memory_space<hbm>>
    %dma_start3A_770 = tpu.memref_squeeze %dma_start3A_769 : memref<1x8192xf32, #tpu.memory_space<hbm>> -> memref<8192xf32, #tpu.memory_space<hbm>>
    %dma_start3A_771 = arith.constant 0 : i32
    %dma_start3A_772 = tpu.memref_slice %arg5[%dma_start3A_761, %dma_start3A_771] : memref<4x8192xf32, #tpu.memory_space<vmem>> -> memref<1x8192xf32, #tpu.memory_space<vmem>>
    %dma_start3A_773 = tpu.memref_squeeze %dma_start3A_772 : memref<1x8192xf32, #tpu.memory_space<vmem>> -> memref<8192xf32, #tpu.memory_space<vmem>>
    tpu.enqueue_dma source(%dma_start3A_773 : memref<8192xf32, #tpu.memory_space<vmem>>) target(%dma_start3A_770 : memref<8192xf32, #tpu.memory_space<hbm>>) target_semaphore(%arg7 : memref<!tpu.dma_semaphore, #tpu.memory_space<semaphore_mem>>)
    %add3A_774 = arith.constant 1 : i32
    %add3A_775 = arith.addi %mul3A_2, %add3A_774 : i32
    %dma_start3A_776 = arith.constant 1 : i32
    %dma_start3A_777 = arith.constant 0 : i32
    %dma_start3A_778 = tpu.memref_slice %arg5[%dma_start3A_776, %dma_start3A_777] : memref<4x8192xf32, #tpu.memory_space<vmem>> -> memref<1x8192xf32, #tpu.memory_space<vmem>>
    %dma_start3A_779 = tpu.memref_squeeze %dma_start3A_778 : memref<1x8192xf32, #tpu.memory_space<vmem>> -> memref<8192xf32, #tpu.memory_space<vmem>>
    %dma_start3A_780 = arith.constant 24576 : i32
    %dma_start3A_781 = tpu.memref_slice %arg3[%add3A_775, %dma_start3A_780] : memref<128x32768xf32, #tpu.memory_space<hbm>> -> memref<1x8192xf32, #tpu.memory_space<hbm>>
    %dma_start3A_782 = tpu.memref_squeeze %dma_start3A_781 : memref<1x8192xf32, #tpu.memory_space<hbm>> -> memref<8192xf32, #tpu.memory_space<hbm>>
    %dma_start3A_783 = arith.constant 24576 : i32
    %dma_start3A_784 = tpu.memref_slice %arg3[%add3A_775, %dma_start3A_783] : memref<128x32768xf32, #tpu.memory_space<hbm>> -> memref<1x8192xf32, #tpu.memory_space<hbm>>
    %dma_start3A_785 = tpu.memref_squeeze %dma_start3A_784 : memref<1x8192xf32, #tpu.memory_space<hbm>> -> memref<8192xf32, #tpu.memory_space<hbm>>
    %dma_start3A_786 = arith.constant 0 : i32
    %dma_start3A_787 = tpu.memref_slice %arg5[%dma_start3A_776, %dma_start3A_786] : memref<4x8192xf32, #tpu.memory_space<vmem>> -> memref<1x8192xf32, #tpu.memory_space<vmem>>
    %dma_start3A_788 = tpu.memref_squeeze %dma_start3A_787 : memref<1x8192xf32, #tpu.memory_space<vmem>> -> memref<8192xf32, #tpu.memory_space<vmem>>
    tpu.enqueue_dma source(%dma_start3A_788 : memref<8192xf32, #tpu.memory_space<vmem>>) target(%dma_start3A_785 : memref<8192xf32, #tpu.memory_space<hbm>>) target_semaphore(%arg7 : memref<!tpu.dma_semaphore, #tpu.memory_space<semaphore_mem>>)
    %add3A_789 = arith.constant 2 : i32
    %add3A_790 = arith.addi %mul3A_2, %add3A_789 : i32
    %dma_start3A_791 = arith.constant 2 : i32
    %dma_start3A_792 = arith.constant 0 : i32
    %dma_start3A_793 = tpu.memref_slice %arg5[%dma_start3A_791, %dma_start3A_792] : memref<4x8192xf32, #tpu.memory_space<vmem>> -> memref<1x8192xf32, #tpu.memory_space<vmem>>
    %dma_start3A_794 = tpu.memref_squeeze %dma_start3A_793 : memref<1x8192xf32, #tpu.memory_space<vmem>> -> memref<8192xf32, #tpu.memory_space<vmem>>
    %dma_start3A_795 = arith.constant 24576 : i32
    %dma_start3A_796 = tpu.memref_slice %arg3[%add3A_790, %dma_start3A_795] : memref<128x32768xf32, #tpu.memory_space<hbm>> -> memref<1x8192xf32, #tpu.memory_space<hbm>>
    %dma_start3A_797 = tpu.memref_squeeze %dma_start3A_796 : memref<1x8192xf32, #tpu.memory_space<hbm>> -> memref<8192xf32, #tpu.memory_space<hbm>>
    %dma_start3A_798 = arith.constant 24576 : i32
    %dma_start3A_799 = tpu.memref_slice %arg3[%add3A_790, %dma_start3A_798] : memref<128x32768xf32, #tpu.memory_space<hbm>> -> memref<1x8192xf32, #tpu.memory_space<hbm>>
    %dma_start3A_800 = tpu.memref_squeeze %dma_start3A_799 : memref<1x8192xf32, #tpu.memory_space<hbm>> -> memref<8192xf32, #tpu.memory_space<hbm>>
    %dma_start3A_801 = arith.constant 0 : i32
    %dma_start3A_802 = tpu.memref_slice %arg5[%dma_start3A_791, %dma_start3A_801] : memref<4x8192xf32, #tpu.memory_space<vmem>> -> memref<1x8192xf32, #tpu.memory_space<vmem>>
    %dma_start3A_803 = tpu.memref_squeeze %dma_start3A_802 : memref<1x8192xf32, #tpu.memory_space<vmem>> -> memref<8192xf32, #tpu.memory_space<vmem>>
    tpu.enqueue_dma source(%dma_start3A_803 : memref<8192xf32, #tpu.memory_space<vmem>>) target(%dma_start3A_800 : memref<8192xf32, #tpu.memory_space<hbm>>) target_semaphore(%arg7 : memref<!tpu.dma_semaphore, #tpu.memory_space<semaphore_mem>>)
    %add3A_804 = arith.constant 3 : i32
    %add3A_805 = arith.addi %mul3A_2, %add3A_804 : i32
    %dma_start3A_806 = arith.constant 3 : i32
    %dma_start3A_807 = arith.constant 0 : i32
    %dma_start3A_808 = tpu.memref_slice %arg5[%dma_start3A_806, %dma_start3A_807] : memref<4x8192xf32, #tpu.memory_space<vmem>> -> memref<1x8192xf32, #tpu.memory_space<vmem>>
    %dma_start3A_809 = tpu.memref_squeeze %dma_start3A_808 : memref<1x8192xf32, #tpu.memory_space<vmem>> -> memref<8192xf32, #tpu.memory_space<vmem>>
    %dma_start3A_810 = arith.constant 24576 : i32
    %dma_start3A_811 = tpu.memref_slice %arg3[%add3A_805, %dma_start3A_810] : memref<128x32768xf32, #tpu.memory_space<hbm>> -> memref<1x8192xf32, #tpu.memory_space<hbm>>
    %dma_start3A_812 = tpu.memref_squeeze %dma_start3A_811 : memref<1x8192xf32, #tpu.memory_space<hbm>> -> memref<8192xf32, #tpu.memory_space<hbm>>
    %dma_start3A_813 = arith.constant 24576 : i32
    %dma_start3A_814 = tpu.memref_slice %arg3[%add3A_805, %dma_start3A_813] : memref<128x32768xf32, #tpu.memory_space<hbm>> -> memref<1x8192xf32, #tpu.memory_space<hbm>>
    %dma_start3A_815 = tpu.memref_squeeze %dma_start3A_814 : memref<1x8192xf32, #tpu.memory_space<hbm>> -> memref<8192xf32, #tpu.memory_space<hbm>>
    %dma_start3A_816 = arith.constant 0 : i32
    %dma_start3A_817 = tpu.memref_slice %arg5[%dma_start3A_806, %dma_start3A_816] : memref<4x8192xf32, #tpu.memory_space<vmem>> -> memref<1x8192xf32, #tpu.memory_space<vmem>>
    %dma_start3A_818 = tpu.memref_squeeze %dma_start3A_817 : memref<1x8192xf32, #tpu.memory_space<vmem>> -> memref<8192xf32, #tpu.memory_space<vmem>>
    tpu.enqueue_dma source(%dma_start3A_818 : memref<8192xf32, #tpu.memory_space<vmem>>) target(%dma_start3A_815 : memref<8192xf32, #tpu.memory_space<hbm>>) target_semaphore(%arg7 : memref<!tpu.dma_semaphore, #tpu.memory_space<semaphore_mem>>)
    %dma_wait3A_819 = arith.constant 0 : i32
    %dma_wait3A_820 = arith.constant 0 : i32
    %dma_wait3A_821 = tpu.memref_slice %arg4[%dma_wait3A_819, %dma_wait3A_820] : memref<4x8192xf32, #tpu.memory_space<vmem>> -> memref<1x8192xf32, #tpu.memory_space<vmem>>
    %dma_wait3A_822 = tpu.memref_squeeze %dma_wait3A_821 : memref<1x8192xf32, #tpu.memory_space<vmem>> -> memref<8192xf32, #tpu.memory_space<vmem>>
    %dma_wait3A_823 = arith.constant 16384 : i32
    %dma_wait3A_824 = tpu.memref_slice %arg3[%add3A_642, %dma_wait3A_823] : memref<128x32768xf32, #tpu.memory_space<hbm>> -> memref<1x8192xf32, #tpu.memory_space<hbm>>
    %dma_wait3A_825 = tpu.memref_squeeze %dma_wait3A_824 : memref<1x8192xf32, #tpu.memory_space<hbm>> -> memref<8192xf32, #tpu.memory_space<hbm>>
    %dma_wait3A_826 = arith.constant 16384 : i32
    %dma_wait3A_827 = tpu.memref_slice %arg3[%add3A_642, %dma_wait3A_826] : memref<128x32768xf32, #tpu.memory_space<hbm>> -> memref<1x8192xf32, #tpu.memory_space<hbm>>
    %dma_wait3A_828 = tpu.memref_squeeze %dma_wait3A_827 : memref<1x8192xf32, #tpu.memory_space<hbm>> -> memref<8192xf32, #tpu.memory_space<hbm>>
    %dma_wait3A_829 = arith.constant 0 : i32
    %dma_wait3A_830 = tpu.memref_slice %arg4[%dma_wait3A_819, %dma_wait3A_829] : memref<4x8192xf32, #tpu.memory_space<vmem>> -> memref<1x8192xf32, #tpu.memory_space<vmem>>
    %dma_wait3A_831 = tpu.memref_squeeze %dma_wait3A_830 : memref<1x8192xf32, #tpu.memory_space<vmem>> -> memref<8192xf32, #tpu.memory_space<vmem>>
    tpu.wait_dma2 semaphore(%arg7 : memref<!tpu.dma_semaphore, #tpu.memory_space<semaphore_mem>>) src(%dma_wait3A_831 : memref<8192xf32, #tpu.memory_space<vmem>>) dst(%dma_wait3A_828 : memref<8192xf32, #tpu.memory_space<hbm>>)
    %dma_wait3A_832 = arith.constant 1 : i32
    %dma_wait3A_833 = arith.constant 0 : i32
    %dma_wait3A_834 = tpu.memref_slice %arg4[%dma_wait3A_832, %dma_wait3A_833] : memref<4x8192xf32, #tpu.memory_space<vmem>> -> memref<1x8192xf32, #tpu.memory_space<vmem>>
    %dma_wait3A_835 = tpu.memref_squeeze %dma_wait3A_834 : memref<1x8192xf32, #tpu.memory_space<vmem>> -> memref<8192xf32, #tpu.memory_space<vmem>>
    %dma_wait3A_836 = arith.constant 16384 : i32
    %dma_wait3A_837 = tpu.memref_slice %arg3[%add3A_657, %dma_wait3A_836] : memref<128x32768xf32, #tpu.memory_space<hbm>> -> memref<1x8192xf32, #tpu.memory_space<hbm>>
    %dma_wait3A_838 = tpu.memref_squeeze %dma_wait3A_837 : memref<1x8192xf32, #tpu.memory_space<hbm>> -> memref<8192xf32, #tpu.memory_space<hbm>>
    %dma_wait3A_839 = arith.constant 16384 : i32
    %dma_wait3A_840 = tpu.memref_slice %arg3[%add3A_657, %dma_wait3A_839] : memref<128x32768xf32, #tpu.memory_space<hbm>> -> memref<1x8192xf32, #tpu.memory_space<hbm>>
    %dma_wait3A_841 = tpu.memref_squeeze %dma_wait3A_840 : memref<1x8192xf32, #tpu.memory_space<hbm>> -> memref<8192xf32, #tpu.memory_space<hbm>>
    %dma_wait3A_842 = arith.constant 0 : i32
    %dma_wait3A_843 = tpu.memref_slice %arg4[%dma_wait3A_832, %dma_wait3A_842] : memref<4x8192xf32, #tpu.memory_space<vmem>> -> memref<1x8192xf32, #tpu.memory_space<vmem>>
    %dma_wait3A_844 = tpu.memref_squeeze %dma_wait3A_843 : memref<1x8192xf32, #tpu.memory_space<vmem>> -> memref<8192xf32, #tpu.memory_space<vmem>>
    tpu.wait_dma2 semaphore(%arg7 : memref<!tpu.dma_semaphore, #tpu.memory_space<semaphore_mem>>) src(%dma_wait3A_844 : memref<8192xf32, #tpu.memory_space<vmem>>) dst(%dma_wait3A_841 : memref<8192xf32, #tpu.memory_space<hbm>>)
    %dma_wait3A_845 = arith.constant 2 : i32
    %dma_wait3A_846 = arith.constant 0 : i32
    %dma_wait3A_847 = tpu.memref_slice %arg4[%dma_wait3A_845, %dma_wait3A_846] : memref<4x8192xf32, #tpu.memory_space<vmem>> -> memref<1x8192xf32, #tpu.memory_space<vmem>>
    %dma_wait3A_848 = tpu.memref_squeeze %dma_wait3A_847 : memref<1x8192xf32, #tpu.memory_space<vmem>> -> memref<8192xf32, #tpu.memory_space<vmem>>
    %dma_wait3A_849 = arith.constant 16384 : i32
    %dma_wait3A_850 = tpu.memref_slice %arg3[%add3A_672, %dma_wait3A_849] : memref<128x32768xf32, #tpu.memory_space<hbm>> -> memref<1x8192xf32, #tpu.memory_space<hbm>>
    %dma_wait3A_851 = tpu.memref_squeeze %dma_wait3A_850 : memref<1x8192xf32, #tpu.memory_space<hbm>> -> memref<8192xf32, #tpu.memory_space<hbm>>
    %dma_wait3A_852 = arith.constant 16384 : i32
    %dma_wait3A_853 = tpu.memref_slice %arg3[%add3A_672, %dma_wait3A_852] : memref<128x32768xf32, #tpu.memory_space<hbm>> -> memref<1x8192xf32, #tpu.memory_space<hbm>>
    %dma_wait3A_854 = tpu.memref_squeeze %dma_wait3A_853 : memref<1x8192xf32, #tpu.memory_space<hbm>> -> memref<8192xf32, #tpu.memory_space<hbm>>
    %dma_wait3A_855 = arith.constant 0 : i32
    %dma_wait3A_856 = tpu.memref_slice %arg4[%dma_wait3A_845, %dma_wait3A_855] : memref<4x8192xf32, #tpu.memory_space<vmem>> -> memref<1x8192xf32, #tpu.memory_space<vmem>>
    %dma_wait3A_857 = tpu.memref_squeeze %dma_wait3A_856 : memref<1x8192xf32, #tpu.memory_space<vmem>> -> memref<8192xf32, #tpu.memory_space<vmem>>
    tpu.wait_dma2 semaphore(%arg7 : memref<!tpu.dma_semaphore, #tpu.memory_space<semaphore_mem>>) src(%dma_wait3A_857 : memref<8192xf32, #tpu.memory_space<vmem>>) dst(%dma_wait3A_854 : memref<8192xf32, #tpu.memory_space<hbm>>)
    %dma_wait3A_858 = arith.constant 3 : i32
    %dma_wait3A_859 = arith.constant 0 : i32
    %dma_wait3A_860 = tpu.memref_slice %arg4[%dma_wait3A_858, %dma_wait3A_859] : memref<4x8192xf32, #tpu.memory_space<vmem>> -> memref<1x8192xf32, #tpu.memory_space<vmem>>
    %dma_wait3A_861 = tpu.memref_squeeze %dma_wait3A_860 : memref<1x8192xf32, #tpu.memory_space<vmem>> -> memref<8192xf32, #tpu.memory_space<vmem>>
    %dma_wait3A_862 = arith.constant 16384 : i32
    %dma_wait3A_863 = tpu.memref_slice %arg3[%add3A_687, %dma_wait3A_862] : memref<128x32768xf32, #tpu.memory_space<hbm>> -> memref<1x8192xf32, #tpu.memory_space<hbm>>
    %dma_wait3A_864 = tpu.memref_squeeze %dma_wait3A_863 : memref<1x8192xf32, #tpu.memory_space<hbm>> -> memref<8192xf32, #tpu.memory_space<hbm>>
    %dma_wait3A_865 = arith.constant 16384 : i32
    %dma_wait3A_866 = tpu.memref_slice %arg3[%add3A_687, %dma_wait3A_865] : memref<128x32768xf32, #tpu.memory_space<hbm>> -> memref<1x8192xf32, #tpu.memory_space<hbm>>
    %dma_wait3A_867 = tpu.memref_squeeze %dma_wait3A_866 : memref<1x8192xf32, #tpu.memory_space<hbm>> -> memref<8192xf32, #tpu.memory_space<hbm>>
    %dma_wait3A_868 = arith.constant 0 : i32
    %dma_wait3A_869 = tpu.memref_slice %arg4[%dma_wait3A_858, %dma_wait3A_868] : memref<4x8192xf32, #tpu.memory_space<vmem>> -> memref<1x8192xf32, #tpu.memory_space<vmem>>
    %dma_wait3A_870 = tpu.memref_squeeze %dma_wait3A_869 : memref<1x8192xf32, #tpu.memory_space<vmem>> -> memref<8192xf32, #tpu.memory_space<vmem>>
    tpu.wait_dma2 semaphore(%arg7 : memref<!tpu.dma_semaphore, #tpu.memory_space<semaphore_mem>>) src(%dma_wait3A_870 : memref<8192xf32, #tpu.memory_space<vmem>>) dst(%dma_wait3A_867 : memref<8192xf32, #tpu.memory_space<hbm>>)
    %dma_wait3A_871 = arith.constant 0 : i32
    %dma_wait3A_872 = arith.constant 0 : i32
    %dma_wait3A_873 = tpu.memref_slice %arg5[%dma_wait3A_871, %dma_wait3A_872] : memref<4x8192xf32, #tpu.memory_space<vmem>> -> memref<1x8192xf32, #tpu.memory_space<vmem>>
    %dma_wait3A_874 = tpu.memref_squeeze %dma_wait3A_873 : memref<1x8192xf32, #tpu.memory_space<vmem>> -> memref<8192xf32, #tpu.memory_space<vmem>>
    %dma_wait3A_875 = arith.constant 24576 : i32
    %dma_wait3A_876 = tpu.memref_slice %arg3[%add3A_760, %dma_wait3A_875] : memref<128x32768xf32, #tpu.memory_space<hbm>> -> memref<1x8192xf32, #tpu.memory_space<hbm>>
    %dma_wait3A_877 = tpu.memref_squeeze %dma_wait3A_876 : memref<1x8192xf32, #tpu.memory_space<hbm>> -> memref<8192xf32, #tpu.memory_space<hbm>>
    %dma_wait3A_878 = arith.constant 24576 : i32
    %dma_wait3A_879 = tpu.memref_slice %arg3[%add3A_760, %dma_wait3A_878] : memref<128x32768xf32, #tpu.memory_space<hbm>> -> memref<1x8192xf32, #tpu.memory_space<hbm>>
    %dma_wait3A_880 = tpu.memref_squeeze %dma_wait3A_879 : memref<1x8192xf32, #tpu.memory_space<hbm>> -> memref<8192xf32, #tpu.memory_space<hbm>>
    %dma_wait3A_881 = arith.constant 0 : i32
    %dma_wait3A_882 = tpu.memref_slice %arg5[%dma_wait3A_871, %dma_wait3A_881] : memref<4x8192xf32, #tpu.memory_space<vmem>> -> memref<1x8192xf32, #tpu.memory_space<vmem>>
    %dma_wait3A_883 = tpu.memref_squeeze %dma_wait3A_882 : memref<1x8192xf32, #tpu.memory_space<vmem>> -> memref<8192xf32, #tpu.memory_space<vmem>>
    tpu.wait_dma2 semaphore(%arg7 : memref<!tpu.dma_semaphore, #tpu.memory_space<semaphore_mem>>) src(%dma_wait3A_883 : memref<8192xf32, #tpu.memory_space<vmem>>) dst(%dma_wait3A_880 : memref<8192xf32, #tpu.memory_space<hbm>>)
    %dma_wait3A_884 = arith.constant 1 : i32
    %dma_wait3A_885 = arith.constant 0 : i32
    %dma_wait3A_886 = tpu.memref_slice %arg5[%dma_wait3A_884, %dma_wait3A_885] : memref<4x8192xf32, #tpu.memory_space<vmem>> -> memref<1x8192xf32, #tpu.memory_space<vmem>>
    %dma_wait3A_887 = tpu.memref_squeeze %dma_wait3A_886 : memref<1x8192xf32, #tpu.memory_space<vmem>> -> memref<8192xf32, #tpu.memory_space<vmem>>
    %dma_wait3A_888 = arith.constant 24576 : i32
    %dma_wait3A_889 = tpu.memref_slice %arg3[%add3A_775, %dma_wait3A_888] : memref<128x32768xf32, #tpu.memory_space<hbm>> -> memref<1x8192xf32, #tpu.memory_space<hbm>>
    %dma_wait3A_890 = tpu.memref_squeeze %dma_wait3A_889 : memref<1x8192xf32, #tpu.memory_space<hbm>> -> memref<8192xf32, #tpu.memory_space<hbm>>
    %dma_wait3A_891 = arith.constant 24576 : i32
    %dma_wait3A_892 = tpu.memref_slice %arg3[%add3A_775, %dma_wait3A_891] : memref<128x32768xf32, #tpu.memory_space<hbm>> -> memref<1x8192xf32, #tpu.memory_space<hbm>>
    %dma_wait3A_893 = tpu.memref_squeeze %dma_wait3A_892 : memref<1x8192xf32, #tpu.memory_space<hbm>> -> memref<8192xf32, #tpu.memory_space<hbm>>
    %dma_wait3A_894 = arith.constant 0 : i32
    %dma_wait3A_895 = tpu.memref_slice %arg5[%dma_wait3A_884, %dma_wait3A_894] : memref<4x8192xf32, #tpu.memory_space<vmem>> -> memref<1x8192xf32, #tpu.memory_space<vmem>>
    %dma_wait3A_896 = tpu.memref_squeeze %dma_wait3A_895 : memref<1x8192xf32, #tpu.memory_space<vmem>> -> memref<8192xf32, #tpu.memory_space<vmem>>
    tpu.wait_dma2 semaphore(%arg7 : memref<!tpu.dma_semaphore, #tpu.memory_space<semaphore_mem>>) src(%dma_wait3A_896 : memref<8192xf32, #tpu.memory_space<vmem>>) dst(%dma_wait3A_893 : memref<8192xf32, #tpu.memory_space<hbm>>)
    %dma_wait3A_897 = arith.constant 2 : i32
    %dma_wait3A_898 = arith.constant 0 : i32
    %dma_wait3A_899 = tpu.memref_slice %arg5[%dma_wait3A_897, %dma_wait3A_898] : memref<4x8192xf32, #tpu.memory_space<vmem>> -> memref<1x8192xf32, #tpu.memory_space<vmem>>
    %dma_wait3A_900 = tpu.memref_squeeze %dma_wait3A_899 : memref<1x8192xf32, #tpu.memory_space<vmem>> -> memref<8192xf32, #tpu.memory_space<vmem>>
    %dma_wait3A_901 = arith.constant 24576 : i32
    %dma_wait3A_902 = tpu.memref_slice %arg3[%add3A_790, %dma_wait3A_901] : memref<128x32768xf32, #tpu.memory_space<hbm>> -> memref<1x8192xf32, #tpu.memory_space<hbm>>
    %dma_wait3A_903 = tpu.memref_squeeze %dma_wait3A_902 : memref<1x8192xf32, #tpu.memory_space<hbm>> -> memref<8192xf32, #tpu.memory_space<hbm>>
    %dma_wait3A_904 = arith.constant 24576 : i32
    %dma_wait3A_905 = tpu.memref_slice %arg3[%add3A_790, %dma_wait3A_904] : memref<128x32768xf32, #tpu.memory_space<hbm>> -> memref<1x8192xf32, #tpu.memory_space<hbm>>
    %dma_wait3A_906 = tpu.memref_squeeze %dma_wait3A_905 : memref<1x8192xf32, #tpu.memory_space<hbm>> -> memref<8192xf32, #tpu.memory_space<hbm>>
    %dma_wait3A_907 = arith.constant 0 : i32
    %dma_wait3A_908 = tpu.memref_slice %arg5[%dma_wait3A_897, %dma_wait3A_907] : memref<4x8192xf32, #tpu.memory_space<vmem>> -> memref<1x8192xf32, #tpu.memory_space<vmem>>
    %dma_wait3A_909 = tpu.memref_squeeze %dma_wait3A_908 : memref<1x8192xf32, #tpu.memory_space<vmem>> -> memref<8192xf32, #tpu.memory_space<vmem>>
    tpu.wait_dma2 semaphore(%arg7 : memref<!tpu.dma_semaphore, #tpu.memory_space<semaphore_mem>>) src(%dma_wait3A_909 : memref<8192xf32, #tpu.memory_space<vmem>>) dst(%dma_wait3A_906 : memref<8192xf32, #tpu.memory_space<hbm>>)
    %dma_wait3A_910 = arith.constant 3 : i32
    %dma_wait3A_911 = arith.constant 0 : i32
    %dma_wait3A_912 = tpu.memref_slice %arg5[%dma_wait3A_910, %dma_wait3A_911] : memref<4x8192xf32, #tpu.memory_space<vmem>> -> memref<1x8192xf32, #tpu.memory_space<vmem>>
    %dma_wait3A_913 = tpu.memref_squeeze %dma_wait3A_912 : memref<1x8192xf32, #tpu.memory_space<vmem>> -> memref<8192xf32, #tpu.memory_space<vmem>>
    %dma_wait3A_914 = arith.constant 24576 : i32
    %dma_wait3A_915 = tpu.memref_slice %arg3[%add3A_805, %dma_wait3A_914] : memref<128x32768xf32, #tpu.memory_space<hbm>> -> memref<1x8192xf32, #tpu.memory_space<hbm>>
    %dma_wait3A_916 = tpu.memref_squeeze %dma_wait3A_915 : memref<1x8192xf32, #tpu.memory_space<hbm>> -> memref<8192xf32, #tpu.memory_space<hbm>>
    %dma_wait3A_917 = arith.constant 24576 : i32
    %dma_wait3A_918 = tpu.memref_slice %arg3[%add3A_805, %dma_wait3A_917] : memref<128x32768xf32, #tpu.memory_space<hbm>> -> memref<1x8192xf32, #tpu.memory_space<hbm>>
    %dma_wait3A_919 = tpu.memref_squeeze %dma_wait3A_918 : memref<1x8192xf32, #tpu.memory_space<hbm>> -> memref<8192xf32, #tpu.memory_space<hbm>>
    %dma_wait3A_920 = arith.constant 0 : i32
    %dma_wait3A_921 = tpu.memref_slice %arg5[%dma_wait3A_910, %dma_wait3A_920] : memref<4x8192xf32, #tpu.memory_space<vmem>> -> memref<1x8192xf32, #tpu.memory_space<vmem>>
    %dma_wait3A_922 = tpu.memref_squeeze %dma_wait3A_921 : memref<1x8192xf32, #tpu.memory_space<vmem>> -> memref<8192xf32, #tpu.memory_space<vmem>>
    tpu.wait_dma2 semaphore(%arg7 : memref<!tpu.dma_semaphore, #tpu.memory_space<semaphore_mem>>) src(%dma_wait3A_922 : memref<8192xf32, #tpu.memory_space<vmem>>) dst(%dma_wait3A_919 : memref<8192xf32, #tpu.memory_space<hbm>>)
    return
  }
}

</mosaic_0001>

<sc_bundles>
// kernel: kernel.3.cloned.1.call-start
scs
__scs_entry_jumppad:
0x0: {  	(pc) =	sbr.rel $0x88, $3  }
0x1: {  	(tag) =	ssettag $0x0;
	lr =	simm.s32 $0x1  }
0x2: {  	[smem:$0x3FA0] =	sst lr;
	_ =	strace $0xD0000000  }
0x3: {  	_ = 	snop  }
0x4: {  	_ = 	snop  }
0x5: {  	_ = 	snop  }
0x6: {  	_ = 	snop  }
0x7: {  	_ = 	snop  }
__scs_overlays_trampoline_lowered:
0x8: {  	[smem:$0x3FAF] =	sst s0  }
0x9: {  	[smem:$0x3FB0] =	sst s1  }
0xa: {  	[smem:$0x3FB1] =	sst s2  }
0xb: {  	[smem:$0x3FB2] =	sst s3  }
0xc: {  	[smem:$0x3FB3] =	sst s4  }
0xd: {  	[smem:$0x3FB4] =	sst s5  }
0xe: {  	[smem:$0x3FB5] =	sst s6  }
0xf: {  	[smem:$0x3FB6] =	sst s7  }
0x10: {  	[smem:$0x3FB7] =	sst s8  }
0x11: {  	[smem:$0x3FB8] =	sst s9;
	s0 =	simm.s32 @!p0 $0x0  }
0x12: {  	s1 =	sld [smem:$0x3F9E];
	s0 =	simm.s32 @p0 $0x1  }
0x13: {  	[smem:$0x3FB9] =	sst s0;
	s0 =	simm.s32 @!p1 $0x0  }
0x14: {  	s2 =	sld [smem:$0x3F9D];
	s0 =	simm.s32 @p1 $0x1  }
0x15: {  	[smem:$0x3FBA] =	sst s0;
	s0 =	simm.s32 @!p2 $0x0  }
0x16: {  	s3 =	sld [smem:$0x3FDB];
	s0 =	simm.s32 @p2 $0x1  }
0x17: {  	s4 =	simm.s32 $0x1BF5;
	[smem:$0x3FBC] =	sst s0  }
0x18: {  	s0 =	sld [smem:$0x3F9F];
	_ =	swait.ge [sflag:s4], $0x0  }
0x19: {  	s7 =	sld [smem:$0x3FA0]  }
0x1a: {  	s8 =	sadd.s32 $0xFFFFE003, lr  }
0x1b: {  	s9 =	sadd.s32 $0xFFFFFEF7, lr;
	s5 =	simm.s32 $0xFFFFFFFF;
	p2 =	slt.u32 s8, $0xFFFFF086  }
0x1c: {  	p1 =	slt.u32 s9, $0xF7A;
	s5 =	simm.s32 @!p2 $0x0  }
0x1d: {  	s5 =	simm.s32 @p1 $0x1;
	p0 =	seq.s32 s7, s2  }
0x1e: {  	s7 =	smul.u32 @!p0 $0xF7A, s2;
	p2 =	seq.s32 @!p0 s5, $0x0  }
0x1f: {  	s9 =	smul.u32 $0xF7A, s1;
	s8 =	simm.s32 @!p0 $0x1BF5;
	p2 =	por !p2, p0  }
0x20: {  	[sflag:s8] =	ssyncset.s32 @!p0 $0xFFFFF086;
	s6 =	sadd.s32 @!p0 s3, s7;
	s7 =	simm.s32 @!p0 $0x108  }
0x21: {  	s3 =	sadd.s32 s3, s9;
	s6 =	sadd.s32 @!p0 $0x88, s6;
	s7 =	simm.s32 @p2 $0x1082  }
0x22: {  	[simem:s7], [sflag:s8] =	dma.local @!p0 [hbm:s6], $0xF7A  }
0x23: {  	s9 =	sor.u32 $0xD0000000, s2;
	s6 =	simm.s32 $0x108;
	_ =	swait.ge @!p0 [sflag:s8], $0x0  }
0x24: {  	s3 =	sadd.s32 $0x88, s3;
	s6 =	simm.s32 @!p1 $0x1082;
	[sflag:s4] =	ssyncset.s32 $0xFFFFF086  }
0x25: {  	[simem:s6], [sflag:s4] =	dma.local [hbm:s3], $0xF7A  }
0x26: {  	[smem:$0x3FA0] =	sst s1;
	(tag) =	ssettag s2;
	_ =	strace s9  }
0x27: {  	s1 =	sld [smem:$0x3FB0]  }
0x28: {  	s2 =	sld [smem:$0x3FB1]  }
0x29: {  	s4 =	sld [smem:$0x3FB3]  }
0x2a: {  	p0 =	seq.s32 s5, $0x0;
	s5 =	sld [smem:$0x3FB4]  }
0x2b: {  	s6 =	sld [smem:$0x3FB5]  }
0x2c: {  	s7 =	sld [smem:$0x3FB6]  }
0x2d: {  	s3 =	simm.s32 $0x108;
	s8 =	sld [smem:$0x3FB7]  }
0x2e: {  	s3 =	simm.s32 @!p0 $0x1082;
	s9 =	sld [smem:$0x3FB8]  }
0x2f: {  	lr =	sadd.s32 s0, s3;
	s0 =	sld [smem:$0x3FAF]  }
0x30: {  	s3 =	sld [smem:$0x3FB2]  }
0x31: {  	[smem:$0x3FBB] =	sst s10  }
0x32: {  	s10 =	sld [smem:$0x3FB9];
	_ =	sdelay $0x3  }
0x33: {  	p0 =	seq.s32 s10, $0x1;
	s10 =	sld [smem:$0x3FBB];
	_ =	sdelay $0x3  }
0x34: {  	[smem:$0x3FBB] =	sst s10  }
0x35: {  	s10 =	sld [smem:$0x3FBA];
	_ =	sdelay $0x3  }
0x36: {  	p1 =	seq.s32 s10, $0x1;
	s10 =	sld [smem:$0x3FBB];
	_ =	sdelay $0x3  }
0x37: {  	[smem:$0x3FBB] =	sst s10  }
0x38: {  	s10 =	sld [smem:$0x3FBC]  }
0x39: {  	_ = 	snop;
	(pc) =	sbr.ind lr, $3  }
0x3a: {  	_ = 	snop  }
0x3b: {  	_ = 	snop  }
0x3c: {  	p2 =	seq.s32 s10, $0x1;
	s10 =	sld [smem:$0x3FBB]  }
0x3d: {  	_ =	shalt  }
0x3e: {  	_ =	shalt  }
0x3f: {  	_ =	shalt  }
0x40: {  	_ =	shalt  }
0x41: {  	_ =	shalt  }
0x42: {  	_ =	shalt  }
0x43: {  	_ =	shalt  }
0x44: {  	_ =	shalt  }
0x45: {  	_ =	shalt  }
0x46: {  	_ =	shalt  }
0x47: {  	_ =	shalt  }
0x48: {  	_ =	shalt  }
0x49: {  	_ =	shalt  }
0x4a: {  	_ =	shalt  }
0x4b: {  	_ =	shalt  }
0x4c: {  	_ =	shalt  }
0x4d: {  	_ =	shalt  }
0x4e: {  	_ =	shalt  }
0x4f: {  	_ =	shalt  }
0x50: {  	_ =	shalt  }
0x51: {  	_ =	shalt  }
0x52: {  	_ =	shalt  }
0x53: {  	_ =	shalt  }
0x54: {  	_ =	shalt  }
0x55: {  	_ =	shalt  }
0x56: {  	_ =	shalt  }
0x57: {  	_ =	shalt  }
0x58: {  	_ =	shalt  }
0x59: {  	_ =	shalt  }
0x5a: {  	_ =	shalt  }
0x5b: {  	_ =	shalt  }
0x5c: {  	_ =	shalt  }
0x5d: {  	_ =	shalt  }
0x5e: {  	_ =	shalt  }
0x5f: {  	_ =	shalt  }
0x60: {  	_ =	shalt  }
0x61: {  	_ =	shalt  }
0x62: {  	_ =	shalt  }
0x63: {  	_ =	shalt  }
0x64: {  	_ =	shalt  }
0x65: {  	_ =	shalt  }
0x66: {  	_ =	shalt  }
0x67: {  	_ =	shalt  }
0x68: {  	_ =	shalt  }
0x69: {  	_ =	shalt  }
0x6a: {  	_ =	shalt  }
0x6b: {  	_ =	shalt  }
0x6c: {  	_ =	shalt  }
0x6d: {  	_ =	shalt  }
0x6e: {  	_ =	shalt  }
0x6f: {  	_ =	shalt  }
0x70: {  	_ =	shalt  }
0x71: {  	_ =	shalt  }
0x72: {  	_ =	shalt  }
0x73: {  	_ =	shalt  }
0x74: {  	_ =	shalt  }
0x75: {  	_ =	shalt  }
0x76: {  	_ =	shalt  }
0x77: {  	_ =	shalt  }
0x78: {  	_ =	shalt  }
0x79: {  	_ =	shalt  }
0x7a: {  	_ =	shalt  }
0x7b: {  	_ =	shalt  }
0x7c: {  	_ =	shalt  }
0x7d: {  	_ =	shalt  }
0x7e: {  	_ =	shalt  }
0x7f: {  	_ =	shalt  }
0x80: {  	_ =	shalt  }
0x81: {  	_ =	shalt  }
0x82: {  	_ =	shalt  }
0x83: {  	_ =	shalt  }
0x84: {  	_ =	shalt  }
0x85: {  	_ =	shalt  }
0x86: {  	_ =	shalt  }
0x87: {  	_ =	shalt  }
.Lfunc_end0:
.L_simem_size_0:
called_computation_lowered:
.L_overlay_start_0:
0x88: {  	s2 =	sld [smem:$0x3FD9]  }
0x89: {  	s3 =	sld [smem:$0x3FFE];
	_ =	sdelay $0x1  }
0x8a: {  	s1 =	srdreg.scid  }
0x8b: {  	s0 =	sand.u32 $0x1, s1  }
0x8c: {  	s18 =	sshll.u32 s0, $0xA;
	s2 =	sadd.s32 s3, s2  }
0x8d: {  	s2 =	sadd.s32 s2, s18  }
0x8e: {  	[smem:$0x3FC7] =	sst s2  }
0x8f: {  	_ = 	snop  }
0x90: {  	s2 =	sld [smem:$0x3FC9]  }
0x91: {  	s19 =	sld [smem:$0x3FD0];
	(tm) =	ssettm $0x1  }
0x92: {  	s4 =	sld [smem:$0x3FFB];
	_ =	sdelay $0x3  }
0x93: {  	_ =	strace s4  }
0x94: {  	s4 =	sld [smem:$0x3FFC];
	_ =	sdelay $0x3  }
0x95: {  	_ =	strace s4  }
0x96: {  	s4 =	sld [smem:$0x3FFD];
	_ =	sdelay $0x3  }
0x97: {  	_ =	strace s4  }
0x98: {  	_ =	strace $0x8FFFFFFF  }
0x99: {  	s20 =	sld [smem:$0x3FDB];
	_ =	sdelay $0x1  }
0x9a: {  	s5 =	simm.s32 $_scs_section_size  }
0x9b: {  	s6 =	simm.s32 $_size__tile_overlayer_lowered;
	s7 =	simm.s32 $_tile_overlayer_lowered  }
0x9c: {  	s23 =	simm.s32 $0x1BFF;
	s22 =	sshll.u32 s7, $0x1;
	s4 =	sadd.s32 s5, s20  }
0x9d: {  	s8 =	simm.s32 $0x0;
	s21 =	sshll.u32 s6, $0x1;
	s6 =	sadd.s32 s22, s4  }
0x9e: {  	[timem:s8], [sflag:s23] =	dma.local [hbm:s6], s21  }
0x9f: {  	_ =	swait.ge [sflag:s23], s21  }
0xa0: {  	s5 =	ssub.s32 $0x0, s21;
	[sflag:s23] =	ssyncset.done $0x0  }
0xa1: {  	[sflag:s23] =	ssyncadd.s32 s5;
	_ =	sdelay $0x1  }
0xa2: {  	s24 =	simm.s32 $0x1B8B  }
0xa3: {  	_ =	swait.ge [sflag:s24], $0x1  }
0xa4: {  	[sflag:s24] =	ssyncset.done $0x0  }
0xa5: {  	s25 =	simm.s32 $0x1B8E;
	[sflag:s24] =	ssyncadd.s32 $0xFFFFFFFF  }
0xa6: {  	s26 =	simm.s32 $execute0_lowered;
	[smem:$0x3FD2] =	sst s25  }
0xa7: {  	s5 =	sshll.u32 s26, $0x1;
	_ =	strace $0x80000046;
	[dreg:$0x1] =	wrdreg $0xFFFFFFFF  }
0xa8: {  	s28 =	simm.s32 $_size_execute0_lowered;
	s4 =	sadd.s32 s4, s5;
	[dreg:$0x0] =	wrdreg $0x0  }
0xa9: {  	s5 =	sshll.u32 s28, $0x1;
	[dreg:$0x2] =	wrdreg s4  }
0xaa: {  	[dreg:$0x3] =	wrdreg s5  }
0xab: {  	[dreg:$0x4] =	wrdreg $0xC0  }
0xac: {  	_ =	task [dreg:s8], $0x5FFFF  }
0xad: {  	[dreg:$0x1] =	wrdreg $0xFFFFFFFF  }
0xae: {  	[dreg:$0x0] =	wrdreg $0x60  }
0xaf: {  	[dreg:$0x2] =	wrdreg s2  }
0xb0: {  	[dreg:$0x3] =	wrdreg s19  }
0xb1: {  	[dreg:$0x4] =	wrdreg $0x9  }
0xb2: {  	_ =	task.clear_ibuf [dreg:s8], $0x5FFFF;
	_ =	strace $0x90000046  }
0xb3: {  	s29 =	simm.s32 $0x9;
	_ =	strace $0x80000048  }
0xb4: {  	_ =	swait.ge [sflag:s29], $0x1  }
0xb5: {  	[sflag:s29] =	ssyncadd.s32 $0xFFFFFFFF  }
0xb6: {  	_ =	strace $0x90000048  }
0xb7: {  	_ =	sfence  }
0xb8: {  	s30 =	sld [smem:$0x0];
	_ =	sdelay $0x2  }
0xb9: {  	s31 =	sshll.u32 s1, $0xD;
	s1 =	sshrl.u32 s1, $0x2  }
0xba: {  	s3 =	sand.u32 $0x4000, s31;
	s1 =	sadd.s32 s1, s30  }
0xbb: {  	s0 =	sor.u32 s3, s0;
	s1 =	sshll.u32 s1, $0x11  }
0xbc: {  	s0 =	sor.u32 s1, s0  }
0xbd: {  	s0 =	sadd.s32 $0x8F2B, s0  }
0xbe: {  	[sflag:s0] =	ssyncadd.remote.s32 $0x1  }
0xbf: {  	_ =	sfence.sel $0xFFFF  }
0xc0: {  	[dreg:$0x0] =	wrdreg $0xFFFFFFFF;
	(pc) =	sbr.abs _section_cstart, $3  }
0xc1: {  	[dreg:$0x1] =	wrdreg $0xFFFFFFFF  }
0xc2: {  	_ =	task.clear_ibuf [dreg:s8], $0x2FFFF;
	_ =	strace $0x9FFFFFFF  }
0xc3: {  	(tm) =	ssettm $0x7FFFFFFF  }
tec
execute0_lowered:
.L_overlay_start_1:
0x0: {  	(tag) =	ssettag $0x1  }
0x1: {  	s0 =	rddreg [dreg:$0x0]  }
0x2: {  	s3 =	srdreg.scid;
	s2 =	rddreg [dreg:$0x1];
	s1 =	simm.s32 $0x0  }
0x3: {  	s6 =	stileid.u32;
	s3 =	sand.u32 $0x1, s3;
	[smem:$0x7FF] =	sst s1  }
0x4: {  	s6 =	sshll.u32 s6, $0x12;
	s4 =	ssub.s32 $0x2, s3;
	s9 =	sshll.u32 s3, $0x9  }
0x5: {  	s3 =	sshll.u32 s3, $0x11;
	s5 =	sshrl.u32 s4, $0x1;
	s15 =	sor.u32 s9, s6  }
0x6: {  	s3 =	sor.u32 s3, s6;
	s14 =	sor.u32 $0x80, s9;
	s25 =	ssub.s32 s4, s5  }
0x7: {  	s4 =	sshrl.u32 s15, $0x3;
	s17 =	sor.u32 s6, s14;
	s15 =	sor.u32 $0x100, s9  }
0x8: {  	s21 =	sor.u32 s9, s3;
	s22 =	sor.u32 s14, s3;
	s16 =	sadd.s32 s0, s4  }
0x9: {  	s11 =	sshrl.u32 s17, $0x3;
	s18 =	sor.u32 s6, s15;
	s17 =	sor.u32 $0x2000, s4  }
0xa: {  	s23 =	sor.u32 s15, s3;
	s25 =	smax.u32 s25, $0x1;
	[dreg:$0x3] =	wrdreg s16  }
0xb: {  	s16 =	sor.u32 $0x180, s9;
	s7 =	sadd.s32 s0, s11;
	s12 =	sshrl.u32 s18, $0x3  }
0xc: {  	s18 =	sor.u32 $0x2000, s11;
	s11 =	sadd.s32 s2, s11;
	s9 =	sshrl.u32 s22, $0x3  }
0xd: {  	s22 =	sshrl.u32 s23, $0x3;
	s14 =	sadd.s32 s2, s17;
	[dreg:$0x4] =	wrdreg s7  }
0xe: {  	s19 =	sor.u32 s6, s16;
	s20 =	sadd.s32 s0, s12;
	s6 =	sadd.s32 s0, s17  }
0xf: {  	s7 =	sadd.s32 s0, s18;
	s3 =	sor.u32 s16, s3;
	s15 =	sadd.s32 s2, s18  }
0x10: {  	s28 =	sor.u32 $0x4000, s9;
	s9 =	sor.u32 $0x6000, s9;
	s30 =	sor.u32 $0x4000, s22  }
0x11: {  	[dreg:$0x5] =	wrdreg s20;
	s13 =	sshrl.u32 s19, $0x3;
	s19 =	sor.u32 $0x2000, s12  }
0x12: {  	s12 =	sadd.s32 s2, s12;
	s3 =	sshrl.u32 s3, $0x3;
	s23 =	sadd.s32 s0, s9  }
0x13: {  	s29 =	sadd.s32 s2, s28;
	s5 =	sadd.s32 s0, s13;
	s20 =	sor.u32 $0x2000, s13  }
0x14: {  	s8 =	sadd.s32 s0, s19;
	s13 =	sadd.s32 s2, s13;
	s16 =	sadd.s32 s2, s19  }
0x15: {  	s31 =	sor.u32 $0x4000, s3;
	s3 =	sor.u32 $0x6000, s3;
	s19 =	sadd.s32 s0, s28  }
0x16: {  	s10 =	sadd.s32 s0, s20;
	s17 =	sadd.s32 s2, s20;
	s20 =	sadd.s32 s0, s30  }
0x17: {  	s24 =	sadd.s32 s0, s31;
	s30 =	sadd.s32 s2, s30;
	s31 =	sadd.s32 s2, s31  }
0x18: {  	[dreg:$0x7] =	wrdreg s10;
	s10 =	sadd.s32 s2, s4;
	s4 =	sshrl.u32 s21, $0x3  }
0x19: {  	s21 =	sor.u32 $0x6000, s22;
	[dreg:$0x8] =	wrdreg s24;
	s26 =	sor.u32 $0x4000, s4  }
0x1a: {  	s4 =	sor.u32 $0x6000, s4;
	s24 =	sadd.s32 s0, s21;
	s18 =	sadd.s32 s0, s26  }
0x1b: {  	s22 =	sadd.s32 s0, s4;
	s0 =	sadd.s32 s0, s3;
	s26 =	sadd.s32 s2, s26  }
0x1c: {  	s28 =	sadd.s32 s2, s4;
	s4 =	simm.s32 $0x0;
	[dreg:$0x9] =	wrdreg s0  }
0x1d: {  	s0 =	sadd.s32 s2, s9;
	_ =	strace $0x80000047;
	[dreg:$0xa] =	wrdreg s25  }
0x1e: {  	v0 =	vimm.s32 $0xF;
	s9 =	sadd.s32 s2, s21;
	s21 =	sadd.s32 s2, s3;
	[dreg:$0x6] =	wrdreg s5  }
.LBB2_1:
0x1f: {  	[dreg:$0xb] =	wrdreg s4  }
0x20: {  	s2 =	simm.s32 $0x80;
	s5 =	rddreg [dreg:$0x3]  }
0x21: {  	s25 =	simm.s32 $0x200;
	s3 =	simm.s32 $0x0;
	s4 =	sadd.s32 $0x0, s5  }
.LBB2_2:
0x22: {  	[tilespmem:s3], [sflag:$0x1] =	stream.linear.gather [hbm4b:s4+s1], $0x80, $0x38;
	[tilespmem:$0x10000] =	vst v63  }
0x23: {  	s4 =	smov.u32 s2;
	s3 =	smov.u32 s25;
	p0 =	sne.s32 s2, $0x1F80  }
.Ltmp0:
0x24: {  	s2 =	sadd.s32 $0x80, s2;
	(pc) =	sbr.rel @p0 .LBB2_2-.Ltmp0, $2  }
0x25: {  	_ =	sdelay $0x2  }
0x26: {  	s25 =	sadd.s32 $0x200, s25;
	s4 =	sadd.s32 s4, s5  }
0x27: {  	[tilespmem:s3], [sflag:$0x1] =	stream.linear.gather [hbm4b:s4+s1], $0x80, $0x38;
	[tilespmem:$0x10000] =	vst v63  }
0x28: {  	s2 =	simm.s32 $0x80;
	s5 =	rddreg [dreg:$0x4]  }
0x29: {  	s25 =	simm.s32 $0x80;
	s3 =	simm.s32 $0x280;
	s4 =	sadd.s32 $0x0, s5  }
.LBB2_4:
0x2a: {  	[tilespmem:s2], [sflag:$0x1] =	stream.linear.gather [hbm4b:s4+s1], $0x80, $0x38;
	[tilespmem:$0x10000] =	vst v63  }
0x2b: {  	s4 =	smov.u32 s25;
	s2 =	smov.u32 s3;
	p0 =	sne.s32 s25, $0x1F80  }
.Ltmp1:
0x2c: {  	s25 =	sadd.s32 $0x80, s25;
	(pc) =	sbr.rel @p0 .LBB2_4-.Ltmp1, $2  }
0x2d: {  	_ =	sdelay $0x2  }
0x2e: {  	s3 =	sadd.s32 $0x200, s3;
	s4 =	sadd.s32 s4, s5  }
0x2f: {  	[tilespmem:s2], [sflag:$0x1] =	stream.linear.gather [hbm4b:s4+s1], $0x80, $0x38;
	[tilespmem:$0x10000] =	vst v63  }
0x30: {  	s2 =	simm.s32 $0x100;
	s5 =	rddreg [dreg:$0x5]  }
0x31: {  	s25 =	simm.s32 $0x80;
	s3 =	simm.s32 $0x300;
	s4 =	sadd.s32 $0x0, s5  }
.LBB2_6:
0x32: {  	[tilespmem:s2], [sflag:$0x1] =	stream.linear.gather [hbm4b:s4+s1], $0x80, $0x38;
	[tilespmem:$0x10000] =	vst v63  }
0x33: {  	s4 =	smov.u32 s25;
	s2 =	smov.u32 s3;
	p0 =	sne.s32 s25, $0x1F80  }
.Ltmp2:
0x34: {  	s25 =	sadd.s32 $0x80, s25;
	(pc) =	sbr.rel @p0 .LBB2_6-.Ltmp2, $2  }
0x35: {  	_ =	sdelay $0x2  }
0x36: {  	s3 =	sadd.s32 $0x200, s3;
	s4 =	sadd.s32 s4, s5  }
0x37: {  	[tilespmem:s2], [sflag:$0x1] =	stream.linear.gather [hbm4b:s4+s1], $0x80, $0x38;
	[tilespmem:$0x10000] =	vst v63  }
0x38: {  	s2 =	simm.s32 $0x180;
	s5 =	rddreg [dreg:$0x6]  }
0x39: {  	s25 =	simm.s32 $0x80;
	s3 =	simm.s32 $0x380;
	s4 =	sadd.s32 $0x0, s5  }
.LBB2_8:
0x3a: {  	[tilespmem:s2], [sflag:$0x1] =	stream.linear.gather [hbm4b:s4+s1], $0x80, $0x38;
	[tilespmem:$0x10000] =	vst v63  }
0x3b: {  	s4 =	smov.u32 s25;
	s2 =	smov.u32 s3;
	p0 =	sne.s32 s25, $0x1F80  }
.Ltmp3:
0x3c: {  	s25 =	sadd.s32 $0x80, s25;
	(pc) =	sbr.rel @p0 .LBB2_8-.Ltmp3, $2  }
0x3d: {  	_ =	sdelay $0x2  }
0x3e: {  	s3 =	sadd.s32 $0x200, s3;
	s4 =	sadd.s32 s4, s5  }
0x3f: {  	[tilespmem:s2], [sflag:$0x1] =	stream.linear.gather [hbm4b:s4+s1], $0x80, $0x38;
	[tilespmem:$0x10000] =	vst v63  }
0x40: {  	s25 =	simm.s32 $0x1  }
0x41: {  	_ =	swait.ge [sflag:s25], $0x2000  }
0x42: {  	[sflag:s25] =	ssyncset.done $0x0  }
0x43: {  	[sflag:s25] =	ssyncadd.s32 $0xFFFFE000  }
0x44: {  	_ =	swait.ge [sflag:s25], $0x2000  }
0x45: {  	[sflag:s25] =	ssyncset.done $0x0  }
0x46: {  	[sflag:s25] =	ssyncadd.s32 $0xFFFFE000  }
0x47: {  	_ =	swait.ge [sflag:s25], $0x2000  }
0x48: {  	[sflag:s25] =	ssyncset.done $0x0  }
0x49: {  	[sflag:s25] =	ssyncadd.s32 $0xFFFFE000  }
0x4a: {  	_ =	swait.ge [sflag:s25], $0x2000  }
0x4b: {  	s2 =	simm.s32 $0x8000;
	s4 =	sadd.s32 $0x0, s6;
	[sflag:s25] =	ssyncset.done $0x0  }
0x4c: {  	s3 =	simm.s32 $0x8200;
	[sflag:s25] =	ssyncadd.s32 $0xFFFFE000;
	s25 =	simm.s32 $0x80  }
.LBB2_10:
0x4d: {  	[tilespmem:s2], [sflag:$0x1] =	stream.linear.gather [hbm4b:s4+s1], $0x80, $0x38;
	[tilespmem:$0x10000] =	vst v63  }
0x4e: {  	s4 =	smov.u32 s25;
	s2 =	smov.u32 s3;
	p0 =	sne.s32 s25, $0x1F80  }
.Ltmp4:
0x4f: {  	s25 =	sadd.s32 $0x80, s25;
	(pc) =	sbr.rel @p0 .LBB2_10-.Ltmp4, $2  }
0x50: {  	_ =	sdelay $0x2  }
0x51: {  	s3 =	sadd.s32 $0x200, s3;
	s4 =	sadd.s32 s4, s6  }
0x52: {  	[tilespmem:s2], [sflag:$0x1] =	stream.linear.gather [hbm4b:s4+s1], $0x80, $0x38;
	[tilespmem:$0x10000] =	vst v63  }
0x53: {  	s2 =	simm.s32 $0x8080  }
0x54: {  	s25 =	simm.s32 $0x80;
	s4 =	sadd.s32 $0x0, s7;
	s3 =	simm.s32 $0x8280  }
.LBB2_12:
0x55: {  	[tilespmem:s2], [sflag:$0x1] =	stream.linear.gather [hbm4b:s4+s1], $0x80, $0x38;
	[tilespmem:$0x10000] =	vst v63  }
0x56: {  	s4 =	smov.u32 s25;
	s2 =	smov.u32 s3;
	p0 =	sne.s32 s25, $0x1F80  }
.Ltmp5:
0x57: {  	s25 =	sadd.s32 $0x80, s25;
	(pc) =	sbr.rel @p0 .LBB2_12-.Ltmp5, $2  }
0x58: {  	_ =	sdelay $0x2  }
0x59: {  	s3 =	sadd.s32 $0x200, s3;
	s4 =	sadd.s32 s4, s7  }
0x5a: {  	[tilespmem:s2], [sflag:$0x1] =	stream.linear.gather [hbm4b:s4+s1], $0x80, $0x38;
	[tilespmem:$0x10000] =	vst v63  }
0x5b: {  	s2 =	simm.s32 $0x8100  }
0x5c: {  	s25 =	simm.s32 $0x80;
	s4 =	sadd.s32 $0x0, s8;
	s3 =	simm.s32 $0x8300  }
.LBB2_14:
0x5d: {  	[tilespmem:s2], [sflag:$0x1] =	stream.linear.gather [hbm4b:s4+s1], $0x80, $0x38;
	[tilespmem:$0x10000] =	vst v63  }
0x5e: {  	s4 =	smov.u32 s25;
	s2 =	smov.u32 s3;
	p0 =	sne.s32 s25, $0x1F80  }
.Ltmp6:
0x5f: {  	s25 =	sadd.s32 $0x80, s25;
	(pc) =	sbr.rel @p0 .LBB2_14-.Ltmp6, $2  }
0x60: {  	_ =	sdelay $0x2  }
0x61: {  	s3 =	sadd.s32 $0x200, s3;
	s4 =	sadd.s32 s4, s8  }
0x62: {  	[tilespmem:s2], [sflag:$0x1] =	stream.linear.gather [hbm4b:s4+s1], $0x80, $0x38;
	[tilespmem:$0x10000] =	vst v63  }
0x63: {  	s2 =	simm.s32 $0x0;
	s3 =	simm.s32 $0x8180;
	s25 =	rddreg [dreg:$0x7]  }
.LBB2_16:
0x64: {  	p0 =	sne.s32 s2, $0x1F80  }
.Ltmp7:
0x65: {  	_ = 	snop;
	(pc) =	sbr.rel @p0 .LBB2_16-.Ltmp7, $4  }
0x66: {  	_ = 	snop  }
0x67: {  	s4 =	sadd.s32 s2, s25  }
0x68: {  	[tilespmem:s3], [sflag:$0x1] =	stream.linear.gather [hbm4b:s4+s1], $0x80, $0x38;
	[tilespmem:$0x10000] =	vst v63  }
0x69: {  	s2 =	sadd.s32 $0x80, s2;
	s3 =	sadd.s32 $0x200, s3  }
0x6a: {  	v1 =	vimm.f32 $0.0e+00  }
0x6b: {  	s25 =	simm.s32 $0xFFFFFFF8;
	s2 =	simm.s32 $0x100;
	v2 =	vimm.f32 $0.0e+00;
	v3 =	vimm.f32 $0.0e+00;
	v4 =	vimm.f32 $0.0e+00  }
.LBB2_18:
0x6c: {  	v5 =	vld [tilespmem:s2+$0xFFFFFF00]  }
0x6d: {  	v6 =	vld [tilespmem:s2+$0xFFFFFF80]  }
0x6e: {  	v7 =	vld [tilespmem:s2+$0x0]  }
0x6f: {  	v8 =	vld [tilespmem:s2+$0x80];
	_ =	sdelay $0x1  }
0x70: {  	(xrf2) =	vadd.scan.msk.f32 $0xffff, v5  }
0x71: {  	(xrf2) =	vadd.scan.msk.f32 $0xffff, v6  }
0x72: {  	(xrf2) =	vadd.scan.msk.f32 $0xffff, v7  }
0x73: {  	(xrf2) =	vadd.scan.msk.f32 $0xffff, v8;
	_ =	sdelay $0x6  }
0x74: {  	v5, _, _ =	vpop (xrf2)  }
0x75: {  	v4 =	vadd.f32 v5, v4;
	v5, _, _ =	vpop (xrf2)  }
0x76: {  	v3 =	vadd.f32 v5, v3;
	v5, _, _ =	vpop (xrf2)  }
0x77: {  	v2 =	vadd.f32 v5, v2;
	v5, _, _ =	vpop (xrf2)  }
0x78: {  	v1 =	vadd.f32 v5, v1;
	v5 =	vld [tilespmem:s2+$0xFFFFFF10]  }
0x79: {  	v6 =	vld [tilespmem:s2+$0xFFFFFF90]  }
0x7a: {  	v7 =	vld [tilespmem:s2+$0x10]  }
0x7b: {  	v57 =	vld [tilespmem:s2+$0x90];
	_ =	sdelay $0x1  }
0x7c: {  	(xrf2) =	vadd.scan.msk.f32 $0xffff, v5  }
0x7d: {  	(xrf2) =	vadd.scan.msk.f32 $0xffff, v6  }
0x7e: {  	(xrf2) =	vadd.scan.msk.f32 $0xffff, v7  }
0x7f: {  	(xrf2) =	vadd.scan.msk.f32 $0xffff, v57;
	_ =	sdelay $0x5  }
0x80: {  	[tilespmem:s2+$0xFFFFFF00] =	vst v4;
	v4 =	vperm.xlane v4, v0  }
0x81: {  	[tilespmem:s2+$0xFFFFFF80] =	vst v3;
	v3 =	vperm.xlane v3, v0;
	v5, _, _ =	vpop (xrf2)  }
0x82: {  	[tilespmem:s2+$0x0] =	vst v2;
	v2 =	vperm.xlane v2, v0;
	v4 =	vadd.f32 v5, v4;
	v5, _, _ =	vpop (xrf2)  }
0x83: {  	[tilespmem:s2+$0x80] =	vst v1;
	v1 =	vperm.xlane v1, v0;
	v3 =	vadd.f32 v5, v3;
	v5, _, _ =	vpop (xrf2)  }
0x84: {  	v2 =	vadd.f32 v5, v2;
	v5, _, _ =	vpop (xrf2)  }
0x85: {  	v1 =	vadd.f32 v5, v1;
	v5 =	vld [tilespmem:s2+$0xFFFFFF20]  }
0x86: {  	v6 =	vld [tilespmem:s2+$0xFFFFFFA0]  }
0x87: {  	v7 =	vld [tilespmem:s2+$0x20]  }
0x88: {  	v58 =	vld [tilespmem:s2+$0xA0];
	_ =	sdelay $0x1  }
0x89: {  	(xrf2) =	vadd.scan.msk.f32 $0xffff, v5  }
0x8a: {  	(xrf2) =	vadd.scan.msk.f32 $0xffff, v6  }
0x8b: {  	(xrf2) =	vadd.scan.msk.f32 $0xffff, v7  }
0x8c: {  	(xrf2) =	vadd.scan.msk.f32 $0xffff, v58;
	_ =	sdelay $0x5  }
0x8d: {  	[tilespmem:s2+$0xFFFFFF10] =	vst v4;
	v4 =	vperm.xlane v4, v0  }
0x8e: {  	[tilespmem:s2+$0xFFFFFF90] =	vst v3;
	v3 =	vperm.xlane v3, v0;
	v5, _, _ =	vpop (xrf2)  }
0x8f: {  	[tilespmem:s2+$0x10] =	vst v2;
	v2 =	vperm.xlane v2, v0;
	v4 =	vadd.f32 v5, v4;
	v5, _, _ =	vpop (xrf2)  }
0x90: {  	[tilespmem:s2+$0x90] =	vst v1;
	v1 =	vperm.xlane v1, v0;
	v3 =	vadd.f32 v5, v3;
	v5, _, _ =	vpop (xrf2)  }
0x91: {  	v2 =	vadd.f32 v5, v2;
	v5, _, _ =	vpop (xrf2)  }
0x92: {  	v1 =	vadd.f32 v5, v1;
	v5 =	vld [tilespmem:s2+$0xFFFFFF30]  }
0x93: {  	v6 =	vld [tilespmem:s2+$0xFFFFFFB0]  }
0x94: {  	v7 =	vld [tilespmem:s2+$0x30]  }
0x95: {  	v59 =	vld [tilespmem:s2+$0xB0];
	_ =	sdelay $0x1  }
0x96: {  	(xrf2) =	vadd.scan.msk.f32 $0xffff, v5  }
0x97: {  	(xrf2) =	vadd.scan.msk.f32 $0xffff, v6  }
0x98: {  	(xrf2) =	vadd.scan.msk.f32 $0xffff, v7  }
0x99: {  	(xrf2) =	vadd.scan.msk.f32 $0xffff, v59;
	_ =	sdelay $0x5  }
0x9a: {  	[tilespmem:s2+$0xFFFFFF20] =	vst v4;
	v4 =	vperm.xlane v4, v0  }
0x9b: {  	[tilespmem:s2+$0xFFFFFFA0] =	vst v3;
	v3 =	vperm.xlane v3, v0;
	v5, _, _ =	vpop (xrf2)  }
0x9c: {  	[tilespmem:s2+$0x20] =	vst v2;
	v2 =	vperm.xlane v2, v0;
	v4 =	vadd.f32 v5, v4;
	v5, _, _ =	vpop (xrf2)  }
0x9d: {  	[tilespmem:s2+$0xA0] =	vst v1;
	v1 =	vperm.xlane v1, v0;
	v3 =	vadd.f32 v5, v3;
	v5, _, _ =	vpop (xrf2)  }
0x9e: {  	v2 =	vadd.f32 v5, v2;
	v5, _, _ =	vpop (xrf2)  }
0x9f: {  	v1 =	vadd.f32 v5, v1;
	v5 =	vld [tilespmem:s2+$0xFFFFFF40]  }
0xa0: {  	v6 =	vld [tilespmem:s2+$0xFFFFFFC0]  }
0xa1: {  	v7 =	vld [tilespmem:s2+$0x40]  }
0xa2: {  	v60 =	vld [tilespmem:s2+$0xC0];
	_ =	sdelay $0x1  }
0xa3: {  	(xrf2) =	vadd.scan.msk.f32 $0xffff, v5  }
0xa4: {  	(xrf2) =	vadd.scan.msk.f32 $0xffff, v6  }
0xa5: {  	(xrf2) =	vadd.scan.msk.f32 $0xffff, v7  }
0xa6: {  	(xrf2) =	vadd.scan.msk.f32 $0xffff, v60;
	_ =	sdelay $0x5  }
0xa7: {  	[tilespmem:s2+$0xFFFFFF30] =	vst v4;
	v4 =	vperm.xlane v4, v0  }
0xa8: {  	[tilespmem:s2+$0xFFFFFFB0] =	vst v3;
	v3 =	vperm.xlane v3, v0;
	v5, _, _ =	vpop (xrf2)  }
0xa9: {  	[tilespmem:s2+$0x30] =	vst v2;
	v2 =	vperm.xlane v2, v0;
	v4 =	vadd.f32 v5, v4;
	v5, _, _ =	vpop (xrf2)  }
0xaa: {  	[tilespmem:s2+$0xB0] =	vst v1;
	v1 =	vperm.xlane v1, v0;
	v3 =	vadd.f32 v5, v3;
	v5, _, _ =	vpop (xrf2)  }
0xab: {  	v2 =	vadd.f32 v5, v2;
	v5, _, _ =	vpop (xrf2)  }
0xac: {  	v1 =	vadd.f32 v5, v1;
	v5 =	vld [tilespmem:s2+$0xFFFFFF50]  }
0xad: {  	v6 =	vld [tilespmem:s2+$0xFFFFFFD0]  }
0xae: {  	v7 =	vld [tilespmem:s2+$0x50]  }
0xaf: {  	v61 =	vld [tilespmem:s2+$0xD0];
	_ =	sdelay $0x1  }
0xb0: {  	(xrf2) =	vadd.scan.msk.f32 $0xffff, v5  }
0xb1: {  	(xrf2) =	vadd.scan.msk.f32 $0xffff, v6  }
0xb2: {  	(xrf2) =	vadd.scan.msk.f32 $0xffff, v7  }
0xb3: {  	(xrf2) =	vadd.scan.msk.f32 $0xffff, v61;
	_ =	sdelay $0x5  }
0xb4: {  	[tilespmem:s2+$0xFFFFFF40] =	vst v4;
	v4 =	vperm.xlane v4, v0  }
0xb5: {  	[tilespmem:s2+$0xFFFFFFC0] =	vst v3;
	v3 =	vperm.xlane v3, v0;
	v5, _, _ =	vpop (xrf2)  }
0xb6: {  	[tilespmem:s2+$0x40] =	vst v2;
	v2 =	vperm.xlane v2, v0;
	v4 =	vadd.f32 v5, v4;
	v5, _, _ =	vpop (xrf2)  }
0xb7: {  	[tilespmem:s2+$0xC0] =	vst v1;
	v1 =	vperm.xlane v1, v0;
	v3 =	vadd.f32 v5, v3;
	v5, _, _ =	vpop (xrf2)  }
0xb8: {  	v2 =	vadd.f32 v5, v2;
	v5, _, _ =	vpop (xrf2)  }
0xb9: {  	v1 =	vadd.f32 v5, v1;
	v5 =	vld [tilespmem:s2+$0xFFFFFF60]  }
0xba: {  	v6 =	vld [tilespmem:s2+$0xFFFFFFE0]  }
0xbb: {  	v7 =	vld [tilespmem:s2+$0x60]  }
0xbc: {  	v62 =	vld [tilespmem:s2+$0xE0];
	_ =	sdelay $0x1  }
0xbd: {  	(xrf2) =	vadd.scan.msk.f32 $0xffff, v5  }
0xbe: {  	(xrf2) =	vadd.scan.msk.f32 $0xffff, v6  }
0xbf: {  	(xrf2) =	vadd.scan.msk.f32 $0xffff, v7  }
0xc0: {  	(xrf2) =	vadd.scan.msk.f32 $0xffff, v62;
	_ =	sdelay $0x5  }
0xc1: {  	[tilespmem:s2+$0xFFFFFF50] =	vst v4;
	v4 =	vperm.xlane v4, v0  }
0xc2: {  	[tilespmem:s2+$0xFFFFFFD0] =	vst v3;
	v3 =	vperm.xlane v3, v0;
	v5, _, _ =	vpop (xrf2)  }
0xc3: {  	[tilespmem:s2+$0x50] =	vst v2;
	v2 =	vperm.xlane v2, v0;
	v4 =	vadd.f32 v5, v4;
	v5, _, _ =	vpop (xrf2)  }
0xc4: {  	[tilespmem:s2+$0xD0] =	vst v1;
	v1 =	vperm.xlane v1, v0;
	v3 =	vadd.f32 v5, v3;
	v5, _, _ =	vpop (xrf2)  }
0xc5: {  	v2 =	vadd.f32 v5, v2;
	v5, _, _ =	vpop (xrf2)  }
0xc6: {  	v1 =	vadd.f32 v5, v1;
	v5 =	vld [tilespmem:s2+$0xFFFFFF70]  }
0xc7: {  	v6 =	vld [tilespmem:s2+$0xFFFFFFF0]  }
0xc8: {  	v7 =	vld [tilespmem:s2+$0x70]  }
0xc9: {  	v63 =	vld [tilespmem:s2+$0xF0];
	_ =	sdelay $0x1  }
0xca: {  	(xrf2) =	vadd.scan.msk.f32 $0xffff, v5  }
0xcb: {  	(xrf2) =	vadd.scan.msk.f32 $0xffff, v6  }
0xcc: {  	(xrf2) =	vadd.scan.msk.f32 $0xffff, v7  }
0xcd: {  	(xrf2) =	vadd.scan.msk.f32 $0xffff, v63;
	_ =	sdelay $0x5  }
0xce: {  	[tilespmem:s2+$0xFFFFFF60] =	vst v4;
	v4 =	vperm.xlane v4, v0  }
0xcf: {  	s25 =	sadd.s32 $0x8, s25;
	[tilespmem:s2+$0xFFFFFFE0] =	vst v3;
	v3 =	vperm.xlane v3, v0;
	v5, _, _ =	vpop (xrf2)  }
0xd0: {  	p0 =	slt.u32 s25, $0x1F8;
	[tilespmem:s2+$0x60] =	vst v2;
	v2 =	vperm.xlane v2, v0;
	v6, _, _ =	vpop (xrf2);
	v4 =	vadd.f32 v5, v4  }
.Ltmp8:
0xd1: {  	[tilespmem:s2+$0xE0] =	vst v1;
	v1 =	vperm.xlane v1, v0;
	v5, _, _ =	vpop (xrf2);
	v3 =	vadd.f32 v6, v3;
	(pc) =	sbr.rel @p0 .LBB2_18-.Ltmp8, $4  }
0xd2: {  	[tilespmem:s2+$0xFFFFFF70] =	vst v4;
	v2 =	vadd.f32 v5, v2;
	v5, _, _ =	vpop (xrf2)  }
0xd3: {  	[tilespmem:s2+$0xFFFFFFF0] =	vst v3;
	v1 =	vadd.f32 v5, v1  }
0xd4: {  	v4 =	vperm.xlane v4, v0;
	v3 =	vperm.xlane v3, v0;
	[tilespmem:s2+$0x70] =	vst v2  }
0xd5: {  	v2 =	vperm.xlane v2, v0;
	[tilespmem:s2+$0xF0] =	vst v1;
	v1 =	vperm.xlane v1, v0;
	s2 =	sadd.s32 $0x200, s2  }
0xd6: {  	s2 =	simm.s32 $0x0  }
0xd7: {  	s25 =	simm.s32 $0x80;
	s4 =	sadd.s32 $0x0, s10;
	s3 =	simm.s32 $0x200  }
.LBB2_20:
0xd8: {  	[hbm4b:s4+s1] =	stream.linear.scatter [tilespmem:s2], [sflag:$0x2], $0x80, $0x38;
	[tilespmem:$0x10000] =	vst v63  }
0xd9: {  	s4 =	smov.u32 s25;
	s2 =	smov.u32 s3;
	p0 =	sne.s32 s25, $0x1F80  }
.Ltmp9:
0xda: {  	s25 =	sadd.s32 $0x80, s25;
	(pc) =	sbr.rel @p0 .LBB2_20-.Ltmp9, $2  }
0xdb: {  	_ =	sdelay $0x2  }
0xdc: {  	s3 =	sadd.s32 $0x200, s3;
	s4 =	sadd.s32 s4, s10  }
0xdd: {  	[hbm4b:s4+s1] =	stream.linear.scatter [tilespmem:s2], [sflag:$0x2], $0x80, $0x38;
	[tilespmem:$0x10000] =	vst v63  }
0xde: {  	s2 =	simm.s32 $0x80  }
0xdf: {  	s25 =	simm.s32 $0x80;
	s4 =	sadd.s32 $0x0, s11;
	s3 =	simm.s32 $0x280  }
.LBB2_22:
0xe0: {  	[hbm4b:s4+s1] =	stream.linear.scatter [tilespmem:s2], [sflag:$0x2], $0x80, $0x38;
	[tilespmem:$0x10000] =	vst v63  }
0xe1: {  	s4 =	smov.u32 s25;
	s2 =	smov.u32 s3;
	p0 =	sne.s32 s25, $0x1F80  }
.Ltmp10:
0xe2: {  	s25 =	sadd.s32 $0x80, s25;
	(pc) =	sbr.rel @p0 .LBB2_22-.Ltmp10, $2  }
0xe3: {  	_ =	sdelay $0x2  }
0xe4: {  	s3 =	sadd.s32 $0x200, s3;
	s4 =	sadd.s32 s4, s11  }
0xe5: {  	[hbm4b:s4+s1] =	stream.linear.scatter [tilespmem:s2], [sflag:$0x2], $0x80, $0x38;
	[tilespmem:$0x10000] =	vst v63  }
0xe6: {  	s2 =	simm.s32 $0x100  }
0xe7: {  	s25 =	simm.s32 $0x80;
	s4 =	sadd.s32 $0x0, s12;
	s3 =	simm.s32 $0x300  }
.LBB2_24:
0xe8: {  	[hbm4b:s4+s1] =	stream.linear.scatter [tilespmem:s2], [sflag:$0x2], $0x80, $0x38;
	[tilespmem:$0x10000] =	vst v63  }
0xe9: {  	s4 =	smov.u32 s25;
	s2 =	smov.u32 s3;
	p0 =	sne.s32 s25, $0x1F80  }
.Ltmp11:
0xea: {  	s25 =	sadd.s32 $0x80, s25;
	(pc) =	sbr.rel @p0 .LBB2_24-.Ltmp11, $2  }
0xeb: {  	_ =	sdelay $0x2  }
0xec: {  	s3 =	sadd.s32 $0x200, s3;
	s4 =	sadd.s32 s4, s12  }
0xed: {  	[hbm4b:s4+s1] =	stream.linear.scatter [tilespmem:s2], [sflag:$0x2], $0x80, $0x38;
	[tilespmem:$0x10000] =	vst v63  }
0xee: {  	s2 =	simm.s32 $0x180  }
0xef: {  	s25 =	simm.s32 $0x80;
	s4 =	sadd.s32 $0x0, s13;
	s3 =	simm.s32 $0x380  }
.LBB2_26:
0xf0: {  	[hbm4b:s4+s1] =	stream.linear.scatter [tilespmem:s2], [sflag:$0x2], $0x80, $0x38;
	[tilespmem:$0x10000] =	vst v63  }
0xf1: {  	s4 =	smov.u32 s25;
	s2 =	smov.u32 s3;
	p0 =	sne.s32 s25, $0x1F80  }
.Ltmp12:
0xf2: {  	s25 =	sadd.s32 $0x80, s25;
	(pc) =	sbr.rel @p0 .LBB2_26-.Ltmp12, $2  }
0xf3: {  	_ =	sdelay $0x2  }
0xf4: {  	s3 =	sadd.s32 $0x200, s3;
	s4 =	sadd.s32 s4, s13  }
0xf5: {  	[hbm4b:s4+s1] =	stream.linear.scatter [tilespmem:s2], [sflag:$0x2], $0x80, $0x38;
	[tilespmem:$0x10000] =	vst v63  }
0xf6: {  	s5 =	simm.s32 $0x1  }
0xf7: {  	_ =	swait.ge [sflag:s5], $0x2000  }
0xf8: {  	[sflag:s5] =	ssyncset.done $0x0  }
0xf9: {  	[sflag:s5] =	ssyncadd.s32 $0xFFFFE000  }
0xfa: {  	_ =	swait.ge [sflag:s5], $0x2000  }
0xfb: {  	[sflag:s5] =	ssyncset.done $0x0  }
0xfc: {  	[sflag:s5] =	ssyncadd.s32 $0xFFFFE000  }
0xfd: {  	_ =	swait.ge [sflag:s5], $0x2000  }
0xfe: {  	[sflag:s5] =	ssyncset.done $0x0  }
0xff: {  	[sflag:s5] =	ssyncadd.s32 $0xFFFFE000  }
0x100: {  	_ =	swait.ge [sflag:s5], $0x2000  }
0x101: {  	[sflag:s5] =	ssyncset.done $0x0  }
0x102: {  	s25 =	simm.s32 $0x2;
	[sflag:s5] =	ssyncadd.s32 $0xFFFFE000  }
0x103: {  	_ =	swait.ge [sflag:s25], $0x2000  }
0x104: {  	[sflag:s25] =	ssyncset.done $0x0  }
0x105: {  	[sflag:s25] =	ssyncadd.s32 $0xFFFFE000  }
0x106: {  	_ =	swait.ge [sflag:s25], $0x2000  }
0x107: {  	[sflag:s25] =	ssyncset.done $0x0  }
0x108: {  	[sflag:s25] =	ssyncadd.s32 $0xFFFFE000  }
0x109: {  	_ =	swait.ge [sflag:s25], $0x2000  }
0x10a: {  	[sflag:s25] =	ssyncset.done $0x0  }
0x10b: {  	[sflag:s25] =	ssyncadd.s32 $0xFFFFE000  }
0x10c: {  	_ =	swait.ge [sflag:s25], $0x2000  }
0x10d: {  	s2 =	simm.s32 $0x0;
	s4 =	sadd.s32 $0x0, s18;
	[sflag:s25] =	ssyncset.done $0x0  }
0x10e: {  	s3 =	simm.s32 $0x200;
	[sflag:s25] =	ssyncadd.s32 $0xFFFFE000;
	s25 =	simm.s32 $0x80  }
.LBB2_28:
0x10f: {  	[tilespmem:s2], [sflag:$0x1] =	stream.linear.gather [hbm4b:s4+s1], $0x80, $0x38;
	[tilespmem:$0x10000] =	vst v63  }
0x110: {  	s4 =	smov.u32 s25;
	s2 =	smov.u32 s3;
	p0 =	sne.s32 s25, $0x1F80  }
.Ltmp13:
0x111: {  	s25 =	sadd.s32 $0x80, s25;
	(pc) =	sbr.rel @p0 .LBB2_28-.Ltmp13, $2  }
0x112: {  	_ =	sdelay $0x2  }
0x113: {  	s3 =	sadd.s32 $0x200, s3;
	s4 =	sadd.s32 s4, s18  }
0x114: {  	[tilespmem:s2], [sflag:$0x1] =	stream.linear.gather [hbm4b:s4+s1], $0x80, $0x38;
	[tilespmem:$0x10000] =	vst v63  }
0x115: {  	s2 =	simm.s32 $0x80  }
0x116: {  	s25 =	simm.s32 $0x80;
	s4 =	sadd.s32 $0x0, s19;
	s3 =	simm.s32 $0x280  }
.LBB2_30:
0x117: {  	[tilespmem:s2], [sflag:$0x1] =	stream.linear.gather [hbm4b:s4+s1], $0x80, $0x38;
	[tilespmem:$0x10000] =	vst v63  }
0x118: {  	s4 =	smov.u32 s25;
	s2 =	smov.u32 s3;
	p0 =	sne.s32 s25, $0x1F80  }
.Ltmp14:
0x119: {  	s25 =	sadd.s32 $0x80, s25;
	(pc) =	sbr.rel @p0 .LBB2_30-.Ltmp14, $2  }
0x11a: {  	_ =	sdelay $0x2  }
0x11b: {  	s3 =	sadd.s32 $0x200, s3;
	s4 =	sadd.s32 s4, s19  }
0x11c: {  	[tilespmem:s2], [sflag:$0x1] =	stream.linear.gather [hbm4b:s4+s1], $0x80, $0x38;
	[tilespmem:$0x10000] =	vst v63  }
0x11d: {  	s2 =	simm.s32 $0x100  }
0x11e: {  	s25 =	simm.s32 $0x80;
	s4 =	sadd.s32 $0x0, s20;
	s3 =	simm.s32 $0x300  }
.LBB2_32:
0x11f: {  	[tilespmem:s2], [sflag:$0x1] =	stream.linear.gather [hbm4b:s4+s1], $0x80, $0x38;
	[tilespmem:$0x10000] =	vst v63  }
0x120: {  	s4 =	smov.u32 s25;
	s2 =	smov.u32 s3;
	p0 =	sne.s32 s25, $0x1F80  }
.Ltmp15:
0x121: {  	s25 =	sadd.s32 $0x80, s25;
	(pc) =	sbr.rel @p0 .LBB2_32-.Ltmp15, $2  }
0x122: {  	_ =	sdelay $0x2  }
0x123: {  	s3 =	sadd.s32 $0x200, s3;
	s4 =	sadd.s32 s4, s20  }
0x124: {  	[tilespmem:s2], [sflag:$0x1] =	stream.linear.gather [hbm4b:s4+s1], $0x80, $0x38;
	[tilespmem:$0x10000] =	vst v63  }
0x125: {  	s2 =	simm.s32 $0x0;
	s3 =	simm.s32 $0x180;
	s25 =	rddreg [dreg:$0x8]  }
.LBB2_34:
0x126: {  	p0 =	sne.s32 s2, $0x1F80  }
.Ltmp16:
0x127: {  	_ = 	snop;
	(pc) =	sbr.rel @p0 .LBB2_34-.Ltmp16, $4  }
0x128: {  	_ = 	snop  }
0x129: {  	s4 =	sadd.s32 s2, s25  }
0x12a: {  	[tilespmem:s3], [sflag:$0x1] =	stream.linear.gather [hbm4b:s4+s1], $0x80, $0x38;
	[tilespmem:$0x10000] =	vst v63  }
0x12b: {  	s2 =	sadd.s32 $0x80, s2;
	s3 =	sadd.s32 $0x200, s3  }
0x12c: {  	s2 =	simm.s32 $0xFFFFFFF8;
	s25 =	simm.s32 $0x8100  }
.LBB2_36:
0x12d: {  	v5 =	vld [tilespmem:s25+$0xFFFFFF00]  }
0x12e: {  	v6 =	vld [tilespmem:s25+$0xFFFFFF80]  }
0x12f: {  	v7 =	vld [tilespmem:s25+$0x0]  }
0x130: {  	v8 =	vld [tilespmem:s25+$0x80];
	_ =	sdelay $0x1  }
0x131: {  	(xrf2) =	vadd.scan.msk.f32 $0xffff, v5  }
0x132: {  	(xrf2) =	vadd.scan.msk.f32 $0xffff, v6  }
0x133: {  	(xrf2) =	vadd.scan.msk.f32 $0xffff, v7  }
0x134: {  	(xrf2) =	vadd.scan.msk.f32 $0xffff, v8;
	_ =	sdelay $0x6  }
0x135: {  	v5, _, _ =	vpop (xrf2)  }
0x136: {  	v4 =	vadd.f32 v5, v4;
	v5, _, _ =	vpop (xrf2)  }
0x137: {  	v3 =	vadd.f32 v5, v3;
	v5, _, _ =	vpop (xrf2)  }
0x138: {  	v2 =	vadd.f32 v5, v2;
	v5, _, _ =	vpop (xrf2)  }
0x139: {  	v1 =	vadd.f32 v5, v1;
	v5 =	vld [tilespmem:s25+$0xFFFFFF10]  }
0x13a: {  	v6 =	vld [tilespmem:s25+$0xFFFFFF90]  }
0x13b: {  	v7 =	vld [tilespmem:s25+$0x10]  }
0x13c: {  	v57 =	vld [tilespmem:s25+$0x90];
	_ =	sdelay $0x1  }
0x13d: {  	(xrf2) =	vadd.scan.msk.f32 $0xffff, v5  }
0x13e: {  	(xrf2) =	vadd.scan.msk.f32 $0xffff, v6  }
0x13f: {  	(xrf2) =	vadd.scan.msk.f32 $0xffff, v7  }
0x140: {  	(xrf2) =	vadd.scan.msk.f32 $0xffff, v57;
	_ =	sdelay $0x5  }
0x141: {  	[tilespmem:s25+$0xFFFFFF00] =	vst v4;
	v4 =	vperm.xlane v4, v0  }
0x142: {  	[tilespmem:s25+$0xFFFFFF80] =	vst v3;
	v3 =	vperm.xlane v3, v0;
	v5, _, _ =	vpop (xrf2)  }
0x143: {  	[tilespmem:s25+$0x0] =	vst v2;
	v2 =	vperm.xlane v2, v0;
	v4 =	vadd.f32 v5, v4;
	v5, _, _ =	vpop (xrf2)  }
0x144: {  	[tilespmem:s25+$0x80] =	vst v1;
	v1 =	vperm.xlane v1, v0;
	v3 =	vadd.f32 v5, v3;
	v5, _, _ =	vpop (xrf2)  }
0x145: {  	v2 =	vadd.f32 v5, v2;
	v5, _, _ =	vpop (xrf2)  }
0x146: {  	v1 =	vadd.f32 v5, v1;
	v5 =	vld [tilespmem:s25+$0xFFFFFF20]  }
0x147: {  	v6 =	vld [tilespmem:s25+$0xFFFFFFA0]  }
0x148: {  	v7 =	vld [tilespmem:s25+$0x20]  }
0x149: {  	v58 =	vld [tilespmem:s25+$0xA0];
	_ =	sdelay $0x1  }
0x14a: {  	(xrf2) =	vadd.scan.msk.f32 $0xffff, v5  }
0x14b: {  	(xrf2) =	vadd.scan.msk.f32 $0xffff, v6  }
0x14c: {  	(xrf2) =	vadd.scan.msk.f32 $0xffff, v7  }
0x14d: {  	(xrf2) =	vadd.scan.msk.f32 $0xffff, v58;
	_ =	sdelay $0x5  }
0x14e: {  	[tilespmem:s25+$0xFFFFFF10] =	vst v4;
	v4 =	vperm.xlane v4, v0  }
0x14f: {  	[tilespmem:s25+$0xFFFFFF90] =	vst v3;
	v3 =	vperm.xlane v3, v0;
	v5, _, _ =	vpop (xrf2)  }
0x150: {  	[tilespmem:s25+$0x10] =	vst v2;
	v2 =	vperm.xlane v2, v0;
	v4 =	vadd.f32 v5, v4;
	v5, _, _ =	vpop (xrf2)  }
0x151: {  	[tilespmem:s25+$0x90] =	vst v1;
	v1 =	vperm.xlane v1, v0;
	v3 =	vadd.f32 v5, v3;
	v5, _, _ =	vpop (xrf2)  }
0x152: {  	v2 =	vadd.f32 v5, v2;
	v5, _, _ =	vpop (xrf2)  }
0x153: {  	v1 =	vadd.f32 v5, v1;
	v5 =	vld [tilespmem:s25+$0xFFFFFF30]  }
0x154: {  	v6 =	vld [tilespmem:s25+$0xFFFFFFB0]  }
0x155: {  	v7 =	vld [tilespmem:s25+$0x30]  }
0x156: {  	v59 =	vld [tilespmem:s25+$0xB0];
	_ =	sdelay $0x1  }
0x157: {  	(xrf2) =	vadd.scan.msk.f32 $0xffff, v5  }
0x158: {  	(xrf2) =	vadd.scan.msk.f32 $0xffff, v6  }
0x159: {  	(xrf2) =	vadd.scan.msk.f32 $0xffff, v7  }
0x15a: {  	(xrf2) =	vadd.scan.msk.f32 $0xffff, v59;
	_ =	sdelay $0x5  }
0x15b: {  	[tilespmem:s25+$0xFFFFFF20] =	vst v4;
	v4 =	vperm.xlane v4, v0  }
0x15c: {  	[tilespmem:s25+$0xFFFFFFA0] =	vst v3;
	v3 =	vperm.xlane v3, v0;
	v5, _, _ =	vpop (xrf2)  }
0x15d: {  	[tilespmem:s25+$0x20] =	vst v2;
	v2 =	vperm.xlane v2, v0;
	v4 =	vadd.f32 v5, v4;
	v5, _, _ =	vpop (xrf2)  }
0x15e: {  	[tilespmem:s25+$0xA0] =	vst v1;
	v1 =	vperm.xlane v1, v0;
	v3 =	vadd.f32 v5, v3;
	v5, _, _ =	vpop (xrf2)  }
0x15f: {  	v2 =	vadd.f32 v5, v2;
	v5, _, _ =	vpop (xrf2)  }
0x160: {  	v1 =	vadd.f32 v5, v1;
	v5 =	vld [tilespmem:s25+$0xFFFFFF40]  }
0x161: {  	v6 =	vld [tilespmem:s25+$0xFFFFFFC0]  }
0x162: {  	v7 =	vld [tilespmem:s25+$0x40]  }
0x163: {  	v60 =	vld [tilespmem:s25+$0xC0];
	_ =	sdelay $0x1  }
0x164: {  	(xrf2) =	vadd.scan.msk.f32 $0xffff, v5  }
0x165: {  	(xrf2) =	vadd.scan.msk.f32 $0xffff, v6  }
0x166: {  	(xrf2) =	vadd.scan.msk.f32 $0xffff, v7  }
0x167: {  	(xrf2) =	vadd.scan.msk.f32 $0xffff, v60;
	_ =	sdelay $0x5  }
0x168: {  	[tilespmem:s25+$0xFFFFFF30] =	vst v4;
	v4 =	vperm.xlane v4, v0  }
0x169: {  	[tilespmem:s25+$0xFFFFFFB0] =	vst v3;
	v3 =	vperm.xlane v3, v0;
	v5, _, _ =	vpop (xrf2)  }
0x16a: {  	[tilespmem:s25+$0x30] =	vst v2;
	v2 =	vperm.xlane v2, v0;
	v4 =	vadd.f32 v5, v4;
	v5, _, _ =	vpop (xrf2)  }
0x16b: {  	[tilespmem:s25+$0xB0] =	vst v1;
	v1 =	vperm.xlane v1, v0;
	v3 =	vadd.f32 v5, v3;
	v5, _, _ =	vpop (xrf2)  }
0x16c: {  	v2 =	vadd.f32 v5, v2;
	v5, _, _ =	vpop (xrf2)  }
0x16d: {  	v1 =	vadd.f32 v5, v1;
	v5 =	vld [tilespmem:s25+$0xFFFFFF50]  }
0x16e: {  	v6 =	vld [tilespmem:s25+$0xFFFFFFD0]  }
0x16f: {  	v7 =	vld [tilespmem:s25+$0x50]  }
0x170: {  	v61 =	vld [tilespmem:s25+$0xD0];
	_ =	sdelay $0x1  }
0x171: {  	(xrf2) =	vadd.scan.msk.f32 $0xffff, v5  }
0x172: {  	(xrf2) =	vadd.scan.msk.f32 $0xffff, v6  }
0x173: {  	(xrf2) =	vadd.scan.msk.f32 $0xffff, v7  }
0x174: {  	(xrf2) =	vadd.scan.msk.f32 $0xffff, v61;
	_ =	sdelay $0x5  }
0x175: {  	[tilespmem:s25+$0xFFFFFF40] =	vst v4;
	v4 =	vperm.xlane v4, v0  }
0x176: {  	[tilespmem:s25+$0xFFFFFFC0] =	vst v3;
	v3 =	vperm.xlane v3, v0;
	v5, _, _ =	vpop (xrf2)  }
0x177: {  	[tilespmem:s25+$0x40] =	vst v2;
	v2 =	vperm.xlane v2, v0;
	v4 =	vadd.f32 v5, v4;
	v5, _, _ =	vpop (xrf2)  }
0x178: {  	[tilespmem:s25+$0xC0] =	vst v1;
	v1 =	vperm.xlane v1, v0;
	v3 =	vadd.f32 v5, v3;
	v5, _, _ =	vpop (xrf2)  }
0x179: {  	v2 =	vadd.f32 v5, v2;
	v5, _, _ =	vpop (xrf2)  }
0x17a: {  	v1 =	vadd.f32 v5, v1;
	v5 =	vld [tilespmem:s25+$0xFFFFFF60]  }
0x17b: {  	v6 =	vld [tilespmem:s25+$0xFFFFFFE0]  }
0x17c: {  	v7 =	vld [tilespmem:s25+$0x60]  }
0x17d: {  	v62 =	vld [tilespmem:s25+$0xE0];
	_ =	sdelay $0x1  }
0x17e: {  	(xrf2) =	vadd.scan.msk.f32 $0xffff, v5  }
0x17f: {  	(xrf2) =	vadd.scan.msk.f32 $0xffff, v6  }
0x180: {  	(xrf2) =	vadd.scan.msk.f32 $0xffff, v7  }
0x181: {  	(xrf2) =	vadd.scan.msk.f32 $0xffff, v62;
	_ =	sdelay $0x5  }
0x182: {  	[tilespmem:s25+$0xFFFFFF50] =	vst v4;
	v4 =	vperm.xlane v4, v0  }
0x183: {  	[tilespmem:s25+$0xFFFFFFD0] =	vst v3;
	v3 =	vperm.xlane v3, v0;
	v5, _, _ =	vpop (xrf2)  }
0x184: {  	[tilespmem:s25+$0x50] =	vst v2;
	v2 =	vperm.xlane v2, v0;
	v4 =	vadd.f32 v5, v4;
	v5, _, _ =	vpop (xrf2)  }
0x185: {  	[tilespmem:s25+$0xD0] =	vst v1;
	v1 =	vperm.xlane v1, v0;
	v3 =	vadd.f32 v5, v3;
	v5, _, _ =	vpop (xrf2)  }
0x186: {  	v2 =	vadd.f32 v5, v2;
	v5, _, _ =	vpop (xrf2)  }
0x187: {  	v1 =	vadd.f32 v5, v1;
	v5 =	vld [tilespmem:s25+$0xFFFFFF70]  }
0x188: {  	v6 =	vld [tilespmem:s25+$0xFFFFFFF0]  }
0x189: {  	v7 =	vld [tilespmem:s25+$0x70]  }
0x18a: {  	v63 =	vld [tilespmem:s25+$0xF0];
	_ =	sdelay $0x1  }
0x18b: {  	(xrf2) =	vadd.scan.msk.f32 $0xffff, v5  }
0x18c: {  	(xrf2) =	vadd.scan.msk.f32 $0xffff, v6  }
0x18d: {  	(xrf2) =	vadd.scan.msk.f32 $0xffff, v7  }
0x18e: {  	(xrf2) =	vadd.scan.msk.f32 $0xffff, v63;
	_ =	sdelay $0x5  }
0x18f: {  	[tilespmem:s25+$0xFFFFFF60] =	vst v4;
	v4 =	vperm.xlane v4, v0  }
0x190: {  	s2 =	sadd.s32 $0x8, s2;
	[tilespmem:s25+$0xFFFFFFE0] =	vst v3;
	v3 =	vperm.xlane v3, v0;
	v5, _, _ =	vpop (xrf2)  }
0x191: {  	p0 =	slt.u32 s2, $0x1F8;
	[tilespmem:s25+$0x60] =	vst v2;
	v2 =	vperm.xlane v2, v0;
	v6, _, _ =	vpop (xrf2);
	v4 =	vadd.f32 v5, v4  }
.Ltmp17:
0x192: {  	[tilespmem:s25+$0xE0] =	vst v1;
	v1 =	vperm.xlane v1, v0;
	v5, _, _ =	vpop (xrf2);
	v3 =	vadd.f32 v6, v3;
	(pc) =	sbr.rel @p0 .LBB2_36-.Ltmp17, $4  }
0x193: {  	[tilespmem:s25+$0xFFFFFF70] =	vst v4;
	v2 =	vadd.f32 v5, v2;
	v5, _, _ =	vpop (xrf2)  }
0x194: {  	[tilespmem:s25+$0xFFFFFFF0] =	vst v3;
	v1 =	vadd.f32 v5, v1  }
0x195: {  	v4 =	vperm.xlane v4, v0;
	v3 =	vperm.xlane v3, v0;
	[tilespmem:s25+$0x70] =	vst v2  }
0x196: {  	v2 =	vperm.xlane v2, v0;
	[tilespmem:s25+$0xF0] =	vst v1;
	v1 =	vperm.xlane v1, v0;
	s25 =	sadd.s32 $0x200, s25  }
0x197: {  	s2 =	simm.s32 $0x8000  }
0x198: {  	s25 =	simm.s32 $0x80;
	s4 =	sadd.s32 $0x0, s14;
	s3 =	simm.s32 $0x8200  }
.LBB2_38:
0x199: {  	[hbm4b:s4+s1] =	stream.linear.scatter [tilespmem:s2], [sflag:$0x2], $0x80, $0x38;
	[tilespmem:$0x10000] =	vst v63  }
0x19a: {  	s4 =	smov.u32 s25;
	s2 =	smov.u32 s3;
	p0 =	sne.s32 s25, $0x1F80  }
.Ltmp18:
0x19b: {  	s25 =	sadd.s32 $0x80, s25;
	(pc) =	sbr.rel @p0 .LBB2_38-.Ltmp18, $2  }
0x19c: {  	_ =	sdelay $0x2  }
0x19d: {  	s3 =	sadd.s32 $0x200, s3;
	s4 =	sadd.s32 s4, s14  }
0x19e: {  	[hbm4b:s4+s1] =	stream.linear.scatter [tilespmem:s2], [sflag:$0x2], $0x80, $0x38;
	[tilespmem:$0x10000] =	vst v63  }
0x19f: {  	s2 =	simm.s32 $0x8080  }
0x1a0: {  	s25 =	simm.s32 $0x80;
	s4 =	sadd.s32 $0x0, s15;
	s3 =	simm.s32 $0x8280  }
.LBB2_40:
0x1a1: {  	[hbm4b:s4+s1] =	stream.linear.scatter [tilespmem:s2], [sflag:$0x2], $0x80, $0x38;
	[tilespmem:$0x10000] =	vst v63  }
0x1a2: {  	s4 =	smov.u32 s25;
	s2 =	smov.u32 s3;
	p0 =	sne.s32 s25, $0x1F80  }
.Ltmp19:
0x1a3: {  	s25 =	sadd.s32 $0x80, s25;
	(pc) =	sbr.rel @p0 .LBB2_40-.Ltmp19, $2  }
0x1a4: {  	_ =	sdelay $0x2  }
0x1a5: {  	s3 =	sadd.s32 $0x200, s3;
	s4 =	sadd.s32 s4, s15  }
0x1a6: {  	[hbm4b:s4+s1] =	stream.linear.scatter [tilespmem:s2], [sflag:$0x2], $0x80, $0x38;
	[tilespmem:$0x10000] =	vst v63  }
0x1a7: {  	s2 =	simm.s32 $0x8100  }
0x1a8: {  	s25 =	simm.s32 $0x80;
	s4 =	sadd.s32 $0x0, s16;
	s3 =	simm.s32 $0x8300  }
.LBB2_42:
0x1a9: {  	[hbm4b:s4+s1] =	stream.linear.scatter [tilespmem:s2], [sflag:$0x2], $0x80, $0x38;
	[tilespmem:$0x10000] =	vst v63  }
0x1aa: {  	s4 =	smov.u32 s25;
	s2 =	smov.u32 s3;
	p0 =	sne.s32 s25, $0x1F80  }
.Ltmp20:
0x1ab: {  	s25 =	sadd.s32 $0x80, s25;
	(pc) =	sbr.rel @p0 .LBB2_42-.Ltmp20, $2  }
0x1ac: {  	_ =	sdelay $0x2  }
0x1ad: {  	s3 =	sadd.s32 $0x200, s3;
	s4 =	sadd.s32 s4, s16  }
0x1ae: {  	[hbm4b:s4+s1] =	stream.linear.scatter [tilespmem:s2], [sflag:$0x2], $0x80, $0x38;
	[tilespmem:$0x10000] =	vst v63  }
0x1af: {  	s2 =	simm.s32 $0x8180  }
0x1b0: {  	s25 =	simm.s32 $0x80;
	s4 =	sadd.s32 $0x0, s17;
	s3 =	simm.s32 $0x8380  }
.LBB2_44:
0x1b1: {  	[hbm4b:s4+s1] =	stream.linear.scatter [tilespmem:s2], [sflag:$0x2], $0x80, $0x38;
	[tilespmem:$0x10000] =	vst v63  }
0x1b2: {  	s4 =	smov.u32 s25;
	s2 =	smov.u32 s3;
	p0 =	sne.s32 s25, $0x1F80  }
.Ltmp21:
0x1b3: {  	s25 =	sadd.s32 $0x80, s25;
	(pc) =	sbr.rel @p0 .LBB2_44-.Ltmp21, $2  }
0x1b4: {  	_ =	sdelay $0x2  }
0x1b5: {  	s3 =	sadd.s32 $0x200, s3;
	s4 =	sadd.s32 s4, s17  }
0x1b6: {  	[hbm4b:s4+s1] =	stream.linear.scatter [tilespmem:s2], [sflag:$0x2], $0x80, $0x38;
	[tilespmem:$0x10000] =	vst v63  }
0x1b7: {  	s5 =	simm.s32 $0x1  }
0x1b8: {  	_ =	swait.ge [sflag:s5], $0x2000  }
0x1b9: {  	[sflag:s5] =	ssyncset.done $0x0  }
0x1ba: {  	[sflag:s5] =	ssyncadd.s32 $0xFFFFE000  }
0x1bb: {  	_ =	swait.ge [sflag:s5], $0x2000  }
0x1bc: {  	[sflag:s5] =	ssyncset.done $0x0  }
0x1bd: {  	[sflag:s5] =	ssyncadd.s32 $0xFFFFE000  }
0x1be: {  	_ =	swait.ge [sflag:s5], $0x2000  }
0x1bf: {  	[sflag:s5] =	ssyncset.done $0x0  }
0x1c0: {  	[sflag:s5] =	ssyncadd.s32 $0xFFFFE000  }
0x1c1: {  	_ =	swait.ge [sflag:s5], $0x2000  }
0x1c2: {  	[sflag:s5] =	ssyncset.done $0x0  }
0x1c3: {  	s25 =	simm.s32 $0x2;
	[sflag:s5] =	ssyncadd.s32 $0xFFFFE000  }
0x1c4: {  	_ =	swait.ge [sflag:s25], $0x2000  }
0x1c5: {  	[sflag:s25] =	ssyncset.done $0x0  }
0x1c6: {  	[sflag:s25] =	ssyncadd.s32 $0xFFFFE000  }
0x1c7: {  	_ =	swait.ge [sflag:s25], $0x2000  }
0x1c8: {  	[sflag:s25] =	ssyncset.done $0x0  }
0x1c9: {  	[sflag:s25] =	ssyncadd.s32 $0xFFFFE000  }
0x1ca: {  	_ =	swait.ge [sflag:s25], $0x2000  }
0x1cb: {  	[sflag:s25] =	ssyncset.done $0x0  }
0x1cc: {  	[sflag:s25] =	ssyncadd.s32 $0xFFFFE000  }
0x1cd: {  	_ =	swait.ge [sflag:s25], $0x2000  }
0x1ce: {  	s2 =	simm.s32 $0x8000;
	s4 =	sadd.s32 $0x0, s22;
	[sflag:s25] =	ssyncset.done $0x0  }
0x1cf: {  	s3 =	simm.s32 $0x8200;
	[sflag:s25] =	ssyncadd.s32 $0xFFFFE000;
	s25 =	simm.s32 $0x80  }
.LBB2_46:
0x1d0: {  	[tilespmem:s2], [sflag:$0x1] =	stream.linear.gather [hbm4b:s4+s1], $0x80, $0x38;
	[tilespmem:$0x10000] =	vst v63  }
0x1d1: {  	s4 =	smov.u32 s25;
	s2 =	smov.u32 s3;
	p0 =	sne.s32 s25, $0x1F80  }
.Ltmp22:
0x1d2: {  	s25 =	sadd.s32 $0x80, s25;
	(pc) =	sbr.rel @p0 .LBB2_46-.Ltmp22, $2  }
0x1d3: {  	_ =	sdelay $0x2  }
0x1d4: {  	s3 =	sadd.s32 $0x200, s3;
	s4 =	sadd.s32 s4, s22  }
0x1d5: {  	[tilespmem:s2], [sflag:$0x1] =	stream.linear.gather [hbm4b:s4+s1], $0x80, $0x38;
	[tilespmem:$0x10000] =	vst v63  }
0x1d6: {  	s2 =	simm.s32 $0x8080  }
0x1d7: {  	s25 =	simm.s32 $0x80;
	s4 =	sadd.s32 $0x0, s23;
	s3 =	simm.s32 $0x8280  }
.LBB2_48:
0x1d8: {  	[tilespmem:s2], [sflag:$0x1] =	stream.linear.gather [hbm4b:s4+s1], $0x80, $0x38;
	[tilespmem:$0x10000] =	vst v63  }
0x1d9: {  	s4 =	smov.u32 s25;
	s2 =	smov.u32 s3;
	p0 =	sne.s32 s25, $0x1F80  }
.Ltmp23:
0x1da: {  	s25 =	sadd.s32 $0x80, s25;
	(pc) =	sbr.rel @p0 .LBB2_48-.Ltmp23, $2  }
0x1db: {  	_ =	sdelay $0x2  }
0x1dc: {  	s3 =	sadd.s32 $0x200, s3;
	s4 =	sadd.s32 s4, s23  }
0x1dd: {  	[tilespmem:s2], [sflag:$0x1] =	stream.linear.gather [hbm4b:s4+s1], $0x80, $0x38;
	[tilespmem:$0x10000] =	vst v63  }
0x1de: {  	s2 =	simm.s32 $0x8100  }
0x1df: {  	s25 =	simm.s32 $0x80;
	s4 =	sadd.s32 $0x0, s24;
	s3 =	simm.s32 $0x8300  }
.LBB2_50:
0x1e0: {  	[tilespmem:s2], [sflag:$0x1] =	stream.linear.gather [hbm4b:s4+s1], $0x80, $0x38;
	[tilespmem:$0x10000] =	vst v63  }
0x1e1: {  	s4 =	smov.u32 s25;
	s2 =	smov.u32 s3;
	p0 =	sne.s32 s25, $0x1F80  }
.Ltmp24:
0x1e2: {  	s25 =	sadd.s32 $0x80, s25;
	(pc) =	sbr.rel @p0 .LBB2_50-.Ltmp24, $2  }
0x1e3: {  	_ =	sdelay $0x2  }
0x1e4: {  	s3 =	sadd.s32 $0x200, s3;
	s4 =	sadd.s32 s4, s24  }
0x1e5: {  	[tilespmem:s2], [sflag:$0x1] =	stream.linear.gather [hbm4b:s4+s1], $0x80, $0x38;
	[tilespmem:$0x10000] =	vst v63  }
0x1e6: {  	s2 =	simm.s32 $0x0;
	s3 =	simm.s32 $0x8180;
	s25 =	rddreg [dreg:$0x9]  }
.LBB2_52:
0x1e7: {  	p0 =	sne.s32 s2, $0x1F80  }
.Ltmp25:
0x1e8: {  	_ = 	snop;
	(pc) =	sbr.rel @p0 .LBB2_52-.Ltmp25, $4  }
0x1e9: {  	_ = 	snop  }
0x1ea: {  	s4 =	sadd.s32 s2, s25  }
0x1eb: {  	[tilespmem:s3], [sflag:$0x1] =	stream.linear.gather [hbm4b:s4+s1], $0x80, $0x38;
	[tilespmem:$0x10000] =	vst v63  }
0x1ec: {  	s2 =	sadd.s32 $0x80, s2;
	s3 =	sadd.s32 $0x200, s3  }
0x1ed: {  	s2 =	simm.s32 $0xFFFFFFF8;
	s25 =	simm.s32 $0x100  }
.LBB2_54:
0x1ee: {  	v5 =	vld [tilespmem:s25+$0xFFFFFF00]  }
0x1ef: {  	v6 =	vld [tilespmem:s25+$0xFFFFFF80]  }
0x1f0: {  	v7 =	vld [tilespmem:s25+$0x0]  }
0x1f1: {  	v8 =	vld [tilespmem:s25+$0x80];
	_ =	sdelay $0x1  }
0x1f2: {  	(xrf2) =	vadd.scan.msk.f32 $0xffff, v5  }
0x1f3: {  	(xrf2) =	vadd.scan.msk.f32 $0xffff, v6  }
0x1f4: {  	(xrf2) =	vadd.scan.msk.f32 $0xffff, v7  }
0x1f5: {  	(xrf2) =	vadd.scan.msk.f32 $0xffff, v8;
	_ =	sdelay $0x6  }
0x1f6: {  	v5, _, _ =	vpop (xrf2)  }
0x1f7: {  	v4 =	vadd.f32 v5, v4;
	v5, _, _ =	vpop (xrf2)  }
0x1f8: {  	v3 =	vadd.f32 v5, v3;
	v5, _, _ =	vpop (xrf2)  }
0x1f9: {  	v2 =	vadd.f32 v5, v2;
	v5, _, _ =	vpop (xrf2)  }
0x1fa: {  	v1 =	vadd.f32 v5, v1;
	v5 =	vld [tilespmem:s25+$0xFFFFFF10]  }
0x1fb: {  	v6 =	vld [tilespmem:s25+$0xFFFFFF90]  }
0x1fc: {  	v7 =	vld [tilespmem:s25+$0x10]  }
0x1fd: {  	v57 =	vld [tilespmem:s25+$0x90];
	_ =	sdelay $0x1  }
0x1fe: {  	(xrf2) =	vadd.scan.msk.f32 $0xffff, v5  }
0x1ff: {  	(xrf2) =	vadd.scan.msk.f32 $0xffff, v6  }
0x200: {  	(xrf2) =	vadd.scan.msk.f32 $0xffff, v7  }
0x201: {  	(xrf2) =	vadd.scan.msk.f32 $0xffff, v57;
	_ =	sdelay $0x5  }
0x202: {  	[tilespmem:s25+$0xFFFFFF00] =	vst v4;
	v4 =	vperm.xlane v4, v0  }
0x203: {  	[tilespmem:s25+$0xFFFFFF80] =	vst v3;
	v3 =	vperm.xlane v3, v0;
	v5, _, _ =	vpop (xrf2)  }
0x204: {  	[tilespmem:s25+$0x0] =	vst v2;
	v2 =	vperm.xlane v2, v0;
	v4 =	vadd.f32 v5, v4;
	v5, _, _ =	vpop (xrf2)  }
0x205: {  	[tilespmem:s25+$0x80] =	vst v1;
	v1 =	vperm.xlane v1, v0;
	v3 =	vadd.f32 v5, v3;
	v5, _, _ =	vpop (xrf2)  }
0x206: {  	v2 =	vadd.f32 v5, v2;
	v5, _, _ =	vpop (xrf2)  }
0x207: {  	v1 =	vadd.f32 v5, v1;
	v5 =	vld [tilespmem:s25+$0xFFFFFF20]  }
0x208: {  	v6 =	vld [tilespmem:s25+$0xFFFFFFA0]  }
0x209: {  	v7 =	vld [tilespmem:s25+$0x20]  }
0x20a: {  	v58 =	vld [tilespmem:s25+$0xA0];
	_ =	sdelay $0x1  }
0x20b: {  	(xrf2) =	vadd.scan.msk.f32 $0xffff, v5  }
0x20c: {  	(xrf2) =	vadd.scan.msk.f32 $0xffff, v6  }
0x20d: {  	(xrf2) =	vadd.scan.msk.f32 $0xffff, v7  }
0x20e: {  	(xrf2) =	vadd.scan.msk.f32 $0xffff, v58;
	_ =	sdelay $0x5  }
0x20f: {  	[tilespmem:s25+$0xFFFFFF10] =	vst v4;
	v4 =	vperm.xlane v4, v0  }
0x210: {  	[tilespmem:s25+$0xFFFFFF90] =	vst v3;
	v3 =	vperm.xlane v3, v0;
	v5, _, _ =	vpop (xrf2)  }
0x211: {  	[tilespmem:s25+$0x10] =	vst v2;
	v2 =	vperm.xlane v2, v0;
	v4 =	vadd.f32 v5, v4;
	v5, _, _ =	vpop (xrf2)  }
0x212: {  	[tilespmem:s25+$0x90] =	vst v1;
	v1 =	vperm.xlane v1, v0;
	v3 =	vadd.f32 v5, v3;
	v5, _, _ =	vpop (xrf2)  }
0x213: {  	v2 =	vadd.f32 v5, v2;
	v5, _, _ =	vpop (xrf2)  }
0x214: {  	v1 =	vadd.f32 v5, v1;
	v5 =	vld [tilespmem:s25+$0xFFFFFF30]  }
0x215: {  	v6 =	vld [tilespmem:s25+$0xFFFFFFB0]  }
0x216: {  	v7 =	vld [tilespmem:s25+$0x30]  }
0x217: {  	v59 =	vld [tilespmem:s25+$0xB0];
	_ =	sdelay $0x1  }
0x218: {  	(xrf2) =	vadd.scan.msk.f32 $0xffff, v5  }
0x219: {  	(xrf2) =	vadd.scan.msk.f32 $0xffff, v6  }
0x21a: {  	(xrf2) =	vadd.scan.msk.f32 $0xffff, v7  }
0x21b: {  	(xrf2) =	vadd.scan.msk.f32 $0xffff, v59;
	_ =	sdelay $0x5  }
0x21c: {  	[tilespmem:s25+$0xFFFFFF20] =	vst v4;
	v4 =	vperm.xlane v4, v0  }
0x21d: {  	[tilespmem:s25+$0xFFFFFFA0] =	vst v3;
	v3 =	vperm.xlane v3, v0;
	v5, _, _ =	vpop (xrf2)  }
0x21e: {  	[tilespmem:s25+$0x20] =	vst v2;
	v2 =	vperm.xlane v2, v0;
	v4 =	vadd.f32 v5, v4;
	v5, _, _ =	vpop (xrf2)  }
0x21f: {  	[tilespmem:s25+$0xA0] =	vst v1;
	v1 =	vperm.xlane v1, v0;
	v3 =	vadd.f32 v5, v3;
	v5, _, _ =	vpop (xrf2)  }
0x220: {  	v2 =	vadd.f32 v5, v2;
	v5, _, _ =	vpop (xrf2)  }
0x221: {  	v1 =	vadd.f32 v5, v1;
	v5 =	vld [tilespmem:s25+$0xFFFFFF40]  }
0x222: {  	v6 =	vld [tilespmem:s25+$0xFFFFFFC0]  }
0x223: {  	v7 =	vld [tilespmem:s25+$0x40]  }
0x224: {  	v60 =	vld [tilespmem:s25+$0xC0];
	_ =	sdelay $0x1  }
0x225: {  	(xrf2) =	vadd.scan.msk.f32 $0xffff, v5  }
0x226: {  	(xrf2) =	vadd.scan.msk.f32 $0xffff, v6  }
0x227: {  	(xrf2) =	vadd.scan.msk.f32 $0xffff, v7  }
0x228: {  	(xrf2) =	vadd.scan.msk.f32 $0xffff, v60;
	_ =	sdelay $0x5  }
0x229: {  	[tilespmem:s25+$0xFFFFFF30] =	vst v4;
	v4 =	vperm.xlane v4, v0  }
0x22a: {  	[tilespmem:s25+$0xFFFFFFB0] =	vst v3;
	v3 =	vperm.xlane v3, v0;
	v5, _, _ =	vpop (xrf2)  }
0x22b: {  	[tilespmem:s25+$0x30] =	vst v2;
	v2 =	vperm.xlane v2, v0;
	v4 =	vadd.f32 v5, v4;
	v5, _, _ =	vpop (xrf2)  }
0x22c: {  	[tilespmem:s25+$0xB0] =	vst v1;
	v1 =	vperm.xlane v1, v0;
	v3 =	vadd.f32 v5, v3;
	v5, _, _ =	vpop (xrf2)  }
0x22d: {  	v2 =	vadd.f32 v5, v2;
	v5, _, _ =	vpop (xrf2)  }
0x22e: {  	v1 =	vadd.f32 v5, v1;
	v5 =	vld [tilespmem:s25+$0xFFFFFF50]  }
0x22f: {  	v6 =	vld [tilespmem:s25+$0xFFFFFFD0]  }
0x230: {  	v7 =	vld [tilespmem:s25+$0x50]  }
0x231: {  	v61 =	vld [tilespmem:s25+$0xD0];
	_ =	sdelay $0x1  }
0x232: {  	(xrf2) =	vadd.scan.msk.f32 $0xffff, v5  }
0x233: {  	(xrf2) =	vadd.scan.msk.f32 $0xffff, v6  }
0x234: {  	(xrf2) =	vadd.scan.msk.f32 $0xffff, v7  }
0x235: {  	(xrf2) =	vadd.scan.msk.f32 $0xffff, v61;
	_ =	sdelay $0x5  }
0x236: {  	[tilespmem:s25+$0xFFFFFF40] =	vst v4;
	v4 =	vperm.xlane v4, v0  }
0x237: {  	[tilespmem:s25+$0xFFFFFFC0] =	vst v3;
	v3 =	vperm.xlane v3, v0;
	v5, _, _ =	vpop (xrf2)  }
0x238: {  	[tilespmem:s25+$0x40] =	vst v2;
	v2 =	vperm.xlane v2, v0;
	v4 =	vadd.f32 v5, v4;
	v5, _, _ =	vpop (xrf2)  }
0x239: {  	[tilespmem:s25+$0xC0] =	vst v1;
	v1 =	vperm.xlane v1, v0;
	v3 =	vadd.f32 v5, v3;
	v5, _, _ =	vpop (xrf2)  }
0x23a: {  	v2 =	vadd.f32 v5, v2;
	v5, _, _ =	vpop (xrf2)  }
0x23b: {  	v1 =	vadd.f32 v5, v1;
	v5 =	vld [tilespmem:s25+$0xFFFFFF60]  }
0x23c: {  	v6 =	vld [tilespmem:s25+$0xFFFFFFE0]  }
0x23d: {  	v7 =	vld [tilespmem:s25+$0x60]  }
0x23e: {  	v62 =	vld [tilespmem:s25+$0xE0];
	_ =	sdelay $0x1  }
0x23f: {  	(xrf2) =	vadd.scan.msk.f32 $0xffff, v5  }
0x240: {  	(xrf2) =	vadd.scan.msk.f32 $0xffff, v6  }
0x241: {  	(xrf2) =	vadd.scan.msk.f32 $0xffff, v7  }
0x242: {  	(xrf2) =	vadd.scan.msk.f32 $0xffff, v62;
	_ =	sdelay $0x5  }
0x243: {  	[tilespmem:s25+$0xFFFFFF50] =	vst v4;
	v4 =	vperm.xlane v4, v0  }
0x244: {  	[tilespmem:s25+$0xFFFFFFD0] =	vst v3;
	v3 =	vperm.xlane v3, v0;
	v5, _, _ =	vpop (xrf2)  }
0x245: {  	[tilespmem:s25+$0x50] =	vst v2;
	v2 =	vperm.xlane v2, v0;
	v4 =	vadd.f32 v5, v4;
	v5, _, _ =	vpop (xrf2)  }
0x246: {  	[tilespmem:s25+$0xD0] =	vst v1;
	v1 =	vperm.xlane v1, v0;
	v3 =	vadd.f32 v5, v3;
	v5, _, _ =	vpop (xrf2)  }
0x247: {  	v2 =	vadd.f32 v5, v2;
	v5, _, _ =	vpop (xrf2)  }
0x248: {  	v1 =	vadd.f32 v5, v1;
	v5 =	vld [tilespmem:s25+$0xFFFFFF70]  }
0x249: {  	v6 =	vld [tilespmem:s25+$0xFFFFFFF0]  }
0x24a: {  	v7 =	vld [tilespmem:s25+$0x70]  }
0x24b: {  	v63 =	vld [tilespmem:s25+$0xF0];
	_ =	sdelay $0x1  }
0x24c: {  	(xrf2) =	vadd.scan.msk.f32 $0xffff, v5  }
0x24d: {  	(xrf2) =	vadd.scan.msk.f32 $0xffff, v6  }
0x24e: {  	(xrf2) =	vadd.scan.msk.f32 $0xffff, v7  }
0x24f: {  	(xrf2) =	vadd.scan.msk.f32 $0xffff, v63;
	_ =	sdelay $0x5  }
0x250: {  	[tilespmem:s25+$0xFFFFFF60] =	vst v4;
	v4 =	vperm.xlane v4, v0  }
0x251: {  	s2 =	sadd.s32 $0x8, s2;
	[tilespmem:s25+$0xFFFFFFE0] =	vst v3;
	v3 =	vperm.xlane v3, v0;
	v5, _, _ =	vpop (xrf2)  }
0x252: {  	p0 =	slt.u32 s2, $0x1F8;
	[tilespmem:s25+$0x60] =	vst v2;
	v2 =	vperm.xlane v2, v0;
	v6, _, _ =	vpop (xrf2);
	v4 =	vadd.f32 v5, v4  }
.Ltmp26:
0x253: {  	[tilespmem:s25+$0xE0] =	vst v1;
	v1 =	vperm.xlane v1, v0;
	v5, _, _ =	vpop (xrf2);
	v3 =	vadd.f32 v6, v3;
	(pc) =	sbr.rel @p0 .LBB2_54-.Ltmp26, $4  }
0x254: {  	[tilespmem:s25+$0xFFFFFF70] =	vst v4;
	v2 =	vadd.f32 v5, v2;
	v5, _, _ =	vpop (xrf2)  }
0x255: {  	[tilespmem:s25+$0xFFFFFFF0] =	vst v3;
	v1 =	vadd.f32 v5, v1  }
0x256: {  	v4 =	vperm.xlane v4, v0;
	v3 =	vperm.xlane v3, v0;
	[tilespmem:s25+$0x70] =	vst v2  }
0x257: {  	v2 =	vperm.xlane v2, v0;
	[tilespmem:s25+$0xF0] =	vst v1;
	v1 =	vperm.xlane v1, v0;
	s25 =	sadd.s32 $0x200, s25  }
0x258: {  	s2 =	simm.s32 $0x0  }
0x259: {  	s25 =	simm.s32 $0x80;
	s4 =	sadd.s32 $0x0, s26;
	s3 =	simm.s32 $0x200  }
.LBB2_56:
0x25a: {  	[hbm4b:s4+s1] =	stream.linear.scatter [tilespmem:s2], [sflag:$0x2], $0x80, $0x38;
	[tilespmem:$0x10000] =	vst v63  }
0x25b: {  	s4 =	smov.u32 s25;
	s2 =	smov.u32 s3;
	p0 =	sne.s32 s25, $0x1F80  }
.Ltmp27:
0x25c: {  	s25 =	sadd.s32 $0x80, s25;
	(pc) =	sbr.rel @p0 .LBB2_56-.Ltmp27, $2  }
0x25d: {  	_ =	sdelay $0x2  }
0x25e: {  	s3 =	sadd.s32 $0x200, s3;
	s4 =	sadd.s32 s4, s26  }
0x25f: {  	[hbm4b:s4+s1] =	stream.linear.scatter [tilespmem:s2], [sflag:$0x2], $0x80, $0x38;
	[tilespmem:$0x10000] =	vst v63  }
0x260: {  	s2 =	simm.s32 $0x80  }
0x261: {  	s25 =	simm.s32 $0x80;
	s4 =	sadd.s32 $0x0, s29;
	s3 =	simm.s32 $0x280  }
.LBB2_58:
0x262: {  	[hbm4b:s4+s1] =	stream.linear.scatter [tilespmem:s2], [sflag:$0x2], $0x80, $0x38;
	[tilespmem:$0x10000] =	vst v63  }
0x263: {  	s4 =	smov.u32 s25;
	s2 =	smov.u32 s3;
	p0 =	sne.s32 s25, $0x1F80  }
.Ltmp28:
0x264: {  	s25 =	sadd.s32 $0x80, s25;
	(pc) =	sbr.rel @p0 .LBB2_58-.Ltmp28, $2  }
0x265: {  	_ =	sdelay $0x2  }
0x266: {  	s3 =	sadd.s32 $0x200, s3;
	s4 =	sadd.s32 s4, s29  }
0x267: {  	[hbm4b:s4+s1] =	stream.linear.scatter [tilespmem:s2], [sflag:$0x2], $0x80, $0x38;
	[tilespmem:$0x10000] =	vst v63  }
0x268: {  	s2 =	simm.s32 $0x100  }
0x269: {  	s25 =	simm.s32 $0x80;
	s4 =	sadd.s32 $0x0, s30;
	s3 =	simm.s32 $0x300  }
.LBB2_60:
0x26a: {  	[hbm4b:s4+s1] =	stream.linear.scatter [tilespmem:s2], [sflag:$0x2], $0x80, $0x38;
	[tilespmem:$0x10000] =	vst v63  }
0x26b: {  	s4 =	smov.u32 s25;
	s2 =	smov.u32 s3;
	p0 =	sne.s32 s25, $0x1F80  }
.Ltmp29:
0x26c: {  	s25 =	sadd.s32 $0x80, s25;
	(pc) =	sbr.rel @p0 .LBB2_60-.Ltmp29, $2  }
0x26d: {  	_ =	sdelay $0x2  }
0x26e: {  	s3 =	sadd.s32 $0x200, s3;
	s4 =	sadd.s32 s4, s30  }
0x26f: {  	[hbm4b:s4+s1] =	stream.linear.scatter [tilespmem:s2], [sflag:$0x2], $0x80, $0x38;
	[tilespmem:$0x10000] =	vst v63  }
0x270: {  	s2 =	simm.s32 $0x180  }
0x271: {  	s25 =	simm.s32 $0x80;
	s4 =	sadd.s32 $0x0, s31;
	s3 =	simm.s32 $0x380  }
.LBB2_62:
0x272: {  	[hbm4b:s4+s1] =	stream.linear.scatter [tilespmem:s2], [sflag:$0x2], $0x80, $0x38;
	[tilespmem:$0x10000] =	vst v63  }
0x273: {  	s4 =	smov.u32 s25;
	s2 =	smov.u32 s3;
	p0 =	sne.s32 s25, $0x1F80  }
.Ltmp30:
0x274: {  	s25 =	sadd.s32 $0x80, s25;
	(pc) =	sbr.rel @p0 .LBB2_62-.Ltmp30, $2  }
0x275: {  	_ =	sdelay $0x2  }
0x276: {  	s3 =	sadd.s32 $0x200, s3;
	s4 =	sadd.s32 s4, s31  }
0x277: {  	[hbm4b:s4+s1] =	stream.linear.scatter [tilespmem:s2], [sflag:$0x2], $0x80, $0x38;
	[tilespmem:$0x10000] =	vst v63  }
0x278: {  	s25 =	simm.s32 $0x1  }
0x279: {  	_ =	swait.ge [sflag:s25], $0x2000  }
0x27a: {  	[sflag:s25] =	ssyncset.done $0x0  }
0x27b: {  	[sflag:s25] =	ssyncadd.s32 $0xFFFFE000  }
0x27c: {  	_ =	swait.ge [sflag:s25], $0x2000  }
0x27d: {  	[sflag:s25] =	ssyncset.done $0x0  }
0x27e: {  	[sflag:s25] =	ssyncadd.s32 $0xFFFFE000  }
0x27f: {  	_ =	swait.ge [sflag:s25], $0x2000  }
0x280: {  	[sflag:s25] =	ssyncset.done $0x0  }
0x281: {  	[sflag:s25] =	ssyncadd.s32 $0xFFFFE000  }
0x282: {  	_ =	swait.ge [sflag:s25], $0x2000  }
0x283: {  	[sflag:s25] =	ssyncset.done $0x0  }
0x284: {  	s2 =	simm.s32 $0xFFFFFFF8;
	[sflag:s25] =	ssyncadd.s32 $0xFFFFE000;
	s25 =	simm.s32 $0x8100  }
.LBB2_64:
0x285: {  	v5 =	vld [tilespmem:s25+$0xFFFFFF00]  }
0x286: {  	v6 =	vld [tilespmem:s25+$0xFFFFFF80]  }
0x287: {  	v7 =	vld [tilespmem:s25+$0x0]  }
0x288: {  	v8 =	vld [tilespmem:s25+$0x80];
	_ =	sdelay $0x1  }
0x289: {  	(xrf2) =	vadd.scan.msk.f32 $0xffff, v5  }
0x28a: {  	(xrf2) =	vadd.scan.msk.f32 $0xffff, v6  }
0x28b: {  	(xrf2) =	vadd.scan.msk.f32 $0xffff, v7  }
0x28c: {  	(xrf2) =	vadd.scan.msk.f32 $0xffff, v8;
	_ =	sdelay $0x6  }
0x28d: {  	v5, _, _ =	vpop (xrf2)  }
0x28e: {  	v4 =	vadd.f32 v5, v4;
	v5, _, _ =	vpop (xrf2)  }
0x28f: {  	v3 =	vadd.f32 v5, v3;
	v5, _, _ =	vpop (xrf2)  }
0x290: {  	v2 =	vadd.f32 v5, v2;
	v5, _, _ =	vpop (xrf2)  }
0x291: {  	v1 =	vadd.f32 v5, v1;
	v5 =	vld [tilespmem:s25+$0xFFFFFF10]  }
0x292: {  	v6 =	vld [tilespmem:s25+$0xFFFFFF90]  }
0x293: {  	v7 =	vld [tilespmem:s25+$0x10]  }
0x294: {  	v57 =	vld [tilespmem:s25+$0x90];
	_ =	sdelay $0x1  }
0x295: {  	(xrf2) =	vadd.scan.msk.f32 $0xffff, v5  }
0x296: {  	(xrf2) =	vadd.scan.msk.f32 $0xffff, v6  }
0x297: {  	(xrf2) =	vadd.scan.msk.f32 $0xffff, v7  }
0x298: {  	(xrf2) =	vadd.scan.msk.f32 $0xffff, v57;
	_ =	sdelay $0x5  }
0x299: {  	[tilespmem:s25+$0xFFFFFF00] =	vst v4;
	v4 =	vperm.xlane v4, v0  }
0x29a: {  	[tilespmem:s25+$0xFFFFFF80] =	vst v3;
	v3 =	vperm.xlane v3, v0;
	v5, _, _ =	vpop (xrf2)  }
0x29b: {  	[tilespmem:s25+$0x0] =	vst v2;
	v2 =	vperm.xlane v2, v0;
	v4 =	vadd.f32 v5, v4;
	v5, _, _ =	vpop (xrf2)  }
0x29c: {  	[tilespmem:s25+$0x80] =	vst v1;
	v1 =	vperm.xlane v1, v0;
	v3 =	vadd.f32 v5, v3;
	v5, _, _ =	vpop (xrf2)  }
0x29d: {  	v2 =	vadd.f32 v5, v2;
	v5, _, _ =	vpop (xrf2)  }
0x29e: {  	v1 =	vadd.f32 v5, v1;
	v5 =	vld [tilespmem:s25+$0xFFFFFF20]  }
0x29f: {  	v6 =	vld [tilespmem:s25+$0xFFFFFFA0]  }
0x2a0: {  	v7 =	vld [tilespmem:s25+$0x20]  }
0x2a1: {  	v58 =	vld [tilespmem:s25+$0xA0];
	_ =	sdelay $0x1  }
0x2a2: {  	(xrf2) =	vadd.scan.msk.f32 $0xffff, v5  }
0x2a3: {  	(xrf2) =	vadd.scan.msk.f32 $0xffff, v6  }
0x2a4: {  	(xrf2) =	vadd.scan.msk.f32 $0xffff, v7  }
0x2a5: {  	(xrf2) =	vadd.scan.msk.f32 $0xffff, v58;
	_ =	sdelay $0x5  }
0x2a6: {  	[tilespmem:s25+$0xFFFFFF10] =	vst v4;
	v4 =	vperm.xlane v4, v0  }
0x2a7: {  	[tilespmem:s25+$0xFFFFFF90] =	vst v3;
	v3 =	vperm.xlane v3, v0;
	v5, _, _ =	vpop (xrf2)  }
0x2a8: {  	[tilespmem:s25+$0x10] =	vst v2;
	v2 =	vperm.xlane v2, v0;
	v4 =	vadd.f32 v5, v4;
	v5, _, _ =	vpop (xrf2)  }
0x2a9: {  	[tilespmem:s25+$0x90] =	vst v1;
	v1 =	vperm.xlane v1, v0;
	v3 =	vadd.f32 v5, v3;
	v5, _, _ =	vpop (xrf2)  }
0x2aa: {  	v2 =	vadd.f32 v5, v2;
	v5, _, _ =	vpop (xrf2)  }
0x2ab: {  	v1 =	vadd.f32 v5, v1;
	v5 =	vld [tilespmem:s25+$0xFFFFFF30]  }
0x2ac: {  	v6 =	vld [tilespmem:s25+$0xFFFFFFB0]  }
0x2ad: {  	v7 =	vld [tilespmem:s25+$0x30]  }
0x2ae: {  	v59 =	vld [tilespmem:s25+$0xB0];
	_ =	sdelay $0x1  }
0x2af: {  	(xrf2) =	vadd.scan.msk.f32 $0xffff, v5  }
0x2b0: {  	(xrf2) =	vadd.scan.msk.f32 $0xffff, v6  }
0x2b1: {  	(xrf2) =	vadd.scan.msk.f32 $0xffff, v7  }
0x2b2: {  	(xrf2) =	vadd.scan.msk.f32 $0xffff, v59;
	_ =	sdelay $0x5  }
0x2b3: {  	[tilespmem:s25+$0xFFFFFF20] =	vst v4;
	v4 =	vperm.xlane v4, v0  }
0x2b4: {  	[tilespmem:s25+$0xFFFFFFA0] =	vst v3;
	v3 =	vperm.xlane v3, v0;
	v5, _, _ =	vpop (xrf2)  }
0x2b5: {  	[tilespmem:s25+$0x20] =	vst v2;
	v2 =	vperm.xlane v2, v0;
	v4 =	vadd.f32 v5, v4;
	v5, _, _ =	vpop (xrf2)  }
0x2b6: {  	[tilespmem:s25+$0xA0] =	vst v1;
	v1 =	vperm.xlane v1, v0;
	v3 =	vadd.f32 v5, v3;
	v5, _, _ =	vpop (xrf2)  }
0x2b7: {  	v2 =	vadd.f32 v5, v2;
	v5, _, _ =	vpop (xrf2)  }
0x2b8: {  	v1 =	vadd.f32 v5, v1;
	v5 =	vld [tilespmem:s25+$0xFFFFFF40]  }
0x2b9: {  	v6 =	vld [tilespmem:s25+$0xFFFFFFC0]  }
0x2ba: {  	v7 =	vld [tilespmem:s25+$0x40]  }
0x2bb: {  	v60 =	vld [tilespmem:s25+$0xC0];
	_ =	sdelay $0x1  }
0x2bc: {  	(xrf2) =	vadd.scan.msk.f32 $0xffff, v5  }
0x2bd: {  	(xrf2) =	vadd.scan.msk.f32 $0xffff, v6  }
0x2be: {  	(xrf2) =	vadd.scan.msk.f32 $0xffff, v7  }
0x2bf: {  	(xrf2) =	vadd.scan.msk.f32 $0xffff, v60;
	_ =	sdelay $0x5  }
0x2c0: {  	[tilespmem:s25+$0xFFFFFF30] =	vst v4;
	v4 =	vperm.xlane v4, v0  }
0x2c1: {  	[tilespmem:s25+$0xFFFFFFB0] =	vst v3;
	v3 =	vperm.xlane v3, v0;
	v5, _, _ =	vpop (xrf2)  }
0x2c2: {  	[tilespmem:s25+$0x30] =	vst v2;
	v2 =	vperm.xlane v2, v0;
	v4 =	vadd.f32 v5, v4;
	v5, _, _ =	vpop (xrf2)  }
0x2c3: {  	[tilespmem:s25+$0xB0] =	vst v1;
	v1 =	vperm.xlane v1, v0;
	v3 =	vadd.f32 v5, v3;
	v5, _, _ =	vpop (xrf2)  }
0x2c4: {  	v2 =	vadd.f32 v5, v2;
	v5, _, _ =	vpop (xrf2)  }
0x2c5: {  	v1 =	vadd.f32 v5, v1;
	v5 =	vld [tilespmem:s25+$0xFFFFFF50]  }
0x2c6: {  	v6 =	vld [tilespmem:s25+$0xFFFFFFD0]  }
0x2c7: {  	v7 =	vld [tilespmem:s25+$0x50]  }
0x2c8: {  	v61 =	vld [tilespmem:s25+$0xD0];
	_ =	sdelay $0x1  }
0x2c9: {  	(xrf2) =	vadd.scan.msk.f32 $0xffff, v5  }
0x2ca: {  	(xrf2) =	vadd.scan.msk.f32 $0xffff, v6  }
0x2cb: {  	(xrf2) =	vadd.scan.msk.f32 $0xffff, v7  }
0x2cc: {  	(xrf2) =	vadd.scan.msk.f32 $0xffff, v61;
	_ =	sdelay $0x5  }
0x2cd: {  	[tilespmem:s25+$0xFFFFFF40] =	vst v4;
	v4 =	vperm.xlane v4, v0  }
0x2ce: {  	[tilespmem:s25+$0xFFFFFFC0] =	vst v3;
	v3 =	vperm.xlane v3, v0;
	v5, _, _ =	vpop (xrf2)  }
0x2cf: {  	[tilespmem:s25+$0x40] =	vst v2;
	v2 =	vperm.xlane v2, v0;
	v4 =	vadd.f32 v5, v4;
	v5, _, _ =	vpop (xrf2)  }
0x2d0: {  	[tilespmem:s25+$0xC0] =	vst v1;
	v1 =	vperm.xlane v1, v0;
	v3 =	vadd.f32 v5, v3;
	v5, _, _ =	vpop (xrf2)  }
0x2d1: {  	v2 =	vadd.f32 v5, v2;
	v5, _, _ =	vpop (xrf2)  }
0x2d2: {  	v1 =	vadd.f32 v5, v1;
	v5 =	vld [tilespmem:s25+$0xFFFFFF60]  }
0x2d3: {  	v6 =	vld [tilespmem:s25+$0xFFFFFFE0]  }
0x2d4: {  	v7 =	vld [tilespmem:s25+$0x60]  }
0x2d5: {  	v62 =	vld [tilespmem:s25+$0xE0];
	_ =	sdelay $0x1  }
0x2d6: {  	(xrf2) =	vadd.scan.msk.f32 $0xffff, v5  }
0x2d7: {  	(xrf2) =	vadd.scan.msk.f32 $0xffff, v6  }
0x2d8: {  	(xrf2) =	vadd.scan.msk.f32 $0xffff, v7  }
0x2d9: {  	(xrf2) =	vadd.scan.msk.f32 $0xffff, v62;
	_ =	sdelay $0x5  }
0x2da: {  	[tilespmem:s25+$0xFFFFFF50] =	vst v4;
	v4 =	vperm.xlane v4, v0  }
0x2db: {  	[tilespmem:s25+$0xFFFFFFD0] =	vst v3;
	v3 =	vperm.xlane v3, v0;
	v5, _, _ =	vpop (xrf2)  }
0x2dc: {  	[tilespmem:s25+$0x50] =	vst v2;
	v2 =	vperm.xlane v2, v0;
	v4 =	vadd.f32 v5, v4;
	v5, _, _ =	vpop (xrf2)  }
0x2dd: {  	[tilespmem:s25+$0xD0] =	vst v1;
	v1 =	vperm.xlane v1, v0;
	v3 =	vadd.f32 v5, v3;
	v5, _, _ =	vpop (xrf2)  }
0x2de: {  	v2 =	vadd.f32 v5, v2;
	v5, _, _ =	vpop (xrf2)  }
0x2df: {  	v1 =	vadd.f32 v5, v1;
	v5 =	vld [tilespmem:s25+$0xFFFFFF70]  }
0x2e0: {  	v6 =	vld [tilespmem:s25+$0xFFFFFFF0]  }
0x2e1: {  	v7 =	vld [tilespmem:s25+$0x70]  }
0x2e2: {  	v63 =	vld [tilespmem:s25+$0xF0];
	_ =	sdelay $0x1  }
0x2e3: {  	(xrf2) =	vadd.scan.msk.f32 $0xffff, v5  }
0x2e4: {  	(xrf2) =	vadd.scan.msk.f32 $0xffff, v6  }
0x2e5: {  	(xrf2) =	vadd.scan.msk.f32 $0xffff, v7  }
0x2e6: {  	(xrf2) =	vadd.scan.msk.f32 $0xffff, v63;
	_ =	sdelay $0x5  }
0x2e7: {  	[tilespmem:s25+$0xFFFFFF60] =	vst v4;
	v4 =	vperm.xlane v4, v0  }
0x2e8: {  	s2 =	sadd.s32 $0x8, s2;
	[tilespmem:s25+$0xFFFFFFE0] =	vst v3;
	v3 =	vperm.xlane v3, v0;
	v5, _, _ =	vpop (xrf2)  }
0x2e9: {  	p0 =	slt.u32 s2, $0x1F8;
	[tilespmem:s25+$0x60] =	vst v2;
	v2 =	vperm.xlane v2, v0;
	v6, _, _ =	vpop (xrf2);
	v4 =	vadd.f32 v5, v4  }
.Ltmp31:
0x2ea: {  	[tilespmem:s25+$0xE0] =	vst v1;
	v1 =	vperm.xlane v1, v0;
	v5, _, _ =	vpop (xrf2);
	v3 =	vadd.f32 v6, v3;
	(pc) =	sbr.rel @p0 .LBB2_64-.Ltmp31, $4  }
0x2eb: {  	[tilespmem:s25+$0xFFFFFF70] =	vst v4;
	v2 =	vadd.f32 v5, v2;
	v5, _, _ =	vpop (xrf2)  }
0x2ec: {  	[tilespmem:s25+$0xFFFFFFF0] =	vst v3;
	v1 =	vadd.f32 v5, v1  }
0x2ed: {  	v4 =	vperm.xlane v4, v0;
	v3 =	vperm.xlane v3, v0;
	[tilespmem:s25+$0x70] =	vst v2  }
0x2ee: {  	v2 =	vperm.xlane v2, v0;
	[tilespmem:s25+$0xF0] =	vst v1;
	v1 =	vperm.xlane v1, v0;
	s25 =	sadd.s32 $0x200, s25  }
0x2ef: {  	s2 =	simm.s32 $0x8000  }
0x2f0: {  	s25 =	simm.s32 $0x80;
	s4 =	sadd.s32 $0x0, s28;
	s3 =	simm.s32 $0x8200  }
.LBB2_66:
0x2f1: {  	[hbm4b:s4+s1] =	stream.linear.scatter [tilespmem:s2], [sflag:$0x2], $0x80, $0x38;
	[tilespmem:$0x10000] =	vst v63  }
0x2f2: {  	s4 =	smov.u32 s25;
	s2 =	smov.u32 s3;
	p0 =	sne.s32 s25, $0x1F80  }
.Ltmp32:
0x2f3: {  	s25 =	sadd.s32 $0x80, s25;
	(pc) =	sbr.rel @p0 .LBB2_66-.Ltmp32, $2  }
0x2f4: {  	_ =	sdelay $0x2  }
0x2f5: {  	s3 =	sadd.s32 $0x200, s3;
	s4 =	sadd.s32 s4, s28  }
0x2f6: {  	[hbm4b:s4+s1] =	stream.linear.scatter [tilespmem:s2], [sflag:$0x2], $0x80, $0x38;
	[tilespmem:$0x10000] =	vst v63  }
0x2f7: {  	s2 =	simm.s32 $0x8080  }
0x2f8: {  	s25 =	simm.s32 $0x80;
	s4 =	sadd.s32 $0x0, s0;
	s3 =	simm.s32 $0x8280  }
.LBB2_68:
0x2f9: {  	[hbm4b:s4+s1] =	stream.linear.scatter [tilespmem:s2], [sflag:$0x2], $0x80, $0x38;
	[tilespmem:$0x10000] =	vst v63  }
0x2fa: {  	s4 =	smov.u32 s25;
	s2 =	smov.u32 s3;
	p0 =	sne.s32 s25, $0x1F80  }
.Ltmp33:
0x2fb: {  	s25 =	sadd.s32 $0x80, s25;
	(pc) =	sbr.rel @p0 .LBB2_68-.Ltmp33, $2  }
0x2fc: {  	_ =	sdelay $0x2  }
0x2fd: {  	s3 =	sadd.s32 $0x200, s3;
	s4 =	sadd.s32 s4, s0  }
0x2fe: {  	[hbm4b:s4+s1] =	stream.linear.scatter [tilespmem:s2], [sflag:$0x2], $0x80, $0x38;
	[tilespmem:$0x10000] =	vst v63  }
0x2ff: {  	s2 =	simm.s32 $0x8100  }
0x300: {  	s25 =	simm.s32 $0x80;
	s4 =	sadd.s32 $0x0, s9;
	s3 =	simm.s32 $0x8300  }
.LBB2_70:
0x301: {  	[hbm4b:s4+s1] =	stream.linear.scatter [tilespmem:s2], [sflag:$0x2], $0x80, $0x38;
	[tilespmem:$0x10000] =	vst v63  }
0x302: {  	s4 =	smov.u32 s25;
	s2 =	smov.u32 s3;
	p0 =	sne.s32 s25, $0x1F80  }
.Ltmp34:
0x303: {  	s25 =	sadd.s32 $0x80, s25;
	(pc) =	sbr.rel @p0 .LBB2_70-.Ltmp34, $2  }
0x304: {  	_ =	sdelay $0x2  }
0x305: {  	s3 =	sadd.s32 $0x200, s3;
	s4 =	sadd.s32 s4, s9  }
0x306: {  	[hbm4b:s4+s1] =	stream.linear.scatter [tilespmem:s2], [sflag:$0x2], $0x80, $0x38;
	[tilespmem:$0x10000] =	vst v63  }
0x307: {  	s2 =	simm.s32 $0x8180  }
0x308: {  	s25 =	simm.s32 $0x80;
	s4 =	sadd.s32 $0x0, s21;
	s3 =	simm.s32 $0x8380  }
.LBB2_72:
0x309: {  	[hbm4b:s4+s1] =	stream.linear.scatter [tilespmem:s2], [sflag:$0x2], $0x80, $0x38;
	[tilespmem:$0x10000] =	vst v63  }
0x30a: {  	s4 =	smov.u32 s25;
	s2 =	smov.u32 s3;
	p0 =	sne.s32 s25, $0x1F80  }
.Ltmp35:
0x30b: {  	s25 =	sadd.s32 $0x80, s25;
	(pc) =	sbr.rel @p0 .LBB2_72-.Ltmp35, $2  }
0x30c: {  	_ =	sdelay $0x2  }
0x30d: {  	s3 =	sadd.s32 $0x200, s3;
	s4 =	sadd.s32 s4, s21  }
0x30e: {  	[hbm4b:s4+s1] =	stream.linear.scatter [tilespmem:s2], [sflag:$0x2], $0x80, $0x38;
	[tilespmem:$0x10000] =	vst v63  }
0x30f: {  	s3 =	simm.s32 $0x2  }
0x310: {  	_ =	swait.ge [sflag:s3], $0x2000  }
0x311: {  	[sflag:s3] =	ssyncset.done $0x0  }
0x312: {  	[sflag:s3] =	ssyncadd.s32 $0xFFFFE000  }
0x313: {  	_ =	swait.ge [sflag:s3], $0x2000  }
0x314: {  	[sflag:s3] =	ssyncset.done $0x0  }
0x315: {  	[sflag:s3] =	ssyncadd.s32 $0xFFFFE000  }
0x316: {  	_ =	swait.ge [sflag:s3], $0x2000  }
0x317: {  	[sflag:s3] =	ssyncset.done $0x0  }
0x318: {  	[sflag:s3] =	ssyncadd.s32 $0xFFFFE000  }
0x319: {  	_ =	swait.ge [sflag:s3], $0x2000  }
0x31a: {  	[sflag:s3] =	ssyncset.done $0x0  }
0x31b: {  	[sflag:s3] =	ssyncadd.s32 $0xFFFFE000  }
0x31c: {  	_ =	swait.ge [sflag:s3], $0x2000  }
0x31d: {  	[sflag:s3] =	ssyncset.done $0x0  }
0x31e: {  	[sflag:s3] =	ssyncadd.s32 $0xFFFFE000  }
0x31f: {  	_ =	swait.ge [sflag:s3], $0x2000  }
0x320: {  	[sflag:s3] =	ssyncset.done $0x0  }
0x321: {  	[sflag:s3] =	ssyncadd.s32 $0xFFFFE000  }
0x322: {  	_ =	swait.ge [sflag:s3], $0x2000  }
0x323: {  	[sflag:s3] =	ssyncset.done $0x0  }
0x324: {  	[sflag:s3] =	ssyncadd.s32 $0xFFFFE000  }
0x325: {  	_ =	swait.ge [sflag:s3], $0x2000  }
0x326: {  	s5 =	rddreg [dreg:$0xb]  }
0x327: {  	s25 =	rddreg [dreg:$0xa];
	s4 =	sadd.s32 $0x1, s5  }
0x328: {  	p0 =	sne.s32 s4, s25  }
.Ltmp36:
0x329: {  	_ = 	snop;
	(pc) =	sbr.rel @p0 .LBB2_1-.Ltmp36, $3  }
0x32a: {  	_ =	sdelay $0x1  }
0x32b: {  	[sflag:s3] =	ssyncset.done $0x0  }
0x32c: {  	[sflag:s3] =	ssyncadd.s32 $0xFFFFE000  }
0x32d: {  	_ =	sfence.sel $0x180000  }
0x32e: {  	[bflag:$0x0] =	sbarrier.arrive $0xFFFF  }
0x32f: {  	_ =	strace $0x90000047  }
0x330: {  	s0 =	stileid.u32;
	[bflag:$0x2] =	sbarrier.arrive $0xFFFF  }
0x331: {  	p0 =	sne.s32 s0, $0x0;
	s0 =	rddreg [dreg:$0x2]  }
0x332: {  	s0 =	sadd.s32 @!p0 $0x100000, s0  }
0x333: {  	[sflag:s0] =	ssyncadd.tile.s32 @!p0 $0x1;
	_ =	shalt  }
.Lfunc_end2:
_tile_overlayer_lowered:
.L_overlay_start_2:
0x334: {  	(tag) =	ssettag $0x2  }
0x335: {  	s0 =	rddreg [dreg:$0x0];
	s2 =	stileid.u32  }
0x336: {  	s1 =	rddreg [dreg:$0x1];
	p0 =	sne.s32 s2, $0x0  }
0x337: {  	s3 =	rddreg [dreg:$0x2];
	[bflag:$0x3] =	sbarrier.arrive $0xFFFF;
	s2 =	simm.s32 @!p0 $0x1C03  }
0x338: {  	[timem:s3], [sflag:s2] =	dma.local @!p0 [hbm:s0], s1  }
0x339: {  	s0 =	simm.s32 @!p0 $0x3  }
0x33a: {  	_ =	swait.ge @!p0 [sflag:s0], s1  }
0x33b: {  	s1 =	ssub.s32 @!p0 $0x0, s1;
	[sflag:s0] =	ssyncset.done @!p0 $0x0  }
0x33c: {  	[sflag:s0] =	ssyncadd.s32 @!p0 s1  }
0x33d: {  	[bflag:$0x3] =	sbarrier.arrive $0xFFFF  }
0x33e: {  	_ =	shalt  }

</sc_bundles>
